<compile_context>
chip_gen: v7x
topology: tpu7x:2x2x1
jax: 0.10.2.dev20260603
libtpu: 0.0.44.dev20260713+nightly
codegen_flags: <defaults>
</compile_context>

<pallas_src>
import functools

import jax
import jax.numpy as jnp
from jax import lax
from jax.experimental import pallas as pl
from jax.experimental.pallas import tpu as pltpu
from jax.experimental.pallas import tpu_sc as plsc

_interpret = False

H = 4

_NV = 1000
_ADJ_PAD = 1024000
_ROWS_W = 128
_TOK_W = _ROWS_W * 50


def _sc_graph_body(ids_hbm, idsf_hbm, posf_hbm, seqf_hbm, adj_out, pres_out,
                   tokf, tok2, posv, seqv, eidx2, val2, onesb, zbuf,
                   sem_a, sem_p, adj_sp, pres_sp):
    c = lax.axis_index("c")
    s = lax.axis_index("s")
    wid = c * 16 + s
    f32 = jnp.float32
    i32 = jnp.int32

    if True:
        def zfill(i, _):
            zbuf[pl.ds(i * 16, 16)] = jnp.zeros((16,), f32)
            return 0
        lax.fori_loop(0, 500, zfill, 0)
        for m in range(8):
            pltpu.sync_copy(zbuf.at[pl.ds(0, 8000)],
                            adj_sp.at[pl.ds(s * 64000 + m * 8000, 8000)])

        @pl.when(s == 0)
        def _():
            pltpu.sync_copy(zbuf.at[pl.ds(0, 1024)], pres_sp.at[pl.ds(0, 1024)])

        pltpu.sync_copy(ids_hbm.at[wid], tok2)
        pltpu.sync_copy(idsf_hbm.at[pl.ds(wid * _TOK_W, _TOK_W)],
                        tokf.at[pl.ds(0, _TOK_W)])
        pltpu.sync_copy(posf_hbm.at[pl.ds(wid * _TOK_W, _TOK_W)], posv)
        pltpu.sync_copy(seqf_hbm.at[pl.ds(wid * _TOK_W, _TOK_W)], seqv)
        tokf[pl.ds(_TOK_W, 16)] = jnp.zeros((16,), i32)

        def erow(j, _):
            base = j * 128
            for k in range(8):
                off = base + k * 16
                valid = posv[pl.ds(off, 16)] < (seqv[pl.ds(off, 16)] - 1)
                tok_v = tokf[pl.ds(off, 16)]
                tok_n = tokf[pl.ds(off + 1, 16)]
                eidx2[j, pl.ds(k * 16, 16)] = tok_n * _NV + tok_v
                val2[j, pl.ds(k * 16, 16)] = jnp.where(
                    valid, jnp.ones((16,), f32), jnp.zeros((16,), f32))
                onesb[j, pl.ds(k * 16, 16)] = jnp.ones((16,), f32)
            return 0
        lax.fori_loop(0, 50, erow, 0)

        plsc.subcore_barrier()
        adj_descs = [
            pltpu.make_async_copy(val2.at[j], adj_sp.at[eidx2.at[j]], sem_a)
            for j in range(50)
        ]
        pres_descs = [
            pltpu.make_async_copy(onesb.at[j], pres_sp.at[tok2.at[j]], sem_p)
            for j in range(50)
        ]
        for dsc in adj_descs:
            dsc.start(add=True)
        for dsc in pres_descs:
            dsc.start(add=True)
        for dsc in adj_descs:
            dsc.wait()
        for dsc in pres_descs:
            dsc.wait()
        plsc.subcore_barrier()

        pltpu.sync_copy(adj_sp.at[pl.ds(s * 64000, 64000)],
                        adj_out.at[c, pl.ds(s * 64000, 64000)])

        @pl.when(s == 0)
        def _():
            pltpu.sync_copy(pres_sp.at[pl.ds(0, 1024)], pres_out.at[c])


def _dense_body(adj0_ref, adj1_ref, pres_ref, itab_ref, wh_ref, whf_ref, aq_ref, ak_ref,
                av_ref, afw_ref, afb_ref, fw_ref, fb_ref, a1w_ref, a1b_ref,
                a2w_ref, a2b_ref, tthl_ref):
    f32 = jnp.float32
    adj = adj0_ref[...] + adj1_ref[...]
    pres = pres_ref[...]
    itab = itab_ref[...]
    n, d = itab.shape
    ones_col = jnp.ones((n, 1), f32)
    in_deg = jnp.dot(adj, ones_col, preferred_element_type=f32)
    out_deg = jax.lax.dot_general(adj, ones_col, (((0,), (0,)), ((), ())),
                                  preferred_element_type=f32)
    ns = jax.lax.rsqrt(jnp.maximum(out_deg, 1.0))
    nd = jax.lax.rsqrt(jnp.maximum(in_deg, 1.0))

    wh = wh_ref[...]
    whf = whf_ref[...]

    def gnn(hid):
        hd = jnp.dot(hid, wh, preferred_element_type=f32)
        h1, h2, h3 = hd[:, :d], hd[:, d:2 * d], hd[:, 2 * d:]
        agg = nd * jnp.dot(adj, h1 * ns, preferred_element_type=f32)
        hf = jnp.dot(agg, whf, preferred_element_type=f32)
        f1, f2 = hf[:, :d], hf[:, d:]
        return h3 + jnp.maximum(f1 + h2, 0.0) * f2

    hid = itab
    for _ in range(aq_ref.shape[0]):
        hid = gnn(hid)

    dh = d // H
    x = itab
    for i in range(aq_ref.shape[0]):
        q = jnp.dot(x, aq_ref[i], preferred_element_type=f32)
        k = jnp.dot(x, ak_ref[i], preferred_element_type=f32)
        v = jnp.dot(x, av_ref[i], preferred_element_type=f32) * pres
        cols = []
        for h in range(H):
            qh = q[:, h * dh:(h + 1) * dh]
            kh = k[:, h * dh:(h + 1) * dh]
            vh = v[:, h * dh:(h + 1) * dh]
            sc = jnp.tanh(jax.lax.dot_general(
                qh, kh, (((1,), (1,)), ((), ())), preferred_element_type=f32))
            cols.append(jnp.dot(sc, vh, preferred_element_type=f32))
        att = jnp.concatenate(cols, axis=1)
        att = jnp.maximum(jnp.dot(att, afw_ref[i], preferred_element_type=f32)
                          + afb_ref[i:i + 1], 0.0)
        x = x + att

    fw = fw_ref[...]
    t_tab = (jnp.dot(hid, fw[:d], preferred_element_type=f32)
             + jnp.dot(x, fw[d:], preferred_element_type=f32) + fb_ref[...])
    t2_tab = (jnp.dot(t_tab, a2w_ref[...], preferred_element_type=f32)
              + a2b_ref[...])
    th = t_tab.astype(jnp.bfloat16)
    tl = (t_tab - th.astype(f32)).astype(jnp.bfloat16)
    tthl_ref[...] = jnp.concatenate(
        [t2_tab.astype(jnp.bfloat16), th, tl], axis=1)


def _token_body(tok_ref, iota_ref, pos_ref, seq_ref, tthl_ref, a1w_ref,
                a1b_ref, a3r_ref, a4w_ref, a4b_ref, out_ref):
    f32 = jnp.float32
    tb = tok_ref.shape[0]
    rb, d = out_ref.shape
    ll = tb // rb
    oh = (tok_ref[...] == iota_ref[0:1, :]).astype(jnp.bfloat16)
    g = jnp.dot(oh, tthl_ref[...], preferred_element_type=f32)
    t2g = g[:, :d].reshape(rb, ll, d)
    tg = (g[:, d:2 * d] + g[:, 2 * d:]).reshape(rb, ll, d)
    mask3 = (tok_ref[...] != 0).astype(f32).reshape(rb, ll, 1)
    lsel3 = (pos_ref[...] == seq_ref[...] - 1).astype(f32).reshape(rb, ll, 1)
    ht = jnp.sum(lsel3 * tg, axis=1)
    q1 = jnp.dot(ht, a1w_ref[...], preferred_element_type=f32) + a1b_ref[...]
    sig = jax.nn.sigmoid(q1[:, None, :] + t2g)
    alpha3 = jnp.sum(sig * a3r_ref[...][None], axis=2,
                     keepdims=True)
    w3 = alpha3 * mask3
    a = jnp.sum(w3 * tg, axis=1)
    a4w = a4w_ref[...]
    out_ref[...] = (jnp.dot(a, a4w[:d], preferred_element_type=f32)
                    + jnp.dot(ht, a4w[d:], preferred_element_type=f32)
                    + a4b_ref[...])


def kernel(in_item_id, seqlen, item_table, w_h, w_hf, agnn_q, agnn_k, agnn_v,
           agnn_ffn_w, agnn_ffn_b, fuse_w, fuse_b, att1_w, att1_b, att2_w,
           att2_b, att3_w, att4_w, att4_b):
    f32 = jnp.float32
    b, l = in_item_id.shape
    n, d = item_table.shape
    ids = in_item_id.astype(jnp.int32)
    sl = seqlen.astype(jnp.int32)

    rb = 64
    nb = b // rb
    eb = rb * (l - 1)
    tb = rb * l

    tokf = ids.reshape(-1, 1)
    ids2 = ids.reshape(32, -1, 128)
    idsf = ids.reshape(-1)
    posf = jnp.broadcast_to(jnp.arange(l, dtype=jnp.int32)[None],
                            (b, l)).reshape(-1)
    seqf = jnp.broadcast_to(sl[:, None], (b, l)).reshape(-1)

    mesh = plsc.VectorSubcoreMesh(core_axis_name="c", subcore_axis_name="s")
    sc_graph = functools.partial(
        pl.kernel,
        mesh=mesh,
        out_type=[
            jax.ShapeDtypeStruct((2, _ADJ_PAD), f32),
            jax.ShapeDtypeStruct((2, 1024), f32),
        ],
        scratch_types=[
            pltpu.VMEM((_TOK_W + 16,), jnp.int32),
            pltpu.VMEM((50, 128), jnp.int32),
            pltpu.VMEM((_TOK_W,), jnp.int32),
            pltpu.VMEM((_TOK_W,), jnp.int32),
            pltpu.VMEM((50, 128), jnp.int32),
            pltpu.VMEM((50, 128), jnp.float32),
            pltpu.VMEM((50, 128), jnp.float32),
            pltpu.VMEM((8000,), jnp.float32),
            pltpu.SemaphoreType.DMA,
            pltpu.SemaphoreType.DMA,
            pltpu.VMEM_SHARED((_ADJ_PAD,), jnp.float32),
            pltpu.VMEM_SHARED((1024,), jnp.float32),
        ],
    )(_sc_graph_body)
    adj_parts, pres_parts = sc_graph(ids2, idsf, posf, seqf)

    adj0 = adj_parts[0, :n * n].reshape(n, n)
    adj1 = adj_parts[1, :n * n].reshape(n, n)
    pres_col = ((pres_parts[0, :n] + pres_parts[1, :n]) > 0).astype(
        f32).reshape(n, 1)

    tthl = pl.pallas_call(
        _dense_body,
        out_shape=jax.ShapeDtypeStruct((n, 3 * d), jnp.bfloat16),
        interpret=_interpret,
    )(adj0, adj1, pres_col, item_table, w_h, w_hf, agnn_q, agnn_k, agnn_v,
      agnn_ffn_w, agnn_ffn_b, fuse_w, fuse_b.reshape(1, d),
      att1_w, att1_b.reshape(1, d), att2_w, att2_b.reshape(1, d))

    iota32 = jnp.broadcast_to(jnp.arange(n, dtype=jnp.int32)[None], (8, n))
    lp = 56
    ids_p = jnp.pad(ids, ((0, 0), (0, lp - l)))
    tokp = ids_p.reshape(-1, 1)
    tbp = rb * lp
    posp = jnp.broadcast_to(jnp.arange(lp, dtype=jnp.int32)[None],
                            (b, lp)).reshape(-1, 1)
    seqp = jnp.broadcast_to(sl[:, None], (b, lp)).reshape(-1, 1)

    out = pl.pallas_call(
        _token_body,
        grid=(nb,),
        in_specs=[
            pl.BlockSpec((tbp, 1), lambda i: (i, 0)),
            pl.BlockSpec((8, n), lambda i: (0, 0)),
            pl.BlockSpec((tbp, 1), lambda i: (i, 0)),
            pl.BlockSpec((tbp, 1), lambda i: (i, 0)),
            pl.BlockSpec((n, 3 * d), lambda i: (0, 0)),
            pl.BlockSpec((d, d), lambda i: (0, 0)),
            pl.BlockSpec((1, d), lambda i: (0, 0)),
            pl.BlockSpec((1, d), lambda i: (0, 0)),
            pl.BlockSpec((2 * d, d), lambda i: (0, 0)),
            pl.BlockSpec((1, d), lambda i: (0, 0)),
        ],
        out_specs=pl.BlockSpec((rb, d), lambda i: (i, 0)),
        out_shape=jax.ShapeDtypeStruct((b, d), f32),
        interpret=_interpret,
    )(tokp, iota32, posp, seqp, tthl, att1_w, att1_b.reshape(1, d),
      att3_w.reshape(1, d), att4_w, att4_b.reshape(1, d))

    return out

# --- scband reference (transcript-rebuilt; emitter-appended) ---
"""Pipeline reference for scband-dgnnquery-encoder-11501922419475 (READ-ONLY COPY).

The authoritative reference and input builder live on the scoring server;
editing this copy changes nothing except your own understanding.
"""

import jax, jax.numpy as jnp
import numpy as np

B, L = 4096, 50
VOCAB, D = 1000, 64
H = 4
N_LAYER = 2

def setup_inputs(seed: int = 0) -> dict:
    key = jax.random.key(seed)
    ks = jax.random.split(key, 16)
    s = 0.05
    inp = {}
    inp['in_item_id'] = jax.random.randint(ks[0], (B, L), 0, VOCAB)
    inp['seqlen'] = jax.random.randint(ks[1], (B,), 1, L + 1)
    inp['item_table'] = jax.random.normal(ks[2], (VOCAB, D), dtype=jnp.float32) * s
    inp['w_h'] = jax.random.normal(ks[3], (D, 3 * D), dtype=jnp.float32) * s
    inp['w_hf'] = jax.random.normal(ks[4], (D, 2 * D), dtype=jnp.float32) * s
    inp['agnn_q'] = jax.random.normal(ks[5], (N_LAYER, D, D), dtype=jnp.float32) * s
    inp['agnn_k'] = jax.random.normal(ks[6], (N_LAYER, D, D), dtype=jnp.float32) * s
    inp['agnn_v'] = jax.random.normal(ks[7], (N_LAYER, D, D), dtype=jnp.float32) * s
    inp['agnn_ffn_w'] = jax.random.normal(ks[8], (N_LAYER, D, D), dtype=jnp.float32) * s
    inp['agnn_ffn_b'] = jnp.zeros((N_LAYER, D), dtype=jnp.float32)
    inp['fuse_w'] = jax.random.normal(ks[9], (2 * D, D), dtype=jnp.float32) * s
    inp['fuse_b'] = jnp.zeros((D,), dtype=jnp.float32)
    inp['att1_w'] = jax.random.normal(ks[10], (D, D), dtype=jnp.float32) * s
    inp['att1_b'] = jnp.zeros((D,), dtype=jnp.float32)
    inp['att2_w'] = jax.random.normal(ks[11], (D, D), dtype=jnp.float32) * s
    inp['att2_b'] = jnp.zeros((D,), dtype=jnp.float32)
    inp['att3_w'] = jax.random.normal(ks[12], (D, 1), dtype=jnp.float32) * s
    inp['att4_w'] = jax.random.normal(ks[13], (2 * D, D), dtype=jnp.float32) * s
    inp['att4_b'] = jnp.zeros((D,), dtype=jnp.float32)
    return inp

def reference(in_item_id, seqlen, item_table, w_h, w_hf, agnn_q, agnn_k, agnn_v, agnn_ffn_w, agnn_ffn_b, fuse_w, fuse_b, att1_w, att1_b, att2_w, att2_b, att3_w, att4_w, att4_b):
    b, l = in_item_id.shape
    n_items, d = item_table.shape
    # build_batch_graph: presence mask over the item vocabulary
    present = jnp.zeros((n_items,), jnp.float32).at[in_item_id.reshape(-1)].max(1.0)
    # edges: consecutive items within each sequence (first seqlen-1 transitions)
    src = in_item_id[:, :-1].reshape(-1)
    dst = in_item_id[:, 1:].reshape(-1)
    pos = jnp.arange(l - 1)[None, :]
    emask = (pos < (seqlen[:, None] - 1)).reshape(-1).astype(jnp.float32)
    out_deg = jnp.zeros((n_items,), jnp.float32).at[src].add(emask)
    in_deg = jnp.zeros((n_items,), jnp.float32).at[dst].add(emask)
    norm_src = jnp.power(jnp.maximum(out_deg, 1.0), -0.5)
    norm_dst = jnp.power(jnp.maximum(in_deg, 1.0), -0.5)

    def graph_conv(h):
        # DGL GraphConv norm='both', weight=False, bias=False
        msg = h[src] * (norm_src[src] * emask)[:, None]
        agg = jnp.zeros((n_items, h.shape[1]), h.dtype).at[dst].add(msg)
        return agg * norm_dst[:, None]

    def gnn_conv(hidden):
        hd = hidden @ w_h
        h1, h2, h3 = jnp.split(hd, 3, axis=-1)
        hf = graph_conv(h1) @ w_hf
        f1, f2 = jnp.split(hf, 2, axis=-1)
        gate = jax.nn.relu(f1 + h2)
        return h3 + gate * f2

    # SGGNN over the full item table
    hidden = item_table
    seqs = []
    for _ in range(N_LAYER):
        hidden = gnn_conv(hidden)
        seqs.append(hidden)
    hidden_fuse_gnn = jnp.stack(seqs, axis=1).mean(axis=1)  # computed as in torch, unused downstream
    hidden_last_gnn_full = hidden

    # AGNN (stacked Global_ATT blocks); value rows of absent items are zeroed so
    # each present item's attention sum collects exactly the unique batch items
    x = item_table
    n_u = x.shape[0]
    for i in range(N_LAYER):
        q = (x @ agnn_q[i]).reshape(n_u, H, d // H).transpose(1, 0, 2)
        k = (x @ agnn_k[i]).reshape(n_u, H, d // H).transpose(1, 0, 2)
        v = ((x @ agnn_v[i]) * present[:, None]).reshape(n_u, H, d // H).transpose(1, 0, 2)
        score = jnp.tanh(jnp.matmul(q, k.transpose(0, 2, 1)))
        att = jnp.matmul(score, v).transpose(1, 0, 2).reshape(n_u, d)
        att = jax.nn.relu(att @ agnn_ffn_w[i] + agnn_ffn_b[i])
        x = x + att

    hidden_last_gnn = hidden_last_gnn_full[in_item_id]
    hidden_att = x[in_item_id]
    hidden_last = jnp.concatenate([hidden_last_gnn, hidden_att], axis=-1) @ fuse_w + fuse_b

    # att_pooling with 'last' pooling
    mask = (in_item_id != 0).astype(hidden_last.dtype)
    last_idx = jnp.clip(seqlen - 1, 0, l - 1)
    ht = hidden_last[jnp.arange(b), last_idx]
    q1 = (ht @ att1_w + att1_b)[:, None, :]
    q2 = hidden_last @ att2_w + att2_b
    alpha = jax.nn.sigmoid(q1 + q2) @ att3_w
    a = jnp.sum(alpha * hidden_last * mask[..., None], axis=1)
    a = jnp.concatenate([a, ht], axis=-1) @ att4_w + att4_b
    return a

if __name__ == "__main__":
    import jax
    _d = setup_inputs()
    print(jax.jit(kernel)(*tuple(_d.values())))

</pallas_src>

<mosaic_0001>
#map = affine_map<(d0, d1) -> (0, 0, 0)>
#map1 = affine_map<(d0, d1) -> (0)>
#map2 = affine_map<(d0, d1) -> (0, 0)>
module attributes {stable_mosaic.version = 14 : i64} {
  func.func @_sc_graph_body(%arg0: i32, %arg1: i32, %arg2: memref<32x50x128xi32, #tpu.memory_space<hbm>>, %arg3: memref<204800xi32, #tpu.memory_space<hbm>>, %arg4: memref<204800xi32, #tpu.memory_space<hbm>>, %arg5: memref<204800xi32, #tpu.memory_space<hbm>>, %arg6: memref<2x1024000xf32, #tpu.memory_space<hbm>>, %arg7: memref<2x1024xf32, #tpu.memory_space<hbm>>, %arg8: memref<6416xi32, #tpu.memory_space<vmem>>, %arg9: memref<50x128xi32, #tpu.memory_space<vmem>>, %arg10: memref<6400xi32, #tpu.memory_space<vmem>>, %arg11: memref<6400xi32, #tpu.memory_space<vmem>>, %arg12: memref<50x128xi32, #tpu.memory_space<vmem>>, %arg13: memref<50x128xf32, #tpu.memory_space<vmem>>, %arg14: memref<50x128xf32, #tpu.memory_space<vmem>>, %arg15: memref<8000xf32, #tpu.memory_space<vmem>>, %arg16: memref<!tpu.dma_semaphore, #tpu.memory_space<semaphore_mem>>, %arg17: memref<!tpu.dma_semaphore, #tpu.memory_space<semaphore_mem>>, %arg18: memref<1024000xf32, #tpu.memory_space<vmem_shared>>, %arg19: memref<1024xf32, #tpu.memory_space<vmem_shared>>) attributes {dimension_semantics = [#tpu.dimension_semantics<core_parallel>, #tpu.dimension_semantics<subcore_parallel>], iteration_bounds = array<i64: 2, 16>, scalar_prefetch = 0 : i64, scratch_operands = 12 : i64, tpu.core_type = #tpu.core_type<sc_vector_subcore>, window_params = [{transform_indices = #map}, {transform_indices = #map1}, {transform_indices = #map1}, {transform_indices = #map1}, {transform_indices = #map2}, {transform_indices = #map2}]} {
    %mul3A = arith.constant 16 : i32
    %mul3A_0 = arith.muli %arg0, %mul3A : i32
    %add3A = arith.addi %mul3A_0, %arg1 : i32
    %scan3A = arith.constant 0 : i32
    %scan3A_1 = arith.constant 0 : i32
    %scan3A_2 = arith.constant 500 : i32
    %scan3A_3 = arith.addi %scan3A_1, %scan3A_2 : i32
    %scan3A_4 = arith.constant 1 : i32
    %scan3A_5 = scf.for %scan3A_2066 = %scan3A_1 to %scan3A_3 step %scan3A_4 iter_args(%scan3A_2067 = %scan3A) -> (i32)  : i32 {
      %broadcast_in_dim3A_2068 = arith.constant 0.000000e+00 : f32
      %broadcast_in_dim3A_2069 = vector.broadcast %broadcast_in_dim3A_2068 : f32 to vector<16xf32>
      %mul3A_2070 = arith.constant 16 : i32
      %mul3A_2071 = arith.muli %scan3A_2066, %mul3A_2070 : i32
      %swap3A_2072 = arith.index_cast %mul3A_2071 : i32 to index
      %swap3A_2073 = tpu.vector_load %arg15[%swap3A_2072] {strides = array<i32>} : memref<8000xf32, #tpu.memory_space<vmem>>, vector<16xf32>,
      %swap3A_2074 = vector.shape_cast %swap3A_2073 : vector<16xf32> to vector<16xf32>
      %swap3A_2075 = vector.shape_cast %broadcast_in_dim3A_2069 : vector<16xf32> to vector<16xf32>
      tpu.vector_store %arg15[%swap3A_2072], %swap3A_2075 {strides = array<i32>} : memref<8000xf32, #tpu.memory_space<vmem>>, vector<16xf32>,
      %scan3A_2076 = arith.constant 0 : i32
      scf.yield %scan3A_2076 : i32
    }
    %scan3A_6 = arith.constant 500 : i32
    %mul3A_7 = arith.constant 64000 : i32
    %mul3A_8 = arith.muli %arg1, %mul3A_7 : i32
    %add3A_9 = arith.constant 0 : i32
    %add3A_10 = arith.addi %mul3A_8, %add3A_9 : i32
    "tpu.region"() ({
      %run_scoped3A = tpu.sem_alloc : memref<!tpu.dma_semaphore, #tpu.memory_space<semaphore_mem>>
      %dma_start3A_2066 = arith.constant 0 : i32
      %dma_start3A_2067 = tpu.memref_slice %arg15[%dma_start3A_2066] : memref<8000xf32, #tpu.memory_space<vmem>> -> memref<8000xf32, #tpu.memory_space<vmem>>
      %dma_start3A_2068 = tpu.memref_slice %arg18[%add3A_10] : memref<1024000xf32, #tpu.memory_space<vmem_shared>> -> memref<8000xf32, #tpu.memory_space<vmem_shared>>
      %dma_start3A_2069 = tpu.memref_slice %arg18[%add3A_10] : memref<1024000xf32, #tpu.memory_space<vmem_shared>> -> memref<8000xf32, #tpu.memory_space<vmem_shared>>
      %dma_start3A_2070 = arith.constant 0 : i32
      %dma_start3A_2071 = tpu.memref_slice %arg15[%dma_start3A_2070] : memref<8000xf32, #tpu.memory_space<vmem>> -> memref<8000xf32, #tpu.memory_space<vmem>>
      tpu.enqueue_dma source(%dma_start3A_2071 : memref<8000xf32, #tpu.memory_space<vmem>>) target(%dma_start3A_2069 : memref<8000xf32, #tpu.memory_space<vmem_shared>>) target_semaphore(%run_scoped3A : memref<!tpu.dma_semaphore, #tpu.memory_space<semaphore_mem>>)
      %dma_wait3A_2072 = arith.constant 0 : i32
      %dma_wait3A_2073 = tpu.memref_slice %arg15[%dma_wait3A_2072] : memref<8000xf32, #tpu.memory_space<vmem>> -> memref<8000xf32, #tpu.memory_space<vmem>>
      %dma_wait3A_2074 = tpu.memref_slice %arg18[%add3A_10] : memref<1024000xf32, #tpu.memory_space<vmem_shared>> -> memref<8000xf32, #tpu.memory_space<vmem_shared>>
      %dma_wait3A_2075 = tpu.memref_slice %arg18[%add3A_10] : memref<1024000xf32, #tpu.memory_space<vmem_shared>> -> memref<8000xf32, #tpu.memory_space<vmem_shared>>
      %dma_wait3A_2076 = arith.constant 0 : i32
      %dma_wait3A_2077 = tpu.memref_slice %arg15[%dma_wait3A_2076] : memref<8000xf32, #tpu.memory_space<vmem>> -> memref<8000xf32, #tpu.memory_space<vmem>>
      tpu.wait_dma2 semaphore(%run_scoped3A : memref<!tpu.dma_semaphore, #tpu.memory_space<semaphore_mem>>) src(%dma_wait3A_2077 : memref<8000xf32, #tpu.memory_space<vmem>>) dst(%dma_wait3A_2075 : memref<8000xf32, #tpu.memory_space<vmem_shared>>)
      tpu.yield
    }) : () -> ()
    %mul3A_11 = arith.constant 64000 : i32
    %mul3A_12 = arith.muli %arg1, %mul3A_11 : i32
    %add3A_13 = arith.constant 8000 : i32
    %add3A_14 = arith.addi %mul3A_12, %add3A_13 : i32
    "tpu.region"() ({
      %run_scoped3A = tpu.sem_alloc : memref<!tpu.dma_semaphore, #tpu.memory_space<semaphore_mem>>
      %dma_start3A_2066 = arith.constant 0 : i32
      %dma_start3A_2067 = tpu.memref_slice %arg15[%dma_start3A_2066] : memref<8000xf32, #tpu.memory_space<vmem>> -> memref<8000xf32, #tpu.memory_space<vmem>>
      %dma_start3A_2068 = tpu.memref_slice %arg18[%add3A_14] : memref<1024000xf32, #tpu.memory_space<vmem_shared>> -> memref<8000xf32, #tpu.memory_space<vmem_shared>>
      %dma_start3A_2069 = tpu.memref_slice %arg18[%add3A_14] : memref<1024000xf32, #tpu.memory_space<vmem_shared>> -> memref<8000xf32, #tpu.memory_space<vmem_shared>>
      %dma_start3A_2070 = arith.constant 0 : i32
      %dma_start3A_2071 = tpu.memref_slice %arg15[%dma_start3A_2070] : memref<8000xf32, #tpu.memory_space<vmem>> -> memref<8000xf32, #tpu.memory_space<vmem>>
      tpu.enqueue_dma source(%dma_start3A_2071 : memref<8000xf32, #tpu.memory_space<vmem>>) target(%dma_start3A_2069 : memref<8000xf32, #tpu.memory_space<vmem_shared>>) target_semaphore(%run_scoped3A : memref<!tpu.dma_semaphore, #tpu.memory_space<semaphore_mem>>)
      %dma_wait3A_2072 = arith.constant 0 : i32
      %dma_wait3A_2073 = tpu.memref_slice %arg15[%dma_wait3A_2072] : memref<8000xf32, #tpu.memory_space<vmem>> -> memref<8000xf32, #tpu.memory_space<vmem>>
      %dma_wait3A_2074 = tpu.memref_slice %arg18[%add3A_14] : memref<1024000xf32, #tpu.memory_space<vmem_shared>> -> memref<8000xf32, #tpu.memory_space<vmem_shared>>
      %dma_wait3A_2075 = tpu.memref_slice %arg18[%add3A_14] : memref<1024000xf32, #tpu.memory_space<vmem_shared>> -> memref<8000xf32, #tpu.memory_space<vmem_shared>>
      %dma_wait3A_2076 = arith.constant 0 : i32
      %dma_wait3A_2077 = tpu.memref_slice %arg15[%dma_wait3A_2076] : memref<8000xf32, #tpu.memory_space<vmem>> -> memref<8000xf32, #tpu.memory_space<vmem>>
      tpu.wait_dma2 semaphore(%run_scoped3A : memref<!tpu.dma_semaphore, #tpu.memory_space<semaphore_mem>>) src(%dma_wait3A_2077 : memref<8000xf32, #tpu.memory_space<vmem>>) dst(%dma_wait3A_2075 : memref<8000xf32, #tpu.memory_space<vmem_shared>>)
      tpu.yield
    }) : () -> ()
    %mul3A_15 = arith.constant 64000 : i32
    %mul3A_16 = arith.muli %arg1, %mul3A_15 : i32
    %add3A_17 = arith.constant 16000 : i32
    %add3A_18 = arith.addi %mul3A_16, %add3A_17 : i32
    "tpu.region"() ({
      %run_scoped3A = tpu.sem_alloc : memref<!tpu.dma_semaphore, #tpu.memory_space<semaphore_mem>>
      %dma_start3A_2066 = arith.constant 0 : i32
      %dma_start3A_2067 = tpu.memref_slice %arg15[%dma_start3A_2066] : memref<8000xf32, #tpu.memory_space<vmem>> -> memref<8000xf32, #tpu.memory_space<vmem>>
      %dma_start3A_2068 = tpu.memref_slice %arg18[%add3A_18] : memref<1024000xf32, #tpu.memory_space<vmem_shared>> -> memref<8000xf32, #tpu.memory_space<vmem_shared>>
      %dma_start3A_2069 = tpu.memref_slice %arg18[%add3A_18] : memref<1024000xf32, #tpu.memory_space<vmem_shared>> -> memref<8000xf32, #tpu.memory_space<vmem_shared>>
      %dma_start3A_2070 = arith.constant 0 : i32
      %dma_start3A_2071 = tpu.memref_slice %arg15[%dma_start3A_2070] : memref<8000xf32, #tpu.memory_space<vmem>> -> memref<8000xf32, #tpu.memory_space<vmem>>
      tpu.enqueue_dma source(%dma_start3A_2071 : memref<8000xf32, #tpu.memory_space<vmem>>) target(%dma_start3A_2069 : memref<8000xf32, #tpu.memory_space<vmem_shared>>) target_semaphore(%run_scoped3A : memref<!tpu.dma_semaphore, #tpu.memory_space<semaphore_mem>>)
      %dma_wait3A_2072 = arith.constant 0 : i32
      %dma_wait3A_2073 = tpu.memref_slice %arg15[%dma_wait3A_2072] : memref<8000xf32, #tpu.memory_space<vmem>> -> memref<8000xf32, #tpu.memory_space<vmem>>
      %dma_wait3A_2074 = tpu.memref_slice %arg18[%add3A_18] : memref<1024000xf32, #tpu.memory_space<vmem_shared>> -> memref<8000xf32, #tpu.memory_space<vmem_shared>>
      %dma_wait3A_2075 = tpu.memref_slice %arg18[%add3A_18] : memref<1024000xf32, #tpu.memory_space<vmem_shared>> -> memref<8000xf32, #tpu.memory_space<vmem_shared>>
      %dma_wait3A_2076 = arith.constant 0 : i32
      %dma_wait3A_2077 = tpu.memref_slice %arg15[%dma_wait3A_2076] : memref<8000xf32, #tpu.memory_space<vmem>> -> memref<8000xf32, #tpu.memory_space<vmem>>
      tpu.wait_dma2 semaphore(%run_scoped3A : memref<!tpu.dma_semaphore, #tpu.memory_space<semaphore_mem>>) src(%dma_wait3A_2077 : memref<8000xf32, #tpu.memory_space<vmem>>) dst(%dma_wait3A_2075 : memref<8000xf32, #tpu.memory_space<vmem_shared>>)
      tpu.yield
    }) : () -> ()
    %mul3A_19 = arith.constant 64000 : i32
    %mul3A_20 = arith.muli %arg1, %mul3A_19 : i32
    %add3A_21 = arith.constant 24000 : i32
    %add3A_22 = arith.addi %mul3A_20, %add3A_21 : i32
    "tpu.region"() ({
      %run_scoped3A = tpu.sem_alloc : memref<!tpu.dma_semaphore, #tpu.memory_space<semaphore_mem>>
      %dma_start3A_2066 = arith.constant 0 : i32
      %dma_start3A_2067 = tpu.memref_slice %arg15[%dma_start3A_2066] : memref<8000xf32, #tpu.memory_space<vmem>> -> memref<8000xf32, #tpu.memory_space<vmem>>
      %dma_start3A_2068 = tpu.memref_slice %arg18[%add3A_22] : memref<1024000xf32, #tpu.memory_space<vmem_shared>> -> memref<8000xf32, #tpu.memory_space<vmem_shared>>
      %dma_start3A_2069 = tpu.memref_slice %arg18[%add3A_22] : memref<1024000xf32, #tpu.memory_space<vmem_shared>> -> memref<8000xf32, #tpu.memory_space<vmem_shared>>
      %dma_start3A_2070 = arith.constant 0 : i32
      %dma_start3A_2071 = tpu.memref_slice %arg15[%dma_start3A_2070] : memref<8000xf32, #tpu.memory_space<vmem>> -> memref<8000xf32, #tpu.memory_space<vmem>>
      tpu.enqueue_dma source(%dma_start3A_2071 : memref<8000xf32, #tpu.memory_space<vmem>>) target(%dma_start3A_2069 : memref<8000xf32, #tpu.memory_space<vmem_shared>>) target_semaphore(%run_scoped3A : memref<!tpu.dma_semaphore, #tpu.memory_space<semaphore_mem>>)
      %dma_wait3A_2072 = arith.constant 0 : i32
      %dma_wait3A_2073 = tpu.memref_slice %arg15[%dma_wait3A_2072] : memref<8000xf32, #tpu.memory_space<vmem>> -> memref<8000xf32, #tpu.memory_space<vmem>>
      %dma_wait3A_2074 = tpu.memref_slice %arg18[%add3A_22] : memref<1024000xf32, #tpu.memory_space<vmem_shared>> -> memref<8000xf32, #tpu.memory_space<vmem_shared>>
      %dma_wait3A_2075 = tpu.memref_slice %arg18[%add3A_22] : memref<1024000xf32, #tpu.memory_space<vmem_shared>> -> memref<8000xf32, #tpu.memory_space<vmem_shared>>
      %dma_wait3A_2076 = arith.constant 0 : i32
      %dma_wait3A_2077 = tpu.memref_slice %arg15[%dma_wait3A_2076] : memref<8000xf32, #tpu.memory_space<vmem>> -> memref<8000xf32, #tpu.memory_space<vmem>>
      tpu.wait_dma2 semaphore(%run_scoped3A : memref<!tpu.dma_semaphore, #tpu.memory_space<semaphore_mem>>) src(%dma_wait3A_2077 : memref<8000xf32, #tpu.memory_space<vmem>>) dst(%dma_wait3A_2075 : memref<8000xf32, #tpu.memory_space<vmem_shared>>)
      tpu.yield
    }) : () -> ()
    %mul3A_23 = arith.constant 64000 : i32
    %mul3A_24 = arith.muli %arg1, %mul3A_23 : i32
    %add3A_25 = arith.constant 32000 : i32
    %add3A_26 = arith.addi %mul3A_24, %add3A_25 : i32
    "tpu.region"() ({
      %run_scoped3A = tpu.sem_alloc : memref<!tpu.dma_semaphore, #tpu.memory_space<semaphore_mem>>
      %dma_start3A_2066 = arith.constant 0 : i32
      %dma_start3A_2067 = tpu.memref_slice %arg15[%dma_start3A_2066] : memref<8000xf32, #tpu.memory_space<vmem>> -> memref<8000xf32, #tpu.memory_space<vmem>>
      %dma_start3A_2068 = tpu.memref_slice %arg18[%add3A_26] : memref<1024000xf32, #tpu.memory_space<vmem_shared>> -> memref<8000xf32, #tpu.memory_space<vmem_shared>>
      %dma_start3A_2069 = tpu.memref_slice %arg18[%add3A_26] : memref<1024000xf32, #tpu.memory_space<vmem_shared>> -> memref<8000xf32, #tpu.memory_space<vmem_shared>>
      %dma_start3A_2070 = arith.constant 0 : i32
      %dma_start3A_2071 = tpu.memref_slice %arg15[%dma_start3A_2070] : memref<8000xf32, #tpu.memory_space<vmem>> -> memref<8000xf32, #tpu.memory_space<vmem>>
      tpu.enqueue_dma source(%dma_start3A_2071 : memref<8000xf32, #tpu.memory_space<vmem>>) target(%dma_start3A_2069 : memref<8000xf32, #tpu.memory_space<vmem_shared>>) target_semaphore(%run_scoped3A : memref<!tpu.dma_semaphore, #tpu.memory_space<semaphore_mem>>)
      %dma_wait3A_2072 = arith.constant 0 : i32
      %dma_wait3A_2073 = tpu.memref_slice %arg15[%dma_wait3A_2072] : memref<8000xf32, #tpu.memory_space<vmem>> -> memref<8000xf32, #tpu.memory_space<vmem>>
      %dma_wait3A_2074 = tpu.memref_slice %arg18[%add3A_26] : memref<1024000xf32, #tpu.memory_space<vmem_shared>> -> memref<8000xf32, #tpu.memory_space<vmem_shared>>
      %dma_wait3A_2075 = tpu.memref_slice %arg18[%add3A_26] : memref<1024000xf32, #tpu.memory_space<vmem_shared>> -> memref<8000xf32, #tpu.memory_space<vmem_shared>>
      %dma_wait3A_2076 = arith.constant 0 : i32
      %dma_wait3A_2077 = tpu.memref_slice %arg15[%dma_wait3A_2076] : memref<8000xf32, #tpu.memory_space<vmem>> -> memref<8000xf32, #tpu.memory_space<vmem>>
      tpu.wait_dma2 semaphore(%run_scoped3A : memref<!tpu.dma_semaphore, #tpu.memory_space<semaphore_mem>>) src(%dma_wait3A_2077 : memref<8000xf32, #tpu.memory_space<vmem>>) dst(%dma_wait3A_2075 : memref<8000xf32, #tpu.memory_space<vmem_shared>>)
      tpu.yield
    }) : () -> ()
    %mul3A_27 = arith.constant 64000 : i32
    %mul3A_28 = arith.muli %arg1, %mul3A_27 : i32
    %add3A_29 = arith.constant 40000 : i32
    %add3A_30 = arith.addi %mul3A_28, %add3A_29 : i32
    "tpu.region"() ({
      %run_scoped3A = tpu.sem_alloc : memref<!tpu.dma_semaphore, #tpu.memory_space<semaphore_mem>>
      %dma_start3A_2066 = arith.constant 0 : i32
      %dma_start3A_2067 = tpu.memref_slice %arg15[%dma_start3A_2066] : memref<8000xf32, #tpu.memory_space<vmem>> -> memref<8000xf32, #tpu.memory_space<vmem>>
      %dma_start3A_2068 = tpu.memref_slice %arg18[%add3A_30] : memref<1024000xf32, #tpu.memory_space<vmem_shared>> -> memref<8000xf32, #tpu.memory_space<vmem_shared>>
      %dma_start3A_2069 = tpu.memref_slice %arg18[%add3A_30] : memref<1024000xf32, #tpu.memory_space<vmem_shared>> -> memref<8000xf32, #tpu.memory_space<vmem_shared>>
      %dma_start3A_2070 = arith.constant 0 : i32
      %dma_start3A_2071 = tpu.memref_slice %arg15[%dma_start3A_2070] : memref<8000xf32, #tpu.memory_space<vmem>> -> memref<8000xf32, #tpu.memory_space<vmem>>
      tpu.enqueue_dma source(%dma_start3A_2071 : memref<8000xf32, #tpu.memory_space<vmem>>) target(%dma_start3A_2069 : memref<8000xf32, #tpu.memory_space<vmem_shared>>) target_semaphore(%run_scoped3A : memref<!tpu.dma_semaphore, #tpu.memory_space<semaphore_mem>>)
      %dma_wait3A_2072 = arith.constant 0 : i32
      %dma_wait3A_2073 = tpu.memref_slice %arg15[%dma_wait3A_2072] : memref<8000xf32, #tpu.memory_space<vmem>> -> memref<8000xf32, #tpu.memory_space<vmem>>
      %dma_wait3A_2074 = tpu.memref_slice %arg18[%add3A_30] : memref<1024000xf32, #tpu.memory_space<vmem_shared>> -> memref<8000xf32, #tpu.memory_space<vmem_shared>>
      %dma_wait3A_2075 = tpu.memref_slice %arg18[%add3A_30] : memref<1024000xf32, #tpu.memory_space<vmem_shared>> -> memref<8000xf32, #tpu.memory_space<vmem_shared>>
      %dma_wait3A_2076 = arith.constant 0 : i32
      %dma_wait3A_2077 = tpu.memref_slice %arg15[%dma_wait3A_2076] : memref<8000xf32, #tpu.memory_space<vmem>> -> memref<8000xf32, #tpu.memory_space<vmem>>
      tpu.wait_dma2 semaphore(%run_scoped3A : memref<!tpu.dma_semaphore, #tpu.memory_space<semaphore_mem>>) src(%dma_wait3A_2077 : memref<8000xf32, #tpu.memory_space<vmem>>) dst(%dma_wait3A_2075 : memref<8000xf32, #tpu.memory_space<vmem_shared>>)
      tpu.yield
    }) : () -> ()
    %mul3A_31 = arith.constant 64000 : i32
    %mul3A_32 = arith.muli %arg1, %mul3A_31 : i32
    %add3A_33 = arith.constant 48000 : i32
    %add3A_34 = arith.addi %mul3A_32, %add3A_33 : i32
    "tpu.region"() ({
      %run_scoped3A = tpu.sem_alloc : memref<!tpu.dma_semaphore, #tpu.memory_space<semaphore_mem>>
      %dma_start3A_2066 = arith.constant 0 : i32
      %dma_start3A_2067 = tpu.memref_slice %arg15[%dma_start3A_2066] : memref<8000xf32, #tpu.memory_space<vmem>> -> memref<8000xf32, #tpu.memory_space<vmem>>
      %dma_start3A_2068 = tpu.memref_slice %arg18[%add3A_34] : memref<1024000xf32, #tpu.memory_space<vmem_shared>> -> memref<8000xf32, #tpu.memory_space<vmem_shared>>
      %dma_start3A_2069 = tpu.memref_slice %arg18[%add3A_34] : memref<1024000xf32, #tpu.memory_space<vmem_shared>> -> memref<8000xf32, #tpu.memory_space<vmem_shared>>
      %dma_start3A_2070 = arith.constant 0 : i32
      %dma_start3A_2071 = tpu.memref_slice %arg15[%dma_start3A_2070] : memref<8000xf32, #tpu.memory_space<vmem>> -> memref<8000xf32, #tpu.memory_space<vmem>>
      tpu.enqueue_dma source(%dma_start3A_2071 : memref<8000xf32, #tpu.memory_space<vmem>>) target(%dma_start3A_2069 : memref<8000xf32, #tpu.memory_space<vmem_shared>>) target_semaphore(%run_scoped3A : memref<!tpu.dma_semaphore, #tpu.memory_space<semaphore_mem>>)
      %dma_wait3A_2072 = arith.constant 0 : i32
      %dma_wait3A_2073 = tpu.memref_slice %arg15[%dma_wait3A_2072] : memref<8000xf32, #tpu.memory_space<vmem>> -> memref<8000xf32, #tpu.memory_space<vmem>>
      %dma_wait3A_2074 = tpu.memref_slice %arg18[%add3A_34] : memref<1024000xf32, #tpu.memory_space<vmem_shared>> -> memref<8000xf32, #tpu.memory_space<vmem_shared>>
      %dma_wait3A_2075 = tpu.memref_slice %arg18[%add3A_34] : memref<1024000xf32, #tpu.memory_space<vmem_shared>> -> memref<8000xf32, #tpu.memory_space<vmem_shared>>
      %dma_wait3A_2076 = arith.constant 0 : i32
      %dma_wait3A_2077 = tpu.memref_slice %arg15[%dma_wait3A_2076] : memref<8000xf32, #tpu.memory_space<vmem>> -> memref<8000xf32, #tpu.memory_space<vmem>>
      tpu.wait_dma2 semaphore(%run_scoped3A : memref<!tpu.dma_semaphore, #tpu.memory_space<semaphore_mem>>) src(%dma_wait3A_2077 : memref<8000xf32, #tpu.memory_space<vmem>>) dst(%dma_wait3A_2075 : memref<8000xf32, #tpu.memory_space<vmem_shared>>)
      tpu.yield
    }) : () -> ()
    %mul3A_35 = arith.constant 64000 : i32
    %mul3A_36 = arith.muli %arg1, %mul3A_35 : i32
    %add3A_37 = arith.constant 56000 : i32
    %add3A_38 = arith.addi %mul3A_36, %add3A_37 : i32
    "tpu.region"() ({
      %run_scoped3A = tpu.sem_alloc : memref<!tpu.dma_semaphore, #tpu.memory_space<semaphore_mem>>
      %dma_start3A_2066 = arith.constant 0 : i32
      %dma_start3A_2067 = tpu.memref_slice %arg15[%dma_start3A_2066] : memref<8000xf32, #tpu.memory_space<vmem>> -> memref<8000xf32, #tpu.memory_space<vmem>>
      %dma_start3A_2068 = tpu.memref_slice %arg18[%add3A_38] : memref<1024000xf32, #tpu.memory_space<vmem_shared>> -> memref<8000xf32, #tpu.memory_space<vmem_shared>>
      %dma_start3A_2069 = tpu.memref_slice %arg18[%add3A_38] : memref<1024000xf32, #tpu.memory_space<vmem_shared>> -> memref<8000xf32, #tpu.memory_space<vmem_shared>>
      %dma_start3A_2070 = arith.constant 0 : i32
      %dma_start3A_2071 = tpu.memref_slice %arg15[%dma_start3A_2070] : memref<8000xf32, #tpu.memory_space<vmem>> -> memref<8000xf32, #tpu.memory_space<vmem>>
      tpu.enqueue_dma source(%dma_start3A_2071 : memref<8000xf32, #tpu.memory_space<vmem>>) target(%dma_start3A_2069 : memref<8000xf32, #tpu.memory_space<vmem_shared>>) target_semaphore(%run_scoped3A : memref<!tpu.dma_semaphore, #tpu.memory_space<semaphore_mem>>)
      %dma_wait3A_2072 = arith.constant 0 : i32
      %dma_wait3A_2073 = tpu.memref_slice %arg15[%dma_wait3A_2072] : memref<8000xf32, #tpu.memory_space<vmem>> -> memref<8000xf32, #tpu.memory_space<vmem>>
      %dma_wait3A_2074 = tpu.memref_slice %arg18[%add3A_38] : memref<1024000xf32, #tpu.memory_space<vmem_shared>> -> memref<8000xf32, #tpu.memory_space<vmem_shared>>
      %dma_wait3A_2075 = tpu.memref_slice %arg18[%add3A_38] : memref<1024000xf32, #tpu.memory_space<vmem_shared>> -> memref<8000xf32, #tpu.memory_space<vmem_shared>>
      %dma_wait3A_2076 = arith.constant 0 : i32
      %dma_wait3A_2077 = tpu.memref_slice %arg15[%dma_wait3A_2076] : memref<8000xf32, #tpu.memory_space<vmem>> -> memref<8000xf32, #tpu.memory_space<vmem>>
      tpu.wait_dma2 semaphore(%run_scoped3A : memref<!tpu.dma_semaphore, #tpu.memory_space<semaphore_mem>>) src(%dma_wait3A_2077 : memref<8000xf32, #tpu.memory_space<vmem>>) dst(%dma_wait3A_2075 : memref<8000xf32, #tpu.memory_space<vmem_shared>>)
      tpu.yield
    }) : () -> ()
    %eq3A = arith.constant 0 : i32
    %eq3A_39 = arith.cmpi eq, %arg1, %eq3A : i32
    %convert_element_type3A = arith.extui %eq3A_39 : i1 to i32
    %cond3A = arith.constant 0 : i32
    %cond3A_40 = arith.cmpi ne, %convert_element_type3A, %cond3A : i32
    scf.if %cond3A_40 {
      "tpu.region"() ({
        %run_scoped3A = tpu.sem_alloc : memref<!tpu.dma_semaphore, #tpu.memory_space<semaphore_mem>>
        %dma_start3A_2066 = arith.constant 0 : i32
        %dma_start3A_2067 = tpu.memref_slice %arg15[%dma_start3A_2066] : memref<8000xf32, #tpu.memory_space<vmem>> -> memref<1024xf32, #tpu.memory_space<vmem>>
        %dma_start3A_2068 = arith.constant 0 : i32
        %dma_start3A_2069 = tpu.memref_slice %arg19[%dma_start3A_2068] : memref<1024xf32, #tpu.memory_space<vmem_shared>> -> memref<1024xf32, #tpu.memory_space<vmem_shared>>
        %dma_start3A_2070 = arith.constant 0 : i32
        %dma_start3A_2071 = tpu.memref_slice %arg19[%dma_start3A_2070] : memref<1024xf32, #tpu.memory_space<vmem_shared>> -> memref<1024xf32, #tpu.memory_space<vmem_shared>>
        %dma_start3A_2072 = arith.constant 0 : i32
        %dma_start3A_2073 = tpu.memref_slice %arg15[%dma_start3A_2072] : memref<8000xf32, #tpu.memory_space<vmem>> -> memref<1024xf32, #tpu.memory_space<vmem>>
        tpu.enqueue_dma source(%dma_start3A_2073 : memref<1024xf32, #tpu.memory_space<vmem>>) target(%dma_start3A_2071 : memref<1024xf32, #tpu.memory_space<vmem_shared>>) target_semaphore(%run_scoped3A : memref<!tpu.dma_semaphore, #tpu.memory_space<semaphore_mem>>)
        %dma_wait3A_2074 = arith.constant 0 : i32
        %dma_wait3A_2075 = tpu.memref_slice %arg15[%dma_wait3A_2074] : memref<8000xf32, #tpu.memory_space<vmem>> -> memref<1024xf32, #tpu.memory_space<vmem>>
        %dma_wait3A_2076 = arith.constant 0 : i32
        %dma_wait3A_2077 = tpu.memref_slice %arg19[%dma_wait3A_2076] : memref<1024xf32, #tpu.memory_space<vmem_shared>> -> memref<1024xf32, #tpu.memory_space<vmem_shared>>
        %dma_wait3A_2078 = arith.constant 0 : i32
        %dma_wait3A_2079 = tpu.memref_slice %arg19[%dma_wait3A_2078] : memref<1024xf32, #tpu.memory_space<vmem_shared>> -> memref<1024xf32, #tpu.memory_space<vmem_shared>>
        %dma_wait3A_2080 = arith.constant 0 : i32
        %dma_wait3A_2081 = tpu.memref_slice %arg15[%dma_wait3A_2080] : memref<8000xf32, #tpu.memory_space<vmem>> -> memref<1024xf32, #tpu.memory_space<vmem>>
        tpu.wait_dma2 semaphore(%run_scoped3A : memref<!tpu.dma_semaphore, #tpu.memory_space<semaphore_mem>>) src(%dma_wait3A_2081 : memref<1024xf32, #tpu.memory_space<vmem>>) dst(%dma_wait3A_2079 : memref<1024xf32, #tpu.memory_space<vmem_shared>>)
        tpu.yield
      }) : () -> ()
    } else {
    }
    "tpu.region"() ({
      %run_scoped3A = tpu.sem_alloc : memref<!tpu.dma_semaphore, #tpu.memory_space<semaphore_mem>>
      %dma_start3A_2066 = arith.constant 0 : i32
      %dma_start3A_2067 = arith.constant 0 : i32
      %dma_start3A_2068 = tpu.memref_slice %arg2[%add3A, %dma_start3A_2066, %dma_start3A_2067] : memref<32x50x128xi32, #tpu.memory_space<hbm>> -> memref<1x50x128xi32, #tpu.memory_space<hbm>>
      %dma_start3A_2069 = tpu.memref_squeeze %dma_start3A_2068 : memref<1x50x128xi32, #tpu.memory_space<hbm>> -> memref<50x128xi32, #tpu.memory_space<hbm>>
      %dma_start3A_2070 = arith.constant 0 : i32
      %dma_start3A_2071 = arith.constant 0 : i32
      %dma_start3A_2072 = tpu.memref_slice %arg2[%add3A, %dma_start3A_2070, %dma_start3A_2071] : memref<32x50x128xi32, #tpu.memory_space<hbm>> -> memref<1x50x128xi32, #tpu.memory_space<hbm>>
      %dma_start3A_2073 = tpu.memref_squeeze %dma_start3A_2072 : memref<1x50x128xi32, #tpu.memory_space<hbm>> -> memref<50x128xi32, #tpu.memory_space<hbm>>
      tpu.enqueue_dma source(%dma_start3A_2073 : memref<50x128xi32, #tpu.memory_space<hbm>>) target(%arg9 : memref<50x128xi32, #tpu.memory_space<vmem>>) target_semaphore(%run_scoped3A : memref<!tpu.dma_semaphore, #tpu.memory_space<semaphore_mem>>)
      %dma_wait3A_2074 = arith.constant 0 : i32
      %dma_wait3A_2075 = arith.constant 0 : i32
      %dma_wait3A_2076 = tpu.memref_slice %arg2[%add3A, %dma_wait3A_2074, %dma_wait3A_2075] : memref<32x50x128xi32, #tpu.memory_space<hbm>> -> memref<1x50x128xi32, #tpu.memory_space<hbm>>
      %dma_wait3A_2077 = tpu.memref_squeeze %dma_wait3A_2076 : memref<1x50x128xi32, #tpu.memory_space<hbm>> -> memref<50x128xi32, #tpu.memory_space<hbm>>
      %dma_wait3A_2078 = arith.constant 0 : i32
      %dma_wait3A_2079 = arith.constant 0 : i32
      %dma_wait3A_2080 = tpu.memref_slice %arg2[%add3A, %dma_wait3A_2078, %dma_wait3A_2079] : memref<32x50x128xi32, #tpu.memory_space<hbm>> -> memref<1x50x128xi32, #tpu.memory_space<hbm>>
      %dma_wait3A_2081 = tpu.memref_squeeze %dma_wait3A_2080 : memref<1x50x128xi32, #tpu.memory_space<hbm>> -> memref<50x128xi32, #tpu.memory_space<hbm>>
      tpu.wait_dma2 semaphore(%run_scoped3A : memref<!tpu.dma_semaphore, #tpu.memory_space<semaphore_mem>>) src(%dma_wait3A_2081 : memref<50x128xi32, #tpu.memory_space<hbm>>) dst(%arg9 : memref<50x128xi32, #tpu.memory_space<vmem>>)
      tpu.yield
    }) : () -> ()
    %mul3A_41 = arith.constant 6400 : i32
    %mul3A_42 = arith.muli %add3A, %mul3A_41 : i32
    "tpu.region"() ({
      %run_scoped3A = tpu.sem_alloc : memref<!tpu.dma_semaphore, #tpu.memory_space<semaphore_mem>>
      %dma_start3A_2066 = arith.constant 0 : i32
      %dma_start3A_2067 = tpu.memref_slice %arg8[%dma_start3A_2066] : memref<6416xi32, #tpu.memory_space<vmem>> -> memref<6400xi32, #tpu.memory_space<vmem>>
      %dma_start3A_2068 = tpu.memref_slice %arg3[%mul3A_42] : memref<204800xi32, #tpu.memory_space<hbm>> -> memref<6400xi32, #tpu.memory_space<hbm>>
      %dma_start3A_2069 = arith.constant 0 : i32
      %dma_start3A_2070 = tpu.memref_slice %arg8[%dma_start3A_2069] : memref<6416xi32, #tpu.memory_space<vmem>> -> memref<6400xi32, #tpu.memory_space<vmem>>
      %dma_start3A_2071 = tpu.memref_slice %arg3[%mul3A_42] : memref<204800xi32, #tpu.memory_space<hbm>> -> memref<6400xi32, #tpu.memory_space<hbm>>
      tpu.enqueue_dma source(%dma_start3A_2071 : memref<6400xi32, #tpu.memory_space<hbm>>) target(%dma_start3A_2070 : memref<6400xi32, #tpu.memory_space<vmem>>) target_semaphore(%run_scoped3A : memref<!tpu.dma_semaphore, #tpu.memory_space<semaphore_mem>>)
      %dma_wait3A_2072 = arith.constant 0 : i32
      %dma_wait3A_2073 = tpu.memref_slice %arg8[%dma_wait3A_2072] : memref<6416xi32, #tpu.memory_space<vmem>> -> memref<6400xi32, #tpu.memory_space<vmem>>
      %dma_wait3A_2074 = tpu.memref_slice %arg3[%mul3A_42] : memref<204800xi32, #tpu.memory_space<hbm>> -> memref<6400xi32, #tpu.memory_space<hbm>>
      %dma_wait3A_2075 = arith.constant 0 : i32
      %dma_wait3A_2076 = tpu.memref_slice %arg8[%dma_wait3A_2075] : memref<6416xi32, #tpu.memory_space<vmem>> -> memref<6400xi32, #tpu.memory_space<vmem>>
      %dma_wait3A_2077 = tpu.memref_slice %arg3[%mul3A_42] : memref<204800xi32, #tpu.memory_space<hbm>> -> memref<6400xi32, #tpu.memory_space<hbm>>
      tpu.wait_dma2 semaphore(%run_scoped3A : memref<!tpu.dma_semaphore, #tpu.memory_space<semaphore_mem>>) src(%dma_wait3A_2077 : memref<6400xi32, #tpu.memory_space<hbm>>) dst(%dma_wait3A_2076 : memref<6400xi32, #tpu.memory_space<vmem>>)
      tpu.yield
    }) : () -> ()
    %mul3A_43 = arith.constant 6400 : i32
    %mul3A_44 = arith.muli %add3A, %mul3A_43 : i32
    "tpu.region"() ({
      %run_scoped3A = tpu.sem_alloc : memref<!tpu.dma_semaphore, #tpu.memory_space<semaphore_mem>>
      %dma_start3A_2066 = tpu.memref_slice %arg4[%mul3A_44] : memref<204800xi32, #tpu.memory_space<hbm>> -> memref<6400xi32, #tpu.memory_space<hbm>>
      %dma_start3A_2067 = tpu.memref_slice %arg4[%mul3A_44] : memref<204800xi32, #tpu.memory_space<hbm>> -> memref<6400xi32, #tpu.memory_space<hbm>>
      tpu.enqueue_dma source(%dma_start3A_2067 : memref<6400xi32, #tpu.memory_space<hbm>>) target(%arg10 : memref<6400xi32, #tpu.memory_space<vmem>>) target_semaphore(%run_scoped3A : memref<!tpu.dma_semaphore, #tpu.memory_space<semaphore_mem>>)
      %dma_wait3A_2068 = tpu.memref_slice %arg4[%mul3A_44] : memref<204800xi32, #tpu.memory_space<hbm>> -> memref<6400xi32, #tpu.memory_space<hbm>>
      %dma_wait3A_2069 = tpu.memref_slice %arg4[%mul3A_44] : memref<204800xi32, #tpu.memory_space<hbm>> -> memref<6400xi32, #tpu.memory_space<hbm>>
      tpu.wait_dma2 semaphore(%run_scoped3A : memref<!tpu.dma_semaphore, #tpu.memory_space<semaphore_mem>>) src(%dma_wait3A_2069 : memref<6400xi32, #tpu.memory_space<hbm>>) dst(%arg10 : memref<6400xi32, #tpu.memory_space<vmem>>)
      tpu.yield
    }) : () -> ()
    %mul3A_45 = arith.constant 6400 : i32
    %mul3A_46 = arith.muli %add3A, %mul3A_45 : i32
    "tpu.region"() ({
      %run_scoped3A = tpu.sem_alloc : memref<!tpu.dma_semaphore, #tpu.memory_space<semaphore_mem>>
      %dma_start3A_2066 = tpu.memref_slice %arg5[%mul3A_46] : memref<204800xi32, #tpu.memory_space<hbm>> -> memref<6400xi32, #tpu.memory_space<hbm>>
      %dma_start3A_2067 = tpu.memref_slice %arg5[%mul3A_46] : memref<204800xi32, #tpu.memory_space<hbm>> -> memref<6400xi32, #tpu.memory_space<hbm>>
      tpu.enqueue_dma source(%dma_start3A_2067 : memref<6400xi32, #tpu.memory_space<hbm>>) target(%arg11 : memref<6400xi32, #tpu.memory_space<vmem>>) target_semaphore(%run_scoped3A : memref<!tpu.dma_semaphore, #tpu.memory_space<semaphore_mem>>)
      %dma_wait3A_2068 = tpu.memref_slice %arg5[%mul3A_46] : memref<204800xi32, #tpu.memory_space<hbm>> -> memref<6400xi32, #tpu.memory_space<hbm>>
      %dma_wait3A_2069 = tpu.memref_slice %arg5[%mul3A_46] : memref<204800xi32, #tpu.memory_space<hbm>> -> memref<6400xi32, #tpu.memory_space<hbm>>
      tpu.wait_dma2 semaphore(%run_scoped3A : memref<!tpu.dma_semaphore, #tpu.memory_space<semaphore_mem>>) src(%dma_wait3A_2069 : memref<6400xi32, #tpu.memory_space<hbm>>) dst(%arg11 : memref<6400xi32, #tpu.memory_space<vmem>>)
      tpu.yield
    }) : () -> ()
    %broadcast_in_dim3A = arith.constant 0 : i32
    %broadcast_in_dim3A_47 = vector.broadcast %broadcast_in_dim3A : i32 to vector<16xi32>
    %swap3A = arith.constant 6400 : index
    %swap3A_48 = tpu.vector_load %arg8[%swap3A] {strides = array<i32>} : memref<6416xi32, #tpu.memory_space<vmem>>, vector<16xi32>,
    %swap3A_49 = vector.shape_cast %swap3A_48 : vector<16xi32> to vector<16xi32>
    %swap3A_50 = vector.shape_cast %broadcast_in_dim3A_47 : vector<16xi32> to vector<16xi32>
    tpu.vector_store %arg8[%swap3A], %swap3A_50 {strides = array<i32>} : memref<6416xi32, #tpu.memory_space<vmem>>, vector<16xi32>,
    %scan3A_51 = arith.constant 0 : i32
    %scan3A_52 = arith.constant 0 : i32
    %scan3A_53 = arith.constant 50 : i32
    %scan3A_54 = arith.addi %scan3A_52, %scan3A_53 : i32
    %scan3A_55 = arith.constant 1 : i32
    %scan3A_56 = scf.for %scan3A_2066 = %scan3A_52 to %scan3A_54 step %scan3A_55 iter_args(%scan3A_2067 = %scan3A_51) -> (i32)  : i32 {
      %mul3A_2068 = arith.constant 128 : i32
      %mul3A_2069 = arith.muli %scan3A_2066, %mul3A_2068 : i32
      %add3A_2070 = arith.constant 0 : i32
      %add3A_2071 = arith.addi %mul3A_2069, %add3A_2070 : i32
      %get3A = arith.index_cast %add3A_2071 : i32 to index
      %get3A_2072 = tpu.vector_load %arg10[%get3A] {strides = array<i32>} : memref<6400xi32, #tpu.memory_space<vmem>>, vector<16xi32>,
      %get3A_2073 = vector.shape_cast %get3A_2072 : vector<16xi32> to vector<16xi32>
      %get3A_2074 = arith.index_cast %add3A_2071 : i32 to index
      %get3A_2075 = tpu.vector_load %arg11[%get3A_2074] {strides = array<i32>} : memref<6400xi32, #tpu.memory_space<vmem>>, vector<16xi32>,
      %get3A_2076 = vector.shape_cast %get3A_2075 : vector<16xi32> to vector<16xi32>
      %sub3A = arith.constant 1 : i32
      %sub3A_2077 = vector.broadcast %sub3A : i32 to vector<16xi32>
      %sub3A_2078 = arith.subi %get3A_2076, %sub3A_2077 : vector<16xi32>
      %lt3A = arith.cmpi slt, %get3A_2073, %sub3A_2078 : vector<16xi32>
      %get3A_2079 = arith.index_cast %add3A_2071 : i32 to index
      %get3A_2080 = tpu.vector_load %arg8[%get3A_2079] {strides = array<i32>} : memref<6416xi32, #tpu.memory_space<vmem>>, vector<16xi32>,
      %get3A_2081 = vector.shape_cast %get3A_2080 : vector<16xi32> to vector<16xi32>
      %add3A_2082 = arith.constant 1 : i32
      %add3A_2083 = arith.addi %add3A_2071, %add3A_2082 : i32
      %get3A_2084 = arith.index_cast %add3A_2083 : i32 to index
      %get3A_2085 = tpu.vector_load %arg8[%get3A_2084] {strides = array<i32>} : memref<6416xi32, #tpu.memory_space<vmem>>, vector<16xi32>,
      %get3A_2086 = vector.shape_cast %get3A_2085 : vector<16xi32> to vector<16xi32>
      %mul3A_2087 = arith.constant 1000 : i32
      %mul3A_2088 = vector.broadcast %mul3A_2087 : i32 to vector<16xi32>
      %mul3A_2089 = arith.muli %get3A_2086, %mul3A_2088 : vector<16xi32>
      %add3A_2090 = arith.addi %mul3A_2089, %get3A_2081 : vector<16xi32>
      %swap3A_2091 = arith.index_cast %scan3A_2066 : i32 to index
      %swap3A_2092 = arith.constant 0 : index
      %swap3A_2093 = tpu.vector_load %arg12[%swap3A_2091, %swap3A_2092] {strides = array<i32>} : memref<50x128xi32, #tpu.memory_space<vmem>>, vector<1x16xi32>,
      %swap3A_2094 = vector.shape_cast %swap3A_2093 : vector<1x16xi32> to vector<16xi32>
      %swap3A_2095 = vector.shape_cast %add3A_2090 : vector<16xi32> to vector<1x16xi32>
      tpu.vector_store %arg12[%swap3A_2091, %swap3A_2092], %swap3A_2095 {strides = array<i32>} : memref<50x128xi32, #tpu.memory_space<vmem>>, vector<1x16xi32>,
      %broadcast_in_dim3A_2096 = arith.constant 1.000000e+00 : f32
      %broadcast_in_dim3A_2097 = vector.broadcast %broadcast_in_dim3A_2096 : f32 to vector<16xf32>
      %broadcast_in_dim3A_2098 = arith.constant 0.000000e+00 : f32
      %broadcast_in_dim3A_2099 = vector.broadcast %broadcast_in_dim3A_2098 : f32 to vector<16xf32>
      %select_n3A = arith.select %lt3A, %broadcast_in_dim3A_2097, %broadcast_in_dim3A_2099 : vector<16xi1>, vector<16xf32>
      %swap3A_2100 = arith.index_cast %scan3A_2066 : i32 to index
      %swap3A_2101 = arith.constant 0 : index
      %swap3A_2102 = tpu.vector_load %arg13[%swap3A_2100, %swap3A_2101] {strides = array<i32>} : memref<50x128xf32, #tpu.memory_space<vmem>>, vector<1x16xf32>,
      %swap3A_2103 = vector.shape_cast %swap3A_2102 : vector<1x16xf32> to vector<16xf32>
      %swap3A_2104 = vector.shape_cast %select_n3A : vector<16xf32> to vector<1x16xf32>
      tpu.vector_store %arg13[%swap3A_2100, %swap3A_2101], %swap3A_2104 {strides = array<i32>} : memref<50x128xf32, #tpu.memory_space<vmem>>, vector<1x16xf32>,
      %broadcast_in_dim3A_2105 = arith.constant 1.000000e+00 : f32
      %broadcast_in_dim3A_2106 = vector.broadcast %broadcast_in_dim3A_2105 : f32 to vector<16xf32>
      %swap3A_2107 = arith.index_cast %scan3A_2066 : i32 to index
      %swap3A_2108 = arith.constant 0 : index
      %swap3A_2109 = tpu.vector_load %arg14[%swap3A_2107, %swap3A_2108] {strides = array<i32>} : memref<50x128xf32, #tpu.memory_space<vmem>>, vector<1x16xf32>,
      %swap3A_2110 = vector.shape_cast %swap3A_2109 : vector<1x16xf32> to vector<16xf32>
      %swap3A_2111 = vector.shape_cast %broadcast_in_dim3A_2106 : vector<16xf32> to vector<1x16xf32>
      tpu.vector_store %arg14[%swap3A_2107, %swap3A_2108], %swap3A_2111 {strides = array<i32>} : memref<50x128xf32, #tpu.memory_space<vmem>>, vector<1x16xf32>,
      %add3A_2112 = arith.constant 16 : i32
      %add3A_2113 = arith.addi %mul3A_2069, %add3A_2112 : i32
      %get3A_2114 = arith.index_cast %add3A_2113 : i32 to index
      %get3A_2115 = tpu.vector_load %arg10[%get3A_2114] {strides = array<i32>} : memref<6400xi32, #tpu.memory_space<vmem>>, vector<16xi32>,
      %get3A_2116 = vector.shape_cast %get3A_2115 : vector<16xi32> to vector<16xi32>
      %get3A_2117 = arith.index_cast %add3A_2113 : i32 to index
      %get3A_2118 = tpu.vector_load %arg11[%get3A_2117] {strides = array<i32>} : memref<6400xi32, #tpu.memory_space<vmem>>, vector<16xi32>,
      %get3A_2119 = vector.shape_cast %get3A_2118 : vector<16xi32> to vector<16xi32>
      %sub3A_2120 = arith.constant 1 : i32
      %sub3A_2121 = vector.broadcast %sub3A_2120 : i32 to vector<16xi32>
      %sub3A_2122 = arith.subi %get3A_2119, %sub3A_2121 : vector<16xi32>
      %lt3A_2123 = arith.cmpi slt, %get3A_2116, %sub3A_2122 : vector<16xi32>
      %get3A_2124 = arith.index_cast %add3A_2113 : i32 to index
      %get3A_2125 = tpu.vector_load %arg8[%get3A_2124] {strides = array<i32>} : memref<6416xi32, #tpu.memory_space<vmem>>, vector<16xi32>,
      %get3A_2126 = vector.shape_cast %get3A_2125 : vector<16xi32> to vector<16xi32>
      %add3A_2127 = arith.constant 1 : i32
      %add3A_2128 = arith.addi %add3A_2113, %add3A_2127 : i32
      %get3A_2129 = arith.index_cast %add3A_2128 : i32 to index
      %get3A_2130 = tpu.vector_load %arg8[%get3A_2129] {strides = array<i32>} : memref<6416xi32, #tpu.memory_space<vmem>>, vector<16xi32>,
      %get3A_2131 = vector.shape_cast %get3A_2130 : vector<16xi32> to vector<16xi32>
      %mul3A_2132 = arith.constant 1000 : i32
      %mul3A_2133 = vector.broadcast %mul3A_2132 : i32 to vector<16xi32>
      %mul3A_2134 = arith.muli %get3A_2131, %mul3A_2133 : vector<16xi32>
      %add3A_2135 = arith.addi %mul3A_2134, %get3A_2126 : vector<16xi32>
      %swap3A_2136 = arith.index_cast %scan3A_2066 : i32 to index
      %swap3A_2137 = arith.constant 16 : index
      %swap3A_2138 = tpu.vector_load %arg12[%swap3A_2136, %swap3A_2137] {strides = array<i32>} : memref<50x128xi32, #tpu.memory_space<vmem>>, vector<1x16xi32>,
      %swap3A_2139 = vector.shape_cast %swap3A_2138 : vector<1x16xi32> to vector<16xi32>
      %swap3A_2140 = vector.shape_cast %add3A_2135 : vector<16xi32> to vector<1x16xi32>
      tpu.vector_store %arg12[%swap3A_2136, %swap3A_2137], %swap3A_2140 {strides = array<i32>} : memref<50x128xi32, #tpu.memory_space<vmem>>, vector<1x16xi32>,
      %broadcast_in_dim3A_2141 = arith.constant 1.000000e+00 : f32
      %broadcast_in_dim3A_2142 = vector.broadcast %broadcast_in_dim3A_2141 : f32 to vector<16xf32>
      %broadcast_in_dim3A_2143 = arith.constant 0.000000e+00 : f32
      %broadcast_in_dim3A_2144 = vector.broadcast %broadcast_in_dim3A_2143 : f32 to vector<16xf32>
      %select_n3A_2145 = arith.select %lt3A_2123, %broadcast_in_dim3A_2142, %broadcast_in_dim3A_2144 : vector<16xi1>, vector<16xf32>
      %swap3A_2146 = arith.index_cast %scan3A_2066 : i32 to index
      %swap3A_2147 = arith.constant 16 : index
      %swap3A_2148 = tpu.vector_load %arg13[%swap3A_2146, %swap3A_2147] {strides = array<i32>} : memref<50x128xf32, #tpu.memory_space<vmem>>, vector<1x16xf32>,
      %swap3A_2149 = vector.shape_cast %swap3A_2148 : vector<1x16xf32> to vector<16xf32>
      %swap3A_2150 = vector.shape_cast %select_n3A_2145 : vector<16xf32> to vector<1x16xf32>
      tpu.vector_store %arg13[%swap3A_2146, %swap3A_2147], %swap3A_2150 {strides = array<i32>} : memref<50x128xf32, #tpu.memory_space<vmem>>, vector<1x16xf32>,
      %broadcast_in_dim3A_2151 = arith.constant 1.000000e+00 : f32
      %broadcast_in_dim3A_2152 = vector.broadcast %broadcast_in_dim3A_2151 : f32 to vector<16xf32>
      %swap3A_2153 = arith.index_cast %scan3A_2066 : i32 to index
      %swap3A_2154 = arith.constant 16 : index
      %swap3A_2155 = tpu.vector_load %arg14[%swap3A_2153, %swap3A_2154] {strides = array<i32>} : memref<50x128xf32, #tpu.memory_space<vmem>>, vector<1x16xf32>,
      %swap3A_2156 = vector.shape_cast %swap3A_2155 : vector<1x16xf32> to vector<16xf32>
      %swap3A_2157 = vector.shape_cast %broadcast_in_dim3A_2152 : vector<16xf32> to vector<1x16xf32>
      tpu.vector_store %arg14[%swap3A_2153, %swap3A_2154], %swap3A_2157 {strides = array<i32>} : memref<50x128xf32, #tpu.memory_space<vmem>>, vector<1x16xf32>,
      %add3A_2158 = arith.constant 32 : i32
      %add3A_2159 = arith.addi %mul3A_2069, %add3A_2158 : i32
      %get3A_2160 = arith.index_cast %add3A_2159 : i32 to index
      %get3A_2161 = tpu.vector_load %arg10[%get3A_2160] {strides = array<i32>} : memref<6400xi32, #tpu.memory_space<vmem>>, vector<16xi32>,
      %get3A_2162 = vector.shape_cast %get3A_2161 : vector<16xi32> to vector<16xi32>
      %get3A_2163 = arith.index_cast %add3A_2159 : i32 to index
      %get3A_2164 = tpu.vector_load %arg11[%get3A_2163] {strides = array<i32>} : memref<6400xi32, #tpu.memory_space<vmem>>, vector<16xi32>,
      %get3A_2165 = vector.shape_cast %get3A_2164 : vector<16xi32> to vector<16xi32>
      %sub3A_2166 = arith.constant 1 : i32
      %sub3A_2167 = vector.broadcast %sub3A_2166 : i32 to vector<16xi32>
      %sub3A_2168 = arith.subi %get3A_2165, %sub3A_2167 : vector<16xi32>
      %lt3A_2169 = arith.cmpi slt, %get3A_2162, %sub3A_2168 : vector<16xi32>
      %get3A_2170 = arith.index_cast %add3A_2159 : i32 to index
      %get3A_2171 = tpu.vector_load %arg8[%get3A_2170] {strides = array<i32>} : memref<6416xi32, #tpu.memory_space<vmem>>, vector<16xi32>,
      %get3A_2172 = vector.shape_cast %get3A_2171 : vector<16xi32> to vector<16xi32>
      %add3A_2173 = arith.constant 1 : i32
      %add3A_2174 = arith.addi %add3A_2159, %add3A_2173 : i32
      %get3A_2175 = arith.index_cast %add3A_2174 : i32 to index
      %get3A_2176 = tpu.vector_load %arg8[%get3A_2175] {strides = array<i32>} : memref<6416xi32, #tpu.memory_space<vmem>>, vector<16xi32>,
      %get3A_2177 = vector.shape_cast %get3A_2176 : vector<16xi32> to vector<16xi32>
      %mul3A_2178 = arith.constant 1000 : i32
      %mul3A_2179 = vector.broadcast %mul3A_2178 : i32 to vector<16xi32>
      %mul3A_2180 = arith.muli %get3A_2177, %mul3A_2179 : vector<16xi32>
      %add3A_2181 = arith.addi %mul3A_2180, %get3A_2172 : vector<16xi32>
      %swap3A_2182 = arith.index_cast %scan3A_2066 : i32 to index
      %swap3A_2183 = arith.constant 32 : index
      %swap3A_2184 = tpu.vector_load %arg12[%swap3A_2182, %swap3A_2183] {strides = array<i32>} : memref<50x128xi32, #tpu.memory_space<vmem>>, vector<1x16xi32>,
      %swap3A_2185 = vector.shape_cast %swap3A_2184 : vector<1x16xi32> to vector<16xi32>
      %swap3A_2186 = vector.shape_cast %add3A_2181 : vector<16xi32> to vector<1x16xi32>
      tpu.vector_store %arg12[%swap3A_2182, %swap3A_2183], %swap3A_2186 {strides = array<i32>} : memref<50x128xi32, #tpu.memory_space<vmem>>, vector<1x16xi32>,
      %broadcast_in_dim3A_2187 = arith.constant 1.000000e+00 : f32
      %broadcast_in_dim3A_2188 = vector.broadcast %broadcast_in_dim3A_2187 : f32 to vector<16xf32>
      %broadcast_in_dim3A_2189 = arith.constant 0.000000e+00 : f32
      %broadcast_in_dim3A_2190 = vector.broadcast %broadcast_in_dim3A_2189 : f32 to vector<16xf32>
      %select_n3A_2191 = arith.select %lt3A_2169, %broadcast_in_dim3A_2188, %broadcast_in_dim3A_2190 : vector<16xi1>, vector<16xf32>
      %swap3A_2192 = arith.index_cast %scan3A_2066 : i32 to index
      %swap3A_2193 = arith.constant 32 : index
      %swap3A_2194 = tpu.vector_load %arg13[%swap3A_2192, %swap3A_2193] {strides = array<i32>} : memref<50x128xf32, #tpu.memory_space<vmem>>, vector<1x16xf32>,
      %swap3A_2195 = vector.shape_cast %swap3A_2194 : vector<1x16xf32> to vector<16xf32>
      %swap3A_2196 = vector.shape_cast %select_n3A_2191 : vector<16xf32> to vector<1x16xf32>
      tpu.vector_store %arg13[%swap3A_2192, %swap3A_2193], %swap3A_2196 {strides = array<i32>} : memref<50x128xf32, #tpu.memory_space<vmem>>, vector<1x16xf32>,
      %broadcast_in_dim3A_2197 = arith.constant 1.000000e+00 : f32
      %broadcast_in_dim3A_2198 = vector.broadcast %broadcast_in_dim3A_2197 : f32 to vector<16xf32>
      %swap3A_2199 = arith.index_cast %scan3A_2066 : i32 to index
      %swap3A_2200 = arith.constant 32 : index
      %swap3A_2201 = tpu.vector_load %arg14[%swap3A_2199, %swap3A_2200] {strides = array<i32>} : memref<50x128xf32, #tpu.memory_space<vmem>>, vector<1x16xf32>,
      %swap3A_2202 = vector.shape_cast %swap3A_2201 : vector<1x16xf32> to vector<16xf32>
      %swap3A_2203 = vector.shape_cast %broadcast_in_dim3A_2198 : vector<16xf32> to vector<1x16xf32>
      tpu.vector_store %arg14[%swap3A_2199, %swap3A_2200], %swap3A_2203 {strides = array<i32>} : memref<50x128xf32, #tpu.memory_space<vmem>>, vector<1x16xf32>,
      %add3A_2204 = arith.constant 48 : i32
      %add3A_2205 = arith.addi %mul3A_2069, %add3A_2204 : i32
      %get3A_2206 = arith.index_cast %add3A_2205 : i32 to index
      %get3A_2207 = tpu.vector_load %arg10[%get3A_2206] {strides = array<i32>} : memref<6400xi32, #tpu.memory_space<vmem>>, vector<16xi32>,
      %get3A_2208 = vector.shape_cast %get3A_2207 : vector<16xi32> to vector<16xi32>
      %get3A_2209 = arith.index_cast %add3A_2205 : i32 to index
      %get3A_2210 = tpu.vector_load %arg11[%get3A_2209] {strides = array<i32>} : memref<6400xi32, #tpu.memory_space<vmem>>, vector<16xi32>,
      %get3A_2211 = vector.shape_cast %get3A_2210 : vector<16xi32> to vector<16xi32>
      %sub3A_2212 = arith.constant 1 : i32
      %sub3A_2213 = vector.broadcast %sub3A_2212 : i32 to vector<16xi32>
      %sub3A_2214 = arith.subi %get3A_2211, %sub3A_2213 : vector<16xi32>
      %lt3A_2215 = arith.cmpi slt, %get3A_2208, %sub3A_2214 : vector<16xi32>
      %get3A_2216 = arith.index_cast %add3A_2205 : i32 to index
      %get3A_2217 = tpu.vector_load %arg8[%get3A_2216] {strides = array<i32>} : memref<6416xi32, #tpu.memory_space<vmem>>, vector<16xi32>,
      %get3A_2218 = vector.shape_cast %get3A_2217 : vector<16xi32> to vector<16xi32>
      %add3A_2219 = arith.constant 1 : i32
      %add3A_2220 = arith.addi %add3A_2205, %add3A_2219 : i32
      %get3A_2221 = arith.index_cast %add3A_2220 : i32 to index
      %get3A_2222 = tpu.vector_load %arg8[%get3A_2221] {strides = array<i32>} : memref<6416xi32, #tpu.memory_space<vmem>>, vector<16xi32>,
      %get3A_2223 = vector.shape_cast %get3A_2222 : vector<16xi32> to vector<16xi32>
      %mul3A_2224 = arith.constant 1000 : i32
      %mul3A_2225 = vector.broadcast %mul3A_2224 : i32 to vector<16xi32>
      %mul3A_2226 = arith.muli %get3A_2223, %mul3A_2225 : vector<16xi32>
      %add3A_2227 = arith.addi %mul3A_2226, %get3A_2218 : vector<16xi32>
      %swap3A_2228 = arith.index_cast %scan3A_2066 : i32 to index
      %swap3A_2229 = arith.constant 48 : index
      %swap3A_2230 = tpu.vector_load %arg12[%swap3A_2228, %swap3A_2229] {strides = array<i32>} : memref<50x128xi32, #tpu.memory_space<vmem>>, vector<1x16xi32>,
      %swap3A_2231 = vector.shape_cast %swap3A_2230 : vector<1x16xi32> to vector<16xi32>
      %swap3A_2232 = vector.shape_cast %add3A_2227 : vector<16xi32> to vector<1x16xi32>
      tpu.vector_store %arg12[%swap3A_2228, %swap3A_2229], %swap3A_2232 {strides = array<i32>} : memref<50x128xi32, #tpu.memory_space<vmem>>, vector<1x16xi32>,
      %broadcast_in_dim3A_2233 = arith.constant 1.000000e+00 : f32
      %broadcast_in_dim3A_2234 = vector.broadcast %broadcast_in_dim3A_2233 : f32 to vector<16xf32>
      %broadcast_in_dim3A_2235 = arith.constant 0.000000e+00 : f32
      %broadcast_in_dim3A_2236 = vector.broadcast %broadcast_in_dim3A_2235 : f32 to vector<16xf32>
      %select_n3A_2237 = arith.select %lt3A_2215, %broadcast_in_dim3A_2234, %broadcast_in_dim3A_2236 : vector<16xi1>, vector<16xf32>
      %swap3A_2238 = arith.index_cast %scan3A_2066 : i32 to index
      %swap3A_2239 = arith.constant 48 : index
      %swap3A_2240 = tpu.vector_load %arg13[%swap3A_2238, %swap3A_2239] {strides = array<i32>} : memref<50x128xf32, #tpu.memory_space<vmem>>, vector<1x16xf32>,
      %swap3A_2241 = vector.shape_cast %swap3A_2240 : vector<1x16xf32> to vector<16xf32>
      %swap3A_2242 = vector.shape_cast %select_n3A_2237 : vector<16xf32> to vector<1x16xf32>
      tpu.vector_store %arg13[%swap3A_2238, %swap3A_2239], %swap3A_2242 {strides = array<i32>} : memref<50x128xf32, #tpu.memory_space<vmem>>, vector<1x16xf32>,
      %broadcast_in_dim3A_2243 = arith.constant 1.000000e+00 : f32
      %broadcast_in_dim3A_2244 = vector.broadcast %broadcast_in_dim3A_2243 : f32 to vector<16xf32>
      %swap3A_2245 = arith.index_cast %scan3A_2066 : i32 to index
      %swap3A_2246 = arith.constant 48 : index
      %swap3A_2247 = tpu.vector_load %arg14[%swap3A_2245, %swap3A_2246] {strides = array<i32>} : memref<50x128xf32, #tpu.memory_space<vmem>>, vector<1x16xf32>,
      %swap3A_2248 = vector.shape_cast %swap3A_2247 : vector<1x16xf32> to vector<16xf32>
      %swap3A_2249 = vector.shape_cast %broadcast_in_dim3A_2244 : vector<16xf32> to vector<1x16xf32>
      tpu.vector_store %arg14[%swap3A_2245, %swap3A_2246], %swap3A_2249 {strides = array<i32>} : memref<50x128xf32, #tpu.memory_space<vmem>>, vector<1x16xf32>,
      %add3A_2250 = arith.constant 64 : i32
      %add3A_2251 = arith.addi %mul3A_2069, %add3A_2250 : i32
      %get3A_2252 = arith.index_cast %add3A_2251 : i32 to index
      %get3A_2253 = tpu.vector_load %arg10[%get3A_2252] {strides = array<i32>} : memref<6400xi32, #tpu.memory_space<vmem>>, vector<16xi32>,
      %get3A_2254 = vector.shape_cast %get3A_2253 : vector<16xi32> to vector<16xi32>
      %get3A_2255 = arith.index_cast %add3A_2251 : i32 to index
      %get3A_2256 = tpu.vector_load %arg11[%get3A_2255] {strides = array<i32>} : memref<6400xi32, #tpu.memory_space<vmem>>, vector<16xi32>,
      %get3A_2257 = vector.shape_cast %get3A_2256 : vector<16xi32> to vector<16xi32>
      %sub3A_2258 = arith.constant 1 : i32
      %sub3A_2259 = vector.broadcast %sub3A_2258 : i32 to vector<16xi32>
      %sub3A_2260 = arith.subi %get3A_2257, %sub3A_2259 : vector<16xi32>
      %lt3A_2261 = arith.cmpi slt, %get3A_2254, %sub3A_2260 : vector<16xi32>
      %get3A_2262 = arith.index_cast %add3A_2251 : i32 to index
      %get3A_2263 = tpu.vector_load %arg8[%get3A_2262] {strides = array<i32>} : memref<6416xi32, #tpu.memory_space<vmem>>, vector<16xi32>,
      %get3A_2264 = vector.shape_cast %get3A_2263 : vector<16xi32> to vector<16xi32>
      %add3A_2265 = arith.constant 1 : i32
      %add3A_2266 = arith.addi %add3A_2251, %add3A_2265 : i32
      %get3A_2267 = arith.index_cast %add3A_2266 : i32 to index
      %get3A_2268 = tpu.vector_load %arg8[%get3A_2267] {strides = array<i32>} : memref<6416xi32, #tpu.memory_space<vmem>>, vector<16xi32>,
      %get3A_2269 = vector.shape_cast %get3A_2268 : vector<16xi32> to vector<16xi32>
      %mul3A_2270 = arith.constant 1000 : i32
      %mul3A_2271 = vector.broadcast %mul3A_2270 : i32 to vector<16xi32>
      %mul3A_2272 = arith.muli %get3A_2269, %mul3A_2271 : vector<16xi32>
      %add3A_2273 = arith.addi %mul3A_2272, %get3A_2264 : vector<16xi32>
      %swap3A_2274 = arith.index_cast %scan3A_2066 : i32 to index
      %swap3A_2275 = arith.constant 64 : index
      %swap3A_2276 = tpu.vector_load %arg12[%swap3A_2274, %swap3A_2275] {strides = array<i32>} : memref<50x128xi32, #tpu.memory_space<vmem>>, vector<1x16xi32>,
      %swap3A_2277 = vector.shape_cast %swap3A_2276 : vector<1x16xi32> to vector<16xi32>
      %swap3A_2278 = vector.shape_cast %add3A_2273 : vector<16xi32> to vector<1x16xi32>
      tpu.vector_store %arg12[%swap3A_2274, %swap3A_2275], %swap3A_2278 {strides = array<i32>} : memref<50x128xi32, #tpu.memory_space<vmem>>, vector<1x16xi32>,
      %broadcast_in_dim3A_2279 = arith.constant 1.000000e+00 : f32
      %broadcast_in_dim3A_2280 = vector.broadcast %broadcast_in_dim3A_2279 : f32 to vector<16xf32>
      %broadcast_in_dim3A_2281 = arith.constant 0.000000e+00 : f32
      %broadcast_in_dim3A_2282 = vector.broadcast %broadcast_in_dim3A_2281 : f32 to vector<16xf32>
      %select_n3A_2283 = arith.select %lt3A_2261, %broadcast_in_dim3A_2280, %broadcast_in_dim3A_2282 : vector<16xi1>, vector<16xf32>
      %swap3A_2284 = arith.index_cast %scan3A_2066 : i32 to index
      %swap3A_2285 = arith.constant 64 : index
      %swap3A_2286 = tpu.vector_load %arg13[%swap3A_2284, %swap3A_2285] {strides = array<i32>} : memref<50x128xf32, #tpu.memory_space<vmem>>, vector<1x16xf32>,
      %swap3A_2287 = vector.shape_cast %swap3A_2286 : vector<1x16xf32> to vector<16xf32>
      %swap3A_2288 = vector.shape_cast %select_n3A_2283 : vector<16xf32> to vector<1x16xf32>
      tpu.vector_store %arg13[%swap3A_2284, %swap3A_2285], %swap3A_2288 {strides = array<i32>} : memref<50x128xf32, #tpu.memory_space<vmem>>, vector<1x16xf32>,
      %broadcast_in_dim3A_2289 = arith.constant 1.000000e+00 : f32
      %broadcast_in_dim3A_2290 = vector.broadcast %broadcast_in_dim3A_2289 : f32 to vector<16xf32>
      %swap3A_2291 = arith.index_cast %scan3A_2066 : i32 to index
      %swap3A_2292 = arith.constant 64 : index
      %swap3A_2293 = tpu.vector_load %arg14[%swap3A_2291, %swap3A_2292] {strides = array<i32>} : memref<50x128xf32, #tpu.memory_space<vmem>>, vector<1x16xf32>,
      %swap3A_2294 = vector.shape_cast %swap3A_2293 : vector<1x16xf32> to vector<16xf32>
      %swap3A_2295 = vector.shape_cast %broadcast_in_dim3A_2290 : vector<16xf32> to vector<1x16xf32>
      tpu.vector_store %arg14[%swap3A_2291, %swap3A_2292], %swap3A_2295 {strides = array<i32>} : memref<50x128xf32, #tpu.memory_space<vmem>>, vector<1x16xf32>,
      %add3A_2296 = arith.constant 80 : i32
      %add3A_2297 = arith.addi %mul3A_2069, %add3A_2296 : i32
      %get3A_2298 = arith.index_cast %add3A_2297 : i32 to index
      %get3A_2299 = tpu.vector_load %arg10[%get3A_2298] {strides = array<i32>} : memref<6400xi32, #tpu.memory_space<vmem>>, vector<16xi32>,
      %get3A_2300 = vector.shape_cast %get3A_2299 : vector<16xi32> to vector<16xi32>
      %get3A_2301 = arith.index_cast %add3A_2297 : i32 to index
      %get3A_2302 = tpu.vector_load %arg11[%get3A_2301] {strides = array<i32>} : memref<6400xi32, #tpu.memory_space<vmem>>, vector<16xi32>,
      %get3A_2303 = vector.shape_cast %get3A_2302 : vector<16xi32> to vector<16xi32>
      %sub3A_2304 = arith.constant 1 : i32
      %sub3A_2305 = vector.broadcast %sub3A_2304 : i32 to vector<16xi32>
      %sub3A_2306 = arith.subi %get3A_2303, %sub3A_2305 : vector<16xi32>
      %lt3A_2307 = arith.cmpi slt, %get3A_2300, %sub3A_2306 : vector<16xi32>
      %get3A_2308 = arith.index_cast %add3A_2297 : i32 to index
      %get3A_2309 = tpu.vector_load %arg8[%get3A_2308] {strides = array<i32>} : memref<6416xi32, #tpu.memory_space<vmem>>, vector<16xi32>,
      %get3A_2310 = vector.shape_cast %get3A_2309 : vector<16xi32> to vector<16xi32>
      %add3A_2311 = arith.constant 1 : i32
      %add3A_2312 = arith.addi %add3A_2297, %add3A_2311 : i32
      %get3A_2313 = arith.index_cast %add3A_2312 : i32 to index
      %get3A_2314 = tpu.vector_load %arg8[%get3A_2313] {strides = array<i32>} : memref<6416xi32, #tpu.memory_space<vmem>>, vector<16xi32>,
      %get3A_2315 = vector.shape_cast %get3A_2314 : vector<16xi32> to vector<16xi32>
      %mul3A_2316 = arith.constant 1000 : i32
      %mul3A_2317 = vector.broadcast %mul3A_2316 : i32 to vector<16xi32>
      %mul3A_2318 = arith.muli %get3A_2315, %mul3A_2317 : vector<16xi32>
      %add3A_2319 = arith.addi %mul3A_2318, %get3A_2310 : vector<16xi32>
      %swap3A_2320 = arith.index_cast %scan3A_2066 : i32 to index
      %swap3A_2321 = arith.constant 80 : index
      %swap3A_2322 = tpu.vector_load %arg12[%swap3A_2320, %swap3A_2321] {strides = array<i32>} : memref<50x128xi32, #tpu.memory_space<vmem>>, vector<1x16xi32>,
      %swap3A_2323 = vector.shape_cast %swap3A_2322 : vector<1x16xi32> to vector<16xi32>
      %swap3A_2324 = vector.shape_cast %add3A_2319 : vector<16xi32> to vector<1x16xi32>
      tpu.vector_store %arg12[%swap3A_2320, %swap3A_2321], %swap3A_2324 {strides = array<i32>} : memref<50x128xi32, #tpu.memory_space<vmem>>, vector<1x16xi32>,
      %broadcast_in_dim3A_2325 = arith.constant 1.000000e+00 : f32
      %broadcast_in_dim3A_2326 = vector.broadcast %broadcast_in_dim3A_2325 : f32 to vector<16xf32>
      %broadcast_in_dim3A_2327 = arith.constant 0.000000e+00 : f32
      %broadcast_in_dim3A_2328 = vector.broadcast %broadcast_in_dim3A_2327 : f32 to vector<16xf32>
      %select_n3A_2329 = arith.select %lt3A_2307, %broadcast_in_dim3A_2326, %broadcast_in_dim3A_2328 : vector<16xi1>, vector<16xf32>
      %swap3A_2330 = arith.index_cast %scan3A_2066 : i32 to index
      %swap3A_2331 = arith.constant 80 : index
      %swap3A_2332 = tpu.vector_load %arg13[%swap3A_2330, %swap3A_2331] {strides = array<i32>} : memref<50x128xf32, #tpu.memory_space<vmem>>, vector<1x16xf32>,
      %swap3A_2333 = vector.shape_cast %swap3A_2332 : vector<1x16xf32> to vector<16xf32>
      %swap3A_2334 = vector.shape_cast %select_n3A_2329 : vector<16xf32> to vector<1x16xf32>
      tpu.vector_store %arg13[%swap3A_2330, %swap3A_2331], %swap3A_2334 {strides = array<i32>} : memref<50x128xf32, #tpu.memory_space<vmem>>, vector<1x16xf32>,
      %broadcast_in_dim3A_2335 = arith.constant 1.000000e+00 : f32
      %broadcast_in_dim3A_2336 = vector.broadcast %broadcast_in_dim3A_2335 : f32 to vector<16xf32>
      %swap3A_2337 = arith.index_cast %scan3A_2066 : i32 to index
      %swap3A_2338 = arith.constant 80 : index
      %swap3A_2339 = tpu.vector_load %arg14[%swap3A_2337, %swap3A_2338] {strides = array<i32>} : memref<50x128xf32, #tpu.memory_space<vmem>>, vector<1x16xf32>,
      %swap3A_2340 = vector.shape_cast %swap3A_2339 : vector<1x16xf32> to vector<16xf32>
      %swap3A_2341 = vector.shape_cast %broadcast_in_dim3A_2336 : vector<16xf32> to vector<1x16xf32>
      tpu.vector_store %arg14[%swap3A_2337, %swap3A_2338], %swap3A_2341 {strides = array<i32>} : memref<50x128xf32, #tpu.memory_space<vmem>>, vector<1x16xf32>,
      %add3A_2342 = arith.constant 96 : i32
      %add3A_2343 = arith.addi %mul3A_2069, %add3A_2342 : i32
      %get3A_2344 = arith.index_cast %add3A_2343 : i32 to index
      %get3A_2345 = tpu.vector_load %arg10[%get3A_2344] {strides = array<i32>} : memref<6400xi32, #tpu.memory_space<vmem>>, vector<16xi32>,
      %get3A_2346 = vector.shape_cast %get3A_2345 : vector<16xi32> to vector<16xi32>
      %get3A_2347 = arith.index_cast %add3A_2343 : i32 to index
      %get3A_2348 = tpu.vector_load %arg11[%get3A_2347] {strides = array<i32>} : memref<6400xi32, #tpu.memory_space<vmem>>, vector<16xi32>,
      %get3A_2349 = vector.shape_cast %get3A_2348 : vector<16xi32> to vector<16xi32>
      %sub3A_2350 = arith.constant 1 : i32
      %sub3A_2351 = vector.broadcast %sub3A_2350 : i32 to vector<16xi32>
      %sub3A_2352 = arith.subi %get3A_2349, %sub3A_2351 : vector<16xi32>
      %lt3A_2353 = arith.cmpi slt, %get3A_2346, %sub3A_2352 : vector<16xi32>
      %get3A_2354 = arith.index_cast %add3A_2343 : i32 to index
      %get3A_2355 = tpu.vector_load %arg8[%get3A_2354] {strides = array<i32>} : memref<6416xi32, #tpu.memory_space<vmem>>, vector<16xi32>,
      %get3A_2356 = vector.shape_cast %get3A_2355 : vector<16xi32> to vector<16xi32>
      %add3A_2357 = arith.constant 1 : i32
      %add3A_2358 = arith.addi %add3A_2343, %add3A_2357 : i32
      %get3A_2359 = arith.index_cast %add3A_2358 : i32 to index
      %get3A_2360 = tpu.vector_load %arg8[%get3A_2359] {strides = array<i32>} : memref<6416xi32, #tpu.memory_space<vmem>>, vector<16xi32>,
      %get3A_2361 = vector.shape_cast %get3A_2360 : vector<16xi32> to vector<16xi32>
      %mul3A_2362 = arith.constant 1000 : i32
      %mul3A_2363 = vector.broadcast %mul3A_2362 : i32 to vector<16xi32>
      %mul3A_2364 = arith.muli %get3A_2361, %mul3A_2363 : vector<16xi32>
      %add3A_2365 = arith.addi %mul3A_2364, %get3A_2356 : vector<16xi32>
      %swap3A_2366 = arith.index_cast %scan3A_2066 : i32 to index
      %swap3A_2367 = arith.constant 96 : index
      %swap3A_2368 = tpu.vector_load %arg12[%swap3A_2366, %swap3A_2367] {strides = array<i32>} : memref<50x128xi32, #tpu.memory_space<vmem>>, vector<1x16xi32>,
      %swap3A_2369 = vector.shape_cast %swap3A_2368 : vector<1x16xi32> to vector<16xi32>
      %swap3A_2370 = vector.shape_cast %add3A_2365 : vector<16xi32> to vector<1x16xi32>
      tpu.vector_store %arg12[%swap3A_2366, %swap3A_2367], %swap3A_2370 {strides = array<i32>} : memref<50x128xi32, #tpu.memory_space<vmem>>, vector<1x16xi32>,
      %broadcast_in_dim3A_2371 = arith.constant 1.000000e+00 : f32
      %broadcast_in_dim3A_2372 = vector.broadcast %broadcast_in_dim3A_2371 : f32 to vector<16xf32>
      %broadcast_in_dim3A_2373 = arith.constant 0.000000e+00 : f32
      %broadcast_in_dim3A_2374 = vector.broadcast %broadcast_in_dim3A_2373 : f32 to vector<16xf32>
      %select_n3A_2375 = arith.select %lt3A_2353, %broadcast_in_dim3A_2372, %broadcast_in_dim3A_2374 : vector<16xi1>, vector<16xf32>
      %swap3A_2376 = arith.index_cast %scan3A_2066 : i32 to index
      %swap3A_2377 = arith.constant 96 : index
      %swap3A_2378 = tpu.vector_load %arg13[%swap3A_2376, %swap3A_2377] {strides = array<i32>} : memref<50x128xf32, #tpu.memory_space<vmem>>, vector<1x16xf32>,
      %swap3A_2379 = vector.shape_cast %swap3A_2378 : vector<1x16xf32> to vector<16xf32>
      %swap3A_2380 = vector.shape_cast %select_n3A_2375 : vector<16xf32> to vector<1x16xf32>
      tpu.vector_store %arg13[%swap3A_2376, %swap3A_2377], %swap3A_2380 {strides = array<i32>} : memref<50x128xf32, #tpu.memory_space<vmem>>, vector<1x16xf32>,
      %broadcast_in_dim3A_2381 = arith.constant 1.000000e+00 : f32
      %broadcast_in_dim3A_2382 = vector.broadcast %broadcast_in_dim3A_2381 : f32 to vector<16xf32>
      %swap3A_2383 = arith.index_cast %scan3A_2066 : i32 to index
      %swap3A_2384 = arith.constant 96 : index
      %swap3A_2385 = tpu.vector_load %arg14[%swap3A_2383, %swap3A_2384] {strides = array<i32>} : memref<50x128xf32, #tpu.memory_space<vmem>>, vector<1x16xf32>,
      %swap3A_2386 = vector.shape_cast %swap3A_2385 : vector<1x16xf32> to vector<16xf32>
      %swap3A_2387 = vector.shape_cast %broadcast_in_dim3A_2382 : vector<16xf32> to vector<1x16xf32>
      tpu.vector_store %arg14[%swap3A_2383, %swap3A_2384], %swap3A_2387 {strides = array<i32>} : memref<50x128xf32, #tpu.memory_space<vmem>>, vector<1x16xf32>,
      %add3A_2388 = arith.constant 112 : i32
      %add3A_2389 = arith.addi %mul3A_2069, %add3A_2388 : i32
      %get3A_2390 = arith.index_cast %add3A_2389 : i32 to index
      %get3A_2391 = tpu.vector_load %arg10[%get3A_2390] {strides = array<i32>} : memref<6400xi32, #tpu.memory_space<vmem>>, vector<16xi32>,
      %get3A_2392 = vector.shape_cast %get3A_2391 : vector<16xi32> to vector<16xi32>
      %get3A_2393 = arith.index_cast %add3A_2389 : i32 to index
      %get3A_2394 = tpu.vector_load %arg11[%get3A_2393] {strides = array<i32>} : memref<6400xi32, #tpu.memory_space<vmem>>, vector<16xi32>,
      %get3A_2395 = vector.shape_cast %get3A_2394 : vector<16xi32> to vector<16xi32>
      %sub3A_2396 = arith.constant 1 : i32
      %sub3A_2397 = vector.broadcast %sub3A_2396 : i32 to vector<16xi32>
      %sub3A_2398 = arith.subi %get3A_2395, %sub3A_2397 : vector<16xi32>
      %lt3A_2399 = arith.cmpi slt, %get3A_2392, %sub3A_2398 : vector<16xi32>
      %get3A_2400 = arith.index_cast %add3A_2389 : i32 to index
      %get3A_2401 = tpu.vector_load %arg8[%get3A_2400] {strides = array<i32>} : memref<6416xi32, #tpu.memory_space<vmem>>, vector<16xi32>,
      %get3A_2402 = vector.shape_cast %get3A_2401 : vector<16xi32> to vector<16xi32>
      %add3A_2403 = arith.constant 1 : i32
      %add3A_2404 = arith.addi %add3A_2389, %add3A_2403 : i32
      %get3A_2405 = arith.index_cast %add3A_2404 : i32 to index
      %get3A_2406 = tpu.vector_load %arg8[%get3A_2405] {strides = array<i32>} : memref<6416xi32, #tpu.memory_space<vmem>>, vector<16xi32>,
      %get3A_2407 = vector.shape_cast %get3A_2406 : vector<16xi32> to vector<16xi32>
      %mul3A_2408 = arith.constant 1000 : i32
      %mul3A_2409 = vector.broadcast %mul3A_2408 : i32 to vector<16xi32>
      %mul3A_2410 = arith.muli %get3A_2407, %mul3A_2409 : vector<16xi32>
      %add3A_2411 = arith.addi %mul3A_2410, %get3A_2402 : vector<16xi32>
      %swap3A_2412 = arith.index_cast %scan3A_2066 : i32 to index
      %swap3A_2413 = arith.constant 112 : index
      %swap3A_2414 = tpu.vector_load %arg12[%swap3A_2412, %swap3A_2413] {strides = array<i32>} : memref<50x128xi32, #tpu.memory_space<vmem>>, vector<1x16xi32>,
      %swap3A_2415 = vector.shape_cast %swap3A_2414 : vector<1x16xi32> to vector<16xi32>
      %swap3A_2416 = vector.shape_cast %add3A_2411 : vector<16xi32> to vector<1x16xi32>
      tpu.vector_store %arg12[%swap3A_2412, %swap3A_2413], %swap3A_2416 {strides = array<i32>} : memref<50x128xi32, #tpu.memory_space<vmem>>, vector<1x16xi32>,
      %broadcast_in_dim3A_2417 = arith.constant 1.000000e+00 : f32
      %broadcast_in_dim3A_2418 = vector.broadcast %broadcast_in_dim3A_2417 : f32 to vector<16xf32>
      %broadcast_in_dim3A_2419 = arith.constant 0.000000e+00 : f32
      %broadcast_in_dim3A_2420 = vector.broadcast %broadcast_in_dim3A_2419 : f32 to vector<16xf32>
      %select_n3A_2421 = arith.select %lt3A_2399, %broadcast_in_dim3A_2418, %broadcast_in_dim3A_2420 : vector<16xi1>, vector<16xf32>
      %swap3A_2422 = arith.index_cast %scan3A_2066 : i32 to index
      %swap3A_2423 = arith.constant 112 : index
      %swap3A_2424 = tpu.vector_load %arg13[%swap3A_2422, %swap3A_2423] {strides = array<i32>} : memref<50x128xf32, #tpu.memory_space<vmem>>, vector<1x16xf32>,
      %swap3A_2425 = vector.shape_cast %swap3A_2424 : vector<1x16xf32> to vector<16xf32>
      %swap3A_2426 = vector.shape_cast %select_n3A_2421 : vector<16xf32> to vector<1x16xf32>
      tpu.vector_store %arg13[%swap3A_2422, %swap3A_2423], %swap3A_2426 {strides = array<i32>} : memref<50x128xf32, #tpu.memory_space<vmem>>, vector<1x16xf32>,
      %broadcast_in_dim3A_2427 = arith.constant 1.000000e+00 : f32
      %broadcast_in_dim3A_2428 = vector.broadcast %broadcast_in_dim3A_2427 : f32 to vector<16xf32>
      %swap3A_2429 = arith.index_cast %scan3A_2066 : i32 to index
      %swap3A_2430 = arith.constant 112 : index
      %swap3A_2431 = tpu.vector_load %arg14[%swap3A_2429, %swap3A_2430] {strides = array<i32>} : memref<50x128xf32, #tpu.memory_space<vmem>>, vector<1x16xf32>,
      %swap3A_2432 = vector.shape_cast %swap3A_2431 : vector<1x16xf32> to vector<16xf32>
      %swap3A_2433 = vector.shape_cast %broadcast_in_dim3A_2428 : vector<16xf32> to vector<1x16xf32>
      tpu.vector_store %arg14[%swap3A_2429, %swap3A_2430], %swap3A_2433 {strides = array<i32>} : memref<50x128xf32, #tpu.memory_space<vmem>>, vector<1x16xf32>,
      %scan3A_2434 = arith.constant 0 : i32
      scf.yield %scan3A_2434 : i32
    }
    %scan3A_57 = arith.constant 50 : i32
    %barrier3A = arith.constant 0 : index
    tpu.barrier barrier_id(%barrier3A)
    %dma_start3A = arith.constant 0 : i32
    %dma_start3A_58 = arith.constant 0 : i32
    %dma_start3A_59 = arith.constant 0 : i32
    %dma_start3A_60 = tpu.memref_slice %arg13[%dma_start3A, %dma_start3A_59] : memref<50x128xf32, #tpu.memory_space<vmem>> -> memref<1x128xf32, #tpu.memory_space<vmem>>
    %dma_start3A_61 = tpu.memref_squeeze %dma_start3A_60 : memref<1x128xf32, #tpu.memory_space<vmem>> -> memref<128xf32, #tpu.memory_space<vmem>>
    %dma_start3A_62 = arith.constant 0 : i32
    %dma_start3A_63 = tpu.memref_slice %arg12[%dma_start3A_58, %dma_start3A_62] : memref<50x128xi32, #tpu.memory_space<vmem>> -> memref<1x128xi32, #tpu.memory_space<vmem>>
    %dma_start3A_64 = tpu.memref_squeeze %dma_start3A_63 : memref<1x128xi32, #tpu.memory_space<vmem>> -> memref<128xi32, #tpu.memory_space<vmem>>
    %dma_start3A_65 = arith.constant 0 : i32
    %dma_start3A_66 = tpu.memref_slice %arg18[%dma_start3A_65] : memref<1024000xf32, #tpu.memory_space<vmem_shared>> -> memref<1024000xf32, #tpu.memory_space<vmem_shared>>
    tpu.enqueue_indirect_dma source(%dma_start3A_61 : memref<128xf32, #tpu.memory_space<vmem>>) target(%dma_start3A_66 : memref<1024000xf32, #tpu.memory_space<vmem_shared>>) offsets(%dma_start3A_64 : memref<128xi32, #tpu.memory_space<vmem>>) semaphore(%arg16 : memref<!tpu.dma_semaphore, #tpu.memory_space<semaphore_mem>>) {add = true}
    %dma_start3A_67 = arith.constant 1 : i32
    %dma_start3A_68 = arith.constant 1 : i32
    %dma_start3A_69 = arith.constant 0 : i32
    %dma_start3A_70 = tpu.memref_slice %arg13[%dma_start3A_67, %dma_start3A_69] : memref<50x128xf32, #tpu.memory_space<vmem>> -> memref<1x128xf32, #tpu.memory_space<vmem>>
    %dma_start3A_71 = tpu.memref_squeeze %dma_start3A_70 : memref<1x128xf32, #tpu.memory_space<vmem>> -> memref<128xf32, #tpu.memory_space<vmem>>
    %dma_start3A_72 = arith.constant 0 : i32
    %dma_start3A_73 = tpu.memref_slice %arg12[%dma_start3A_68, %dma_start3A_72] : memref<50x128xi32, #tpu.memory_space<vmem>> -> memref<1x128xi32, #tpu.memory_space<vmem>>
    %dma_start3A_74 = tpu.memref_squeeze %dma_start3A_73 : memref<1x128xi32, #tpu.memory_space<vmem>> -> memref<128xi32, #tpu.memory_space<vmem>>
    %dma_start3A_75 = arith.constant 0 : i32
    %dma_start3A_76 = tpu.memref_slice %arg18[%dma_start3A_75] : memref<1024000xf32, #tpu.memory_space<vmem_shared>> -> memref<1024000xf32, #tpu.memory_space<vmem_shared>>
    tpu.enqueue_indirect_dma source(%dma_start3A_71 : memref<128xf32, #tpu.memory_space<vmem>>) target(%dma_start3A_76 : memref<1024000xf32, #tpu.memory_space<vmem_shared>>) offsets(%dma_start3A_74 : memref<128xi32, #tpu.memory_space<vmem>>) semaphore(%arg16 : memref<!tpu.dma_semaphore, #tpu.memory_space<semaphore_mem>>) {add = true}
    %dma_start3A_77 = arith.constant 2 : i32
    %dma_start3A_78 = arith.constant 2 : i32
    %dma_start3A_79 = arith.constant 0 : i32
    %dma_start3A_80 = tpu.memref_slice %arg13[%dma_start3A_77, %dma_start3A_79] : memref<50x128xf32, #tpu.memory_space<vmem>> -> memref<1x128xf32, #tpu.memory_space<vmem>>
    %dma_start3A_81 = tpu.memref_squeeze %dma_start3A_80 : memref<1x128xf32, #tpu.memory_space<vmem>> -> memref<128xf32, #tpu.memory_space<vmem>>
    %dma_start3A_82 = arith.constant 0 : i32
    %dma_start3A_83 = tpu.memref_slice %arg12[%dma_start3A_78, %dma_start3A_82] : memref<50x128xi32, #tpu.memory_space<vmem>> -> memref<1x128xi32, #tpu.memory_space<vmem>>
    %dma_start3A_84 = tpu.memref_squeeze %dma_start3A_83 : memref<1x128xi32, #tpu.memory_space<vmem>> -> memref<128xi32, #tpu.memory_space<vmem>>
    %dma_start3A_85 = arith.constant 0 : i32
    %dma_start3A_86 = tpu.memref_slice %arg18[%dma_start3A_85] : memref<1024000xf32, #tpu.memory_space<vmem_shared>> -> memref<1024000xf32, #tpu.memory_space<vmem_shared>>
    tpu.enqueue_indirect_dma source(%dma_start3A_81 : memref<128xf32, #tpu.memory_space<vmem>>) target(%dma_start3A_86 : memref<1024000xf32, #tpu.memory_space<vmem_shared>>) offsets(%dma_start3A_84 : memref<128xi32, #tpu.memory_space<vmem>>) semaphore(%arg16 : memref<!tpu.dma_semaphore, #tpu.memory_space<semaphore_mem>>) {add = true}
    %dma_start3A_87 = arith.constant 3 : i32
    %dma_start3A_88 = arith.constant 3 : i32
    %dma_start3A_89 = arith.constant 0 : i32
    %dma_start3A_90 = tpu.memref_slice %arg13[%dma_start3A_87, %dma_start3A_89] : memref<50x128xf32, #tpu.memory_space<vmem>> -> memref<1x128xf32, #tpu.memory_space<vmem>>
    %dma_start3A_91 = tpu.memref_squeeze %dma_start3A_90 : memref<1x128xf32, #tpu.memory_space<vmem>> -> memref<128xf32, #tpu.memory_space<vmem>>
    %dma_start3A_92 = arith.constant 0 : i32
    %dma_start3A_93 = tpu.memref_slice %arg12[%dma_start3A_88, %dma_start3A_92] : memref<50x128xi32, #tpu.memory_space<vmem>> -> memref<1x128xi32, #tpu.memory_space<vmem>>
    %dma_start3A_94 = tpu.memref_squeeze %dma_start3A_93 : memref<1x128xi32, #tpu.memory_space<vmem>> -> memref<128xi32, #tpu.memory_space<vmem>>
    %dma_start3A_95 = arith.constant 0 : i32
    %dma_start3A_96 = tpu.memref_slice %arg18[%dma_start3A_95] : memref<1024000xf32, #tpu.memory_space<vmem_shared>> -> memref<1024000xf32, #tpu.memory_space<vmem_shared>>
    tpu.enqueue_indirect_dma source(%dma_start3A_91 : memref<128xf32, #tpu.memory_space<vmem>>) target(%dma_start3A_96 : memref<1024000xf32, #tpu.memory_space<vmem_shared>>) offsets(%dma_start3A_94 : memref<128xi32, #tpu.memory_space<vmem>>) semaphore(%arg16 : memref<!tpu.dma_semaphore, #tpu.memory_space<semaphore_mem>>) {add = true}
    %dma_start3A_97 = arith.constant 4 : i32
    %dma_start3A_98 = arith.constant 4 : i32
    %dma_start3A_99 = arith.constant 0 : i32
    %dma_start3A_100 = tpu.memref_slice %arg13[%dma_start3A_97, %dma_start3A_99] : memref<50x128xf32, #tpu.memory_space<vmem>> -> memref<1x128xf32, #tpu.memory_space<vmem>>
    %dma_start3A_101 = tpu.memref_squeeze %dma_start3A_100 : memref<1x128xf32, #tpu.memory_space<vmem>> -> memref<128xf32, #tpu.memory_space<vmem>>
    %dma_start3A_102 = arith.constant 0 : i32
    %dma_start3A_103 = tpu.memref_slice %arg12[%dma_start3A_98, %dma_start3A_102] : memref<50x128xi32, #tpu.memory_space<vmem>> -> memref<1x128xi32, #tpu.memory_space<vmem>>
    %dma_start3A_104 = tpu.memref_squeeze %dma_start3A_103 : memref<1x128xi32, #tpu.memory_space<vmem>> -> memref<128xi32, #tpu.memory_space<vmem>>
    %dma_start3A_105 = arith.constant 0 : i32
    %dma_start3A_106 = tpu.memref_slice %arg18[%dma_start3A_105] : memref<1024000xf32, #tpu.memory_space<vmem_shared>> -> memref<1024000xf32, #tpu.memory_space<vmem_shared>>
    tpu.enqueue_indirect_dma source(%dma_start3A_101 : memref<128xf32, #tpu.memory_space<vmem>>) target(%dma_start3A_106 : memref<1024000xf32, #tpu.memory_space<vmem_shared>>) offsets(%dma_start3A_104 : memref<128xi32, #tpu.memory_space<vmem>>) semaphore(%arg16 : memref<!tpu.dma_semaphore, #tpu.memory_space<semaphore_mem>>) {add = true}
    %dma_start3A_107 = arith.constant 5 : i32
    %dma_start3A_108 = arith.constant 5 : i32
    %dma_start3A_109 = arith.constant 0 : i32
    %dma_start3A_110 = tpu.memref_slice %arg13[%dma_start3A_107, %dma_start3A_109] : memref<50x128xf32, #tpu.memory_space<vmem>> -> memref<1x128xf32, #tpu.memory_space<vmem>>
    %dma_start3A_111 = tpu.memref_squeeze %dma_start3A_110 : memref<1x128xf32, #tpu.memory_space<vmem>> -> memref<128xf32, #tpu.memory_space<vmem>>
    %dma_start3A_112 = arith.constant 0 : i32
    %dma_start3A_113 = tpu.memref_slice %arg12[%dma_start3A_108, %dma_start3A_112] : memref<50x128xi32, #tpu.memory_space<vmem>> -> memref<1x128xi32, #tpu.memory_space<vmem>>
    %dma_start3A_114 = tpu.memref_squeeze %dma_start3A_113 : memref<1x128xi32, #tpu.memory_space<vmem>> -> memref<128xi32, #tpu.memory_space<vmem>>
    %dma_start3A_115 = arith.constant 0 : i32
    %dma_start3A_116 = tpu.memref_slice %arg18[%dma_start3A_115] : memref<1024000xf32, #tpu.memory_space<vmem_shared>> -> memref<1024000xf32, #tpu.memory_space<vmem_shared>>
    tpu.enqueue_indirect_dma source(%dma_start3A_111 : memref<128xf32, #tpu.memory_space<vmem>>) target(%dma_start3A_116 : memref<1024000xf32, #tpu.memory_space<vmem_shared>>) offsets(%dma_start3A_114 : memref<128xi32, #tpu.memory_space<vmem>>) semaphore(%arg16 : memref<!tpu.dma_semaphore, #tpu.memory_space<semaphore_mem>>) {add = true}
    %dma_start3A_117 = arith.constant 6 : i32
    %dma_start3A_118 = arith.constant 6 : i32
    %dma_start3A_119 = arith.constant 0 : i32
    %dma_start3A_120 = tpu.memref_slice %arg13[%dma_start3A_117, %dma_start3A_119] : memref<50x128xf32, #tpu.memory_space<vmem>> -> memref<1x128xf32, #tpu.memory_space<vmem>>
    %dma_start3A_121 = tpu.memref_squeeze %dma_start3A_120 : memref<1x128xf32, #tpu.memory_space<vmem>> -> memref<128xf32, #tpu.memory_space<vmem>>
    %dma_start3A_122 = arith.constant 0 : i32
    %dma_start3A_123 = tpu.memref_slice %arg12[%dma_start3A_118, %dma_start3A_122] : memref<50x128xi32, #tpu.memory_space<vmem>> -> memref<1x128xi32, #tpu.memory_space<vmem>>
    %dma_start3A_124 = tpu.memref_squeeze %dma_start3A_123 : memref<1x128xi32, #tpu.memory_space<vmem>> -> memref<128xi32, #tpu.memory_space<vmem>>
    %dma_start3A_125 = arith.constant 0 : i32
    %dma_start3A_126 = tpu.memref_slice %arg18[%dma_start3A_125] : memref<1024000xf32, #tpu.memory_space<vmem_shared>> -> memref<1024000xf32, #tpu.memory_space<vmem_shared>>
    tpu.enqueue_indirect_dma source(%dma_start3A_121 : memref<128xf32, #tpu.memory_space<vmem>>) target(%dma_start3A_126 : memref<1024000xf32, #tpu.memory_space<vmem_shared>>) offsets(%dma_start3A_124 : memref<128xi32, #tpu.memory_space<vmem>>) semaphore(%arg16 : memref<!tpu.dma_semaphore, #tpu.memory_space<semaphore_mem>>) {add = true}
    %dma_start3A_127 = arith.constant 7 : i32
    %dma_start3A_128 = arith.constant 7 : i32
    %dma_start3A_129 = arith.constant 0 : i32
    %dma_start3A_130 = tpu.memref_slice %arg13[%dma_start3A_127, %dma_start3A_129] : memref<50x128xf32, #tpu.memory_space<vmem>> -> memref<1x128xf32, #tpu.memory_space<vmem>>
    %dma_start3A_131 = tpu.memref_squeeze %dma_start3A_130 : memref<1x128xf32, #tpu.memory_space<vmem>> -> memref<128xf32, #tpu.memory_space<vmem>>
    %dma_start3A_132 = arith.constant 0 : i32
    %dma_start3A_133 = tpu.memref_slice %arg12[%dma_start3A_128, %dma_start3A_132] : memref<50x128xi32, #tpu.memory_space<vmem>> -> memref<1x128xi32, #tpu.memory_space<vmem>>
    %dma_start3A_134 = tpu.memref_squeeze %dma_start3A_133 : memref<1x128xi32, #tpu.memory_space<vmem>> -> memref<128xi32, #tpu.memory_space<vmem>>
    %dma_start3A_135 = arith.constant 0 : i32
    %dma_start3A_136 = tpu.memref_slice %arg18[%dma_start3A_135] : memref<1024000xf32, #tpu.memory_space<vmem_shared>> -> memref<1024000xf32, #tpu.memory_space<vmem_shared>>
    tpu.enqueue_indirect_dma source(%dma_start3A_131 : memref<128xf32, #tpu.memory_space<vmem>>) target(%dma_start3A_136 : memref<1024000xf32, #tpu.memory_space<vmem_shared>>) offsets(%dma_start3A_134 : memref<128xi32, #tpu.memory_space<vmem>>) semaphore(%arg16 : memref<!tpu.dma_semaphore, #tpu.memory_space<semaphore_mem>>) {add = true}
    %dma_start3A_137 = arith.constant 8 : i32
    %dma_start3A_138 = arith.constant 8 : i32
    %dma_start3A_139 = arith.constant 0 : i32
    %dma_start3A_140 = tpu.memref_slice %arg13[%dma_start3A_137, %dma_start3A_139] : memref<50x128xf32, #tpu.memory_space<vmem>> -> memref<1x128xf32, #tpu.memory_space<vmem>>
    %dma_start3A_141 = tpu.memref_squeeze %dma_start3A_140 : memref<1x128xf32, #tpu.memory_space<vmem>> -> memref<128xf32, #tpu.memory_space<vmem>>
    %dma_start3A_142 = arith.constant 0 : i32
    %dma_start3A_143 = tpu.memref_slice %arg12[%dma_start3A_138, %dma_start3A_142] : memref<50x128xi32, #tpu.memory_space<vmem>> -> memref<1x128xi32, #tpu.memory_space<vmem>>
    %dma_start3A_144 = tpu.memref_squeeze %dma_start3A_143 : memref<1x128xi32, #tpu.memory_space<vmem>> -> memref<128xi32, #tpu.memory_space<vmem>>
    %dma_start3A_145 = arith.constant 0 : i32
    %dma_start3A_146 = tpu.memref_slice %arg18[%dma_start3A_145] : memref<1024000xf32, #tpu.memory_space<vmem_shared>> -> memref<1024000xf32, #tpu.memory_space<vmem_shared>>
    tpu.enqueue_indirect_dma source(%dma_start3A_141 : memref<128xf32, #tpu.memory_space<vmem>>) target(%dma_start3A_146 : memref<1024000xf32, #tpu.memory_space<vmem_shared>>) offsets(%dma_start3A_144 : memref<128xi32, #tpu.memory_space<vmem>>) semaphore(%arg16 : memref<!tpu.dma_semaphore, #tpu.memory_space<semaphore_mem>>) {add = true}
    %dma_start3A_147 = arith.constant 9 : i32
    %dma_start3A_148 = arith.constant 9 : i32
    %dma_start3A_149 = arith.constant 0 : i32
    %dma_start3A_150 = tpu.memref_slice %arg13[%dma_start3A_147, %dma_start3A_149] : memref<50x128xf32, #tpu.memory_space<vmem>> -> memref<1x128xf32, #tpu.memory_space<vmem>>
    %dma_start3A_151 = tpu.memref_squeeze %dma_start3A_150 : memref<1x128xf32, #tpu.memory_space<vmem>> -> memref<128xf32, #tpu.memory_space<vmem>>
    %dma_start3A_152 = arith.constant 0 : i32
    %dma_start3A_153 = tpu.memref_slice %arg12[%dma_start3A_148, %dma_start3A_152] : memref<50x128xi32, #tpu.memory_space<vmem>> -> memref<1x128xi32, #tpu.memory_space<vmem>>
    %dma_start3A_154 = tpu.memref_squeeze %dma_start3A_153 : memref<1x128xi32, #tpu.memory_space<vmem>> -> memref<128xi32, #tpu.memory_space<vmem>>
    %dma_start3A_155 = arith.constant 0 : i32
    %dma_start3A_156 = tpu.memref_slice %arg18[%dma_start3A_155] : memref<1024000xf32, #tpu.memory_space<vmem_shared>> -> memref<1024000xf32, #tpu.memory_space<vmem_shared>>
    tpu.enqueue_indirect_dma source(%dma_start3A_151 : memref<128xf32, #tpu.memory_space<vmem>>) target(%dma_start3A_156 : memref<1024000xf32, #tpu.memory_space<vmem_shared>>) offsets(%dma_start3A_154 : memref<128xi32, #tpu.memory_space<vmem>>) semaphore(%arg16 : memref<!tpu.dma_semaphore, #tpu.memory_space<semaphore_mem>>) {add = true}
    %dma_start3A_157 = arith.constant 10 : i32
    %dma_start3A_158 = arith.constant 10 : i32
    %dma_start3A_159 = arith.constant 0 : i32
    %dma_start3A_160 = tpu.memref_slice %arg13[%dma_start3A_157, %dma_start3A_159] : memref<50x128xf32, #tpu.memory_space<vmem>> -> memref<1x128xf32, #tpu.memory_space<vmem>>
    %dma_start3A_161 = tpu.memref_squeeze %dma_start3A_160 : memref<1x128xf32, #tpu.memory_space<vmem>> -> memref<128xf32, #tpu.memory_space<vmem>>
    %dma_start3A_162 = arith.constant 0 : i32
    %dma_start3A_163 = tpu.memref_slice %arg12[%dma_start3A_158, %dma_start3A_162] : memref<50x128xi32, #tpu.memory_space<vmem>> -> memref<1x128xi32, #tpu.memory_space<vmem>>
    %dma_start3A_164 = tpu.memref_squeeze %dma_start3A_163 : memref<1x128xi32, #tpu.memory_space<vmem>> -> memref<128xi32, #tpu.memory_space<vmem>>
    %dma_start3A_165 = arith.constant 0 : i32
    %dma_start3A_166 = tpu.memref_slice %arg18[%dma_start3A_165] : memref<1024000xf32, #tpu.memory_space<vmem_shared>> -> memref<1024000xf32, #tpu.memory_space<vmem_shared>>
    tpu.enqueue_indirect_dma source(%dma_start3A_161 : memref<128xf32, #tpu.memory_space<vmem>>) target(%dma_start3A_166 : memref<1024000xf32, #tpu.memory_space<vmem_shared>>) offsets(%dma_start3A_164 : memref<128xi32, #tpu.memory_space<vmem>>) semaphore(%arg16 : memref<!tpu.dma_semaphore, #tpu.memory_space<semaphore_mem>>) {add = true}
    %dma_start3A_167 = arith.constant 11 : i32
    %dma_start3A_168 = arith.constant 11 : i32
    %dma_start3A_169 = arith.constant 0 : i32
    %dma_start3A_170 = tpu.memref_slice %arg13[%dma_start3A_167, %dma_start3A_169] : memref<50x128xf32, #tpu.memory_space<vmem>> -> memref<1x128xf32, #tpu.memory_space<vmem>>
    %dma_start3A_171 = tpu.memref_squeeze %dma_start3A_170 : memref<1x128xf32, #tpu.memory_space<vmem>> -> memref<128xf32, #tpu.memory_space<vmem>>
    %dma_start3A_172 = arith.constant 0 : i32
    %dma_start3A_173 = tpu.memref_slice %arg12[%dma_start3A_168, %dma_start3A_172] : memref<50x128xi32, #tpu.memory_space<vmem>> -> memref<1x128xi32, #tpu.memory_space<vmem>>
    %dma_start3A_174 = tpu.memref_squeeze %dma_start3A_173 : memref<1x128xi32, #tpu.memory_space<vmem>> -> memref<128xi32, #tpu.memory_space<vmem>>
    %dma_start3A_175 = arith.constant 0 : i32
    %dma_start3A_176 = tpu.memref_slice %arg18[%dma_start3A_175] : memref<1024000xf32, #tpu.memory_space<vmem_shared>> -> memref<1024000xf32, #tpu.memory_space<vmem_shared>>
    tpu.enqueue_indirect_dma source(%dma_start3A_171 : memref<128xf32, #tpu.memory_space<vmem>>) target(%dma_start3A_176 : memref<1024000xf32, #tpu.memory_space<vmem_shared>>) offsets(%dma_start3A_174 : memref<128xi32, #tpu.memory_space<vmem>>) semaphore(%arg16 : memref<!tpu.dma_semaphore, #tpu.memory_space<semaphore_mem>>) {add = true}
    %dma_start3A_177 = arith.constant 12 : i32
    %dma_start3A_178 = arith.constant 12 : i32
    %dma_start3A_179 = arith.constant 0 : i32
    %dma_start3A_180 = tpu.memref_slice %arg13[%dma_start3A_177, %dma_start3A_179] : memref<50x128xf32, #tpu.memory_space<vmem>> -> memref<1x128xf32, #tpu.memory_space<vmem>>
    %dma_start3A_181 = tpu.memref_squeeze %dma_start3A_180 : memref<1x128xf32, #tpu.memory_space<vmem>> -> memref<128xf32, #tpu.memory_space<vmem>>
    %dma_start3A_182 = arith.constant 0 : i32
    %dma_start3A_183 = tpu.memref_slice %arg12[%dma_start3A_178, %dma_start3A_182] : memref<50x128xi32, #tpu.memory_space<vmem>> -> memref<1x128xi32, #tpu.memory_space<vmem>>
    %dma_start3A_184 = tpu.memref_squeeze %dma_start3A_183 : memref<1x128xi32, #tpu.memory_space<vmem>> -> memref<128xi32, #tpu.memory_space<vmem>>
    %dma_start3A_185 = arith.constant 0 : i32
    %dma_start3A_186 = tpu.memref_slice %arg18[%dma_start3A_185] : memref<1024000xf32, #tpu.memory_space<vmem_shared>> -> memref<1024000xf32, #tpu.memory_space<vmem_shared>>
    tpu.enqueue_indirect_dma source(%dma_start3A_181 : memref<128xf32, #tpu.memory_space<vmem>>) target(%dma_start3A_186 : memref<1024000xf32, #tpu.memory_space<vmem_shared>>) offsets(%dma_start3A_184 : memref<128xi32, #tpu.memory_space<vmem>>) semaphore(%arg16 : memref<!tpu.dma_semaphore, #tpu.memory_space<semaphore_mem>>) {add = true}
    %dma_start3A_187 = arith.constant 13 : i32
    %dma_start3A_188 = arith.constant 13 : i32
    %dma_start3A_189 = arith.constant 0 : i32
    %dma_start3A_190 = tpu.memref_slice %arg13[%dma_start3A_187, %dma_start3A_189] : memref<50x128xf32, #tpu.memory_space<vmem>> -> memref<1x128xf32, #tpu.memory_space<vmem>>
    %dma_start3A_191 = tpu.memref_squeeze %dma_start3A_190 : memref<1x128xf32, #tpu.memory_space<vmem>> -> memref<128xf32, #tpu.memory_space<vmem>>
    %dma_start3A_192 = arith.constant 0 : i32
    %dma_start3A_193 = tpu.memref_slice %arg12[%dma_start3A_188, %dma_start3A_192] : memref<50x128xi32, #tpu.memory_space<vmem>> -> memref<1x128xi32, #tpu.memory_space<vmem>>
    %dma_start3A_194 = tpu.memref_squeeze %dma_start3A_193 : memref<1x128xi32, #tpu.memory_space<vmem>> -> memref<128xi32, #tpu.memory_space<vmem>>
    %dma_start3A_195 = arith.constant 0 : i32
    %dma_start3A_196 = tpu.memref_slice %arg18[%dma_start3A_195] : memref<1024000xf32, #tpu.memory_space<vmem_shared>> -> memref<1024000xf32, #tpu.memory_space<vmem_shared>>
    tpu.enqueue_indirect_dma source(%dma_start3A_191 : memref<128xf32, #tpu.memory_space<vmem>>) target(%dma_start3A_196 : memref<1024000xf32, #tpu.memory_space<vmem_shared>>) offsets(%dma_start3A_194 : memref<128xi32, #tpu.memory_space<vmem>>) semaphore(%arg16 : memref<!tpu.dma_semaphore, #tpu.memory_space<semaphore_mem>>) {add = true}
    %dma_start3A_197 = arith.constant 14 : i32
    %dma_start3A_198 = arith.constant 14 : i32
    %dma_start3A_199 = arith.constant 0 : i32
    %dma_start3A_200 = tpu.memref_slice %arg13[%dma_start3A_197, %dma_start3A_199] : memref<50x128xf32, #tpu.memory_space<vmem>> -> memref<1x128xf32, #tpu.memory_space<vmem>>
    %dma_start3A_201 = tpu.memref_squeeze %dma_start3A_200 : memref<1x128xf32, #tpu.memory_space<vmem>> -> memref<128xf32, #tpu.memory_space<vmem>>
    %dma_start3A_202 = arith.constant 0 : i32
    %dma_start3A_203 = tpu.memref_slice %arg12[%dma_start3A_198, %dma_start3A_202] : memref<50x128xi32, #tpu.memory_space<vmem>> -> memref<1x128xi32, #tpu.memory_space<vmem>>
    %dma_start3A_204 = tpu.memref_squeeze %dma_start3A_203 : memref<1x128xi32, #tpu.memory_space<vmem>> -> memref<128xi32, #tpu.memory_space<vmem>>
    %dma_start3A_205 = arith.constant 0 : i32
    %dma_start3A_206 = tpu.memref_slice %arg18[%dma_start3A_205] : memref<1024000xf32, #tpu.memory_space<vmem_shared>> -> memref<1024000xf32, #tpu.memory_space<vmem_shared>>
    tpu.enqueue_indirect_dma source(%dma_start3A_201 : memref<128xf32, #tpu.memory_space<vmem>>) target(%dma_start3A_206 : memref<1024000xf32, #tpu.memory_space<vmem_shared>>) offsets(%dma_start3A_204 : memref<128xi32, #tpu.memory_space<vmem>>) semaphore(%arg16 : memref<!tpu.dma_semaphore, #tpu.memory_space<semaphore_mem>>) {add = true}
    %dma_start3A_207 = arith.constant 15 : i32
    %dma_start3A_208 = arith.constant 15 : i32
    %dma_start3A_209 = arith.constant 0 : i32
    %dma_start3A_210 = tpu.memref_slice %arg13[%dma_start3A_207, %dma_start3A_209] : memref<50x128xf32, #tpu.memory_space<vmem>> -> memref<1x128xf32, #tpu.memory_space<vmem>>
    %dma_start3A_211 = tpu.memref_squeeze %dma_start3A_210 : memref<1x128xf32, #tpu.memory_space<vmem>> -> memref<128xf32, #tpu.memory_space<vmem>>
    %dma_start3A_212 = arith.constant 0 : i32
    %dma_start3A_213 = tpu.memref_slice %arg12[%dma_start3A_208, %dma_start3A_212] : memref<50x128xi32, #tpu.memory_space<vmem>> -> memref<1x128xi32, #tpu.memory_space<vmem>>
    %dma_start3A_214 = tpu.memref_squeeze %dma_start3A_213 : memref<1x128xi32, #tpu.memory_space<vmem>> -> memref<128xi32, #tpu.memory_space<vmem>>
    %dma_start3A_215 = arith.constant 0 : i32
    %dma_start3A_216 = tpu.memref_slice %arg18[%dma_start3A_215] : memref<1024000xf32, #tpu.memory_space<vmem_shared>> -> memref<1024000xf32, #tpu.memory_space<vmem_shared>>
    tpu.enqueue_indirect_dma source(%dma_start3A_211 : memref<128xf32, #tpu.memory_space<vmem>>) target(%dma_start3A_216 : memref<1024000xf32, #tpu.memory_space<vmem_shared>>) offsets(%dma_start3A_214 : memref<128xi32, #tpu.memory_space<vmem>>) semaphore(%arg16 : memref<!tpu.dma_semaphore, #tpu.memory_space<semaphore_mem>>) {add = true}
    %dma_start3A_217 = arith.constant 16 : i32
    %dma_start3A_218 = arith.constant 16 : i32
    %dma_start3A_219 = arith.constant 0 : i32
    %dma_start3A_220 = tpu.memref_slice %arg13[%dma_start3A_217, %dma_start3A_219] : memref<50x128xf32, #tpu.memory_space<vmem>> -> memref<1x128xf32, #tpu.memory_space<vmem>>
    %dma_start3A_221 = tpu.memref_squeeze %dma_start3A_220 : memref<1x128xf32, #tpu.memory_space<vmem>> -> memref<128xf32, #tpu.memory_space<vmem>>
    %dma_start3A_222 = arith.constant 0 : i32
    %dma_start3A_223 = tpu.memref_slice %arg12[%dma_start3A_218, %dma_start3A_222] : memref<50x128xi32, #tpu.memory_space<vmem>> -> memref<1x128xi32, #tpu.memory_space<vmem>>
    %dma_start3A_224 = tpu.memref_squeeze %dma_start3A_223 : memref<1x128xi32, #tpu.memory_space<vmem>> -> memref<128xi32, #tpu.memory_space<vmem>>
    %dma_start3A_225 = arith.constant 0 : i32
    %dma_start3A_226 = tpu.memref_slice %arg18[%dma_start3A_225] : memref<1024000xf32, #tpu.memory_space<vmem_shared>> -> memref<1024000xf32, #tpu.memory_space<vmem_shared>>
    tpu.enqueue_indirect_dma source(%dma_start3A_221 : memref<128xf32, #tpu.memory_space<vmem>>) target(%dma_start3A_226 : memref<1024000xf32, #tpu.memory_space<vmem_shared>>) offsets(%dma_start3A_224 : memref<128xi32, #tpu.memory_space<vmem>>) semaphore(%arg16 : memref<!tpu.dma_semaphore, #tpu.memory_space<semaphore_mem>>) {add = true}
    %dma_start3A_227 = arith.constant 17 : i32
    %dma_start3A_228 = arith.constant 17 : i32
    %dma_start3A_229 = arith.constant 0 : i32
    %dma_start3A_230 = tpu.memref_slice %arg13[%dma_start3A_227, %dma_start3A_229] : memref<50x128xf32, #tpu.memory_space<vmem>> -> memref<1x128xf32, #tpu.memory_space<vmem>>
    %dma_start3A_231 = tpu.memref_squeeze %dma_start3A_230 : memref<1x128xf32, #tpu.memory_space<vmem>> -> memref<128xf32, #tpu.memory_space<vmem>>
    %dma_start3A_232 = arith.constant 0 : i32
    %dma_start3A_233 = tpu.memref_slice %arg12[%dma_start3A_228, %dma_start3A_232] : memref<50x128xi32, #tpu.memory_space<vmem>> -> memref<1x128xi32, #tpu.memory_space<vmem>>
    %dma_start3A_234 = tpu.memref_squeeze %dma_start3A_233 : memref<1x128xi32, #tpu.memory_space<vmem>> -> memref<128xi32, #tpu.memory_space<vmem>>
    %dma_start3A_235 = arith.constant 0 : i32
    %dma_start3A_236 = tpu.memref_slice %arg18[%dma_start3A_235] : memref<1024000xf32, #tpu.memory_space<vmem_shared>> -> memref<1024000xf32, #tpu.memory_space<vmem_shared>>
    tpu.enqueue_indirect_dma source(%dma_start3A_231 : memref<128xf32, #tpu.memory_space<vmem>>) target(%dma_start3A_236 : memref<1024000xf32, #tpu.memory_space<vmem_shared>>) offsets(%dma_start3A_234 : memref<128xi32, #tpu.memory_space<vmem>>) semaphore(%arg16 : memref<!tpu.dma_semaphore, #tpu.memory_space<semaphore_mem>>) {add = true}
    %dma_start3A_237 = arith.constant 18 : i32
    %dma_start3A_238 = arith.constant 18 : i32
    %dma_start3A_239 = arith.constant 0 : i32
    %dma_start3A_240 = tpu.memref_slice %arg13[%dma_start3A_237, %dma_start3A_239] : memref<50x128xf32, #tpu.memory_space<vmem>> -> memref<1x128xf32, #tpu.memory_space<vmem>>
    %dma_start3A_241 = tpu.memref_squeeze %dma_start3A_240 : memref<1x128xf32, #tpu.memory_space<vmem>> -> memref<128xf32, #tpu.memory_space<vmem>>
    %dma_start3A_242 = arith.constant 0 : i32
    %dma_start3A_243 = tpu.memref_slice %arg12[%dma_start3A_238, %dma_start3A_242] : memref<50x128xi32, #tpu.memory_space<vmem>> -> memref<1x128xi32, #tpu.memory_space<vmem>>
    %dma_start3A_244 = tpu.memref_squeeze %dma_start3A_243 : memref<1x128xi32, #tpu.memory_space<vmem>> -> memref<128xi32, #tpu.memory_space<vmem>>
    %dma_start3A_245 = arith.constant 0 : i32
    %dma_start3A_246 = tpu.memref_slice %arg18[%dma_start3A_245] : memref<1024000xf32, #tpu.memory_space<vmem_shared>> -> memref<1024000xf32, #tpu.memory_space<vmem_shared>>
    tpu.enqueue_indirect_dma source(%dma_start3A_241 : memref<128xf32, #tpu.memory_space<vmem>>) target(%dma_start3A_246 : memref<1024000xf32, #tpu.memory_space<vmem_shared>>) offsets(%dma_start3A_244 : memref<128xi32, #tpu.memory_space<vmem>>) semaphore(%arg16 : memref<!tpu.dma_semaphore, #tpu.memory_space<semaphore_mem>>) {add = true}
    %dma_start3A_247 = arith.constant 19 : i32
    %dma_start3A_248 = arith.constant 19 : i32
    %dma_start3A_249 = arith.constant 0 : i32
    %dma_start3A_250 = tpu.memref_slice %arg13[%dma_start3A_247, %dma_start3A_249] : memref<50x128xf32, #tpu.memory_space<vmem>> -> memref<1x128xf32, #tpu.memory_space<vmem>>
    %dma_start3A_251 = tpu.memref_squeeze %dma_start3A_250 : memref<1x128xf32, #tpu.memory_space<vmem>> -> memref<128xf32, #tpu.memory_space<vmem>>
    %dma_start3A_252 = arith.constant 0 : i32
    %dma_start3A_253 = tpu.memref_slice %arg12[%dma_start3A_248, %dma_start3A_252] : memref<50x128xi32, #tpu.memory_space<vmem>> -> memref<1x128xi32, #tpu.memory_space<vmem>>
    %dma_start3A_254 = tpu.memref_squeeze %dma_start3A_253 : memref<1x128xi32, #tpu.memory_space<vmem>> -> memref<128xi32, #tpu.memory_space<vmem>>
    %dma_start3A_255 = arith.constant 0 : i32
    %dma_start3A_256 = tpu.memref_slice %arg18[%dma_start3A_255] : memref<1024000xf32, #tpu.memory_space<vmem_shared>> -> memref<1024000xf32, #tpu.memory_space<vmem_shared>>
    tpu.enqueue_indirect_dma source(%dma_start3A_251 : memref<128xf32, #tpu.memory_space<vmem>>) target(%dma_start3A_256 : memref<1024000xf32, #tpu.memory_space<vmem_shared>>) offsets(%dma_start3A_254 : memref<128xi32, #tpu.memory_space<vmem>>) semaphore(%arg16 : memref<!tpu.dma_semaphore, #tpu.memory_space<semaphore_mem>>) {add = true}
    %dma_start3A_257 = arith.constant 20 : i32
    %dma_start3A_258 = arith.constant 20 : i32
    %dma_start3A_259 = arith.constant 0 : i32
    %dma_start3A_260 = tpu.memref_slice %arg13[%dma_start3A_257, %dma_start3A_259] : memref<50x128xf32, #tpu.memory_space<vmem>> -> memref<1x128xf32, #tpu.memory_space<vmem>>
    %dma_start3A_261 = tpu.memref_squeeze %dma_start3A_260 : memref<1x128xf32, #tpu.memory_space<vmem>> -> memref<128xf32, #tpu.memory_space<vmem>>
    %dma_start3A_262 = arith.constant 0 : i32
    %dma_start3A_263 = tpu.memref_slice %arg12[%dma_start3A_258, %dma_start3A_262] : memref<50x128xi32, #tpu.memory_space<vmem>> -> memref<1x128xi32, #tpu.memory_space<vmem>>
    %dma_start3A_264 = tpu.memref_squeeze %dma_start3A_263 : memref<1x128xi32, #tpu.memory_space<vmem>> -> memref<128xi32, #tpu.memory_space<vmem>>
    %dma_start3A_265 = arith.constant 0 : i32
    %dma_start3A_266 = tpu.memref_slice %arg18[%dma_start3A_265] : memref<1024000xf32, #tpu.memory_space<vmem_shared>> -> memref<1024000xf32, #tpu.memory_space<vmem_shared>>
    tpu.enqueue_indirect_dma source(%dma_start3A_261 : memref<128xf32, #tpu.memory_space<vmem>>) target(%dma_start3A_266 : memref<1024000xf32, #tpu.memory_space<vmem_shared>>) offsets(%dma_start3A_264 : memref<128xi32, #tpu.memory_space<vmem>>) semaphore(%arg16 : memref<!tpu.dma_semaphore, #tpu.memory_space<semaphore_mem>>) {add = true}
    %dma_start3A_267 = arith.constant 21 : i32
    %dma_start3A_268 = arith.constant 21 : i32
    %dma_start3A_269 = arith.constant 0 : i32
    %dma_start3A_270 = tpu.memref_slice %arg13[%dma_start3A_267, %dma_start3A_269] : memref<50x128xf32, #tpu.memory_space<vmem>> -> memref<1x128xf32, #tpu.memory_space<vmem>>
    %dma_start3A_271 = tpu.memref_squeeze %dma_start3A_270 : memref<1x128xf32, #tpu.memory_space<vmem>> -> memref<128xf32, #tpu.memory_space<vmem>>
    %dma_start3A_272 = arith.constant 0 : i32
    %dma_start3A_273 = tpu.memref_slice %arg12[%dma_start3A_268, %dma_start3A_272] : memref<50x128xi32, #tpu.memory_space<vmem>> -> memref<1x128xi32, #tpu.memory_space<vmem>>
    %dma_start3A_274 = tpu.memref_squeeze %dma_start3A_273 : memref<1x128xi32, #tpu.memory_space<vmem>> -> memref<128xi32, #tpu.memory_space<vmem>>
    %dma_start3A_275 = arith.constant 0 : i32
    %dma_start3A_276 = tpu.memref_slice %arg18[%dma_start3A_275] : memref<1024000xf32, #tpu.memory_space<vmem_shared>> -> memref<1024000xf32, #tpu.memory_space<vmem_shared>>
    tpu.enqueue_indirect_dma source(%dma_start3A_271 : memref<128xf32, #tpu.memory_space<vmem>>) target(%dma_start3A_276 : memref<1024000xf32, #tpu.memory_space<vmem_shared>>) offsets(%dma_start3A_274 : memref<128xi32, #tpu.memory_space<vmem>>) semaphore(%arg16 : memref<!tpu.dma_semaphore, #tpu.memory_space<semaphore_mem>>) {add = true}
    %dma_start3A_277 = arith.constant 22 : i32
    %dma_start3A_278 = arith.constant 22 : i32
    %dma_start3A_279 = arith.constant 0 : i32
    %dma_start3A_280 = tpu.memref_slice %arg13[%dma_start3A_277, %dma_start3A_279] : memref<50x128xf32, #tpu.memory_space<vmem>> -> memref<1x128xf32, #tpu.memory_space<vmem>>
    %dma_start3A_281 = tpu.memref_squeeze %dma_start3A_280 : memref<1x128xf32, #tpu.memory_space<vmem>> -> memref<128xf32, #tpu.memory_space<vmem>>
    %dma_start3A_282 = arith.constant 0 : i32
    %dma_start3A_283 = tpu.memref_slice %arg12[%dma_start3A_278, %dma_start3A_282] : memref<50x128xi32, #tpu.memory_space<vmem>> -> memref<1x128xi32, #tpu.memory_space<vmem>>
    %dma_start3A_284 = tpu.memref_squeeze %dma_start3A_283 : memref<1x128xi32, #tpu.memory_space<vmem>> -> memref<128xi32, #tpu.memory_space<vmem>>
    %dma_start3A_285 = arith.constant 0 : i32
    %dma_start3A_286 = tpu.memref_slice %arg18[%dma_start3A_285] : memref<1024000xf32, #tpu.memory_space<vmem_shared>> -> memref<1024000xf32, #tpu.memory_space<vmem_shared>>
    tpu.enqueue_indirect_dma source(%dma_start3A_281 : memref<128xf32, #tpu.memory_space<vmem>>) target(%dma_start3A_286 : memref<1024000xf32, #tpu.memory_space<vmem_shared>>) offsets(%dma_start3A_284 : memref<128xi32, #tpu.memory_space<vmem>>) semaphore(%arg16 : memref<!tpu.dma_semaphore, #tpu.memory_space<semaphore_mem>>) {add = true}
    %dma_start3A_287 = arith.constant 23 : i32
    %dma_start3A_288 = arith.constant 23 : i32
    %dma_start3A_289 = arith.constant 0 : i32
    %dma_start3A_290 = tpu.memref_slice %arg13[%dma_start3A_287, %dma_start3A_289] : memref<50x128xf32, #tpu.memory_space<vmem>> -> memref<1x128xf32, #tpu.memory_space<vmem>>
    %dma_start3A_291 = tpu.memref_squeeze %dma_start3A_290 : memref<1x128xf32, #tpu.memory_space<vmem>> -> memref<128xf32, #tpu.memory_space<vmem>>
    %dma_start3A_292 = arith.constant 0 : i32
    %dma_start3A_293 = tpu.memref_slice %arg12[%dma_start3A_288, %dma_start3A_292] : memref<50x128xi32, #tpu.memory_space<vmem>> -> memref<1x128xi32, #tpu.memory_space<vmem>>
    %dma_start3A_294 = tpu.memref_squeeze %dma_start3A_293 : memref<1x128xi32, #tpu.memory_space<vmem>> -> memref<128xi32, #tpu.memory_space<vmem>>
    %dma_start3A_295 = arith.constant 0 : i32
    %dma_start3A_296 = tpu.memref_slice %arg18[%dma_start3A_295] : memref<1024000xf32, #tpu.memory_space<vmem_shared>> -> memref<1024000xf32, #tpu.memory_space<vmem_shared>>
    tpu.enqueue_indirect_dma source(%dma_start3A_291 : memref<128xf32, #tpu.memory_space<vmem>>) target(%dma_start3A_296 : memref<1024000xf32, #tpu.memory_space<vmem_shared>>) offsets(%dma_start3A_294 : memref<128xi32, #tpu.memory_space<vmem>>) semaphore(%arg16 : memref<!tpu.dma_semaphore, #tpu.memory_space<semaphore_mem>>) {add = true}
    %dma_start3A_297 = arith.constant 24 : i32
    %dma_start3A_298 = arith.constant 24 : i32
    %dma_start3A_299 = arith.constant 0 : i32
    %dma_start3A_300 = tpu.memref_slice %arg13[%dma_start3A_297, %dma_start3A_299] : memref<50x128xf32, #tpu.memory_space<vmem>> -> memref<1x128xf32, #tpu.memory_space<vmem>>
    %dma_start3A_301 = tpu.memref_squeeze %dma_start3A_300 : memref<1x128xf32, #tpu.memory_space<vmem>> -> memref<128xf32, #tpu.memory_space<vmem>>
    %dma_start3A_302 = arith.constant 0 : i32
    %dma_start3A_303 = tpu.memref_slice %arg12[%dma_start3A_298, %dma_start3A_302] : memref<50x128xi32, #tpu.memory_space<vmem>> -> memref<1x128xi32, #tpu.memory_space<vmem>>
    %dma_start3A_304 = tpu.memref_squeeze %dma_start3A_303 : memref<1x128xi32, #tpu.memory_space<vmem>> -> memref<128xi32, #tpu.memory_space<vmem>>
    %dma_start3A_305 = arith.constant 0 : i32
    %dma_start3A_306 = tpu.memref_slice %arg18[%dma_start3A_305] : memref<1024000xf32, #tpu.memory_space<vmem_shared>> -> memref<1024000xf32, #tpu.memory_space<vmem_shared>>
    tpu.enqueue_indirect_dma source(%dma_start3A_301 : memref<128xf32, #tpu.memory_space<vmem>>) target(%dma_start3A_306 : memref<1024000xf32, #tpu.memory_space<vmem_shared>>) offsets(%dma_start3A_304 : memref<128xi32, #tpu.memory_space<vmem>>) semaphore(%arg16 : memref<!tpu.dma_semaphore, #tpu.memory_space<semaphore_mem>>) {add = true}
    %dma_start3A_307 = arith.constant 25 : i32
    %dma_start3A_308 = arith.constant 25 : i32
    %dma_start3A_309 = arith.constant 0 : i32
    %dma_start3A_310 = tpu.memref_slice %arg13[%dma_start3A_307, %dma_start3A_309] : memref<50x128xf32, #tpu.memory_space<vmem>> -> memref<1x128xf32, #tpu.memory_space<vmem>>
    %dma_start3A_311 = tpu.memref_squeeze %dma_start3A_310 : memref<1x128xf32, #tpu.memory_space<vmem>> -> memref<128xf32, #tpu.memory_space<vmem>>
    %dma_start3A_312 = arith.constant 0 : i32
    %dma_start3A_313 = tpu.memref_slice %arg12[%dma_start3A_308, %dma_start3A_312] : memref<50x128xi32, #tpu.memory_space<vmem>> -> memref<1x128xi32, #tpu.memory_space<vmem>>
    %dma_start3A_314 = tpu.memref_squeeze %dma_start3A_313 : memref<1x128xi32, #tpu.memory_space<vmem>> -> memref<128xi32, #tpu.memory_space<vmem>>
    %dma_start3A_315 = arith.constant 0 : i32
    %dma_start3A_316 = tpu.memref_slice %arg18[%dma_start3A_315] : memref<1024000xf32, #tpu.memory_space<vmem_shared>> -> memref<1024000xf32, #tpu.memory_space<vmem_shared>>
    tpu.enqueue_indirect_dma source(%dma_start3A_311 : memref<128xf32, #tpu.memory_space<vmem>>) target(%dma_start3A_316 : memref<1024000xf32, #tpu.memory_space<vmem_shared>>) offsets(%dma_start3A_314 : memref<128xi32, #tpu.memory_space<vmem>>) semaphore(%arg16 : memref<!tpu.dma_semaphore, #tpu.memory_space<semaphore_mem>>) {add = true}
    %dma_start3A_317 = arith.constant 26 : i32
    %dma_start3A_318 = arith.constant 26 : i32
    %dma_start3A_319 = arith.constant 0 : i32
    %dma_start3A_320 = tpu.memref_slice %arg13[%dma_start3A_317, %dma_start3A_319] : memref<50x128xf32, #tpu.memory_space<vmem>> -> memref<1x128xf32, #tpu.memory_space<vmem>>
    %dma_start3A_321 = tpu.memref_squeeze %dma_start3A_320 : memref<1x128xf32, #tpu.memory_space<vmem>> -> memref<128xf32, #tpu.memory_space<vmem>>
    %dma_start3A_322 = arith.constant 0 : i32
    %dma_start3A_323 = tpu.memref_slice %arg12[%dma_start3A_318, %dma_start3A_322] : memref<50x128xi32, #tpu.memory_space<vmem>> -> memref<1x128xi32, #tpu.memory_space<vmem>>
    %dma_start3A_324 = tpu.memref_squeeze %dma_start3A_323 : memref<1x128xi32, #tpu.memory_space<vmem>> -> memref<128xi32, #tpu.memory_space<vmem>>
    %dma_start3A_325 = arith.constant 0 : i32
    %dma_start3A_326 = tpu.memref_slice %arg18[%dma_start3A_325] : memref<1024000xf32, #tpu.memory_space<vmem_shared>> -> memref<1024000xf32, #tpu.memory_space<vmem_shared>>
    tpu.enqueue_indirect_dma source(%dma_start3A_321 : memref<128xf32, #tpu.memory_space<vmem>>) target(%dma_start3A_326 : memref<1024000xf32, #tpu.memory_space<vmem_shared>>) offsets(%dma_start3A_324 : memref<128xi32, #tpu.memory_space<vmem>>) semaphore(%arg16 : memref<!tpu.dma_semaphore, #tpu.memory_space<semaphore_mem>>) {add = true}
    %dma_start3A_327 = arith.constant 27 : i32
    %dma_start3A_328 = arith.constant 27 : i32
    %dma_start3A_329 = arith.constant 0 : i32
    %dma_start3A_330 = tpu.memref_slice %arg13[%dma_start3A_327, %dma_start3A_329] : memref<50x128xf32, #tpu.memory_space<vmem>> -> memref<1x128xf32, #tpu.memory_space<vmem>>
    %dma_start3A_331 = tpu.memref_squeeze %dma_start3A_330 : memref<1x128xf32, #tpu.memory_space<vmem>> -> memref<128xf32, #tpu.memory_space<vmem>>
    %dma_start3A_332 = arith.constant 0 : i32
    %dma_start3A_333 = tpu.memref_slice %arg12[%dma_start3A_328, %dma_start3A_332] : memref<50x128xi32, #tpu.memory_space<vmem>> -> memref<1x128xi32, #tpu.memory_space<vmem>>
    %dma_start3A_334 = tpu.memref_squeeze %dma_start3A_333 : memref<1x128xi32, #tpu.memory_space<vmem>> -> memref<128xi32, #tpu.memory_space<vmem>>
    %dma_start3A_335 = arith.constant 0 : i32
    %dma_start3A_336 = tpu.memref_slice %arg18[%dma_start3A_335] : memref<1024000xf32, #tpu.memory_space<vmem_shared>> -> memref<1024000xf32, #tpu.memory_space<vmem_shared>>
    tpu.enqueue_indirect_dma source(%dma_start3A_331 : memref<128xf32, #tpu.memory_space<vmem>>) target(%dma_start3A_336 : memref<1024000xf32, #tpu.memory_space<vmem_shared>>) offsets(%dma_start3A_334 : memref<128xi32, #tpu.memory_space<vmem>>) semaphore(%arg16 : memref<!tpu.dma_semaphore, #tpu.memory_space<semaphore_mem>>) {add = true}
    %dma_start3A_337 = arith.constant 28 : i32
    %dma_start3A_338 = arith.constant 28 : i32
    %dma_start3A_339 = arith.constant 0 : i32
    %dma_start3A_340 = tpu.memref_slice %arg13[%dma_start3A_337, %dma_start3A_339] : memref<50x128xf32, #tpu.memory_space<vmem>> -> memref<1x128xf32, #tpu.memory_space<vmem>>
    %dma_start3A_341 = tpu.memref_squeeze %dma_start3A_340 : memref<1x128xf32, #tpu.memory_space<vmem>> -> memref<128xf32, #tpu.memory_space<vmem>>
    %dma_start3A_342 = arith.constant 0 : i32
    %dma_start3A_343 = tpu.memref_slice %arg12[%dma_start3A_338, %dma_start3A_342] : memref<50x128xi32, #tpu.memory_space<vmem>> -> memref<1x128xi32, #tpu.memory_space<vmem>>
    %dma_start3A_344 = tpu.memref_squeeze %dma_start3A_343 : memref<1x128xi32, #tpu.memory_space<vmem>> -> memref<128xi32, #tpu.memory_space<vmem>>
    %dma_start3A_345 = arith.constant 0 : i32
    %dma_start3A_346 = tpu.memref_slice %arg18[%dma_start3A_345] : memref<1024000xf32, #tpu.memory_space<vmem_shared>> -> memref<1024000xf32, #tpu.memory_space<vmem_shared>>
    tpu.enqueue_indirect_dma source(%dma_start3A_341 : memref<128xf32, #tpu.memory_space<vmem>>) target(%dma_start3A_346 : memref<1024000xf32, #tpu.memory_space<vmem_shared>>) offsets(%dma_start3A_344 : memref<128xi32, #tpu.memory_space<vmem>>) semaphore(%arg16 : memref<!tpu.dma_semaphore, #tpu.memory_space<semaphore_mem>>) {add = true}
    %dma_start3A_347 = arith.constant 29 : i32
    %dma_start3A_348 = arith.constant 29 : i32
    %dma_start3A_349 = arith.constant 0 : i32
    %dma_start3A_350 = tpu.memref_slice %arg13[%dma_start3A_347, %dma_start3A_349] : memref<50x128xf32, #tpu.memory_space<vmem>> -> memref<1x128xf32, #tpu.memory_space<vmem>>
    %dma_start3A_351 = tpu.memref_squeeze %dma_start3A_350 : memref<1x128xf32, #tpu.memory_space<vmem>> -> memref<128xf32, #tpu.memory_space<vmem>>
    %dma_start3A_352 = arith.constant 0 : i32
    %dma_start3A_353 = tpu.memref_slice %arg12[%dma_start3A_348, %dma_start3A_352] : memref<50x128xi32, #tpu.memory_space<vmem>> -> memref<1x128xi32, #tpu.memory_space<vmem>>
    %dma_start3A_354 = tpu.memref_squeeze %dma_start3A_353 : memref<1x128xi32, #tpu.memory_space<vmem>> -> memref<128xi32, #tpu.memory_space<vmem>>
    %dma_start3A_355 = arith.constant 0 : i32
    %dma_start3A_356 = tpu.memref_slice %arg18[%dma_start3A_355] : memref<1024000xf32, #tpu.memory_space<vmem_shared>> -> memref<1024000xf32, #tpu.memory_space<vmem_shared>>
    tpu.enqueue_indirect_dma source(%dma_start3A_351 : memref<128xf32, #tpu.memory_space<vmem>>) target(%dma_start3A_356 : memref<1024000xf32, #tpu.memory_space<vmem_shared>>) offsets(%dma_start3A_354 : memref<128xi32, #tpu.memory_space<vmem>>) semaphore(%arg16 : memref<!tpu.dma_semaphore, #tpu.memory_space<semaphore_mem>>) {add = true}
    %dma_start3A_357 = arith.constant 30 : i32
    %dma_start3A_358 = arith.constant 30 : i32
    %dma_start3A_359 = arith.constant 0 : i32
    %dma_start3A_360 = tpu.memref_slice %arg13[%dma_start3A_357, %dma_start3A_359] : memref<50x128xf32, #tpu.memory_space<vmem>> -> memref<1x128xf32, #tpu.memory_space<vmem>>
    %dma_start3A_361 = tpu.memref_squeeze %dma_start3A_360 : memref<1x128xf32, #tpu.memory_space<vmem>> -> memref<128xf32, #tpu.memory_space<vmem>>
    %dma_start3A_362 = arith.constant 0 : i32
    %dma_start3A_363 = tpu.memref_slice %arg12[%dma_start3A_358, %dma_start3A_362] : memref<50x128xi32, #tpu.memory_space<vmem>> -> memref<1x128xi32, #tpu.memory_space<vmem>>
    %dma_start3A_364 = tpu.memref_squeeze %dma_start3A_363 : memref<1x128xi32, #tpu.memory_space<vmem>> -> memref<128xi32, #tpu.memory_space<vmem>>
    %dma_start3A_365 = arith.constant 0 : i32
    %dma_start3A_366 = tpu.memref_slice %arg18[%dma_start3A_365] : memref<1024000xf32, #tpu.memory_space<vmem_shared>> -> memref<1024000xf32, #tpu.memory_space<vmem_shared>>
    tpu.enqueue_indirect_dma source(%dma_start3A_361 : memref<128xf32, #tpu.memory_space<vmem>>) target(%dma_start3A_366 : memref<1024000xf32, #tpu.memory_space<vmem_shared>>) offsets(%dma_start3A_364 : memref<128xi32, #tpu.memory_space<vmem>>) semaphore(%arg16 : memref<!tpu.dma_semaphore, #tpu.memory_space<semaphore_mem>>) {add = true}
    %dma_start3A_367 = arith.constant 31 : i32
    %dma_start3A_368 = arith.constant 31 : i32
    %dma_start3A_369 = arith.constant 0 : i32
    %dma_start3A_370 = tpu.memref_slice %arg13[%dma_start3A_367, %dma_start3A_369] : memref<50x128xf32, #tpu.memory_space<vmem>> -> memref<1x128xf32, #tpu.memory_space<vmem>>
    %dma_start3A_371 = tpu.memref_squeeze %dma_start3A_370 : memref<1x128xf32, #tpu.memory_space<vmem>> -> memref<128xf32, #tpu.memory_space<vmem>>
    %dma_start3A_372 = arith.constant 0 : i32
    %dma_start3A_373 = tpu.memref_slice %arg12[%dma_start3A_368, %dma_start3A_372] : memref<50x128xi32, #tpu.memory_space<vmem>> -> memref<1x128xi32, #tpu.memory_space<vmem>>
    %dma_start3A_374 = tpu.memref_squeeze %dma_start3A_373 : memref<1x128xi32, #tpu.memory_space<vmem>> -> memref<128xi32, #tpu.memory_space<vmem>>
    %dma_start3A_375 = arith.constant 0 : i32
    %dma_start3A_376 = tpu.memref_slice %arg18[%dma_start3A_375] : memref<1024000xf32, #tpu.memory_space<vmem_shared>> -> memref<1024000xf32, #tpu.memory_space<vmem_shared>>
    tpu.enqueue_indirect_dma source(%dma_start3A_371 : memref<128xf32, #tpu.memory_space<vmem>>) target(%dma_start3A_376 : memref<1024000xf32, #tpu.memory_space<vmem_shared>>) offsets(%dma_start3A_374 : memref<128xi32, #tpu.memory_space<vmem>>) semaphore(%arg16 : memref<!tpu.dma_semaphore, #tpu.memory_space<semaphore_mem>>) {add = true}
    %dma_start3A_377 = arith.constant 32 : i32
    %dma_start3A_378 = arith.constant 32 : i32
    %dma_start3A_379 = arith.constant 0 : i32
    %dma_start3A_380 = tpu.memref_slice %arg13[%dma_start3A_377, %dma_start3A_379] : memref<50x128xf32, #tpu.memory_space<vmem>> -> memref<1x128xf32, #tpu.memory_space<vmem>>
    %dma_start3A_381 = tpu.memref_squeeze %dma_start3A_380 : memref<1x128xf32, #tpu.memory_space<vmem>> -> memref<128xf32, #tpu.memory_space<vmem>>
    %dma_start3A_382 = arith.constant 0 : i32
    %dma_start3A_383 = tpu.memref_slice %arg12[%dma_start3A_378, %dma_start3A_382] : memref<50x128xi32, #tpu.memory_space<vmem>> -> memref<1x128xi32, #tpu.memory_space<vmem>>
    %dma_start3A_384 = tpu.memref_squeeze %dma_start3A_383 : memref<1x128xi32, #tpu.memory_space<vmem>> -> memref<128xi32, #tpu.memory_space<vmem>>
    %dma_start3A_385 = arith.constant 0 : i32
    %dma_start3A_386 = tpu.memref_slice %arg18[%dma_start3A_385] : memref<1024000xf32, #tpu.memory_space<vmem_shared>> -> memref<1024000xf32, #tpu.memory_space<vmem_shared>>
    tpu.enqueue_indirect_dma source(%dma_start3A_381 : memref<128xf32, #tpu.memory_space<vmem>>) target(%dma_start3A_386 : memref<1024000xf32, #tpu.memory_space<vmem_shared>>) offsets(%dma_start3A_384 : memref<128xi32, #tpu.memory_space<vmem>>) semaphore(%arg16 : memref<!tpu.dma_semaphore, #tpu.memory_space<semaphore_mem>>) {add = true}
    %dma_start3A_387 = arith.constant 33 : i32
    %dma_start3A_388 = arith.constant 33 : i32
    %dma_start3A_389 = arith.constant 0 : i32
    %dma_start3A_390 = tpu.memref_slice %arg13[%dma_start3A_387, %dma_start3A_389] : memref<50x128xf32, #tpu.memory_space<vmem>> -> memref<1x128xf32, #tpu.memory_space<vmem>>
    %dma_start3A_391 = tpu.memref_squeeze %dma_start3A_390 : memref<1x128xf32, #tpu.memory_space<vmem>> -> memref<128xf32, #tpu.memory_space<vmem>>
    %dma_start3A_392 = arith.constant 0 : i32
    %dma_start3A_393 = tpu.memref_slice %arg12[%dma_start3A_388, %dma_start3A_392] : memref<50x128xi32, #tpu.memory_space<vmem>> -> memref<1x128xi32, #tpu.memory_space<vmem>>
    %dma_start3A_394 = tpu.memref_squeeze %dma_start3A_393 : memref<1x128xi32, #tpu.memory_space<vmem>> -> memref<128xi32, #tpu.memory_space<vmem>>
    %dma_start3A_395 = arith.constant 0 : i32
    %dma_start3A_396 = tpu.memref_slice %arg18[%dma_start3A_395] : memref<1024000xf32, #tpu.memory_space<vmem_shared>> -> memref<1024000xf32, #tpu.memory_space<vmem_shared>>
    tpu.enqueue_indirect_dma source(%dma_start3A_391 : memref<128xf32, #tpu.memory_space<vmem>>) target(%dma_start3A_396 : memref<1024000xf32, #tpu.memory_space<vmem_shared>>) offsets(%dma_start3A_394 : memref<128xi32, #tpu.memory_space<vmem>>) semaphore(%arg16 : memref<!tpu.dma_semaphore, #tpu.memory_space<semaphore_mem>>) {add = true}
    %dma_start3A_397 = arith.constant 34 : i32
    %dma_start3A_398 = arith.constant 34 : i32
    %dma_start3A_399 = arith.constant 0 : i32
    %dma_start3A_400 = tpu.memref_slice %arg13[%dma_start3A_397, %dma_start3A_399] : memref<50x128xf32, #tpu.memory_space<vmem>> -> memref<1x128xf32, #tpu.memory_space<vmem>>
    %dma_start3A_401 = tpu.memref_squeeze %dma_start3A_400 : memref<1x128xf32, #tpu.memory_space<vmem>> -> memref<128xf32, #tpu.memory_space<vmem>>
    %dma_start3A_402 = arith.constant 0 : i32
    %dma_start3A_403 = tpu.memref_slice %arg12[%dma_start3A_398, %dma_start3A_402] : memref<50x128xi32, #tpu.memory_space<vmem>> -> memref<1x128xi32, #tpu.memory_space<vmem>>
    %dma_start3A_404 = tpu.memref_squeeze %dma_start3A_403 : memref<1x128xi32, #tpu.memory_space<vmem>> -> memref<128xi32, #tpu.memory_space<vmem>>
    %dma_start3A_405 = arith.constant 0 : i32
    %dma_start3A_406 = tpu.memref_slice %arg18[%dma_start3A_405] : memref<1024000xf32, #tpu.memory_space<vmem_shared>> -> memref<1024000xf32, #tpu.memory_space<vmem_shared>>
    tpu.enqueue_indirect_dma source(%dma_start3A_401 : memref<128xf32, #tpu.memory_space<vmem>>) target(%dma_start3A_406 : memref<1024000xf32, #tpu.memory_space<vmem_shared>>) offsets(%dma_start3A_404 : memref<128xi32, #tpu.memory_space<vmem>>) semaphore(%arg16 : memref<!tpu.dma_semaphore, #tpu.memory_space<semaphore_mem>>) {add = true}
    %dma_start3A_407 = arith.constant 35 : i32
    %dma_start3A_408 = arith.constant 35 : i32
    %dma_start3A_409 = arith.constant 0 : i32
    %dma_start3A_410 = tpu.memref_slice %arg13[%dma_start3A_407, %dma_start3A_409] : memref<50x128xf32, #tpu.memory_space<vmem>> -> memref<1x128xf32, #tpu.memory_space<vmem>>
    %dma_start3A_411 = tpu.memref_squeeze %dma_start3A_410 : memref<1x128xf32, #tpu.memory_space<vmem>> -> memref<128xf32, #tpu.memory_space<vmem>>
    %dma_start3A_412 = arith.constant 0 : i32
    %dma_start3A_413 = tpu.memref_slice %arg12[%dma_start3A_408, %dma_start3A_412] : memref<50x128xi32, #tpu.memory_space<vmem>> -> memref<1x128xi32, #tpu.memory_space<vmem>>
    %dma_start3A_414 = tpu.memref_squeeze %dma_start3A_413 : memref<1x128xi32, #tpu.memory_space<vmem>> -> memref<128xi32, #tpu.memory_space<vmem>>
    %dma_start3A_415 = arith.constant 0 : i32
    %dma_start3A_416 = tpu.memref_slice %arg18[%dma_start3A_415] : memref<1024000xf32, #tpu.memory_space<vmem_shared>> -> memref<1024000xf32, #tpu.memory_space<vmem_shared>>
    tpu.enqueue_indirect_dma source(%dma_start3A_411 : memref<128xf32, #tpu.memory_space<vmem>>) target(%dma_start3A_416 : memref<1024000xf32, #tpu.memory_space<vmem_shared>>) offsets(%dma_start3A_414 : memref<128xi32, #tpu.memory_space<vmem>>) semaphore(%arg16 : memref<!tpu.dma_semaphore, #tpu.memory_space<semaphore_mem>>) {add = true}
    %dma_start3A_417 = arith.constant 36 : i32
    %dma_start3A_418 = arith.constant 36 : i32
    %dma_start3A_419 = arith.constant 0 : i32
    %dma_start3A_420 = tpu.memref_slice %arg13[%dma_start3A_417, %dma_start3A_419] : memref<50x128xf32, #tpu.memory_space<vmem>> -> memref<1x128xf32, #tpu.memory_space<vmem>>
    %dma_start3A_421 = tpu.memref_squeeze %dma_start3A_420 : memref<1x128xf32, #tpu.memory_space<vmem>> -> memref<128xf32, #tpu.memory_space<vmem>>
    %dma_start3A_422 = arith.constant 0 : i32
    %dma_start3A_423 = tpu.memref_slice %arg12[%dma_start3A_418, %dma_start3A_422] : memref<50x128xi32, #tpu.memory_space<vmem>> -> memref<1x128xi32, #tpu.memory_space<vmem>>
    %dma_start3A_424 = tpu.memref_squeeze %dma_start3A_423 : memref<1x128xi32, #tpu.memory_space<vmem>> -> memref<128xi32, #tpu.memory_space<vmem>>
    %dma_start3A_425 = arith.constant 0 : i32
    %dma_start3A_426 = tpu.memref_slice %arg18[%dma_start3A_425] : memref<1024000xf32, #tpu.memory_space<vmem_shared>> -> memref<1024000xf32, #tpu.memory_space<vmem_shared>>
    tpu.enqueue_indirect_dma source(%dma_start3A_421 : memref<128xf32, #tpu.memory_space<vmem>>) target(%dma_start3A_426 : memref<1024000xf32, #tpu.memory_space<vmem_shared>>) offsets(%dma_start3A_424 : memref<128xi32, #tpu.memory_space<vmem>>) semaphore(%arg16 : memref<!tpu.dma_semaphore, #tpu.memory_space<semaphore_mem>>) {add = true}
    %dma_start3A_427 = arith.constant 37 : i32
    %dma_start3A_428 = arith.constant 37 : i32
    %dma_start3A_429 = arith.constant 0 : i32
    %dma_start3A_430 = tpu.memref_slice %arg13[%dma_start3A_427, %dma_start3A_429] : memref<50x128xf32, #tpu.memory_space<vmem>> -> memref<1x128xf32, #tpu.memory_space<vmem>>
    %dma_start3A_431 = tpu.memref_squeeze %dma_start3A_430 : memref<1x128xf32, #tpu.memory_space<vmem>> -> memref<128xf32, #tpu.memory_space<vmem>>
    %dma_start3A_432 = arith.constant 0 : i32
    %dma_start3A_433 = tpu.memref_slice %arg12[%dma_start3A_428, %dma_start3A_432] : memref<50x128xi32, #tpu.memory_space<vmem>> -> memref<1x128xi32, #tpu.memory_space<vmem>>
    %dma_start3A_434 = tpu.memref_squeeze %dma_start3A_433 : memref<1x128xi32, #tpu.memory_space<vmem>> -> memref<128xi32, #tpu.memory_space<vmem>>
    %dma_start3A_435 = arith.constant 0 : i32
    %dma_start3A_436 = tpu.memref_slice %arg18[%dma_start3A_435] : memref<1024000xf32, #tpu.memory_space<vmem_shared>> -> memref<1024000xf32, #tpu.memory_space<vmem_shared>>
    tpu.enqueue_indirect_dma source(%dma_start3A_431 : memref<128xf32, #tpu.memory_space<vmem>>) target(%dma_start3A_436 : memref<1024000xf32, #tpu.memory_space<vmem_shared>>) offsets(%dma_start3A_434 : memref<128xi32, #tpu.memory_space<vmem>>) semaphore(%arg16 : memref<!tpu.dma_semaphore, #tpu.memory_space<semaphore_mem>>) {add = true}
    %dma_start3A_437 = arith.constant 38 : i32
    %dma_start3A_438 = arith.constant 38 : i32
    %dma_start3A_439 = arith.constant 0 : i32
    %dma_start3A_440 = tpu.memref_slice %arg13[%dma_start3A_437, %dma_start3A_439] : memref<50x128xf32, #tpu.memory_space<vmem>> -> memref<1x128xf32, #tpu.memory_space<vmem>>
    %dma_start3A_441 = tpu.memref_squeeze %dma_start3A_440 : memref<1x128xf32, #tpu.memory_space<vmem>> -> memref<128xf32, #tpu.memory_space<vmem>>
    %dma_start3A_442 = arith.constant 0 : i32
    %dma_start3A_443 = tpu.memref_slice %arg12[%dma_start3A_438, %dma_start3A_442] : memref<50x128xi32, #tpu.memory_space<vmem>> -> memref<1x128xi32, #tpu.memory_space<vmem>>
    %dma_start3A_444 = tpu.memref_squeeze %dma_start3A_443 : memref<1x128xi32, #tpu.memory_space<vmem>> -> memref<128xi32, #tpu.memory_space<vmem>>
    %dma_start3A_445 = arith.constant 0 : i32
    %dma_start3A_446 = tpu.memref_slice %arg18[%dma_start3A_445] : memref<1024000xf32, #tpu.memory_space<vmem_shared>> -> memref<1024000xf32, #tpu.memory_space<vmem_shared>>
    tpu.enqueue_indirect_dma source(%dma_start3A_441 : memref<128xf32, #tpu.memory_space<vmem>>) target(%dma_start3A_446 : memref<1024000xf32, #tpu.memory_space<vmem_shared>>) offsets(%dma_start3A_444 : memref<128xi32, #tpu.memory_space<vmem>>) semaphore(%arg16 : memref<!tpu.dma_semaphore, #tpu.memory_space<semaphore_mem>>) {add = true}
    %dma_start3A_447 = arith.constant 39 : i32
    %dma_start3A_448 = arith.constant 39 : i32
    %dma_start3A_449 = arith.constant 0 : i32
    %dma_start3A_450 = tpu.memref_slice %arg13[%dma_start3A_447, %dma_start3A_449] : memref<50x128xf32, #tpu.memory_space<vmem>> -> memref<1x128xf32, #tpu.memory_space<vmem>>
    %dma_start3A_451 = tpu.memref_squeeze %dma_start3A_450 : memref<1x128xf32, #tpu.memory_space<vmem>> -> memref<128xf32, #tpu.memory_space<vmem>>
    %dma_start3A_452 = arith.constant 0 : i32
    %dma_start3A_453 = tpu.memref_slice %arg12[%dma_start3A_448, %dma_start3A_452] : memref<50x128xi32, #tpu.memory_space<vmem>> -> memref<1x128xi32, #tpu.memory_space<vmem>>
    %dma_start3A_454 = tpu.memref_squeeze %dma_start3A_453 : memref<1x128xi32, #tpu.memory_space<vmem>> -> memref<128xi32, #tpu.memory_space<vmem>>
    %dma_start3A_455 = arith.constant 0 : i32
    %dma_start3A_456 = tpu.memref_slice %arg18[%dma_start3A_455] : memref<1024000xf32, #tpu.memory_space<vmem_shared>> -> memref<1024000xf32, #tpu.memory_space<vmem_shared>>
    tpu.enqueue_indirect_dma source(%dma_start3A_451 : memref<128xf32, #tpu.memory_space<vmem>>) target(%dma_start3A_456 : memref<1024000xf32, #tpu.memory_space<vmem_shared>>) offsets(%dma_start3A_454 : memref<128xi32, #tpu.memory_space<vmem>>) semaphore(%arg16 : memref<!tpu.dma_semaphore, #tpu.memory_space<semaphore_mem>>) {add = true}
    %dma_start3A_457 = arith.constant 40 : i32
    %dma_start3A_458 = arith.constant 40 : i32
    %dma_start3A_459 = arith.constant 0 : i32
    %dma_start3A_460 = tpu.memref_slice %arg13[%dma_start3A_457, %dma_start3A_459] : memref<50x128xf32, #tpu.memory_space<vmem>> -> memref<1x128xf32, #tpu.memory_space<vmem>>
    %dma_start3A_461 = tpu.memref_squeeze %dma_start3A_460 : memref<1x128xf32, #tpu.memory_space<vmem>> -> memref<128xf32, #tpu.memory_space<vmem>>
    %dma_start3A_462 = arith.constant 0 : i32
    %dma_start3A_463 = tpu.memref_slice %arg12[%dma_start3A_458, %dma_start3A_462] : memref<50x128xi32, #tpu.memory_space<vmem>> -> memref<1x128xi32, #tpu.memory_space<vmem>>
    %dma_start3A_464 = tpu.memref_squeeze %dma_start3A_463 : memref<1x128xi32, #tpu.memory_space<vmem>> -> memref<128xi32, #tpu.memory_space<vmem>>
    %dma_start3A_465 = arith.constant 0 : i32
    %dma_start3A_466 = tpu.memref_slice %arg18[%dma_start3A_465] : memref<1024000xf32, #tpu.memory_space<vmem_shared>> -> memref<1024000xf32, #tpu.memory_space<vmem_shared>>
    tpu.enqueue_indirect_dma source(%dma_start3A_461 : memref<128xf32, #tpu.memory_space<vmem>>) target(%dma_start3A_466 : memref<1024000xf32, #tpu.memory_space<vmem_shared>>) offsets(%dma_start3A_464 : memref<128xi32, #tpu.memory_space<vmem>>) semaphore(%arg16 : memref<!tpu.dma_semaphore, #tpu.memory_space<semaphore_mem>>) {add = true}
    %dma_start3A_467 = arith.constant 41 : i32
    %dma_start3A_468 = arith.constant 41 : i32
    %dma_start3A_469 = arith.constant 0 : i32
    %dma_start3A_470 = tpu.memref_slice %arg13[%dma_start3A_467, %dma_start3A_469] : memref<50x128xf32, #tpu.memory_space<vmem>> -> memref<1x128xf32, #tpu.memory_space<vmem>>
    %dma_start3A_471 = tpu.memref_squeeze %dma_start3A_470 : memref<1x128xf32, #tpu.memory_space<vmem>> -> memref<128xf32, #tpu.memory_space<vmem>>
    %dma_start3A_472 = arith.constant 0 : i32
    %dma_start3A_473 = tpu.memref_slice %arg12[%dma_start3A_468, %dma_start3A_472] : memref<50x128xi32, #tpu.memory_space<vmem>> -> memref<1x128xi32, #tpu.memory_space<vmem>>
    %dma_start3A_474 = tpu.memref_squeeze %dma_start3A_473 : memref<1x128xi32, #tpu.memory_space<vmem>> -> memref<128xi32, #tpu.memory_space<vmem>>
    %dma_start3A_475 = arith.constant 0 : i32
    %dma_start3A_476 = tpu.memref_slice %arg18[%dma_start3A_475] : memref<1024000xf32, #tpu.memory_space<vmem_shared>> -> memref<1024000xf32, #tpu.memory_space<vmem_shared>>
    tpu.enqueue_indirect_dma source(%dma_start3A_471 : memref<128xf32, #tpu.memory_space<vmem>>) target(%dma_start3A_476 : memref<1024000xf32, #tpu.memory_space<vmem_shared>>) offsets(%dma_start3A_474 : memref<128xi32, #tpu.memory_space<vmem>>) semaphore(%arg16 : memref<!tpu.dma_semaphore, #tpu.memory_space<semaphore_mem>>) {add = true}
    %dma_start3A_477 = arith.constant 42 : i32
    %dma_start3A_478 = arith.constant 42 : i32
    %dma_start3A_479 = arith.constant 0 : i32
    %dma_start3A_480 = tpu.memref_slice %arg13[%dma_start3A_477, %dma_start3A_479] : memref<50x128xf32, #tpu.memory_space<vmem>> -> memref<1x128xf32, #tpu.memory_space<vmem>>
    %dma_start3A_481 = tpu.memref_squeeze %dma_start3A_480 : memref<1x128xf32, #tpu.memory_space<vmem>> -> memref<128xf32, #tpu.memory_space<vmem>>
    %dma_start3A_482 = arith.constant 0 : i32
    %dma_start3A_483 = tpu.memref_slice %arg12[%dma_start3A_478, %dma_start3A_482] : memref<50x128xi32, #tpu.memory_space<vmem>> -> memref<1x128xi32, #tpu.memory_space<vmem>>
    %dma_start3A_484 = tpu.memref_squeeze %dma_start3A_483 : memref<1x128xi32, #tpu.memory_space<vmem>> -> memref<128xi32, #tpu.memory_space<vmem>>
    %dma_start3A_485 = arith.constant 0 : i32
    %dma_start3A_486 = tpu.memref_slice %arg18[%dma_start3A_485] : memref<1024000xf32, #tpu.memory_space<vmem_shared>> -> memref<1024000xf32, #tpu.memory_space<vmem_shared>>
    tpu.enqueue_indirect_dma source(%dma_start3A_481 : memref<128xf32, #tpu.memory_space<vmem>>) target(%dma_start3A_486 : memref<1024000xf32, #tpu.memory_space<vmem_shared>>) offsets(%dma_start3A_484 : memref<128xi32, #tpu.memory_space<vmem>>) semaphore(%arg16 : memref<!tpu.dma_semaphore, #tpu.memory_space<semaphore_mem>>) {add = true}
    %dma_start3A_487 = arith.constant 43 : i32
    %dma_start3A_488 = arith.constant 43 : i32
    %dma_start3A_489 = arith.constant 0 : i32
    %dma_start3A_490 = tpu.memref_slice %arg13[%dma_start3A_487, %dma_start3A_489] : memref<50x128xf32, #tpu.memory_space<vmem>> -> memref<1x128xf32, #tpu.memory_space<vmem>>
    %dma_start3A_491 = tpu.memref_squeeze %dma_start3A_490 : memref<1x128xf32, #tpu.memory_space<vmem>> -> memref<128xf32, #tpu.memory_space<vmem>>
    %dma_start3A_492 = arith.constant 0 : i32
    %dma_start3A_493 = tpu.memref_slice %arg12[%dma_start3A_488, %dma_start3A_492] : memref<50x128xi32, #tpu.memory_space<vmem>> -> memref<1x128xi32, #tpu.memory_space<vmem>>
    %dma_start3A_494 = tpu.memref_squeeze %dma_start3A_493 : memref<1x128xi32, #tpu.memory_space<vmem>> -> memref<128xi32, #tpu.memory_space<vmem>>
    %dma_start3A_495 = arith.constant 0 : i32
    %dma_start3A_496 = tpu.memref_slice %arg18[%dma_start3A_495] : memref<1024000xf32, #tpu.memory_space<vmem_shared>> -> memref<1024000xf32, #tpu.memory_space<vmem_shared>>
    tpu.enqueue_indirect_dma source(%dma_start3A_491 : memref<128xf32, #tpu.memory_space<vmem>>) target(%dma_start3A_496 : memref<1024000xf32, #tpu.memory_space<vmem_shared>>) offsets(%dma_start3A_494 : memref<128xi32, #tpu.memory_space<vmem>>) semaphore(%arg16 : memref<!tpu.dma_semaphore, #tpu.memory_space<semaphore_mem>>) {add = true}
    %dma_start3A_497 = arith.constant 44 : i32
    %dma_start3A_498 = arith.constant 44 : i32
    %dma_start3A_499 = arith.constant 0 : i32
    %dma_start3A_500 = tpu.memref_slice %arg13[%dma_start3A_497, %dma_start3A_499] : memref<50x128xf32, #tpu.memory_space<vmem>> -> memref<1x128xf32, #tpu.memory_space<vmem>>
    %dma_start3A_501 = tpu.memref_squeeze %dma_start3A_500 : memref<1x128xf32, #tpu.memory_space<vmem>> -> memref<128xf32, #tpu.memory_space<vmem>>
    %dma_start3A_502 = arith.constant 0 : i32
    %dma_start3A_503 = tpu.memref_slice %arg12[%dma_start3A_498, %dma_start3A_502] : memref<50x128xi32, #tpu.memory_space<vmem>> -> memref<1x128xi32, #tpu.memory_space<vmem>>
    %dma_start3A_504 = tpu.memref_squeeze %dma_start3A_503 : memref<1x128xi32, #tpu.memory_space<vmem>> -> memref<128xi32, #tpu.memory_space<vmem>>
    %dma_start3A_505 = arith.constant 0 : i32
    %dma_start3A_506 = tpu.memref_slice %arg18[%dma_start3A_505] : memref<1024000xf32, #tpu.memory_space<vmem_shared>> -> memref<1024000xf32, #tpu.memory_space<vmem_shared>>
    tpu.enqueue_indirect_dma source(%dma_start3A_501 : memref<128xf32, #tpu.memory_space<vmem>>) target(%dma_start3A_506 : memref<1024000xf32, #tpu.memory_space<vmem_shared>>) offsets(%dma_start3A_504 : memref<128xi32, #tpu.memory_space<vmem>>) semaphore(%arg16 : memref<!tpu.dma_semaphore, #tpu.memory_space<semaphore_mem>>) {add = true}
    %dma_start3A_507 = arith.constant 45 : i32
    %dma_start3A_508 = arith.constant 45 : i32
    %dma_start3A_509 = arith.constant 0 : i32
    %dma_start3A_510 = tpu.memref_slice %arg13[%dma_start3A_507, %dma_start3A_509] : memref<50x128xf32, #tpu.memory_space<vmem>> -> memref<1x128xf32, #tpu.memory_space<vmem>>
    %dma_start3A_511 = tpu.memref_squeeze %dma_start3A_510 : memref<1x128xf32, #tpu.memory_space<vmem>> -> memref<128xf32, #tpu.memory_space<vmem>>
    %dma_start3A_512 = arith.constant 0 : i32
    %dma_start3A_513 = tpu.memref_slice %arg12[%dma_start3A_508, %dma_start3A_512] : memref<50x128xi32, #tpu.memory_space<vmem>> -> memref<1x128xi32, #tpu.memory_space<vmem>>
    %dma_start3A_514 = tpu.memref_squeeze %dma_start3A_513 : memref<1x128xi32, #tpu.memory_space<vmem>> -> memref<128xi32, #tpu.memory_space<vmem>>
    %dma_start3A_515 = arith.constant 0 : i32
    %dma_start3A_516 = tpu.memref_slice %arg18[%dma_start3A_515] : memref<1024000xf32, #tpu.memory_space<vmem_shared>> -> memref<1024000xf32, #tpu.memory_space<vmem_shared>>
    tpu.enqueue_indirect_dma source(%dma_start3A_511 : memref<128xf32, #tpu.memory_space<vmem>>) target(%dma_start3A_516 : memref<1024000xf32, #tpu.memory_space<vmem_shared>>) offsets(%dma_start3A_514 : memref<128xi32, #tpu.memory_space<vmem>>) semaphore(%arg16 : memref<!tpu.dma_semaphore, #tpu.memory_space<semaphore_mem>>) {add = true}
    %dma_start3A_517 = arith.constant 46 : i32
    %dma_start3A_518 = arith.constant 46 : i32
    %dma_start3A_519 = arith.constant 0 : i32
    %dma_start3A_520 = tpu.memref_slice %arg13[%dma_start3A_517, %dma_start3A_519] : memref<50x128xf32, #tpu.memory_space<vmem>> -> memref<1x128xf32, #tpu.memory_space<vmem>>
    %dma_start3A_521 = tpu.memref_squeeze %dma_start3A_520 : memref<1x128xf32, #tpu.memory_space<vmem>> -> memref<128xf32, #tpu.memory_space<vmem>>
    %dma_start3A_522 = arith.constant 0 : i32
    %dma_start3A_523 = tpu.memref_slice %arg12[%dma_start3A_518, %dma_start3A_522] : memref<50x128xi32, #tpu.memory_space<vmem>> -> memref<1x128xi32, #tpu.memory_space<vmem>>
    %dma_start3A_524 = tpu.memref_squeeze %dma_start3A_523 : memref<1x128xi32, #tpu.memory_space<vmem>> -> memref<128xi32, #tpu.memory_space<vmem>>
    %dma_start3A_525 = arith.constant 0 : i32
    %dma_start3A_526 = tpu.memref_slice %arg18[%dma_start3A_525] : memref<1024000xf32, #tpu.memory_space<vmem_shared>> -> memref<1024000xf32, #tpu.memory_space<vmem_shared>>
    tpu.enqueue_indirect_dma source(%dma_start3A_521 : memref<128xf32, #tpu.memory_space<vmem>>) target(%dma_start3A_526 : memref<1024000xf32, #tpu.memory_space<vmem_shared>>) offsets(%dma_start3A_524 : memref<128xi32, #tpu.memory_space<vmem>>) semaphore(%arg16 : memref<!tpu.dma_semaphore, #tpu.memory_space<semaphore_mem>>) {add = true}
    %dma_start3A_527 = arith.constant 47 : i32
    %dma_start3A_528 = arith.constant 47 : i32
    %dma_start3A_529 = arith.constant 0 : i32
    %dma_start3A_530 = tpu.memref_slice %arg13[%dma_start3A_527, %dma_start3A_529] : memref<50x128xf32, #tpu.memory_space<vmem>> -> memref<1x128xf32, #tpu.memory_space<vmem>>
    %dma_start3A_531 = tpu.memref_squeeze %dma_start3A_530 : memref<1x128xf32, #tpu.memory_space<vmem>> -> memref<128xf32, #tpu.memory_space<vmem>>
    %dma_start3A_532 = arith.constant 0 : i32
    %dma_start3A_533 = tpu.memref_slice %arg12[%dma_start3A_528, %dma_start3A_532] : memref<50x128xi32, #tpu.memory_space<vmem>> -> memref<1x128xi32, #tpu.memory_space<vmem>>
    %dma_start3A_534 = tpu.memref_squeeze %dma_start3A_533 : memref<1x128xi32, #tpu.memory_space<vmem>> -> memref<128xi32, #tpu.memory_space<vmem>>
    %dma_start3A_535 = arith.constant 0 : i32
    %dma_start3A_536 = tpu.memref_slice %arg18[%dma_start3A_535] : memref<1024000xf32, #tpu.memory_space<vmem_shared>> -> memref<1024000xf32, #tpu.memory_space<vmem_shared>>
    tpu.enqueue_indirect_dma source(%dma_start3A_531 : memref<128xf32, #tpu.memory_space<vmem>>) target(%dma_start3A_536 : memref<1024000xf32, #tpu.memory_space<vmem_shared>>) offsets(%dma_start3A_534 : memref<128xi32, #tpu.memory_space<vmem>>) semaphore(%arg16 : memref<!tpu.dma_semaphore, #tpu.memory_space<semaphore_mem>>) {add = true}
    %dma_start3A_537 = arith.constant 48 : i32
    %dma_start3A_538 = arith.constant 48 : i32
    %dma_start3A_539 = arith.constant 0 : i32
    %dma_start3A_540 = tpu.memref_slice %arg13[%dma_start3A_537, %dma_start3A_539] : memref<50x128xf32, #tpu.memory_space<vmem>> -> memref<1x128xf32, #tpu.memory_space<vmem>>
    %dma_start3A_541 = tpu.memref_squeeze %dma_start3A_540 : memref<1x128xf32, #tpu.memory_space<vmem>> -> memref<128xf32, #tpu.memory_space<vmem>>
    %dma_start3A_542 = arith.constant 0 : i32
    %dma_start3A_543 = tpu.memref_slice %arg12[%dma_start3A_538, %dma_start3A_542] : memref<50x128xi32, #tpu.memory_space<vmem>> -> memref<1x128xi32, #tpu.memory_space<vmem>>
    %dma_start3A_544 = tpu.memref_squeeze %dma_start3A_543 : memref<1x128xi32, #tpu.memory_space<vmem>> -> memref<128xi32, #tpu.memory_space<vmem>>
    %dma_start3A_545 = arith.constant 0 : i32
    %dma_start3A_546 = tpu.memref_slice %arg18[%dma_start3A_545] : memref<1024000xf32, #tpu.memory_space<vmem_shared>> -> memref<1024000xf32, #tpu.memory_space<vmem_shared>>
    tpu.enqueue_indirect_dma source(%dma_start3A_541 : memref<128xf32, #tpu.memory_space<vmem>>) target(%dma_start3A_546 : memref<1024000xf32, #tpu.memory_space<vmem_shared>>) offsets(%dma_start3A_544 : memref<128xi32, #tpu.memory_space<vmem>>) semaphore(%arg16 : memref<!tpu.dma_semaphore, #tpu.memory_space<semaphore_mem>>) {add = true}
    %dma_start3A_547 = arith.constant 49 : i32
    %dma_start3A_548 = arith.constant 49 : i32
    %dma_start3A_549 = arith.constant 0 : i32
    %dma_start3A_550 = tpu.memref_slice %arg13[%dma_start3A_547, %dma_start3A_549] : memref<50x128xf32, #tpu.memory_space<vmem>> -> memref<1x128xf32, #tpu.memory_space<vmem>>
    %dma_start3A_551 = tpu.memref_squeeze %dma_start3A_550 : memref<1x128xf32, #tpu.memory_space<vmem>> -> memref<128xf32, #tpu.memory_space<vmem>>
    %dma_start3A_552 = arith.constant 0 : i32
    %dma_start3A_553 = tpu.memref_slice %arg12[%dma_start3A_548, %dma_start3A_552] : memref<50x128xi32, #tpu.memory_space<vmem>> -> memref<1x128xi32, #tpu.memory_space<vmem>>
    %dma_start3A_554 = tpu.memref_squeeze %dma_start3A_553 : memref<1x128xi32, #tpu.memory_space<vmem>> -> memref<128xi32, #tpu.memory_space<vmem>>
    %dma_start3A_555 = arith.constant 0 : i32
    %dma_start3A_556 = tpu.memref_slice %arg18[%dma_start3A_555] : memref<1024000xf32, #tpu.memory_space<vmem_shared>> -> memref<1024000xf32, #tpu.memory_space<vmem_shared>>
    tpu.enqueue_indirect_dma source(%dma_start3A_551 : memref<128xf32, #tpu.memory_space<vmem>>) target(%dma_start3A_556 : memref<1024000xf32, #tpu.memory_space<vmem_shared>>) offsets(%dma_start3A_554 : memref<128xi32, #tpu.memory_space<vmem>>) semaphore(%arg16 : memref<!tpu.dma_semaphore, #tpu.memory_space<semaphore_mem>>) {add = true}
    %dma_start3A_557 = arith.constant 0 : i32
    %dma_start3A_558 = arith.constant 0 : i32
    %dma_start3A_559 = arith.constant 0 : i32
    %dma_start3A_560 = tpu.memref_slice %arg14[%dma_start3A_557, %dma_start3A_559] : memref<50x128xf32, #tpu.memory_space<vmem>> -> memref<1x128xf32, #tpu.memory_space<vmem>>
    %dma_start3A_561 = tpu.memref_squeeze %dma_start3A_560 : memref<1x128xf32, #tpu.memory_space<vmem>> -> memref<128xf32, #tpu.memory_space<vmem>>
    %dma_start3A_562 = arith.constant 0 : i32
    %dma_start3A_563 = tpu.memref_slice %arg9[%dma_start3A_558, %dma_start3A_562] : memref<50x128xi32, #tpu.memory_space<vmem>> -> memref<1x128xi32, #tpu.memory_space<vmem>>
    %dma_start3A_564 = tpu.memref_squeeze %dma_start3A_563 : memref<1x128xi32, #tpu.memory_space<vmem>> -> memref<128xi32, #tpu.memory_space<vmem>>
    %dma_start3A_565 = arith.constant 0 : i32
    %dma_start3A_566 = tpu.memref_slice %arg19[%dma_start3A_565] : memref<1024xf32, #tpu.memory_space<vmem_shared>> -> memref<1024xf32, #tpu.memory_space<vmem_shared>>
    tpu.enqueue_indirect_dma source(%dma_start3A_561 : memref<128xf32, #tpu.memory_space<vmem>>) target(%dma_start3A_566 : memref<1024xf32, #tpu.memory_space<vmem_shared>>) offsets(%dma_start3A_564 : memref<128xi32, #tpu.memory_space<vmem>>) semaphore(%arg17 : memref<!tpu.dma_semaphore, #tpu.memory_space<semaphore_mem>>) {add = true}
    %dma_start3A_567 = arith.constant 1 : i32
    %dma_start3A_568 = arith.constant 1 : i32
    %dma_start3A_569 = arith.constant 0 : i32
    %dma_start3A_570 = tpu.memref_slice %arg14[%dma_start3A_567, %dma_start3A_569] : memref<50x128xf32, #tpu.memory_space<vmem>> -> memref<1x128xf32, #tpu.memory_space<vmem>>
    %dma_start3A_571 = tpu.memref_squeeze %dma_start3A_570 : memref<1x128xf32, #tpu.memory_space<vmem>> -> memref<128xf32, #tpu.memory_space<vmem>>
    %dma_start3A_572 = arith.constant 0 : i32
    %dma_start3A_573 = tpu.memref_slice %arg9[%dma_start3A_568, %dma_start3A_572] : memref<50x128xi32, #tpu.memory_space<vmem>> -> memref<1x128xi32, #tpu.memory_space<vmem>>
    %dma_start3A_574 = tpu.memref_squeeze %dma_start3A_573 : memref<1x128xi32, #tpu.memory_space<vmem>> -> memref<128xi32, #tpu.memory_space<vmem>>
    %dma_start3A_575 = arith.constant 0 : i32
    %dma_start3A_576 = tpu.memref_slice %arg19[%dma_start3A_575] : memref<1024xf32, #tpu.memory_space<vmem_shared>> -> memref<1024xf32, #tpu.memory_space<vmem_shared>>
    tpu.enqueue_indirect_dma source(%dma_start3A_571 : memref<128xf32, #tpu.memory_space<vmem>>) target(%dma_start3A_576 : memref<1024xf32, #tpu.memory_space<vmem_shared>>) offsets(%dma_start3A_574 : memref<128xi32, #tpu.memory_space<vmem>>) semaphore(%arg17 : memref<!tpu.dma_semaphore, #tpu.memory_space<semaphore_mem>>) {add = true}
    %dma_start3A_577 = arith.constant 2 : i32
    %dma_start3A_578 = arith.constant 2 : i32
    %dma_start3A_579 = arith.constant 0 : i32
    %dma_start3A_580 = tpu.memref_slice %arg14[%dma_start3A_577, %dma_start3A_579] : memref<50x128xf32, #tpu.memory_space<vmem>> -> memref<1x128xf32, #tpu.memory_space<vmem>>
    %dma_start3A_581 = tpu.memref_squeeze %dma_start3A_580 : memref<1x128xf32, #tpu.memory_space<vmem>> -> memref<128xf32, #tpu.memory_space<vmem>>
    %dma_start3A_582 = arith.constant 0 : i32
    %dma_start3A_583 = tpu.memref_slice %arg9[%dma_start3A_578, %dma_start3A_582] : memref<50x128xi32, #tpu.memory_space<vmem>> -> memref<1x128xi32, #tpu.memory_space<vmem>>
    %dma_start3A_584 = tpu.memref_squeeze %dma_start3A_583 : memref<1x128xi32, #tpu.memory_space<vmem>> -> memref<128xi32, #tpu.memory_space<vmem>>
    %dma_start3A_585 = arith.constant 0 : i32
    %dma_start3A_586 = tpu.memref_slice %arg19[%dma_start3A_585] : memref<1024xf32, #tpu.memory_space<vmem_shared>> -> memref<1024xf32, #tpu.memory_space<vmem_shared>>
    tpu.enqueue_indirect_dma source(%dma_start3A_581 : memref<128xf32, #tpu.memory_space<vmem>>) target(%dma_start3A_586 : memref<1024xf32, #tpu.memory_space<vmem_shared>>) offsets(%dma_start3A_584 : memref<128xi32, #tpu.memory_space<vmem>>) semaphore(%arg17 : memref<!tpu.dma_semaphore, #tpu.memory_space<semaphore_mem>>) {add = true}
    %dma_start3A_587 = arith.constant 3 : i32
    %dma_start3A_588 = arith.constant 3 : i32
    %dma_start3A_589 = arith.constant 0 : i32
    %dma_start3A_590 = tpu.memref_slice %arg14[%dma_start3A_587, %dma_start3A_589] : memref<50x128xf32, #tpu.memory_space<vmem>> -> memref<1x128xf32, #tpu.memory_space<vmem>>
    %dma_start3A_591 = tpu.memref_squeeze %dma_start3A_590 : memref<1x128xf32, #tpu.memory_space<vmem>> -> memref<128xf32, #tpu.memory_space<vmem>>
    %dma_start3A_592 = arith.constant 0 : i32
    %dma_start3A_593 = tpu.memref_slice %arg9[%dma_start3A_588, %dma_start3A_592] : memref<50x128xi32, #tpu.memory_space<vmem>> -> memref<1x128xi32, #tpu.memory_space<vmem>>
    %dma_start3A_594 = tpu.memref_squeeze %dma_start3A_593 : memref<1x128xi32, #tpu.memory_space<vmem>> -> memref<128xi32, #tpu.memory_space<vmem>>
    %dma_start3A_595 = arith.constant 0 : i32
    %dma_start3A_596 = tpu.memref_slice %arg19[%dma_start3A_595] : memref<1024xf32, #tpu.memory_space<vmem_shared>> -> memref<1024xf32, #tpu.memory_space<vmem_shared>>
    tpu.enqueue_indirect_dma source(%dma_start3A_591 : memref<128xf32, #tpu.memory_space<vmem>>) target(%dma_start3A_596 : memref<1024xf32, #tpu.memory_space<vmem_shared>>) offsets(%dma_start3A_594 : memref<128xi32, #tpu.memory_space<vmem>>) semaphore(%arg17 : memref<!tpu.dma_semaphore, #tpu.memory_space<semaphore_mem>>) {add = true}
    %dma_start3A_597 = arith.constant 4 : i32
    %dma_start3A_598 = arith.constant 4 : i32
    %dma_start3A_599 = arith.constant 0 : i32
    %dma_start3A_600 = tpu.memref_slice %arg14[%dma_start3A_597, %dma_start3A_599] : memref<50x128xf32, #tpu.memory_space<vmem>> -> memref<1x128xf32, #tpu.memory_space<vmem>>
    %dma_start3A_601 = tpu.memref_squeeze %dma_start3A_600 : memref<1x128xf32, #tpu.memory_space<vmem>> -> memref<128xf32, #tpu.memory_space<vmem>>
    %dma_start3A_602 = arith.constant 0 : i32
    %dma_start3A_603 = tpu.memref_slice %arg9[%dma_start3A_598, %dma_start3A_602] : memref<50x128xi32, #tpu.memory_space<vmem>> -> memref<1x128xi32, #tpu.memory_space<vmem>>
    %dma_start3A_604 = tpu.memref_squeeze %dma_start3A_603 : memref<1x128xi32, #tpu.memory_space<vmem>> -> memref<128xi32, #tpu.memory_space<vmem>>
    %dma_start3A_605 = arith.constant 0 : i32
    %dma_start3A_606 = tpu.memref_slice %arg19[%dma_start3A_605] : memref<1024xf32, #tpu.memory_space<vmem_shared>> -> memref<1024xf32, #tpu.memory_space<vmem_shared>>
    tpu.enqueue_indirect_dma source(%dma_start3A_601 : memref<128xf32, #tpu.memory_space<vmem>>) target(%dma_start3A_606 : memref<1024xf32, #tpu.memory_space<vmem_shared>>) offsets(%dma_start3A_604 : memref<128xi32, #tpu.memory_space<vmem>>) semaphore(%arg17 : memref<!tpu.dma_semaphore, #tpu.memory_space<semaphore_mem>>) {add = true}
    %dma_start3A_607 = arith.constant 5 : i32
    %dma_start3A_608 = arith.constant 5 : i32
    %dma_start3A_609 = arith.constant 0 : i32
    %dma_start3A_610 = tpu.memref_slice %arg14[%dma_start3A_607, %dma_start3A_609] : memref<50x128xf32, #tpu.memory_space<vmem>> -> memref<1x128xf32, #tpu.memory_space<vmem>>
    %dma_start3A_611 = tpu.memref_squeeze %dma_start3A_610 : memref<1x128xf32, #tpu.memory_space<vmem>> -> memref<128xf32, #tpu.memory_space<vmem>>
    %dma_start3A_612 = arith.constant 0 : i32
    %dma_start3A_613 = tpu.memref_slice %arg9[%dma_start3A_608, %dma_start3A_612] : memref<50x128xi32, #tpu.memory_space<vmem>> -> memref<1x128xi32, #tpu.memory_space<vmem>>
    %dma_start3A_614 = tpu.memref_squeeze %dma_start3A_613 : memref<1x128xi32, #tpu.memory_space<vmem>> -> memref<128xi32, #tpu.memory_space<vmem>>
    %dma_start3A_615 = arith.constant 0 : i32
    %dma_start3A_616 = tpu.memref_slice %arg19[%dma_start3A_615] : memref<1024xf32, #tpu.memory_space<vmem_shared>> -> memref<1024xf32, #tpu.memory_space<vmem_shared>>
    tpu.enqueue_indirect_dma source(%dma_start3A_611 : memref<128xf32, #tpu.memory_space<vmem>>) target(%dma_start3A_616 : memref<1024xf32, #tpu.memory_space<vmem_shared>>) offsets(%dma_start3A_614 : memref<128xi32, #tpu.memory_space<vmem>>) semaphore(%arg17 : memref<!tpu.dma_semaphore, #tpu.memory_space<semaphore_mem>>) {add = true}
    %dma_start3A_617 = arith.constant 6 : i32
    %dma_start3A_618 = arith.constant 6 : i32
    %dma_start3A_619 = arith.constant 0 : i32
    %dma_start3A_620 = tpu.memref_slice %arg14[%dma_start3A_617, %dma_start3A_619] : memref<50x128xf32, #tpu.memory_space<vmem>> -> memref<1x128xf32, #tpu.memory_space<vmem>>
    %dma_start3A_621 = tpu.memref_squeeze %dma_start3A_620 : memref<1x128xf32, #tpu.memory_space<vmem>> -> memref<128xf32, #tpu.memory_space<vmem>>
    %dma_start3A_622 = arith.constant 0 : i32
    %dma_start3A_623 = tpu.memref_slice %arg9[%dma_start3A_618, %dma_start3A_622] : memref<50x128xi32, #tpu.memory_space<vmem>> -> memref<1x128xi32, #tpu.memory_space<vmem>>
    %dma_start3A_624 = tpu.memref_squeeze %dma_start3A_623 : memref<1x128xi32, #tpu.memory_space<vmem>> -> memref<128xi32, #tpu.memory_space<vmem>>
    %dma_start3A_625 = arith.constant 0 : i32
    %dma_start3A_626 = tpu.memref_slice %arg19[%dma_start3A_625] : memref<1024xf32, #tpu.memory_space<vmem_shared>> -> memref<1024xf32, #tpu.memory_space<vmem_shared>>
    tpu.enqueue_indirect_dma source(%dma_start3A_621 : memref<128xf32, #tpu.memory_space<vmem>>) target(%dma_start3A_626 : memref<1024xf32, #tpu.memory_space<vmem_shared>>) offsets(%dma_start3A_624 : memref<128xi32, #tpu.memory_space<vmem>>) semaphore(%arg17 : memref<!tpu.dma_semaphore, #tpu.memory_space<semaphore_mem>>) {add = true}
    %dma_start3A_627 = arith.constant 7 : i32
    %dma_start3A_628 = arith.constant 7 : i32
    %dma_start3A_629 = arith.constant 0 : i32
    %dma_start3A_630 = tpu.memref_slice %arg14[%dma_start3A_627, %dma_start3A_629] : memref<50x128xf32, #tpu.memory_space<vmem>> -> memref<1x128xf32, #tpu.memory_space<vmem>>
    %dma_start3A_631 = tpu.memref_squeeze %dma_start3A_630 : memref<1x128xf32, #tpu.memory_space<vmem>> -> memref<128xf32, #tpu.memory_space<vmem>>
    %dma_start3A_632 = arith.constant 0 : i32
    %dma_start3A_633 = tpu.memref_slice %arg9[%dma_start3A_628, %dma_start3A_632] : memref<50x128xi32, #tpu.memory_space<vmem>> -> memref<1x128xi32, #tpu.memory_space<vmem>>
    %dma_start3A_634 = tpu.memref_squeeze %dma_start3A_633 : memref<1x128xi32, #tpu.memory_space<vmem>> -> memref<128xi32, #tpu.memory_space<vmem>>
    %dma_start3A_635 = arith.constant 0 : i32
    %dma_start3A_636 = tpu.memref_slice %arg19[%dma_start3A_635] : memref<1024xf32, #tpu.memory_space<vmem_shared>> -> memref<1024xf32, #tpu.memory_space<vmem_shared>>
    tpu.enqueue_indirect_dma source(%dma_start3A_631 : memref<128xf32, #tpu.memory_space<vmem>>) target(%dma_start3A_636 : memref<1024xf32, #tpu.memory_space<vmem_shared>>) offsets(%dma_start3A_634 : memref<128xi32, #tpu.memory_space<vmem>>) semaphore(%arg17 : memref<!tpu.dma_semaphore, #tpu.memory_space<semaphore_mem>>) {add = true}
    %dma_start3A_637 = arith.constant 8 : i32
    %dma_start3A_638 = arith.constant 8 : i32
    %dma_start3A_639 = arith.constant 0 : i32
    %dma_start3A_640 = tpu.memref_slice %arg14[%dma_start3A_637, %dma_start3A_639] : memref<50x128xf32, #tpu.memory_space<vmem>> -> memref<1x128xf32, #tpu.memory_space<vmem>>
    %dma_start3A_641 = tpu.memref_squeeze %dma_start3A_640 : memref<1x128xf32, #tpu.memory_space<vmem>> -> memref<128xf32, #tpu.memory_space<vmem>>
    %dma_start3A_642 = arith.constant 0 : i32
    %dma_start3A_643 = tpu.memref_slice %arg9[%dma_start3A_638, %dma_start3A_642] : memref<50x128xi32, #tpu.memory_space<vmem>> -> memref<1x128xi32, #tpu.memory_space<vmem>>
    %dma_start3A_644 = tpu.memref_squeeze %dma_start3A_643 : memref<1x128xi32, #tpu.memory_space<vmem>> -> memref<128xi32, #tpu.memory_space<vmem>>
    %dma_start3A_645 = arith.constant 0 : i32
    %dma_start3A_646 = tpu.memref_slice %arg19[%dma_start3A_645] : memref<1024xf32, #tpu.memory_space<vmem_shared>> -> memref<1024xf32, #tpu.memory_space<vmem_shared>>
    tpu.enqueue_indirect_dma source(%dma_start3A_641 : memref<128xf32, #tpu.memory_space<vmem>>) target(%dma_start3A_646 : memref<1024xf32, #tpu.memory_space<vmem_shared>>) offsets(%dma_start3A_644 : memref<128xi32, #tpu.memory_space<vmem>>) semaphore(%arg17 : memref<!tpu.dma_semaphore, #tpu.memory_space<semaphore_mem>>) {add = true}
    %dma_start3A_647 = arith.constant 9 : i32
    %dma_start3A_648 = arith.constant 9 : i32
    %dma_start3A_649 = arith.constant 0 : i32
    %dma_start3A_650 = tpu.memref_slice %arg14[%dma_start3A_647, %dma_start3A_649] : memref<50x128xf32, #tpu.memory_space<vmem>> -> memref<1x128xf32, #tpu.memory_space<vmem>>
    %dma_start3A_651 = tpu.memref_squeeze %dma_start3A_650 : memref<1x128xf32, #tpu.memory_space<vmem>> -> memref<128xf32, #tpu.memory_space<vmem>>
    %dma_start3A_652 = arith.constant 0 : i32
    %dma_start3A_653 = tpu.memref_slice %arg9[%dma_start3A_648, %dma_start3A_652] : memref<50x128xi32, #tpu.memory_space<vmem>> -> memref<1x128xi32, #tpu.memory_space<vmem>>
    %dma_start3A_654 = tpu.memref_squeeze %dma_start3A_653 : memref<1x128xi32, #tpu.memory_space<vmem>> -> memref<128xi32, #tpu.memory_space<vmem>>
    %dma_start3A_655 = arith.constant 0 : i32
    %dma_start3A_656 = tpu.memref_slice %arg19[%dma_start3A_655] : memref<1024xf32, #tpu.memory_space<vmem_shared>> -> memref<1024xf32, #tpu.memory_space<vmem_shared>>
    tpu.enqueue_indirect_dma source(%dma_start3A_651 : memref<128xf32, #tpu.memory_space<vmem>>) target(%dma_start3A_656 : memref<1024xf32, #tpu.memory_space<vmem_shared>>) offsets(%dma_start3A_654 : memref<128xi32, #tpu.memory_space<vmem>>) semaphore(%arg17 : memref<!tpu.dma_semaphore, #tpu.memory_space<semaphore_mem>>) {add = true}
    %dma_start3A_657 = arith.constant 10 : i32
    %dma_start3A_658 = arith.constant 10 : i32
    %dma_start3A_659 = arith.constant 0 : i32
    %dma_start3A_660 = tpu.memref_slice %arg14[%dma_start3A_657, %dma_start3A_659] : memref<50x128xf32, #tpu.memory_space<vmem>> -> memref<1x128xf32, #tpu.memory_space<vmem>>
    %dma_start3A_661 = tpu.memref_squeeze %dma_start3A_660 : memref<1x128xf32, #tpu.memory_space<vmem>> -> memref<128xf32, #tpu.memory_space<vmem>>
    %dma_start3A_662 = arith.constant 0 : i32
    %dma_start3A_663 = tpu.memref_slice %arg9[%dma_start3A_658, %dma_start3A_662] : memref<50x128xi32, #tpu.memory_space<vmem>> -> memref<1x128xi32, #tpu.memory_space<vmem>>
    %dma_start3A_664 = tpu.memref_squeeze %dma_start3A_663 : memref<1x128xi32, #tpu.memory_space<vmem>> -> memref<128xi32, #tpu.memory_space<vmem>>
    %dma_start3A_665 = arith.constant 0 : i32
    %dma_start3A_666 = tpu.memref_slice %arg19[%dma_start3A_665] : memref<1024xf32, #tpu.memory_space<vmem_shared>> -> memref<1024xf32, #tpu.memory_space<vmem_shared>>
    tpu.enqueue_indirect_dma source(%dma_start3A_661 : memref<128xf32, #tpu.memory_space<vmem>>) target(%dma_start3A_666 : memref<1024xf32, #tpu.memory_space<vmem_shared>>) offsets(%dma_start3A_664 : memref<128xi32, #tpu.memory_space<vmem>>) semaphore(%arg17 : memref<!tpu.dma_semaphore, #tpu.memory_space<semaphore_mem>>) {add = true}
    %dma_start3A_667 = arith.constant 11 : i32
    %dma_start3A_668 = arith.constant 11 : i32
    %dma_start3A_669 = arith.constant 0 : i32
    %dma_start3A_670 = tpu.memref_slice %arg14[%dma_start3A_667, %dma_start3A_669] : memref<50x128xf32, #tpu.memory_space<vmem>> -> memref<1x128xf32, #tpu.memory_space<vmem>>
    %dma_start3A_671 = tpu.memref_squeeze %dma_start3A_670 : memref<1x128xf32, #tpu.memory_space<vmem>> -> memref<128xf32, #tpu.memory_space<vmem>>
    %dma_start3A_672 = arith.constant 0 : i32
    %dma_start3A_673 = tpu.memref_slice %arg9[%dma_start3A_668, %dma_start3A_672] : memref<50x128xi32, #tpu.memory_space<vmem>> -> memref<1x128xi32, #tpu.memory_space<vmem>>
    %dma_start3A_674 = tpu.memref_squeeze %dma_start3A_673 : memref<1x128xi32, #tpu.memory_space<vmem>> -> memref<128xi32, #tpu.memory_space<vmem>>
    %dma_start3A_675 = arith.constant 0 : i32
    %dma_start3A_676 = tpu.memref_slice %arg19[%dma_start3A_675] : memref<1024xf32, #tpu.memory_space<vmem_shared>> -> memref<1024xf32, #tpu.memory_space<vmem_shared>>
    tpu.enqueue_indirect_dma source(%dma_start3A_671 : memref<128xf32, #tpu.memory_space<vmem>>) target(%dma_start3A_676 : memref<1024xf32, #tpu.memory_space<vmem_shared>>) offsets(%dma_start3A_674 : memref<128xi32, #tpu.memory_space<vmem>>) semaphore(%arg17 : memref<!tpu.dma_semaphore, #tpu.memory_space<semaphore_mem>>) {add = true}
    %dma_start3A_677 = arith.constant 12 : i32
    %dma_start3A_678 = arith.constant 12 : i32
    %dma_start3A_679 = arith.constant 0 : i32
    %dma_start3A_680 = tpu.memref_slice %arg14[%dma_start3A_677, %dma_start3A_679] : memref<50x128xf32, #tpu.memory_space<vmem>> -> memref<1x128xf32, #tpu.memory_space<vmem>>
    %dma_start3A_681 = tpu.memref_squeeze %dma_start3A_680 : memref<1x128xf32, #tpu.memory_space<vmem>> -> memref<128xf32, #tpu.memory_space<vmem>>
    %dma_start3A_682 = arith.constant 0 : i32
    %dma_start3A_683 = tpu.memref_slice %arg9[%dma_start3A_678, %dma_start3A_682] : memref<50x128xi32, #tpu.memory_space<vmem>> -> memref<1x128xi32, #tpu.memory_space<vmem>>
    %dma_start3A_684 = tpu.memref_squeeze %dma_start3A_683 : memref<1x128xi32, #tpu.memory_space<vmem>> -> memref<128xi32, #tpu.memory_space<vmem>>
    %dma_start3A_685 = arith.constant 0 : i32
    %dma_start3A_686 = tpu.memref_slice %arg19[%dma_start3A_685] : memref<1024xf32, #tpu.memory_space<vmem_shared>> -> memref<1024xf32, #tpu.memory_space<vmem_shared>>
    tpu.enqueue_indirect_dma source(%dma_start3A_681 : memref<128xf32, #tpu.memory_space<vmem>>) target(%dma_start3A_686 : memref<1024xf32, #tpu.memory_space<vmem_shared>>) offsets(%dma_start3A_684 : memref<128xi32, #tpu.memory_space<vmem>>) semaphore(%arg17 : memref<!tpu.dma_semaphore, #tpu.memory_space<semaphore_mem>>) {add = true}
    %dma_start3A_687 = arith.constant 13 : i32
    %dma_start3A_688 = arith.constant 13 : i32
    %dma_start3A_689 = arith.constant 0 : i32
    %dma_start3A_690 = tpu.memref_slice %arg14[%dma_start3A_687, %dma_start3A_689] : memref<50x128xf32, #tpu.memory_space<vmem>> -> memref<1x128xf32, #tpu.memory_space<vmem>>
    %dma_start3A_691 = tpu.memref_squeeze %dma_start3A_690 : memref<1x128xf32, #tpu.memory_space<vmem>> -> memref<128xf32, #tpu.memory_space<vmem>>
    %dma_start3A_692 = arith.constant 0 : i32
    %dma_start3A_693 = tpu.memref_slice %arg9[%dma_start3A_688, %dma_start3A_692] : memref<50x128xi32, #tpu.memory_space<vmem>> -> memref<1x128xi32, #tpu.memory_space<vmem>>
    %dma_start3A_694 = tpu.memref_squeeze %dma_start3A_693 : memref<1x128xi32, #tpu.memory_space<vmem>> -> memref<128xi32, #tpu.memory_space<vmem>>
    %dma_start3A_695 = arith.constant 0 : i32
    %dma_start3A_696 = tpu.memref_slice %arg19[%dma_start3A_695] : memref<1024xf32, #tpu.memory_space<vmem_shared>> -> memref<1024xf32, #tpu.memory_space<vmem_shared>>
    tpu.enqueue_indirect_dma source(%dma_start3A_691 : memref<128xf32, #tpu.memory_space<vmem>>) target(%dma_start3A_696 : memref<1024xf32, #tpu.memory_space<vmem_shared>>) offsets(%dma_start3A_694 : memref<128xi32, #tpu.memory_space<vmem>>) semaphore(%arg17 : memref<!tpu.dma_semaphore, #tpu.memory_space<semaphore_mem>>) {add = true}
    %dma_start3A_697 = arith.constant 14 : i32
    %dma_start3A_698 = arith.constant 14 : i32
    %dma_start3A_699 = arith.constant 0 : i32
    %dma_start3A_700 = tpu.memref_slice %arg14[%dma_start3A_697, %dma_start3A_699] : memref<50x128xf32, #tpu.memory_space<vmem>> -> memref<1x128xf32, #tpu.memory_space<vmem>>
    %dma_start3A_701 = tpu.memref_squeeze %dma_start3A_700 : memref<1x128xf32, #tpu.memory_space<vmem>> -> memref<128xf32, #tpu.memory_space<vmem>>
    %dma_start3A_702 = arith.constant 0 : i32
    %dma_start3A_703 = tpu.memref_slice %arg9[%dma_start3A_698, %dma_start3A_702] : memref<50x128xi32, #tpu.memory_space<vmem>> -> memref<1x128xi32, #tpu.memory_space<vmem>>
    %dma_start3A_704 = tpu.memref_squeeze %dma_start3A_703 : memref<1x128xi32, #tpu.memory_space<vmem>> -> memref<128xi32, #tpu.memory_space<vmem>>
    %dma_start3A_705 = arith.constant 0 : i32
    %dma_start3A_706 = tpu.memref_slice %arg19[%dma_start3A_705] : memref<1024xf32, #tpu.memory_space<vmem_shared>> -> memref<1024xf32, #tpu.memory_space<vmem_shared>>
    tpu.enqueue_indirect_dma source(%dma_start3A_701 : memref<128xf32, #tpu.memory_space<vmem>>) target(%dma_start3A_706 : memref<1024xf32, #tpu.memory_space<vmem_shared>>) offsets(%dma_start3A_704 : memref<128xi32, #tpu.memory_space<vmem>>) semaphore(%arg17 : memref<!tpu.dma_semaphore, #tpu.memory_space<semaphore_mem>>) {add = true}
    %dma_start3A_707 = arith.constant 15 : i32
    %dma_start3A_708 = arith.constant 15 : i32
    %dma_start3A_709 = arith.constant 0 : i32
    %dma_start3A_710 = tpu.memref_slice %arg14[%dma_start3A_707, %dma_start3A_709] : memref<50x128xf32, #tpu.memory_space<vmem>> -> memref<1x128xf32, #tpu.memory_space<vmem>>
    %dma_start3A_711 = tpu.memref_squeeze %dma_start3A_710 : memref<1x128xf32, #tpu.memory_space<vmem>> -> memref<128xf32, #tpu.memory_space<vmem>>
    %dma_start3A_712 = arith.constant 0 : i32
    %dma_start3A_713 = tpu.memref_slice %arg9[%dma_start3A_708, %dma_start3A_712] : memref<50x128xi32, #tpu.memory_space<vmem>> -> memref<1x128xi32, #tpu.memory_space<vmem>>
    %dma_start3A_714 = tpu.memref_squeeze %dma_start3A_713 : memref<1x128xi32, #tpu.memory_space<vmem>> -> memref<128xi32, #tpu.memory_space<vmem>>
    %dma_start3A_715 = arith.constant 0 : i32
    %dma_start3A_716 = tpu.memref_slice %arg19[%dma_start3A_715] : memref<1024xf32, #tpu.memory_space<vmem_shared>> -> memref<1024xf32, #tpu.memory_space<vmem_shared>>
    tpu.enqueue_indirect_dma source(%dma_start3A_711 : memref<128xf32, #tpu.memory_space<vmem>>) target(%dma_start3A_716 : memref<1024xf32, #tpu.memory_space<vmem_shared>>) offsets(%dma_start3A_714 : memref<128xi32, #tpu.memory_space<vmem>>) semaphore(%arg17 : memref<!tpu.dma_semaphore, #tpu.memory_space<semaphore_mem>>) {add = true}
    %dma_start3A_717 = arith.constant 16 : i32
    %dma_start3A_718 = arith.constant 16 : i32
    %dma_start3A_719 = arith.constant 0 : i32
    %dma_start3A_720 = tpu.memref_slice %arg14[%dma_start3A_717, %dma_start3A_719] : memref<50x128xf32, #tpu.memory_space<vmem>> -> memref<1x128xf32, #tpu.memory_space<vmem>>
    %dma_start3A_721 = tpu.memref_squeeze %dma_start3A_720 : memref<1x128xf32, #tpu.memory_space<vmem>> -> memref<128xf32, #tpu.memory_space<vmem>>
    %dma_start3A_722 = arith.constant 0 : i32
    %dma_start3A_723 = tpu.memref_slice %arg9[%dma_start3A_718, %dma_start3A_722] : memref<50x128xi32, #tpu.memory_space<vmem>> -> memref<1x128xi32, #tpu.memory_space<vmem>>
    %dma_start3A_724 = tpu.memref_squeeze %dma_start3A_723 : memref<1x128xi32, #tpu.memory_space<vmem>> -> memref<128xi32, #tpu.memory_space<vmem>>
    %dma_start3A_725 = arith.constant 0 : i32
    %dma_start3A_726 = tpu.memref_slice %arg19[%dma_start3A_725] : memref<1024xf32, #tpu.memory_space<vmem_shared>> -> memref<1024xf32, #tpu.memory_space<vmem_shared>>
    tpu.enqueue_indirect_dma source(%dma_start3A_721 : memref<128xf32, #tpu.memory_space<vmem>>) target(%dma_start3A_726 : memref<1024xf32, #tpu.memory_space<vmem_shared>>) offsets(%dma_start3A_724 : memref<128xi32, #tpu.memory_space<vmem>>) semaphore(%arg17 : memref<!tpu.dma_semaphore, #tpu.memory_space<semaphore_mem>>) {add = true}
    %dma_start3A_727 = arith.constant 17 : i32
    %dma_start3A_728 = arith.constant 17 : i32
    %dma_start3A_729 = arith.constant 0 : i32
    %dma_start3A_730 = tpu.memref_slice %arg14[%dma_start3A_727, %dma_start3A_729] : memref<50x128xf32, #tpu.memory_space<vmem>> -> memref<1x128xf32, #tpu.memory_space<vmem>>
    %dma_start3A_731 = tpu.memref_squeeze %dma_start3A_730 : memref<1x128xf32, #tpu.memory_space<vmem>> -> memref<128xf32, #tpu.memory_space<vmem>>
    %dma_start3A_732 = arith.constant 0 : i32
    %dma_start3A_733 = tpu.memref_slice %arg9[%dma_start3A_728, %dma_start3A_732] : memref<50x128xi32, #tpu.memory_space<vmem>> -> memref<1x128xi32, #tpu.memory_space<vmem>>
    %dma_start3A_734 = tpu.memref_squeeze %dma_start3A_733 : memref<1x128xi32, #tpu.memory_space<vmem>> -> memref<128xi32, #tpu.memory_space<vmem>>
    %dma_start3A_735 = arith.constant 0 : i32
    %dma_start3A_736 = tpu.memref_slice %arg19[%dma_start3A_735] : memref<1024xf32, #tpu.memory_space<vmem_shared>> -> memref<1024xf32, #tpu.memory_space<vmem_shared>>
    tpu.enqueue_indirect_dma source(%dma_start3A_731 : memref<128xf32, #tpu.memory_space<vmem>>) target(%dma_start3A_736 : memref<1024xf32, #tpu.memory_space<vmem_shared>>) offsets(%dma_start3A_734 : memref<128xi32, #tpu.memory_space<vmem>>) semaphore(%arg17 : memref<!tpu.dma_semaphore, #tpu.memory_space<semaphore_mem>>) {add = true}
    %dma_start3A_737 = arith.constant 18 : i32
    %dma_start3A_738 = arith.constant 18 : i32
    %dma_start3A_739 = arith.constant 0 : i32
    %dma_start3A_740 = tpu.memref_slice %arg14[%dma_start3A_737, %dma_start3A_739] : memref<50x128xf32, #tpu.memory_space<vmem>> -> memref<1x128xf32, #tpu.memory_space<vmem>>
    %dma_start3A_741 = tpu.memref_squeeze %dma_start3A_740 : memref<1x128xf32, #tpu.memory_space<vmem>> -> memref<128xf32, #tpu.memory_space<vmem>>
    %dma_start3A_742 = arith.constant 0 : i32
    %dma_start3A_743 = tpu.memref_slice %arg9[%dma_start3A_738, %dma_start3A_742] : memref<50x128xi32, #tpu.memory_space<vmem>> -> memref<1x128xi32, #tpu.memory_space<vmem>>
    %dma_start3A_744 = tpu.memref_squeeze %dma_start3A_743 : memref<1x128xi32, #tpu.memory_space<vmem>> -> memref<128xi32, #tpu.memory_space<vmem>>
    %dma_start3A_745 = arith.constant 0 : i32
    %dma_start3A_746 = tpu.memref_slice %arg19[%dma_start3A_745] : memref<1024xf32, #tpu.memory_space<vmem_shared>> -> memref<1024xf32, #tpu.memory_space<vmem_shared>>
    tpu.enqueue_indirect_dma source(%dma_start3A_741 : memref<128xf32, #tpu.memory_space<vmem>>) target(%dma_start3A_746 : memref<1024xf32, #tpu.memory_space<vmem_shared>>) offsets(%dma_start3A_744 : memref<128xi32, #tpu.memory_space<vmem>>) semaphore(%arg17 : memref<!tpu.dma_semaphore, #tpu.memory_space<semaphore_mem>>) {add = true}
    %dma_start3A_747 = arith.constant 19 : i32
    %dma_start3A_748 = arith.constant 19 : i32
    %dma_start3A_749 = arith.constant 0 : i32
    %dma_start3A_750 = tpu.memref_slice %arg14[%dma_start3A_747, %dma_start3A_749] : memref<50x128xf32, #tpu.memory_space<vmem>> -> memref<1x128xf32, #tpu.memory_space<vmem>>
    %dma_start3A_751 = tpu.memref_squeeze %dma_start3A_750 : memref<1x128xf32, #tpu.memory_space<vmem>> -> memref<128xf32, #tpu.memory_space<vmem>>
    %dma_start3A_752 = arith.constant 0 : i32
    %dma_start3A_753 = tpu.memref_slice %arg9[%dma_start3A_748, %dma_start3A_752] : memref<50x128xi32, #tpu.memory_space<vmem>> -> memref<1x128xi32, #tpu.memory_space<vmem>>
    %dma_start3A_754 = tpu.memref_squeeze %dma_start3A_753 : memref<1x128xi32, #tpu.memory_space<vmem>> -> memref<128xi32, #tpu.memory_space<vmem>>
    %dma_start3A_755 = arith.constant 0 : i32
    %dma_start3A_756 = tpu.memref_slice %arg19[%dma_start3A_755] : memref<1024xf32, #tpu.memory_space<vmem_shared>> -> memref<1024xf32, #tpu.memory_space<vmem_shared>>
    tpu.enqueue_indirect_dma source(%dma_start3A_751 : memref<128xf32, #tpu.memory_space<vmem>>) target(%dma_start3A_756 : memref<1024xf32, #tpu.memory_space<vmem_shared>>) offsets(%dma_start3A_754 : memref<128xi32, #tpu.memory_space<vmem>>) semaphore(%arg17 : memref<!tpu.dma_semaphore, #tpu.memory_space<semaphore_mem>>) {add = true}
    %dma_start3A_757 = arith.constant 20 : i32
    %dma_start3A_758 = arith.constant 20 : i32
    %dma_start3A_759 = arith.constant 0 : i32
    %dma_start3A_760 = tpu.memref_slice %arg14[%dma_start3A_757, %dma_start3A_759] : memref<50x128xf32, #tpu.memory_space<vmem>> -> memref<1x128xf32, #tpu.memory_space<vmem>>
    %dma_start3A_761 = tpu.memref_squeeze %dma_start3A_760 : memref<1x128xf32, #tpu.memory_space<vmem>> -> memref<128xf32, #tpu.memory_space<vmem>>
    %dma_start3A_762 = arith.constant 0 : i32
    %dma_start3A_763 = tpu.memref_slice %arg9[%dma_start3A_758, %dma_start3A_762] : memref<50x128xi32, #tpu.memory_space<vmem>> -> memref<1x128xi32, #tpu.memory_space<vmem>>
    %dma_start3A_764 = tpu.memref_squeeze %dma_start3A_763 : memref<1x128xi32, #tpu.memory_space<vmem>> -> memref<128xi32, #tpu.memory_space<vmem>>
    %dma_start3A_765 = arith.constant 0 : i32
    %dma_start3A_766 = tpu.memref_slice %arg19[%dma_start3A_765] : memref<1024xf32, #tpu.memory_space<vmem_shared>> -> memref<1024xf32, #tpu.memory_space<vmem_shared>>
    tpu.enqueue_indirect_dma source(%dma_start3A_761 : memref<128xf32, #tpu.memory_space<vmem>>) target(%dma_start3A_766 : memref<1024xf32, #tpu.memory_space<vmem_shared>>) offsets(%dma_start3A_764 : memref<128xi32, #tpu.memory_space<vmem>>) semaphore(%arg17 : memref<!tpu.dma_semaphore, #tpu.memory_space<semaphore_mem>>) {add = true}
    %dma_start3A_767 = arith.constant 21 : i32
    %dma_start3A_768 = arith.constant 21 : i32
    %dma_start3A_769 = arith.constant 0 : i32
    %dma_start3A_770 = tpu.memref_slice %arg14[%dma_start3A_767, %dma_start3A_769] : memref<50x128xf32, #tpu.memory_space<vmem>> -> memref<1x128xf32, #tpu.memory_space<vmem>>
    %dma_start3A_771 = tpu.memref_squeeze %dma_start3A_770 : memref<1x128xf32, #tpu.memory_space<vmem>> -> memref<128xf32, #tpu.memory_space<vmem>>
    %dma_start3A_772 = arith.constant 0 : i32
    %dma_start3A_773 = tpu.memref_slice %arg9[%dma_start3A_768, %dma_start3A_772] : memref<50x128xi32, #tpu.memory_space<vmem>> -> memref<1x128xi32, #tpu.memory_space<vmem>>
    %dma_start3A_774 = tpu.memref_squeeze %dma_start3A_773 : memref<1x128xi32, #tpu.memory_space<vmem>> -> memref<128xi32, #tpu.memory_space<vmem>>
    %dma_start3A_775 = arith.constant 0 : i32
    %dma_start3A_776 = tpu.memref_slice %arg19[%dma_start3A_775] : memref<1024xf32, #tpu.memory_space<vmem_shared>> -> memref<1024xf32, #tpu.memory_space<vmem_shared>>
    tpu.enqueue_indirect_dma source(%dma_start3A_771 : memref<128xf32, #tpu.memory_space<vmem>>) target(%dma_start3A_776 : memref<1024xf32, #tpu.memory_space<vmem_shared>>) offsets(%dma_start3A_774 : memref<128xi32, #tpu.memory_space<vmem>>) semaphore(%arg17 : memref<!tpu.dma_semaphore, #tpu.memory_space<semaphore_mem>>) {add = true}
    %dma_start3A_777 = arith.constant 22 : i32
    %dma_start3A_778 = arith.constant 22 : i32
    %dma_start3A_779 = arith.constant 0 : i32
    %dma_start3A_780 = tpu.memref_slice %arg14[%dma_start3A_777, %dma_start3A_779] : memref<50x128xf32, #tpu.memory_space<vmem>> -> memref<1x128xf32, #tpu.memory_space<vmem>>
    %dma_start3A_781 = tpu.memref_squeeze %dma_start3A_780 : memref<1x128xf32, #tpu.memory_space<vmem>> -> memref<128xf32, #tpu.memory_space<vmem>>
    %dma_start3A_782 = arith.constant 0 : i32
    %dma_start3A_783 = tpu.memref_slice %arg9[%dma_start3A_778, %dma_start3A_782] : memref<50x128xi32, #tpu.memory_space<vmem>> -> memref<1x128xi32, #tpu.memory_space<vmem>>
    %dma_start3A_784 = tpu.memref_squeeze %dma_start3A_783 : memref<1x128xi32, #tpu.memory_space<vmem>> -> memref<128xi32, #tpu.memory_space<vmem>>
    %dma_start3A_785 = arith.constant 0 : i32
    %dma_start3A_786 = tpu.memref_slice %arg19[%dma_start3A_785] : memref<1024xf32, #tpu.memory_space<vmem_shared>> -> memref<1024xf32, #tpu.memory_space<vmem_shared>>
    tpu.enqueue_indirect_dma source(%dma_start3A_781 : memref<128xf32, #tpu.memory_space<vmem>>) target(%dma_start3A_786 : memref<1024xf32, #tpu.memory_space<vmem_shared>>) offsets(%dma_start3A_784 : memref<128xi32, #tpu.memory_space<vmem>>) semaphore(%arg17 : memref<!tpu.dma_semaphore, #tpu.memory_space<semaphore_mem>>) {add = true}
    %dma_start3A_787 = arith.constant 23 : i32
    %dma_start3A_788 = arith.constant 23 : i32
    %dma_start3A_789 = arith.constant 0 : i32
    %dma_start3A_790 = tpu.memref_slice %arg14[%dma_start3A_787, %dma_start3A_789] : memref<50x128xf32, #tpu.memory_space<vmem>> -> memref<1x128xf32, #tpu.memory_space<vmem>>
    %dma_start3A_791 = tpu.memref_squeeze %dma_start3A_790 : memref<1x128xf32, #tpu.memory_space<vmem>> -> memref<128xf32, #tpu.memory_space<vmem>>
    %dma_start3A_792 = arith.constant 0 : i32
    %dma_start3A_793 = tpu.memref_slice %arg9[%dma_start3A_788, %dma_start3A_792] : memref<50x128xi32, #tpu.memory_space<vmem>> -> memref<1x128xi32, #tpu.memory_space<vmem>>
    %dma_start3A_794 = tpu.memref_squeeze %dma_start3A_793 : memref<1x128xi32, #tpu.memory_space<vmem>> -> memref<128xi32, #tpu.memory_space<vmem>>
    %dma_start3A_795 = arith.constant 0 : i32
    %dma_start3A_796 = tpu.memref_slice %arg19[%dma_start3A_795] : memref<1024xf32, #tpu.memory_space<vmem_shared>> -> memref<1024xf32, #tpu.memory_space<vmem_shared>>
    tpu.enqueue_indirect_dma source(%dma_start3A_791 : memref<128xf32, #tpu.memory_space<vmem>>) target(%dma_start3A_796 : memref<1024xf32, #tpu.memory_space<vmem_shared>>) offsets(%dma_start3A_794 : memref<128xi32, #tpu.memory_space<vmem>>) semaphore(%arg17 : memref<!tpu.dma_semaphore, #tpu.memory_space<semaphore_mem>>) {add = true}
    %dma_start3A_797 = arith.constant 24 : i32
    %dma_start3A_798 = arith.constant 24 : i32
    %dma_start3A_799 = arith.constant 0 : i32
    %dma_start3A_800 = tpu.memref_slice %arg14[%dma_start3A_797, %dma_start3A_799] : memref<50x128xf32, #tpu.memory_space<vmem>> -> memref<1x128xf32, #tpu.memory_space<vmem>>
    %dma_start3A_801 = tpu.memref_squeeze %dma_start3A_800 : memref<1x128xf32, #tpu.memory_space<vmem>> -> memref<128xf32, #tpu.memory_space<vmem>>
    %dma_start3A_802 = arith.constant 0 : i32
    %dma_start3A_803 = tpu.memref_slice %arg9[%dma_start3A_798, %dma_start3A_802] : memref<50x128xi32, #tpu.memory_space<vmem>> -> memref<1x128xi32, #tpu.memory_space<vmem>>
    %dma_start3A_804 = tpu.memref_squeeze %dma_start3A_803 : memref<1x128xi32, #tpu.memory_space<vmem>> -> memref<128xi32, #tpu.memory_space<vmem>>
    %dma_start3A_805 = arith.constant 0 : i32
    %dma_start3A_806 = tpu.memref_slice %arg19[%dma_start3A_805] : memref<1024xf32, #tpu.memory_space<vmem_shared>> -> memref<1024xf32, #tpu.memory_space<vmem_shared>>
    tpu.enqueue_indirect_dma source(%dma_start3A_801 : memref<128xf32, #tpu.memory_space<vmem>>) target(%dma_start3A_806 : memref<1024xf32, #tpu.memory_space<vmem_shared>>) offsets(%dma_start3A_804 : memref<128xi32, #tpu.memory_space<vmem>>) semaphore(%arg17 : memref<!tpu.dma_semaphore, #tpu.memory_space<semaphore_mem>>) {add = true}
    %dma_start3A_807 = arith.constant 25 : i32
    %dma_start3A_808 = arith.constant 25 : i32
    %dma_start3A_809 = arith.constant 0 : i32
    %dma_start3A_810 = tpu.memref_slice %arg14[%dma_start3A_807, %dma_start3A_809] : memref<50x128xf32, #tpu.memory_space<vmem>> -> memref<1x128xf32, #tpu.memory_space<vmem>>
    %dma_start3A_811 = tpu.memref_squeeze %dma_start3A_810 : memref<1x128xf32, #tpu.memory_space<vmem>> -> memref<128xf32, #tpu.memory_space<vmem>>
    %dma_start3A_812 = arith.constant 0 : i32
    %dma_start3A_813 = tpu.memref_slice %arg9[%dma_start3A_808, %dma_start3A_812] : memref<50x128xi32, #tpu.memory_space<vmem>> -> memref<1x128xi32, #tpu.memory_space<vmem>>
    %dma_start3A_814 = tpu.memref_squeeze %dma_start3A_813 : memref<1x128xi32, #tpu.memory_space<vmem>> -> memref<128xi32, #tpu.memory_space<vmem>>
    %dma_start3A_815 = arith.constant 0 : i32
    %dma_start3A_816 = tpu.memref_slice %arg19[%dma_start3A_815] : memref<1024xf32, #tpu.memory_space<vmem_shared>> -> memref<1024xf32, #tpu.memory_space<vmem_shared>>
    tpu.enqueue_indirect_dma source(%dma_start3A_811 : memref<128xf32, #tpu.memory_space<vmem>>) target(%dma_start3A_816 : memref<1024xf32, #tpu.memory_space<vmem_shared>>) offsets(%dma_start3A_814 : memref<128xi32, #tpu.memory_space<vmem>>) semaphore(%arg17 : memref<!tpu.dma_semaphore, #tpu.memory_space<semaphore_mem>>) {add = true}
    %dma_start3A_817 = arith.constant 26 : i32
    %dma_start3A_818 = arith.constant 26 : i32
    %dma_start3A_819 = arith.constant 0 : i32
    %dma_start3A_820 = tpu.memref_slice %arg14[%dma_start3A_817, %dma_start3A_819] : memref<50x128xf32, #tpu.memory_space<vmem>> -> memref<1x128xf32, #tpu.memory_space<vmem>>
    %dma_start3A_821 = tpu.memref_squeeze %dma_start3A_820 : memref<1x128xf32, #tpu.memory_space<vmem>> -> memref<128xf32, #tpu.memory_space<vmem>>
    %dma_start3A_822 = arith.constant 0 : i32
    %dma_start3A_823 = tpu.memref_slice %arg9[%dma_start3A_818, %dma_start3A_822] : memref<50x128xi32, #tpu.memory_space<vmem>> -> memref<1x128xi32, #tpu.memory_space<vmem>>
    %dma_start3A_824 = tpu.memref_squeeze %dma_start3A_823 : memref<1x128xi32, #tpu.memory_space<vmem>> -> memref<128xi32, #tpu.memory_space<vmem>>
    %dma_start3A_825 = arith.constant 0 : i32
    %dma_start3A_826 = tpu.memref_slice %arg19[%dma_start3A_825] : memref<1024xf32, #tpu.memory_space<vmem_shared>> -> memref<1024xf32, #tpu.memory_space<vmem_shared>>
    tpu.enqueue_indirect_dma source(%dma_start3A_821 : memref<128xf32, #tpu.memory_space<vmem>>) target(%dma_start3A_826 : memref<1024xf32, #tpu.memory_space<vmem_shared>>) offsets(%dma_start3A_824 : memref<128xi32, #tpu.memory_space<vmem>>) semaphore(%arg17 : memref<!tpu.dma_semaphore, #tpu.memory_space<semaphore_mem>>) {add = true}
    %dma_start3A_827 = arith.constant 27 : i32
    %dma_start3A_828 = arith.constant 27 : i32
    %dma_start3A_829 = arith.constant 0 : i32
    %dma_start3A_830 = tpu.memref_slice %arg14[%dma_start3A_827, %dma_start3A_829] : memref<50x128xf32, #tpu.memory_space<vmem>> -> memref<1x128xf32, #tpu.memory_space<vmem>>
    %dma_start3A_831 = tpu.memref_squeeze %dma_start3A_830 : memref<1x128xf32, #tpu.memory_space<vmem>> -> memref<128xf32, #tpu.memory_space<vmem>>
    %dma_start3A_832 = arith.constant 0 : i32
    %dma_start3A_833 = tpu.memref_slice %arg9[%dma_start3A_828, %dma_start3A_832] : memref<50x128xi32, #tpu.memory_space<vmem>> -> memref<1x128xi32, #tpu.memory_space<vmem>>
    %dma_start3A_834 = tpu.memref_squeeze %dma_start3A_833 : memref<1x128xi32, #tpu.memory_space<vmem>> -> memref<128xi32, #tpu.memory_space<vmem>>
    %dma_start3A_835 = arith.constant 0 : i32
    %dma_start3A_836 = tpu.memref_slice %arg19[%dma_start3A_835] : memref<1024xf32, #tpu.memory_space<vmem_shared>> -> memref<1024xf32, #tpu.memory_space<vmem_shared>>
    tpu.enqueue_indirect_dma source(%dma_start3A_831 : memref<128xf32, #tpu.memory_space<vmem>>) target(%dma_start3A_836 : memref<1024xf32, #tpu.memory_space<vmem_shared>>) offsets(%dma_start3A_834 : memref<128xi32, #tpu.memory_space<vmem>>) semaphore(%arg17 : memref<!tpu.dma_semaphore, #tpu.memory_space<semaphore_mem>>) {add = true}
    %dma_start3A_837 = arith.constant 28 : i32
    %dma_start3A_838 = arith.constant 28 : i32
    %dma_start3A_839 = arith.constant 0 : i32
    %dma_start3A_840 = tpu.memref_slice %arg14[%dma_start3A_837, %dma_start3A_839] : memref<50x128xf32, #tpu.memory_space<vmem>> -> memref<1x128xf32, #tpu.memory_space<vmem>>
    %dma_start3A_841 = tpu.memref_squeeze %dma_start3A_840 : memref<1x128xf32, #tpu.memory_space<vmem>> -> memref<128xf32, #tpu.memory_space<vmem>>
    %dma_start3A_842 = arith.constant 0 : i32
    %dma_start3A_843 = tpu.memref_slice %arg9[%dma_start3A_838, %dma_start3A_842] : memref<50x128xi32, #tpu.memory_space<vmem>> -> memref<1x128xi32, #tpu.memory_space<vmem>>
    %dma_start3A_844 = tpu.memref_squeeze %dma_start3A_843 : memref<1x128xi32, #tpu.memory_space<vmem>> -> memref<128xi32, #tpu.memory_space<vmem>>
    %dma_start3A_845 = arith.constant 0 : i32
    %dma_start3A_846 = tpu.memref_slice %arg19[%dma_start3A_845] : memref<1024xf32, #tpu.memory_space<vmem_shared>> -> memref<1024xf32, #tpu.memory_space<vmem_shared>>
    tpu.enqueue_indirect_dma source(%dma_start3A_841 : memref<128xf32, #tpu.memory_space<vmem>>) target(%dma_start3A_846 : memref<1024xf32, #tpu.memory_space<vmem_shared>>) offsets(%dma_start3A_844 : memref<128xi32, #tpu.memory_space<vmem>>) semaphore(%arg17 : memref<!tpu.dma_semaphore, #tpu.memory_space<semaphore_mem>>) {add = true}
    %dma_start3A_847 = arith.constant 29 : i32
    %dma_start3A_848 = arith.constant 29 : i32
    %dma_start3A_849 = arith.constant 0 : i32
    %dma_start3A_850 = tpu.memref_slice %arg14[%dma_start3A_847, %dma_start3A_849] : memref<50x128xf32, #tpu.memory_space<vmem>> -> memref<1x128xf32, #tpu.memory_space<vmem>>
    %dma_start3A_851 = tpu.memref_squeeze %dma_start3A_850 : memref<1x128xf32, #tpu.memory_space<vmem>> -> memref<128xf32, #tpu.memory_space<vmem>>
    %dma_start3A_852 = arith.constant 0 : i32
    %dma_start3A_853 = tpu.memref_slice %arg9[%dma_start3A_848, %dma_start3A_852] : memref<50x128xi32, #tpu.memory_space<vmem>> -> memref<1x128xi32, #tpu.memory_space<vmem>>
    %dma_start3A_854 = tpu.memref_squeeze %dma_start3A_853 : memref<1x128xi32, #tpu.memory_space<vmem>> -> memref<128xi32, #tpu.memory_space<vmem>>
    %dma_start3A_855 = arith.constant 0 : i32
    %dma_start3A_856 = tpu.memref_slice %arg19[%dma_start3A_855] : memref<1024xf32, #tpu.memory_space<vmem_shared>> -> memref<1024xf32, #tpu.memory_space<vmem_shared>>
    tpu.enqueue_indirect_dma source(%dma_start3A_851 : memref<128xf32, #tpu.memory_space<vmem>>) target(%dma_start3A_856 : memref<1024xf32, #tpu.memory_space<vmem_shared>>) offsets(%dma_start3A_854 : memref<128xi32, #tpu.memory_space<vmem>>) semaphore(%arg17 : memref<!tpu.dma_semaphore, #tpu.memory_space<semaphore_mem>>) {add = true}
    %dma_start3A_857 = arith.constant 30 : i32
    %dma_start3A_858 = arith.constant 30 : i32
    %dma_start3A_859 = arith.constant 0 : i32
    %dma_start3A_860 = tpu.memref_slice %arg14[%dma_start3A_857, %dma_start3A_859] : memref<50x128xf32, #tpu.memory_space<vmem>> -> memref<1x128xf32, #tpu.memory_space<vmem>>
    %dma_start3A_861 = tpu.memref_squeeze %dma_start3A_860 : memref<1x128xf32, #tpu.memory_space<vmem>> -> memref<128xf32, #tpu.memory_space<vmem>>
    %dma_start3A_862 = arith.constant 0 : i32
    %dma_start3A_863 = tpu.memref_slice %arg9[%dma_start3A_858, %dma_start3A_862] : memref<50x128xi32, #tpu.memory_space<vmem>> -> memref<1x128xi32, #tpu.memory_space<vmem>>
    %dma_start3A_864 = tpu.memref_squeeze %dma_start3A_863 : memref<1x128xi32, #tpu.memory_space<vmem>> -> memref<128xi32, #tpu.memory_space<vmem>>
    %dma_start3A_865 = arith.constant 0 : i32
    %dma_start3A_866 = tpu.memref_slice %arg19[%dma_start3A_865] : memref<1024xf32, #tpu.memory_space<vmem_shared>> -> memref<1024xf32, #tpu.memory_space<vmem_shared>>
    tpu.enqueue_indirect_dma source(%dma_start3A_861 : memref<128xf32, #tpu.memory_space<vmem>>) target(%dma_start3A_866 : memref<1024xf32, #tpu.memory_space<vmem_shared>>) offsets(%dma_start3A_864 : memref<128xi32, #tpu.memory_space<vmem>>) semaphore(%arg17 : memref<!tpu.dma_semaphore, #tpu.memory_space<semaphore_mem>>) {add = true}
    %dma_start3A_867 = arith.constant 31 : i32
    %dma_start3A_868 = arith.constant 31 : i32
    %dma_start3A_869 = arith.constant 0 : i32
    %dma_start3A_870 = tpu.memref_slice %arg14[%dma_start3A_867, %dma_start3A_869] : memref<50x128xf32, #tpu.memory_space<vmem>> -> memref<1x128xf32, #tpu.memory_space<vmem>>
    %dma_start3A_871 = tpu.memref_squeeze %dma_start3A_870 : memref<1x128xf32, #tpu.memory_space<vmem>> -> memref<128xf32, #tpu.memory_space<vmem>>
    %dma_start3A_872 = arith.constant 0 : i32
    %dma_start3A_873 = tpu.memref_slice %arg9[%dma_start3A_868, %dma_start3A_872] : memref<50x128xi32, #tpu.memory_space<vmem>> -> memref<1x128xi32, #tpu.memory_space<vmem>>
    %dma_start3A_874 = tpu.memref_squeeze %dma_start3A_873 : memref<1x128xi32, #tpu.memory_space<vmem>> -> memref<128xi32, #tpu.memory_space<vmem>>
    %dma_start3A_875 = arith.constant 0 : i32
    %dma_start3A_876 = tpu.memref_slice %arg19[%dma_start3A_875] : memref<1024xf32, #tpu.memory_space<vmem_shared>> -> memref<1024xf32, #tpu.memory_space<vmem_shared>>
    tpu.enqueue_indirect_dma source(%dma_start3A_871 : memref<128xf32, #tpu.memory_space<vmem>>) target(%dma_start3A_876 : memref<1024xf32, #tpu.memory_space<vmem_shared>>) offsets(%dma_start3A_874 : memref<128xi32, #tpu.memory_space<vmem>>) semaphore(%arg17 : memref<!tpu.dma_semaphore, #tpu.memory_space<semaphore_mem>>) {add = true}
    %dma_start3A_877 = arith.constant 32 : i32
    %dma_start3A_878 = arith.constant 32 : i32
    %dma_start3A_879 = arith.constant 0 : i32
    %dma_start3A_880 = tpu.memref_slice %arg14[%dma_start3A_877, %dma_start3A_879] : memref<50x128xf32, #tpu.memory_space<vmem>> -> memref<1x128xf32, #tpu.memory_space<vmem>>
    %dma_start3A_881 = tpu.memref_squeeze %dma_start3A_880 : memref<1x128xf32, #tpu.memory_space<vmem>> -> memref<128xf32, #tpu.memory_space<vmem>>
    %dma_start3A_882 = arith.constant 0 : i32
    %dma_start3A_883 = tpu.memref_slice %arg9[%dma_start3A_878, %dma_start3A_882] : memref<50x128xi32, #tpu.memory_space<vmem>> -> memref<1x128xi32, #tpu.memory_space<vmem>>
    %dma_start3A_884 = tpu.memref_squeeze %dma_start3A_883 : memref<1x128xi32, #tpu.memory_space<vmem>> -> memref<128xi32, #tpu.memory_space<vmem>>
    %dma_start3A_885 = arith.constant 0 : i32
    %dma_start3A_886 = tpu.memref_slice %arg19[%dma_start3A_885] : memref<1024xf32, #tpu.memory_space<vmem_shared>> -> memref<1024xf32, #tpu.memory_space<vmem_shared>>
    tpu.enqueue_indirect_dma source(%dma_start3A_881 : memref<128xf32, #tpu.memory_space<vmem>>) target(%dma_start3A_886 : memref<1024xf32, #tpu.memory_space<vmem_shared>>) offsets(%dma_start3A_884 : memref<128xi32, #tpu.memory_space<vmem>>) semaphore(%arg17 : memref<!tpu.dma_semaphore, #tpu.memory_space<semaphore_mem>>) {add = true}
    %dma_start3A_887 = arith.constant 33 : i32
    %dma_start3A_888 = arith.constant 33 : i32
    %dma_start3A_889 = arith.constant 0 : i32
    %dma_start3A_890 = tpu.memref_slice %arg14[%dma_start3A_887, %dma_start3A_889] : memref<50x128xf32, #tpu.memory_space<vmem>> -> memref<1x128xf32, #tpu.memory_space<vmem>>
    %dma_start3A_891 = tpu.memref_squeeze %dma_start3A_890 : memref<1x128xf32, #tpu.memory_space<vmem>> -> memref<128xf32, #tpu.memory_space<vmem>>
    %dma_start3A_892 = arith.constant 0 : i32
    %dma_start3A_893 = tpu.memref_slice %arg9[%dma_start3A_888, %dma_start3A_892] : memref<50x128xi32, #tpu.memory_space<vmem>> -> memref<1x128xi32, #tpu.memory_space<vmem>>
    %dma_start3A_894 = tpu.memref_squeeze %dma_start3A_893 : memref<1x128xi32, #tpu.memory_space<vmem>> -> memref<128xi32, #tpu.memory_space<vmem>>
    %dma_start3A_895 = arith.constant 0 : i32
    %dma_start3A_896 = tpu.memref_slice %arg19[%dma_start3A_895] : memref<1024xf32, #tpu.memory_space<vmem_shared>> -> memref<1024xf32, #tpu.memory_space<vmem_shared>>
    tpu.enqueue_indirect_dma source(%dma_start3A_891 : memref<128xf32, #tpu.memory_space<vmem>>) target(%dma_start3A_896 : memref<1024xf32, #tpu.memory_space<vmem_shared>>) offsets(%dma_start3A_894 : memref<128xi32, #tpu.memory_space<vmem>>) semaphore(%arg17 : memref<!tpu.dma_semaphore, #tpu.memory_space<semaphore_mem>>) {add = true}
    %dma_start3A_897 = arith.constant 34 : i32
    %dma_start3A_898 = arith.constant 34 : i32
    %dma_start3A_899 = arith.constant 0 : i32
    %dma_start3A_900 = tpu.memref_slice %arg14[%dma_start3A_897, %dma_start3A_899] : memref<50x128xf32, #tpu.memory_space<vmem>> -> memref<1x128xf32, #tpu.memory_space<vmem>>
    %dma_start3A_901 = tpu.memref_squeeze %dma_start3A_900 : memref<1x128xf32, #tpu.memory_space<vmem>> -> memref<128xf32, #tpu.memory_space<vmem>>
    %dma_start3A_902 = arith.constant 0 : i32
    %dma_start3A_903 = tpu.memref_slice %arg9[%dma_start3A_898, %dma_start3A_902] : memref<50x128xi32, #tpu.memory_space<vmem>> -> memref<1x128xi32, #tpu.memory_space<vmem>>
    %dma_start3A_904 = tpu.memref_squeeze %dma_start3A_903 : memref<1x128xi32, #tpu.memory_space<vmem>> -> memref<128xi32, #tpu.memory_space<vmem>>
    %dma_start3A_905 = arith.constant 0 : i32
    %dma_start3A_906 = tpu.memref_slice %arg19[%dma_start3A_905] : memref<1024xf32, #tpu.memory_space<vmem_shared>> -> memref<1024xf32, #tpu.memory_space<vmem_shared>>
    tpu.enqueue_indirect_dma source(%dma_start3A_901 : memref<128xf32, #tpu.memory_space<vmem>>) target(%dma_start3A_906 : memref<1024xf32, #tpu.memory_space<vmem_shared>>) offsets(%dma_start3A_904 : memref<128xi32, #tpu.memory_space<vmem>>) semaphore(%arg17 : memref<!tpu.dma_semaphore, #tpu.memory_space<semaphore_mem>>) {add = true}
    %dma_start3A_907 = arith.constant 35 : i32
    %dma_start3A_908 = arith.constant 35 : i32
    %dma_start3A_909 = arith.constant 0 : i32
    %dma_start3A_910 = tpu.memref_slice %arg14[%dma_start3A_907, %dma_start3A_909] : memref<50x128xf32, #tpu.memory_space<vmem>> -> memref<1x128xf32, #tpu.memory_space<vmem>>
    %dma_start3A_911 = tpu.memref_squeeze %dma_start3A_910 : memref<1x128xf32, #tpu.memory_space<vmem>> -> memref<128xf32, #tpu.memory_space<vmem>>
    %dma_start3A_912 = arith.constant 0 : i32
    %dma_start3A_913 = tpu.memref_slice %arg9[%dma_start3A_908, %dma_start3A_912] : memref<50x128xi32, #tpu.memory_space<vmem>> -> memref<1x128xi32, #tpu.memory_space<vmem>>
    %dma_start3A_914 = tpu.memref_squeeze %dma_start3A_913 : memref<1x128xi32, #tpu.memory_space<vmem>> -> memref<128xi32, #tpu.memory_space<vmem>>
    %dma_start3A_915 = arith.constant 0 : i32
    %dma_start3A_916 = tpu.memref_slice %arg19[%dma_start3A_915] : memref<1024xf32, #tpu.memory_space<vmem_shared>> -> memref<1024xf32, #tpu.memory_space<vmem_shared>>
    tpu.enqueue_indirect_dma source(%dma_start3A_911 : memref<128xf32, #tpu.memory_space<vmem>>) target(%dma_start3A_916 : memref<1024xf32, #tpu.memory_space<vmem_shared>>) offsets(%dma_start3A_914 : memref<128xi32, #tpu.memory_space<vmem>>) semaphore(%arg17 : memref<!tpu.dma_semaphore, #tpu.memory_space<semaphore_mem>>) {add = true}
    %dma_start3A_917 = arith.constant 36 : i32
    %dma_start3A_918 = arith.constant 36 : i32
    %dma_start3A_919 = arith.constant 0 : i32
    %dma_start3A_920 = tpu.memref_slice %arg14[%dma_start3A_917, %dma_start3A_919] : memref<50x128xf32, #tpu.memory_space<vmem>> -> memref<1x128xf32, #tpu.memory_space<vmem>>
    %dma_start3A_921 = tpu.memref_squeeze %dma_start3A_920 : memref<1x128xf32, #tpu.memory_space<vmem>> -> memref<128xf32, #tpu.memory_space<vmem>>
    %dma_start3A_922 = arith.constant 0 : i32
    %dma_start3A_923 = tpu.memref_slice %arg9[%dma_start3A_918, %dma_start3A_922] : memref<50x128xi32, #tpu.memory_space<vmem>> -> memref<1x128xi32, #tpu.memory_space<vmem>>
    %dma_start3A_924 = tpu.memref_squeeze %dma_start3A_923 : memref<1x128xi32, #tpu.memory_space<vmem>> -> memref<128xi32, #tpu.memory_space<vmem>>
    %dma_start3A_925 = arith.constant 0 : i32
    %dma_start3A_926 = tpu.memref_slice %arg19[%dma_start3A_925] : memref<1024xf32, #tpu.memory_space<vmem_shared>> -> memref<1024xf32, #tpu.memory_space<vmem_shared>>
    tpu.enqueue_indirect_dma source(%dma_start3A_921 : memref<128xf32, #tpu.memory_space<vmem>>) target(%dma_start3A_926 : memref<1024xf32, #tpu.memory_space<vmem_shared>>) offsets(%dma_start3A_924 : memref<128xi32, #tpu.memory_space<vmem>>) semaphore(%arg17 : memref<!tpu.dma_semaphore, #tpu.memory_space<semaphore_mem>>) {add = true}
    %dma_start3A_927 = arith.constant 37 : i32
    %dma_start3A_928 = arith.constant 37 : i32
    %dma_start3A_929 = arith.constant 0 : i32
    %dma_start3A_930 = tpu.memref_slice %arg14[%dma_start3A_927, %dma_start3A_929] : memref<50x128xf32, #tpu.memory_space<vmem>> -> memref<1x128xf32, #tpu.memory_space<vmem>>
    %dma_start3A_931 = tpu.memref_squeeze %dma_start3A_930 : memref<1x128xf32, #tpu.memory_space<vmem>> -> memref<128xf32, #tpu.memory_space<vmem>>
    %dma_start3A_932 = arith.constant 0 : i32
    %dma_start3A_933 = tpu.memref_slice %arg9[%dma_start3A_928, %dma_start3A_932] : memref<50x128xi32, #tpu.memory_space<vmem>> -> memref<1x128xi32, #tpu.memory_space<vmem>>
    %dma_start3A_934 = tpu.memref_squeeze %dma_start3A_933 : memref<1x128xi32, #tpu.memory_space<vmem>> -> memref<128xi32, #tpu.memory_space<vmem>>
    %dma_start3A_935 = arith.constant 0 : i32
    %dma_start3A_936 = tpu.memref_slice %arg19[%dma_start3A_935] : memref<1024xf32, #tpu.memory_space<vmem_shared>> -> memref<1024xf32, #tpu.memory_space<vmem_shared>>
    tpu.enqueue_indirect_dma source(%dma_start3A_931 : memref<128xf32, #tpu.memory_space<vmem>>) target(%dma_start3A_936 : memref<1024xf32, #tpu.memory_space<vmem_shared>>) offsets(%dma_start3A_934 : memref<128xi32, #tpu.memory_space<vmem>>) semaphore(%arg17 : memref<!tpu.dma_semaphore, #tpu.memory_space<semaphore_mem>>) {add = true}
    %dma_start3A_937 = arith.constant 38 : i32
    %dma_start3A_938 = arith.constant 38 : i32
    %dma_start3A_939 = arith.constant 0 : i32
    %dma_start3A_940 = tpu.memref_slice %arg14[%dma_start3A_937, %dma_start3A_939] : memref<50x128xf32, #tpu.memory_space<vmem>> -> memref<1x128xf32, #tpu.memory_space<vmem>>
    %dma_start3A_941 = tpu.memref_squeeze %dma_start3A_940 : memref<1x128xf32, #tpu.memory_space<vmem>> -> memref<128xf32, #tpu.memory_space<vmem>>
    %dma_start3A_942 = arith.constant 0 : i32
    %dma_start3A_943 = tpu.memref_slice %arg9[%dma_start3A_938, %dma_start3A_942] : memref<50x128xi32, #tpu.memory_space<vmem>> -> memref<1x128xi32, #tpu.memory_space<vmem>>
    %dma_start3A_944 = tpu.memref_squeeze %dma_start3A_943 : memref<1x128xi32, #tpu.memory_space<vmem>> -> memref<128xi32, #tpu.memory_space<vmem>>
    %dma_start3A_945 = arith.constant 0 : i32
    %dma_start3A_946 = tpu.memref_slice %arg19[%dma_start3A_945] : memref<1024xf32, #tpu.memory_space<vmem_shared>> -> memref<1024xf32, #tpu.memory_space<vmem_shared>>
    tpu.enqueue_indirect_dma source(%dma_start3A_941 : memref<128xf32, #tpu.memory_space<vmem>>) target(%dma_start3A_946 : memref<1024xf32, #tpu.memory_space<vmem_shared>>) offsets(%dma_start3A_944 : memref<128xi32, #tpu.memory_space<vmem>>) semaphore(%arg17 : memref<!tpu.dma_semaphore, #tpu.memory_space<semaphore_mem>>) {add = true}
    %dma_start3A_947 = arith.constant 39 : i32
    %dma_start3A_948 = arith.constant 39 : i32
    %dma_start3A_949 = arith.constant 0 : i32
    %dma_start3A_950 = tpu.memref_slice %arg14[%dma_start3A_947, %dma_start3A_949] : memref<50x128xf32, #tpu.memory_space<vmem>> -> memref<1x128xf32, #tpu.memory_space<vmem>>
    %dma_start3A_951 = tpu.memref_squeeze %dma_start3A_950 : memref<1x128xf32, #tpu.memory_space<vmem>> -> memref<128xf32, #tpu.memory_space<vmem>>
    %dma_start3A_952 = arith.constant 0 : i32
    %dma_start3A_953 = tpu.memref_slice %arg9[%dma_start3A_948, %dma_start3A_952] : memref<50x128xi32, #tpu.memory_space<vmem>> -> memref<1x128xi32, #tpu.memory_space<vmem>>
    %dma_start3A_954 = tpu.memref_squeeze %dma_start3A_953 : memref<1x128xi32, #tpu.memory_space<vmem>> -> memref<128xi32, #tpu.memory_space<vmem>>
    %dma_start3A_955 = arith.constant 0 : i32
    %dma_start3A_956 = tpu.memref_slice %arg19[%dma_start3A_955] : memref<1024xf32, #tpu.memory_space<vmem_shared>> -> memref<1024xf32, #tpu.memory_space<vmem_shared>>
    tpu.enqueue_indirect_dma source(%dma_start3A_951 : memref<128xf32, #tpu.memory_space<vmem>>) target(%dma_start3A_956 : memref<1024xf32, #tpu.memory_space<vmem_shared>>) offsets(%dma_start3A_954 : memref<128xi32, #tpu.memory_space<vmem>>) semaphore(%arg17 : memref<!tpu.dma_semaphore, #tpu.memory_space<semaphore_mem>>) {add = true}
    %dma_start3A_957 = arith.constant 40 : i32
    %dma_start3A_958 = arith.constant 40 : i32
    %dma_start3A_959 = arith.constant 0 : i32
    %dma_start3A_960 = tpu.memref_slice %arg14[%dma_start3A_957, %dma_start3A_959] : memref<50x128xf32, #tpu.memory_space<vmem>> -> memref<1x128xf32, #tpu.memory_space<vmem>>
    %dma_start3A_961 = tpu.memref_squeeze %dma_start3A_960 : memref<1x128xf32, #tpu.memory_space<vmem>> -> memref<128xf32, #tpu.memory_space<vmem>>
    %dma_start3A_962 = arith.constant 0 : i32
    %dma_start3A_963 = tpu.memref_slice %arg9[%dma_start3A_958, %dma_start3A_962] : memref<50x128xi32, #tpu.memory_space<vmem>> -> memref<1x128xi32, #tpu.memory_space<vmem>>
    %dma_start3A_964 = tpu.memref_squeeze %dma_start3A_963 : memref<1x128xi32, #tpu.memory_space<vmem>> -> memref<128xi32, #tpu.memory_space<vmem>>
    %dma_start3A_965 = arith.constant 0 : i32
    %dma_start3A_966 = tpu.memref_slice %arg19[%dma_start3A_965] : memref<1024xf32, #tpu.memory_space<vmem_shared>> -> memref<1024xf32, #tpu.memory_space<vmem_shared>>
    tpu.enqueue_indirect_dma source(%dma_start3A_961 : memref<128xf32, #tpu.memory_space<vmem>>) target(%dma_start3A_966 : memref<1024xf32, #tpu.memory_space<vmem_shared>>) offsets(%dma_start3A_964 : memref<128xi32, #tpu.memory_space<vmem>>) semaphore(%arg17 : memref<!tpu.dma_semaphore, #tpu.memory_space<semaphore_mem>>) {add = true}
    %dma_start3A_967 = arith.constant 41 : i32
    %dma_start3A_968 = arith.constant 41 : i32
    %dma_start3A_969 = arith.constant 0 : i32
    %dma_start3A_970 = tpu.memref_slice %arg14[%dma_start3A_967, %dma_start3A_969] : memref<50x128xf32, #tpu.memory_space<vmem>> -> memref<1x128xf32, #tpu.memory_space<vmem>>
    %dma_start3A_971 = tpu.memref_squeeze %dma_start3A_970 : memref<1x128xf32, #tpu.memory_space<vmem>> -> memref<128xf32, #tpu.memory_space<vmem>>
    %dma_start3A_972 = arith.constant 0 : i32
    %dma_start3A_973 = tpu.memref_slice %arg9[%dma_start3A_968, %dma_start3A_972] : memref<50x128xi32, #tpu.memory_space<vmem>> -> memref<1x128xi32, #tpu.memory_space<vmem>>
    %dma_start3A_974 = tpu.memref_squeeze %dma_start3A_973 : memref<1x128xi32, #tpu.memory_space<vmem>> -> memref<128xi32, #tpu.memory_space<vmem>>
    %dma_start3A_975 = arith.constant 0 : i32
    %dma_start3A_976 = tpu.memref_slice %arg19[%dma_start3A_975] : memref<1024xf32, #tpu.memory_space<vmem_shared>> -> memref<1024xf32, #tpu.memory_space<vmem_shared>>
    tpu.enqueue_indirect_dma source(%dma_start3A_971 : memref<128xf32, #tpu.memory_space<vmem>>) target(%dma_start3A_976 : memref<1024xf32, #tpu.memory_space<vmem_shared>>) offsets(%dma_start3A_974 : memref<128xi32, #tpu.memory_space<vmem>>) semaphore(%arg17 : memref<!tpu.dma_semaphore, #tpu.memory_space<semaphore_mem>>) {add = true}
    %dma_start3A_977 = arith.constant 42 : i32
    %dma_start3A_978 = arith.constant 42 : i32
    %dma_start3A_979 = arith.constant 0 : i32
    %dma_start3A_980 = tpu.memref_slice %arg14[%dma_start3A_977, %dma_start3A_979] : memref<50x128xf32, #tpu.memory_space<vmem>> -> memref<1x128xf32, #tpu.memory_space<vmem>>
    %dma_start3A_981 = tpu.memref_squeeze %dma_start3A_980 : memref<1x128xf32, #tpu.memory_space<vmem>> -> memref<128xf32, #tpu.memory_space<vmem>>
    %dma_start3A_982 = arith.constant 0 : i32
    %dma_start3A_983 = tpu.memref_slice %arg9[%dma_start3A_978, %dma_start3A_982] : memref<50x128xi32, #tpu.memory_space<vmem>> -> memref<1x128xi32, #tpu.memory_space<vmem>>
    %dma_start3A_984 = tpu.memref_squeeze %dma_start3A_983 : memref<1x128xi32, #tpu.memory_space<vmem>> -> memref<128xi32, #tpu.memory_space<vmem>>
    %dma_start3A_985 = arith.constant 0 : i32
    %dma_start3A_986 = tpu.memref_slice %arg19[%dma_start3A_985] : memref<1024xf32, #tpu.memory_space<vmem_shared>> -> memref<1024xf32, #tpu.memory_space<vmem_shared>>
    tpu.enqueue_indirect_dma source(%dma_start3A_981 : memref<128xf32, #tpu.memory_space<vmem>>) target(%dma_start3A_986 : memref<1024xf32, #tpu.memory_space<vmem_shared>>) offsets(%dma_start3A_984 : memref<128xi32, #tpu.memory_space<vmem>>) semaphore(%arg17 : memref<!tpu.dma_semaphore, #tpu.memory_space<semaphore_mem>>) {add = true}
    %dma_start3A_987 = arith.constant 43 : i32
    %dma_start3A_988 = arith.constant 43 : i32
    %dma_start3A_989 = arith.constant 0 : i32
    %dma_start3A_990 = tpu.memref_slice %arg14[%dma_start3A_987, %dma_start3A_989] : memref<50x128xf32, #tpu.memory_space<vmem>> -> memref<1x128xf32, #tpu.memory_space<vmem>>
    %dma_start3A_991 = tpu.memref_squeeze %dma_start3A_990 : memref<1x128xf32, #tpu.memory_space<vmem>> -> memref<128xf32, #tpu.memory_space<vmem>>
    %dma_start3A_992 = arith.constant 0 : i32
    %dma_start3A_993 = tpu.memref_slice %arg9[%dma_start3A_988, %dma_start3A_992] : memref<50x128xi32, #tpu.memory_space<vmem>> -> memref<1x128xi32, #tpu.memory_space<vmem>>
    %dma_start3A_994 = tpu.memref_squeeze %dma_start3A_993 : memref<1x128xi32, #tpu.memory_space<vmem>> -> memref<128xi32, #tpu.memory_space<vmem>>
    %dma_start3A_995 = arith.constant 0 : i32
    %dma_start3A_996 = tpu.memref_slice %arg19[%dma_start3A_995] : memref<1024xf32, #tpu.memory_space<vmem_shared>> -> memref<1024xf32, #tpu.memory_space<vmem_shared>>
    tpu.enqueue_indirect_dma source(%dma_start3A_991 : memref<128xf32, #tpu.memory_space<vmem>>) target(%dma_start3A_996 : memref<1024xf32, #tpu.memory_space<vmem_shared>>) offsets(%dma_start3A_994 : memref<128xi32, #tpu.memory_space<vmem>>) semaphore(%arg17 : memref<!tpu.dma_semaphore, #tpu.memory_space<semaphore_mem>>) {add = true}
    %dma_start3A_997 = arith.constant 44 : i32
    %dma_start3A_998 = arith.constant 44 : i32
    %dma_start3A_999 = arith.constant 0 : i32
    %dma_start3A_1000 = tpu.memref_slice %arg14[%dma_start3A_997, %dma_start3A_999] : memref<50x128xf32, #tpu.memory_space<vmem>> -> memref<1x128xf32, #tpu.memory_space<vmem>>
    %dma_start3A_1001 = tpu.memref_squeeze %dma_start3A_1000 : memref<1x128xf32, #tpu.memory_space<vmem>> -> memref<128xf32, #tpu.memory_space<vmem>>
    %dma_start3A_1002 = arith.constant 0 : i32
    %dma_start3A_1003 = tpu.memref_slice %arg9[%dma_start3A_998, %dma_start3A_1002] : memref<50x128xi32, #tpu.memory_space<vmem>> -> memref<1x128xi32, #tpu.memory_space<vmem>>
    %dma_start3A_1004 = tpu.memref_squeeze %dma_start3A_1003 : memref<1x128xi32, #tpu.memory_space<vmem>> -> memref<128xi32, #tpu.memory_space<vmem>>
    %dma_start3A_1005 = arith.constant 0 : i32
    %dma_start3A_1006 = tpu.memref_slice %arg19[%dma_start3A_1005] : memref<1024xf32, #tpu.memory_space<vmem_shared>> -> memref<1024xf32, #tpu.memory_space<vmem_shared>>
    tpu.enqueue_indirect_dma source(%dma_start3A_1001 : memref<128xf32, #tpu.memory_space<vmem>>) target(%dma_start3A_1006 : memref<1024xf32, #tpu.memory_space<vmem_shared>>) offsets(%dma_start3A_1004 : memref<128xi32, #tpu.memory_space<vmem>>) semaphore(%arg17 : memref<!tpu.dma_semaphore, #tpu.memory_space<semaphore_mem>>) {add = true}
    %dma_start3A_1007 = arith.constant 45 : i32
    %dma_start3A_1008 = arith.constant 45 : i32
    %dma_start3A_1009 = arith.constant 0 : i32
    %dma_start3A_1010 = tpu.memref_slice %arg14[%dma_start3A_1007, %dma_start3A_1009] : memref<50x128xf32, #tpu.memory_space<vmem>> -> memref<1x128xf32, #tpu.memory_space<vmem>>
    %dma_start3A_1011 = tpu.memref_squeeze %dma_start3A_1010 : memref<1x128xf32, #tpu.memory_space<vmem>> -> memref<128xf32, #tpu.memory_space<vmem>>
    %dma_start3A_1012 = arith.constant 0 : i32
    %dma_start3A_1013 = tpu.memref_slice %arg9[%dma_start3A_1008, %dma_start3A_1012] : memref<50x128xi32, #tpu.memory_space<vmem>> -> memref<1x128xi32, #tpu.memory_space<vmem>>
    %dma_start3A_1014 = tpu.memref_squeeze %dma_start3A_1013 : memref<1x128xi32, #tpu.memory_space<vmem>> -> memref<128xi32, #tpu.memory_space<vmem>>
    %dma_start3A_1015 = arith.constant 0 : i32
    %dma_start3A_1016 = tpu.memref_slice %arg19[%dma_start3A_1015] : memref<1024xf32, #tpu.memory_space<vmem_shared>> -> memref<1024xf32, #tpu.memory_space<vmem_shared>>
    tpu.enqueue_indirect_dma source(%dma_start3A_1011 : memref<128xf32, #tpu.memory_space<vmem>>) target(%dma_start3A_1016 : memref<1024xf32, #tpu.memory_space<vmem_shared>>) offsets(%dma_start3A_1014 : memref<128xi32, #tpu.memory_space<vmem>>) semaphore(%arg17 : memref<!tpu.dma_semaphore, #tpu.memory_space<semaphore_mem>>) {add = true}
    %dma_start3A_1017 = arith.constant 46 : i32
    %dma_start3A_1018 = arith.constant 46 : i32
    %dma_start3A_1019 = arith.constant 0 : i32
    %dma_start3A_1020 = tpu.memref_slice %arg14[%dma_start3A_1017, %dma_start3A_1019] : memref<50x128xf32, #tpu.memory_space<vmem>> -> memref<1x128xf32, #tpu.memory_space<vmem>>
    %dma_start3A_1021 = tpu.memref_squeeze %dma_start3A_1020 : memref<1x128xf32, #tpu.memory_space<vmem>> -> memref<128xf32, #tpu.memory_space<vmem>>
    %dma_start3A_1022 = arith.constant 0 : i32
    %dma_start3A_1023 = tpu.memref_slice %arg9[%dma_start3A_1018, %dma_start3A_1022] : memref<50x128xi32, #tpu.memory_space<vmem>> -> memref<1x128xi32, #tpu.memory_space<vmem>>
    %dma_start3A_1024 = tpu.memref_squeeze %dma_start3A_1023 : memref<1x128xi32, #tpu.memory_space<vmem>> -> memref<128xi32, #tpu.memory_space<vmem>>
    %dma_start3A_1025 = arith.constant 0 : i32
    %dma_start3A_1026 = tpu.memref_slice %arg19[%dma_start3A_1025] : memref<1024xf32, #tpu.memory_space<vmem_shared>> -> memref<1024xf32, #tpu.memory_space<vmem_shared>>
    tpu.enqueue_indirect_dma source(%dma_start3A_1021 : memref<128xf32, #tpu.memory_space<vmem>>) target(%dma_start3A_1026 : memref<1024xf32, #tpu.memory_space<vmem_shared>>) offsets(%dma_start3A_1024 : memref<128xi32, #tpu.memory_space<vmem>>) semaphore(%arg17 : memref<!tpu.dma_semaphore, #tpu.memory_space<semaphore_mem>>) {add = true}
    %dma_start3A_1027 = arith.constant 47 : i32
    %dma_start3A_1028 = arith.constant 47 : i32
    %dma_start3A_1029 = arith.constant 0 : i32
    %dma_start3A_1030 = tpu.memref_slice %arg14[%dma_start3A_1027, %dma_start3A_1029] : memref<50x128xf32, #tpu.memory_space<vmem>> -> memref<1x128xf32, #tpu.memory_space<vmem>>
    %dma_start3A_1031 = tpu.memref_squeeze %dma_start3A_1030 : memref<1x128xf32, #tpu.memory_space<vmem>> -> memref<128xf32, #tpu.memory_space<vmem>>
    %dma_start3A_1032 = arith.constant 0 : i32
    %dma_start3A_1033 = tpu.memref_slice %arg9[%dma_start3A_1028, %dma_start3A_1032] : memref<50x128xi32, #tpu.memory_space<vmem>> -> memref<1x128xi32, #tpu.memory_space<vmem>>
    %dma_start3A_1034 = tpu.memref_squeeze %dma_start3A_1033 : memref<1x128xi32, #tpu.memory_space<vmem>> -> memref<128xi32, #tpu.memory_space<vmem>>
    %dma_start3A_1035 = arith.constant 0 : i32
    %dma_start3A_1036 = tpu.memref_slice %arg19[%dma_start3A_1035] : memref<1024xf32, #tpu.memory_space<vmem_shared>> -> memref<1024xf32, #tpu.memory_space<vmem_shared>>
    tpu.enqueue_indirect_dma source(%dma_start3A_1031 : memref<128xf32, #tpu.memory_space<vmem>>) target(%dma_start3A_1036 : memref<1024xf32, #tpu.memory_space<vmem_shared>>) offsets(%dma_start3A_1034 : memref<128xi32, #tpu.memory_space<vmem>>) semaphore(%arg17 : memref<!tpu.dma_semaphore, #tpu.memory_space<semaphore_mem>>) {add = true}
    %dma_start3A_1037 = arith.constant 48 : i32
    %dma_start3A_1038 = arith.constant 48 : i32
    %dma_start3A_1039 = arith.constant 0 : i32
    %dma_start3A_1040 = tpu.memref_slice %arg14[%dma_start3A_1037, %dma_start3A_1039] : memref<50x128xf32, #tpu.memory_space<vmem>> -> memref<1x128xf32, #tpu.memory_space<vmem>>
    %dma_start3A_1041 = tpu.memref_squeeze %dma_start3A_1040 : memref<1x128xf32, #tpu.memory_space<vmem>> -> memref<128xf32, #tpu.memory_space<vmem>>
    %dma_start3A_1042 = arith.constant 0 : i32
    %dma_start3A_1043 = tpu.memref_slice %arg9[%dma_start3A_1038, %dma_start3A_1042] : memref<50x128xi32, #tpu.memory_space<vmem>> -> memref<1x128xi32, #tpu.memory_space<vmem>>
    %dma_start3A_1044 = tpu.memref_squeeze %dma_start3A_1043 : memref<1x128xi32, #tpu.memory_space<vmem>> -> memref<128xi32, #tpu.memory_space<vmem>>
    %dma_start3A_1045 = arith.constant 0 : i32
    %dma_start3A_1046 = tpu.memref_slice %arg19[%dma_start3A_1045] : memref<1024xf32, #tpu.memory_space<vmem_shared>> -> memref<1024xf32, #tpu.memory_space<vmem_shared>>
    tpu.enqueue_indirect_dma source(%dma_start3A_1041 : memref<128xf32, #tpu.memory_space<vmem>>) target(%dma_start3A_1046 : memref<1024xf32, #tpu.memory_space<vmem_shared>>) offsets(%dma_start3A_1044 : memref<128xi32, #tpu.memory_space<vmem>>) semaphore(%arg17 : memref<!tpu.dma_semaphore, #tpu.memory_space<semaphore_mem>>) {add = true}
    %dma_start3A_1047 = arith.constant 49 : i32
    %dma_start3A_1048 = arith.constant 49 : i32
    %dma_start3A_1049 = arith.constant 0 : i32
    %dma_start3A_1050 = tpu.memref_slice %arg14[%dma_start3A_1047, %dma_start3A_1049] : memref<50x128xf32, #tpu.memory_space<vmem>> -> memref<1x128xf32, #tpu.memory_space<vmem>>
    %dma_start3A_1051 = tpu.memref_squeeze %dma_start3A_1050 : memref<1x128xf32, #tpu.memory_space<vmem>> -> memref<128xf32, #tpu.memory_space<vmem>>
    %dma_start3A_1052 = arith.constant 0 : i32
    %dma_start3A_1053 = tpu.memref_slice %arg9[%dma_start3A_1048, %dma_start3A_1052] : memref<50x128xi32, #tpu.memory_space<vmem>> -> memref<1x128xi32, #tpu.memory_space<vmem>>
    %dma_start3A_1054 = tpu.memref_squeeze %dma_start3A_1053 : memref<1x128xi32, #tpu.memory_space<vmem>> -> memref<128xi32, #tpu.memory_space<vmem>>
    %dma_start3A_1055 = arith.constant 0 : i32
    %dma_start3A_1056 = tpu.memref_slice %arg19[%dma_start3A_1055] : memref<1024xf32, #tpu.memory_space<vmem_shared>> -> memref<1024xf32, #tpu.memory_space<vmem_shared>>
    tpu.enqueue_indirect_dma source(%dma_start3A_1051 : memref<128xf32, #tpu.memory_space<vmem>>) target(%dma_start3A_1056 : memref<1024xf32, #tpu.memory_space<vmem_shared>>) offsets(%dma_start3A_1054 : memref<128xi32, #tpu.memory_space<vmem>>) semaphore(%arg17 : memref<!tpu.dma_semaphore, #tpu.memory_space<semaphore_mem>>) {add = true}
    %dma_wait3A = arith.constant 0 : i32
    %dma_wait3A_1057 = arith.constant 0 : i32
    %dma_wait3A_1058 = arith.constant 0 : i32
    %dma_wait3A_1059 = tpu.memref_slice %arg13[%dma_wait3A, %dma_wait3A_1058] : memref<50x128xf32, #tpu.memory_space<vmem>> -> memref<1x128xf32, #tpu.memory_space<vmem>>
    %dma_wait3A_1060 = tpu.memref_squeeze %dma_wait3A_1059 : memref<1x128xf32, #tpu.memory_space<vmem>> -> memref<128xf32, #tpu.memory_space<vmem>>
    %dma_wait3A_1061 = arith.constant 0 : i32
    %dma_wait3A_1062 = tpu.memref_slice %arg12[%dma_wait3A_1057, %dma_wait3A_1061] : memref<50x128xi32, #tpu.memory_space<vmem>> -> memref<1x128xi32, #tpu.memory_space<vmem>>
    %dma_wait3A_1063 = tpu.memref_squeeze %dma_wait3A_1062 : memref<1x128xi32, #tpu.memory_space<vmem>> -> memref<128xi32, #tpu.memory_space<vmem>>
    %dma_wait3A_1064 = arith.constant 0 : i32
    %dma_wait3A_1065 = tpu.memref_slice %arg18[%dma_wait3A_1064] : memref<1024000xf32, #tpu.memory_space<vmem_shared>> -> memref<1024000xf32, #tpu.memory_space<vmem_shared>>
    tpu.wait_indirect_dma semaphore(%arg16 : memref<!tpu.dma_semaphore, #tpu.memory_space<semaphore_mem>>) src(%dma_wait3A_1060 : memref<128xf32, #tpu.memory_space<vmem>>) dst(%dma_wait3A_1065 : memref<1024000xf32, #tpu.memory_space<vmem_shared>>)
    %dma_wait3A_1066 = arith.constant 1 : i32
    %dma_wait3A_1067 = arith.constant 1 : i32
    %dma_wait3A_1068 = arith.constant 0 : i32
    %dma_wait3A_1069 = tpu.memref_slice %arg13[%dma_wait3A_1066, %dma_wait3A_1068] : memref<50x128xf32, #tpu.memory_space<vmem>> -> memref<1x128xf32, #tpu.memory_space<vmem>>
    %dma_wait3A_1070 = tpu.memref_squeeze %dma_wait3A_1069 : memref<1x128xf32, #tpu.memory_space<vmem>> -> memref<128xf32, #tpu.memory_space<vmem>>
    %dma_wait3A_1071 = arith.constant 0 : i32
    %dma_wait3A_1072 = tpu.memref_slice %arg12[%dma_wait3A_1067, %dma_wait3A_1071] : memref<50x128xi32, #tpu.memory_space<vmem>> -> memref<1x128xi32, #tpu.memory_space<vmem>>
    %dma_wait3A_1073 = tpu.memref_squeeze %dma_wait3A_1072 : memref<1x128xi32, #tpu.memory_space<vmem>> -> memref<128xi32, #tpu.memory_space<vmem>>
    %dma_wait3A_1074 = arith.constant 0 : i32
    %dma_wait3A_1075 = tpu.memref_slice %arg18[%dma_wait3A_1074] : memref<1024000xf32, #tpu.memory_space<vmem_shared>> -> memref<1024000xf32, #tpu.memory_space<vmem_shared>>
    tpu.wait_indirect_dma semaphore(%arg16 : memref<!tpu.dma_semaphore, #tpu.memory_space<semaphore_mem>>) src(%dma_wait3A_1070 : memref<128xf32, #tpu.memory_space<vmem>>) dst(%dma_wait3A_1075 : memref<1024000xf32, #tpu.memory_space<vmem_shared>>)
    %dma_wait3A_1076 = arith.constant 2 : i32
    %dma_wait3A_1077 = arith.constant 2 : i32
    %dma_wait3A_1078 = arith.constant 0 : i32
    %dma_wait3A_1079 = tpu.memref_slice %arg13[%dma_wait3A_1076, %dma_wait3A_1078] : memref<50x128xf32, #tpu.memory_space<vmem>> -> memref<1x128xf32, #tpu.memory_space<vmem>>
    %dma_wait3A_1080 = tpu.memref_squeeze %dma_wait3A_1079 : memref<1x128xf32, #tpu.memory_space<vmem>> -> memref<128xf32, #tpu.memory_space<vmem>>
    %dma_wait3A_1081 = arith.constant 0 : i32
    %dma_wait3A_1082 = tpu.memref_slice %arg12[%dma_wait3A_1077, %dma_wait3A_1081] : memref<50x128xi32, #tpu.memory_space<vmem>> -> memref<1x128xi32, #tpu.memory_space<vmem>>
    %dma_wait3A_1083 = tpu.memref_squeeze %dma_wait3A_1082 : memref<1x128xi32, #tpu.memory_space<vmem>> -> memref<128xi32, #tpu.memory_space<vmem>>
    %dma_wait3A_1084 = arith.constant 0 : i32
    %dma_wait3A_1085 = tpu.memref_slice %arg18[%dma_wait3A_1084] : memref<1024000xf32, #tpu.memory_space<vmem_shared>> -> memref<1024000xf32, #tpu.memory_space<vmem_shared>>
    tpu.wait_indirect_dma semaphore(%arg16 : memref<!tpu.dma_semaphore, #tpu.memory_space<semaphore_mem>>) src(%dma_wait3A_1080 : memref<128xf32, #tpu.memory_space<vmem>>) dst(%dma_wait3A_1085 : memref<1024000xf32, #tpu.memory_space<vmem_shared>>)
    %dma_wait3A_1086 = arith.constant 3 : i32
    %dma_wait3A_1087 = arith.constant 3 : i32
    %dma_wait3A_1088 = arith.constant 0 : i32
    %dma_wait3A_1089 = tpu.memref_slice %arg13[%dma_wait3A_1086, %dma_wait3A_1088] : memref<50x128xf32, #tpu.memory_space<vmem>> -> memref<1x128xf32, #tpu.memory_space<vmem>>
    %dma_wait3A_1090 = tpu.memref_squeeze %dma_wait3A_1089 : memref<1x128xf32, #tpu.memory_space<vmem>> -> memref<128xf32, #tpu.memory_space<vmem>>
    %dma_wait3A_1091 = arith.constant 0 : i32
    %dma_wait3A_1092 = tpu.memref_slice %arg12[%dma_wait3A_1087, %dma_wait3A_1091] : memref<50x128xi32, #tpu.memory_space<vmem>> -> memref<1x128xi32, #tpu.memory_space<vmem>>
    %dma_wait3A_1093 = tpu.memref_squeeze %dma_wait3A_1092 : memref<1x128xi32, #tpu.memory_space<vmem>> -> memref<128xi32, #tpu.memory_space<vmem>>
    %dma_wait3A_1094 = arith.constant 0 : i32
    %dma_wait3A_1095 = tpu.memref_slice %arg18[%dma_wait3A_1094] : memref<1024000xf32, #tpu.memory_space<vmem_shared>> -> memref<1024000xf32, #tpu.memory_space<vmem_shared>>
    tpu.wait_indirect_dma semaphore(%arg16 : memref<!tpu.dma_semaphore, #tpu.memory_space<semaphore_mem>>) src(%dma_wait3A_1090 : memref<128xf32, #tpu.memory_space<vmem>>) dst(%dma_wait3A_1095 : memref<1024000xf32, #tpu.memory_space<vmem_shared>>)
    %dma_wait3A_1096 = arith.constant 4 : i32
    %dma_wait3A_1097 = arith.constant 4 : i32
    %dma_wait3A_1098 = arith.constant 0 : i32
    %dma_wait3A_1099 = tpu.memref_slice %arg13[%dma_wait3A_1096, %dma_wait3A_1098] : memref<50x128xf32, #tpu.memory_space<vmem>> -> memref<1x128xf32, #tpu.memory_space<vmem>>
    %dma_wait3A_1100 = tpu.memref_squeeze %dma_wait3A_1099 : memref<1x128xf32, #tpu.memory_space<vmem>> -> memref<128xf32, #tpu.memory_space<vmem>>
    %dma_wait3A_1101 = arith.constant 0 : i32
    %dma_wait3A_1102 = tpu.memref_slice %arg12[%dma_wait3A_1097, %dma_wait3A_1101] : memref<50x128xi32, #tpu.memory_space<vmem>> -> memref<1x128xi32, #tpu.memory_space<vmem>>
    %dma_wait3A_1103 = tpu.memref_squeeze %dma_wait3A_1102 : memref<1x128xi32, #tpu.memory_space<vmem>> -> memref<128xi32, #tpu.memory_space<vmem>>
    %dma_wait3A_1104 = arith.constant 0 : i32
    %dma_wait3A_1105 = tpu.memref_slice %arg18[%dma_wait3A_1104] : memref<1024000xf32, #tpu.memory_space<vmem_shared>> -> memref<1024000xf32, #tpu.memory_space<vmem_shared>>
    tpu.wait_indirect_dma semaphore(%arg16 : memref<!tpu.dma_semaphore, #tpu.memory_space<semaphore_mem>>) src(%dma_wait3A_1100 : memref<128xf32, #tpu.memory_space<vmem>>) dst(%dma_wait3A_1105 : memref<1024000xf32, #tpu.memory_space<vmem_shared>>)
    %dma_wait3A_1106 = arith.constant 5 : i32
    %dma_wait3A_1107 = arith.constant 5 : i32
    %dma_wait3A_1108 = arith.constant 0 : i32
    %dma_wait3A_1109 = tpu.memref_slice %arg13[%dma_wait3A_1106, %dma_wait3A_1108] : memref<50x128xf32, #tpu.memory_space<vmem>> -> memref<1x128xf32, #tpu.memory_space<vmem>>
    %dma_wait3A_1110 = tpu.memref_squeeze %dma_wait3A_1109 : memref<1x128xf32, #tpu.memory_space<vmem>> -> memref<128xf32, #tpu.memory_space<vmem>>
    %dma_wait3A_1111 = arith.constant 0 : i32
    %dma_wait3A_1112 = tpu.memref_slice %arg12[%dma_wait3A_1107, %dma_wait3A_1111] : memref<50x128xi32, #tpu.memory_space<vmem>> -> memref<1x128xi32, #tpu.memory_space<vmem>>
    %dma_wait3A_1113 = tpu.memref_squeeze %dma_wait3A_1112 : memref<1x128xi32, #tpu.memory_space<vmem>> -> memref<128xi32, #tpu.memory_space<vmem>>
    %dma_wait3A_1114 = arith.constant 0 : i32
    %dma_wait3A_1115 = tpu.memref_slice %arg18[%dma_wait3A_1114] : memref<1024000xf32, #tpu.memory_space<vmem_shared>> -> memref<1024000xf32, #tpu.memory_space<vmem_shared>>
    tpu.wait_indirect_dma semaphore(%arg16 : memref<!tpu.dma_semaphore, #tpu.memory_space<semaphore_mem>>) src(%dma_wait3A_1110 : memref<128xf32, #tpu.memory_space<vmem>>) dst(%dma_wait3A_1115 : memref<1024000xf32, #tpu.memory_space<vmem_shared>>)
    %dma_wait3A_1116 = arith.constant 6 : i32
    %dma_wait3A_1117 = arith.constant 6 : i32
    %dma_wait3A_1118 = arith.constant 0 : i32
    %dma_wait3A_1119 = tpu.memref_slice %arg13[%dma_wait3A_1116, %dma_wait3A_1118] : memref<50x128xf32, #tpu.memory_space<vmem>> -> memref<1x128xf32, #tpu.memory_space<vmem>>
    %dma_wait3A_1120 = tpu.memref_squeeze %dma_wait3A_1119 : memref<1x128xf32, #tpu.memory_space<vmem>> -> memref<128xf32, #tpu.memory_space<vmem>>
    %dma_wait3A_1121 = arith.constant 0 : i32
    %dma_wait3A_1122 = tpu.memref_slice %arg12[%dma_wait3A_1117, %dma_wait3A_1121] : memref<50x128xi32, #tpu.memory_space<vmem>> -> memref<1x128xi32, #tpu.memory_space<vmem>>
    %dma_wait3A_1123 = tpu.memref_squeeze %dma_wait3A_1122 : memref<1x128xi32, #tpu.memory_space<vmem>> -> memref<128xi32, #tpu.memory_space<vmem>>
    %dma_wait3A_1124 = arith.constant 0 : i32
    %dma_wait3A_1125 = tpu.memref_slice %arg18[%dma_wait3A_1124] : memref<1024000xf32, #tpu.memory_space<vmem_shared>> -> memref<1024000xf32, #tpu.memory_space<vmem_shared>>
    tpu.wait_indirect_dma semaphore(%arg16 : memref<!tpu.dma_semaphore, #tpu.memory_space<semaphore_mem>>) src(%dma_wait3A_1120 : memref<128xf32, #tpu.memory_space<vmem>>) dst(%dma_wait3A_1125 : memref<1024000xf32, #tpu.memory_space<vmem_shared>>)
    %dma_wait3A_1126 = arith.constant 7 : i32
    %dma_wait3A_1127 = arith.constant 7 : i32
    %dma_wait3A_1128 = arith.constant 0 : i32
    %dma_wait3A_1129 = tpu.memref_slice %arg13[%dma_wait3A_1126, %dma_wait3A_1128] : memref<50x128xf32, #tpu.memory_space<vmem>> -> memref<1x128xf32, #tpu.memory_space<vmem>>
    %dma_wait3A_1130 = tpu.memref_squeeze %dma_wait3A_1129 : memref<1x128xf32, #tpu.memory_space<vmem>> -> memref<128xf32, #tpu.memory_space<vmem>>
    %dma_wait3A_1131 = arith.constant 0 : i32
    %dma_wait3A_1132 = tpu.memref_slice %arg12[%dma_wait3A_1127, %dma_wait3A_1131] : memref<50x128xi32, #tpu.memory_space<vmem>> -> memref<1x128xi32, #tpu.memory_space<vmem>>
    %dma_wait3A_1133 = tpu.memref_squeeze %dma_wait3A_1132 : memref<1x128xi32, #tpu.memory_space<vmem>> -> memref<128xi32, #tpu.memory_space<vmem>>
    %dma_wait3A_1134 = arith.constant 0 : i32
    %dma_wait3A_1135 = tpu.memref_slice %arg18[%dma_wait3A_1134] : memref<1024000xf32, #tpu.memory_space<vmem_shared>> -> memref<1024000xf32, #tpu.memory_space<vmem_shared>>
    tpu.wait_indirect_dma semaphore(%arg16 : memref<!tpu.dma_semaphore, #tpu.memory_space<semaphore_mem>>) src(%dma_wait3A_1130 : memref<128xf32, #tpu.memory_space<vmem>>) dst(%dma_wait3A_1135 : memref<1024000xf32, #tpu.memory_space<vmem_shared>>)
    %dma_wait3A_1136 = arith.constant 8 : i32
    %dma_wait3A_1137 = arith.constant 8 : i32
    %dma_wait3A_1138 = arith.constant 0 : i32
    %dma_wait3A_1139 = tpu.memref_slice %arg13[%dma_wait3A_1136, %dma_wait3A_1138] : memref<50x128xf32, #tpu.memory_space<vmem>> -> memref<1x128xf32, #tpu.memory_space<vmem>>
    %dma_wait3A_1140 = tpu.memref_squeeze %dma_wait3A_1139 : memref<1x128xf32, #tpu.memory_space<vmem>> -> memref<128xf32, #tpu.memory_space<vmem>>
    %dma_wait3A_1141 = arith.constant 0 : i32
    %dma_wait3A_1142 = tpu.memref_slice %arg12[%dma_wait3A_1137, %dma_wait3A_1141] : memref<50x128xi32, #tpu.memory_space<vmem>> -> memref<1x128xi32, #tpu.memory_space<vmem>>
    %dma_wait3A_1143 = tpu.memref_squeeze %dma_wait3A_1142 : memref<1x128xi32, #tpu.memory_space<vmem>> -> memref<128xi32, #tpu.memory_space<vmem>>
    %dma_wait3A_1144 = arith.constant 0 : i32
    %dma_wait3A_1145 = tpu.memref_slice %arg18[%dma_wait3A_1144] : memref<1024000xf32, #tpu.memory_space<vmem_shared>> -> memref<1024000xf32, #tpu.memory_space<vmem_shared>>
    tpu.wait_indirect_dma semaphore(%arg16 : memref<!tpu.dma_semaphore, #tpu.memory_space<semaphore_mem>>) src(%dma_wait3A_1140 : memref<128xf32, #tpu.memory_space<vmem>>) dst(%dma_wait3A_1145 : memref<1024000xf32, #tpu.memory_space<vmem_shared>>)
    %dma_wait3A_1146 = arith.constant 9 : i32
    %dma_wait3A_1147 = arith.constant 9 : i32
    %dma_wait3A_1148 = arith.constant 0 : i32
    %dma_wait3A_1149 = tpu.memref_slice %arg13[%dma_wait3A_1146, %dma_wait3A_1148] : memref<50x128xf32, #tpu.memory_space<vmem>> -> memref<1x128xf32, #tpu.memory_space<vmem>>
    %dma_wait3A_1150 = tpu.memref_squeeze %dma_wait3A_1149 : memref<1x128xf32, #tpu.memory_space<vmem>> -> memref<128xf32, #tpu.memory_space<vmem>>
    %dma_wait3A_1151 = arith.constant 0 : i32
    %dma_wait3A_1152 = tpu.memref_slice %arg12[%dma_wait3A_1147, %dma_wait3A_1151] : memref<50x128xi32, #tpu.memory_space<vmem>> -> memref<1x128xi32, #tpu.memory_space<vmem>>
    %dma_wait3A_1153 = tpu.memref_squeeze %dma_wait3A_1152 : memref<1x128xi32, #tpu.memory_space<vmem>> -> memref<128xi32, #tpu.memory_space<vmem>>
    %dma_wait3A_1154 = arith.constant 0 : i32
    %dma_wait3A_1155 = tpu.memref_slice %arg18[%dma_wait3A_1154] : memref<1024000xf32, #tpu.memory_space<vmem_shared>> -> memref<1024000xf32, #tpu.memory_space<vmem_shared>>
    tpu.wait_indirect_dma semaphore(%arg16 : memref<!tpu.dma_semaphore, #tpu.memory_space<semaphore_mem>>) src(%dma_wait3A_1150 : memref<128xf32, #tpu.memory_space<vmem>>) dst(%dma_wait3A_1155 : memref<1024000xf32, #tpu.memory_space<vmem_shared>>)
    %dma_wait3A_1156 = arith.constant 10 : i32
    %dma_wait3A_1157 = arith.constant 10 : i32
    %dma_wait3A_1158 = arith.constant 0 : i32
    %dma_wait3A_1159 = tpu.memref_slice %arg13[%dma_wait3A_1156, %dma_wait3A_1158] : memref<50x128xf32, #tpu.memory_space<vmem>> -> memref<1x128xf32, #tpu.memory_space<vmem>>
    %dma_wait3A_1160 = tpu.memref_squeeze %dma_wait3A_1159 : memref<1x128xf32, #tpu.memory_space<vmem>> -> memref<128xf32, #tpu.memory_space<vmem>>
    %dma_wait3A_1161 = arith.constant 0 : i32
    %dma_wait3A_1162 = tpu.memref_slice %arg12[%dma_wait3A_1157, %dma_wait3A_1161] : memref<50x128xi32, #tpu.memory_space<vmem>> -> memref<1x128xi32, #tpu.memory_space<vmem>>
    %dma_wait3A_1163 = tpu.memref_squeeze %dma_wait3A_1162 : memref<1x128xi32, #tpu.memory_space<vmem>> -> memref<128xi32, #tpu.memory_space<vmem>>
    %dma_wait3A_1164 = arith.constant 0 : i32
    %dma_wait3A_1165 = tpu.memref_slice %arg18[%dma_wait3A_1164] : memref<1024000xf32, #tpu.memory_space<vmem_shared>> -> memref<1024000xf32, #tpu.memory_space<vmem_shared>>
    tpu.wait_indirect_dma semaphore(%arg16 : memref<!tpu.dma_semaphore, #tpu.memory_space<semaphore_mem>>) src(%dma_wait3A_1160 : memref<128xf32, #tpu.memory_space<vmem>>) dst(%dma_wait3A_1165 : memref<1024000xf32, #tpu.memory_space<vmem_shared>>)
    %dma_wait3A_1166 = arith.constant 11 : i32
    %dma_wait3A_1167 = arith.constant 11 : i32
    %dma_wait3A_1168 = arith.constant 0 : i32
    %dma_wait3A_1169 = tpu.memref_slice %arg13[%dma_wait3A_1166, %dma_wait3A_1168] : memref<50x128xf32, #tpu.memory_space<vmem>> -> memref<1x128xf32, #tpu.memory_space<vmem>>
    %dma_wait3A_1170 = tpu.memref_squeeze %dma_wait3A_1169 : memref<1x128xf32, #tpu.memory_space<vmem>> -> memref<128xf32, #tpu.memory_space<vmem>>
    %dma_wait3A_1171 = arith.constant 0 : i32
    %dma_wait3A_1172 = tpu.memref_slice %arg12[%dma_wait3A_1167, %dma_wait3A_1171] : memref<50x128xi32, #tpu.memory_space<vmem>> -> memref<1x128xi32, #tpu.memory_space<vmem>>
    %dma_wait3A_1173 = tpu.memref_squeeze %dma_wait3A_1172 : memref<1x128xi32, #tpu.memory_space<vmem>> -> memref<128xi32, #tpu.memory_space<vmem>>
    %dma_wait3A_1174 = arith.constant 0 : i32
    %dma_wait3A_1175 = tpu.memref_slice %arg18[%dma_wait3A_1174] : memref<1024000xf32, #tpu.memory_space<vmem_shared>> -> memref<1024000xf32, #tpu.memory_space<vmem_shared>>
    tpu.wait_indirect_dma semaphore(%arg16 : memref<!tpu.dma_semaphore, #tpu.memory_space<semaphore_mem>>) src(%dma_wait3A_1170 : memref<128xf32, #tpu.memory_space<vmem>>) dst(%dma_wait3A_1175 : memref<1024000xf32, #tpu.memory_space<vmem_shared>>)
    %dma_wait3A_1176 = arith.constant 12 : i32
    %dma_wait3A_1177 = arith.constant 12 : i32
    %dma_wait3A_1178 = arith.constant 0 : i32
    %dma_wait3A_1179 = tpu.memref_slice %arg13[%dma_wait3A_1176, %dma_wait3A_1178] : memref<50x128xf32, #tpu.memory_space<vmem>> -> memref<1x128xf32, #tpu.memory_space<vmem>>
    %dma_wait3A_1180 = tpu.memref_squeeze %dma_wait3A_1179 : memref<1x128xf32, #tpu.memory_space<vmem>> -> memref<128xf32, #tpu.memory_space<vmem>>
    %dma_wait3A_1181 = arith.constant 0 : i32
    %dma_wait3A_1182 = tpu.memref_slice %arg12[%dma_wait3A_1177, %dma_wait3A_1181] : memref<50x128xi32, #tpu.memory_space<vmem>> -> memref<1x128xi32, #tpu.memory_space<vmem>>
    %dma_wait3A_1183 = tpu.memref_squeeze %dma_wait3A_1182 : memref<1x128xi32, #tpu.memory_space<vmem>> -> memref<128xi32, #tpu.memory_space<vmem>>
    %dma_wait3A_1184 = arith.constant 0 : i32
    %dma_wait3A_1185 = tpu.memref_slice %arg18[%dma_wait3A_1184] : memref<1024000xf32, #tpu.memory_space<vmem_shared>> -> memref<1024000xf32, #tpu.memory_space<vmem_shared>>
    tpu.wait_indirect_dma semaphore(%arg16 : memref<!tpu.dma_semaphore, #tpu.memory_space<semaphore_mem>>) src(%dma_wait3A_1180 : memref<128xf32, #tpu.memory_space<vmem>>) dst(%dma_wait3A_1185 : memref<1024000xf32, #tpu.memory_space<vmem_shared>>)
    %dma_wait3A_1186 = arith.constant 13 : i32
    %dma_wait3A_1187 = arith.constant 13 : i32
    %dma_wait3A_1188 = arith.constant 0 : i32
    %dma_wait3A_1189 = tpu.memref_slice %arg13[%dma_wait3A_1186, %dma_wait3A_1188] : memref<50x128xf32, #tpu.memory_space<vmem>> -> memref<1x128xf32, #tpu.memory_space<vmem>>
    %dma_wait3A_1190 = tpu.memref_squeeze %dma_wait3A_1189 : memref<1x128xf32, #tpu.memory_space<vmem>> -> memref<128xf32, #tpu.memory_space<vmem>>
    %dma_wait3A_1191 = arith.constant 0 : i32
    %dma_wait3A_1192 = tpu.memref_slice %arg12[%dma_wait3A_1187, %dma_wait3A_1191] : memref<50x128xi32, #tpu.memory_space<vmem>> -> memref<1x128xi32, #tpu.memory_space<vmem>>
    %dma_wait3A_1193 = tpu.memref_squeeze %dma_wait3A_1192 : memref<1x128xi32, #tpu.memory_space<vmem>> -> memref<128xi32, #tpu.memory_space<vmem>>
    %dma_wait3A_1194 = arith.constant 0 : i32
    %dma_wait3A_1195 = tpu.memref_slice %arg18[%dma_wait3A_1194] : memref<1024000xf32, #tpu.memory_space<vmem_shared>> -> memref<1024000xf32, #tpu.memory_space<vmem_shared>>
    tpu.wait_indirect_dma semaphore(%arg16 : memref<!tpu.dma_semaphore, #tpu.memory_space<semaphore_mem>>) src(%dma_wait3A_1190 : memref<128xf32, #tpu.memory_space<vmem>>) dst(%dma_wait3A_1195 : memref<1024000xf32, #tpu.memory_space<vmem_shared>>)
    %dma_wait3A_1196 = arith.constant 14 : i32
    %dma_wait3A_1197 = arith.constant 14 : i32
    %dma_wait3A_1198 = arith.constant 0 : i32
    %dma_wait3A_1199 = tpu.memref_slice %arg13[%dma_wait3A_1196, %dma_wait3A_1198] : memref<50x128xf32, #tpu.memory_space<vmem>> -> memref<1x128xf32, #tpu.memory_space<vmem>>
    %dma_wait3A_1200 = tpu.memref_squeeze %dma_wait3A_1199 : memref<1x128xf32, #tpu.memory_space<vmem>> -> memref<128xf32, #tpu.memory_space<vmem>>
    %dma_wait3A_1201 = arith.constant 0 : i32
    %dma_wait3A_1202 = tpu.memref_slice %arg12[%dma_wait3A_1197, %dma_wait3A_1201] : memref<50x128xi32, #tpu.memory_space<vmem>> -> memref<1x128xi32, #tpu.memory_space<vmem>>
    %dma_wait3A_1203 = tpu.memref_squeeze %dma_wait3A_1202 : memref<1x128xi32, #tpu.memory_space<vmem>> -> memref<128xi32, #tpu.memory_space<vmem>>
    %dma_wait3A_1204 = arith.constant 0 : i32
    %dma_wait3A_1205 = tpu.memref_slice %arg18[%dma_wait3A_1204] : memref<1024000xf32, #tpu.memory_space<vmem_shared>> -> memref<1024000xf32, #tpu.memory_space<vmem_shared>>
    tpu.wait_indirect_dma semaphore(%arg16 : memref<!tpu.dma_semaphore, #tpu.memory_space<semaphore_mem>>) src(%dma_wait3A_1200 : memref<128xf32, #tpu.memory_space<vmem>>) dst(%dma_wait3A_1205 : memref<1024000xf32, #tpu.memory_space<vmem_shared>>)
    %dma_wait3A_1206 = arith.constant 15 : i32
    %dma_wait3A_1207 = arith.constant 15 : i32
    %dma_wait3A_1208 = arith.constant 0 : i32
    %dma_wait3A_1209 = tpu.memref_slice %arg13[%dma_wait3A_1206, %dma_wait3A_1208] : memref<50x128xf32, #tpu.memory_space<vmem>> -> memref<1x128xf32, #tpu.memory_space<vmem>>
    %dma_wait3A_1210 = tpu.memref_squeeze %dma_wait3A_1209 : memref<1x128xf32, #tpu.memory_space<vmem>> -> memref<128xf32, #tpu.memory_space<vmem>>
    %dma_wait3A_1211 = arith.constant 0 : i32
    %dma_wait3A_1212 = tpu.memref_slice %arg12[%dma_wait3A_1207, %dma_wait3A_1211] : memref<50x128xi32, #tpu.memory_space<vmem>> -> memref<1x128xi32, #tpu.memory_space<vmem>>
    %dma_wait3A_1213 = tpu.memref_squeeze %dma_wait3A_1212 : memref<1x128xi32, #tpu.memory_space<vmem>> -> memref<128xi32, #tpu.memory_space<vmem>>
    %dma_wait3A_1214 = arith.constant 0 : i32
    %dma_wait3A_1215 = tpu.memref_slice %arg18[%dma_wait3A_1214] : memref<1024000xf32, #tpu.memory_space<vmem_shared>> -> memref<1024000xf32, #tpu.memory_space<vmem_shared>>
    tpu.wait_indirect_dma semaphore(%arg16 : memref<!tpu.dma_semaphore, #tpu.memory_space<semaphore_mem>>) src(%dma_wait3A_1210 : memref<128xf32, #tpu.memory_space<vmem>>) dst(%dma_wait3A_1215 : memref<1024000xf32, #tpu.memory_space<vmem_shared>>)
    %dma_wait3A_1216 = arith.constant 16 : i32
    %dma_wait3A_1217 = arith.constant 16 : i32
    %dma_wait3A_1218 = arith.constant 0 : i32
    %dma_wait3A_1219 = tpu.memref_slice %arg13[%dma_wait3A_1216, %dma_wait3A_1218] : memref<50x128xf32, #tpu.memory_space<vmem>> -> memref<1x128xf32, #tpu.memory_space<vmem>>
    %dma_wait3A_1220 = tpu.memref_squeeze %dma_wait3A_1219 : memref<1x128xf32, #tpu.memory_space<vmem>> -> memref<128xf32, #tpu.memory_space<vmem>>
    %dma_wait3A_1221 = arith.constant 0 : i32
    %dma_wait3A_1222 = tpu.memref_slice %arg12[%dma_wait3A_1217, %dma_wait3A_1221] : memref<50x128xi32, #tpu.memory_space<vmem>> -> memref<1x128xi32, #tpu.memory_space<vmem>>
    %dma_wait3A_1223 = tpu.memref_squeeze %dma_wait3A_1222 : memref<1x128xi32, #tpu.memory_space<vmem>> -> memref<128xi32, #tpu.memory_space<vmem>>
    %dma_wait3A_1224 = arith.constant 0 : i32
    %dma_wait3A_1225 = tpu.memref_slice %arg18[%dma_wait3A_1224] : memref<1024000xf32, #tpu.memory_space<vmem_shared>> -> memref<1024000xf32, #tpu.memory_space<vmem_shared>>
    tpu.wait_indirect_dma semaphore(%arg16 : memref<!tpu.dma_semaphore, #tpu.memory_space<semaphore_mem>>) src(%dma_wait3A_1220 : memref<128xf32, #tpu.memory_space<vmem>>) dst(%dma_wait3A_1225 : memref<1024000xf32, #tpu.memory_space<vmem_shared>>)
    %dma_wait3A_1226 = arith.constant 17 : i32
    %dma_wait3A_1227 = arith.constant 17 : i32
    %dma_wait3A_1228 = arith.constant 0 : i32
    %dma_wait3A_1229 = tpu.memref_slice %arg13[%dma_wait3A_1226, %dma_wait3A_1228] : memref<50x128xf32, #tpu.memory_space<vmem>> -> memref<1x128xf32, #tpu.memory_space<vmem>>
    %dma_wait3A_1230 = tpu.memref_squeeze %dma_wait3A_1229 : memref<1x128xf32, #tpu.memory_space<vmem>> -> memref<128xf32, #tpu.memory_space<vmem>>
    %dma_wait3A_1231 = arith.constant 0 : i32
    %dma_wait3A_1232 = tpu.memref_slice %arg12[%dma_wait3A_1227, %dma_wait3A_1231] : memref<50x128xi32, #tpu.memory_space<vmem>> -> memref<1x128xi32, #tpu.memory_space<vmem>>
    %dma_wait3A_1233 = tpu.memref_squeeze %dma_wait3A_1232 : memref<1x128xi32, #tpu.memory_space<vmem>> -> memref<128xi32, #tpu.memory_space<vmem>>
    %dma_wait3A_1234 = arith.constant 0 : i32
    %dma_wait3A_1235 = tpu.memref_slice %arg18[%dma_wait3A_1234] : memref<1024000xf32, #tpu.memory_space<vmem_shared>> -> memref<1024000xf32, #tpu.memory_space<vmem_shared>>
    tpu.wait_indirect_dma semaphore(%arg16 : memref<!tpu.dma_semaphore, #tpu.memory_space<semaphore_mem>>) src(%dma_wait3A_1230 : memref<128xf32, #tpu.memory_space<vmem>>) dst(%dma_wait3A_1235 : memref<1024000xf32, #tpu.memory_space<vmem_shared>>)
    %dma_wait3A_1236 = arith.constant 18 : i32
    %dma_wait3A_1237 = arith.constant 18 : i32
    %dma_wait3A_1238 = arith.constant 0 : i32
    %dma_wait3A_1239 = tpu.memref_slice %arg13[%dma_wait3A_1236, %dma_wait3A_1238] : memref<50x128xf32, #tpu.memory_space<vmem>> -> memref<1x128xf32, #tpu.memory_space<vmem>>
    %dma_wait3A_1240 = tpu.memref_squeeze %dma_wait3A_1239 : memref<1x128xf32, #tpu.memory_space<vmem>> -> memref<128xf32, #tpu.memory_space<vmem>>
    %dma_wait3A_1241 = arith.constant 0 : i32
    %dma_wait3A_1242 = tpu.memref_slice %arg12[%dma_wait3A_1237, %dma_wait3A_1241] : memref<50x128xi32, #tpu.memory_space<vmem>> -> memref<1x128xi32, #tpu.memory_space<vmem>>
    %dma_wait3A_1243 = tpu.memref_squeeze %dma_wait3A_1242 : memref<1x128xi32, #tpu.memory_space<vmem>> -> memref<128xi32, #tpu.memory_space<vmem>>
    %dma_wait3A_1244 = arith.constant 0 : i32
    %dma_wait3A_1245 = tpu.memref_slice %arg18[%dma_wait3A_1244] : memref<1024000xf32, #tpu.memory_space<vmem_shared>> -> memref<1024000xf32, #tpu.memory_space<vmem_shared>>
    tpu.wait_indirect_dma semaphore(%arg16 : memref<!tpu.dma_semaphore, #tpu.memory_space<semaphore_mem>>) src(%dma_wait3A_1240 : memref<128xf32, #tpu.memory_space<vmem>>) dst(%dma_wait3A_1245 : memref<1024000xf32, #tpu.memory_space<vmem_shared>>)
    %dma_wait3A_1246 = arith.constant 19 : i32
    %dma_wait3A_1247 = arith.constant 19 : i32
    %dma_wait3A_1248 = arith.constant 0 : i32
    %dma_wait3A_1249 = tpu.memref_slice %arg13[%dma_wait3A_1246, %dma_wait3A_1248] : memref<50x128xf32, #tpu.memory_space<vmem>> -> memref<1x128xf32, #tpu.memory_space<vmem>>
    %dma_wait3A_1250 = tpu.memref_squeeze %dma_wait3A_1249 : memref<1x128xf32, #tpu.memory_space<vmem>> -> memref<128xf32, #tpu.memory_space<vmem>>
    %dma_wait3A_1251 = arith.constant 0 : i32
    %dma_wait3A_1252 = tpu.memref_slice %arg12[%dma_wait3A_1247, %dma_wait3A_1251] : memref<50x128xi32, #tpu.memory_space<vmem>> -> memref<1x128xi32, #tpu.memory_space<vmem>>
    %dma_wait3A_1253 = tpu.memref_squeeze %dma_wait3A_1252 : memref<1x128xi32, #tpu.memory_space<vmem>> -> memref<128xi32, #tpu.memory_space<vmem>>
    %dma_wait3A_1254 = arith.constant 0 : i32
    %dma_wait3A_1255 = tpu.memref_slice %arg18[%dma_wait3A_1254] : memref<1024000xf32, #tpu.memory_space<vmem_shared>> -> memref<1024000xf32, #tpu.memory_space<vmem_shared>>
    tpu.wait_indirect_dma semaphore(%arg16 : memref<!tpu.dma_semaphore, #tpu.memory_space<semaphore_mem>>) src(%dma_wait3A_1250 : memref<128xf32, #tpu.memory_space<vmem>>) dst(%dma_wait3A_1255 : memref<1024000xf32, #tpu.memory_space<vmem_shared>>)
    %dma_wait3A_1256 = arith.constant 20 : i32
    %dma_wait3A_1257 = arith.constant 20 : i32
    %dma_wait3A_1258 = arith.constant 0 : i32
    %dma_wait3A_1259 = tpu.memref_slice %arg13[%dma_wait3A_1256, %dma_wait3A_1258] : memref<50x128xf32, #tpu.memory_space<vmem>> -> memref<1x128xf32, #tpu.memory_space<vmem>>
    %dma_wait3A_1260 = tpu.memref_squeeze %dma_wait3A_1259 : memref<1x128xf32, #tpu.memory_space<vmem>> -> memref<128xf32, #tpu.memory_space<vmem>>
    %dma_wait3A_1261 = arith.constant 0 : i32
    %dma_wait3A_1262 = tpu.memref_slice %arg12[%dma_wait3A_1257, %dma_wait3A_1261] : memref<50x128xi32, #tpu.memory_space<vmem>> -> memref<1x128xi32, #tpu.memory_space<vmem>>
    %dma_wait3A_1263 = tpu.memref_squeeze %dma_wait3A_1262 : memref<1x128xi32, #tpu.memory_space<vmem>> -> memref<128xi32, #tpu.memory_space<vmem>>
    %dma_wait3A_1264 = arith.constant 0 : i32
    %dma_wait3A_1265 = tpu.memref_slice %arg18[%dma_wait3A_1264] : memref<1024000xf32, #tpu.memory_space<vmem_shared>> -> memref<1024000xf32, #tpu.memory_space<vmem_shared>>
    tpu.wait_indirect_dma semaphore(%arg16 : memref<!tpu.dma_semaphore, #tpu.memory_space<semaphore_mem>>) src(%dma_wait3A_1260 : memref<128xf32, #tpu.memory_space<vmem>>) dst(%dma_wait3A_1265 : memref<1024000xf32, #tpu.memory_space<vmem_shared>>)
    %dma_wait3A_1266 = arith.constant 21 : i32
    %dma_wait3A_1267 = arith.constant 21 : i32
    %dma_wait3A_1268 = arith.constant 0 : i32
    %dma_wait3A_1269 = tpu.memref_slice %arg13[%dma_wait3A_1266, %dma_wait3A_1268] : memref<50x128xf32, #tpu.memory_space<vmem>> -> memref<1x128xf32, #tpu.memory_space<vmem>>
    %dma_wait3A_1270 = tpu.memref_squeeze %dma_wait3A_1269 : memref<1x128xf32, #tpu.memory_space<vmem>> -> memref<128xf32, #tpu.memory_space<vmem>>
    %dma_wait3A_1271 = arith.constant 0 : i32
    %dma_wait3A_1272 = tpu.memref_slice %arg12[%dma_wait3A_1267, %dma_wait3A_1271] : memref<50x128xi32, #tpu.memory_space<vmem>> -> memref<1x128xi32, #tpu.memory_space<vmem>>
    %dma_wait3A_1273 = tpu.memref_squeeze %dma_wait3A_1272 : memref<1x128xi32, #tpu.memory_space<vmem>> -> memref<128xi32, #tpu.memory_space<vmem>>
    %dma_wait3A_1274 = arith.constant 0 : i32
    %dma_wait3A_1275 = tpu.memref_slice %arg18[%dma_wait3A_1274] : memref<1024000xf32, #tpu.memory_space<vmem_shared>> -> memref<1024000xf32, #tpu.memory_space<vmem_shared>>
    tpu.wait_indirect_dma semaphore(%arg16 : memref<!tpu.dma_semaphore, #tpu.memory_space<semaphore_mem>>) src(%dma_wait3A_1270 : memref<128xf32, #tpu.memory_space<vmem>>) dst(%dma_wait3A_1275 : memref<1024000xf32, #tpu.memory_space<vmem_shared>>)
    %dma_wait3A_1276 = arith.constant 22 : i32
    %dma_wait3A_1277 = arith.constant 22 : i32
    %dma_wait3A_1278 = arith.constant 0 : i32
    %dma_wait3A_1279 = tpu.memref_slice %arg13[%dma_wait3A_1276, %dma_wait3A_1278] : memref<50x128xf32, #tpu.memory_space<vmem>> -> memref<1x128xf32, #tpu.memory_space<vmem>>
    %dma_wait3A_1280 = tpu.memref_squeeze %dma_wait3A_1279 : memref<1x128xf32, #tpu.memory_space<vmem>> -> memref<128xf32, #tpu.memory_space<vmem>>
    %dma_wait3A_1281 = arith.constant 0 : i32
    %dma_wait3A_1282 = tpu.memref_slice %arg12[%dma_wait3A_1277, %dma_wait3A_1281] : memref<50x128xi32, #tpu.memory_space<vmem>> -> memref<1x128xi32, #tpu.memory_space<vmem>>
    %dma_wait3A_1283 = tpu.memref_squeeze %dma_wait3A_1282 : memref<1x128xi32, #tpu.memory_space<vmem>> -> memref<128xi32, #tpu.memory_space<vmem>>
    %dma_wait3A_1284 = arith.constant 0 : i32
    %dma_wait3A_1285 = tpu.memref_slice %arg18[%dma_wait3A_1284] : memref<1024000xf32, #tpu.memory_space<vmem_shared>> -> memref<1024000xf32, #tpu.memory_space<vmem_shared>>
    tpu.wait_indirect_dma semaphore(%arg16 : memref<!tpu.dma_semaphore, #tpu.memory_space<semaphore_mem>>) src(%dma_wait3A_1280 : memref<128xf32, #tpu.memory_space<vmem>>) dst(%dma_wait3A_1285 : memref<1024000xf32, #tpu.memory_space<vmem_shared>>)
    %dma_wait3A_1286 = arith.constant 23 : i32
    %dma_wait3A_1287 = arith.constant 23 : i32
    %dma_wait3A_1288 = arith.constant 0 : i32
    %dma_wait3A_1289 = tpu.memref_slice %arg13[%dma_wait3A_1286, %dma_wait3A_1288] : memref<50x128xf32, #tpu.memory_space<vmem>> -> memref<1x128xf32, #tpu.memory_space<vmem>>
    %dma_wait3A_1290 = tpu.memref_squeeze %dma_wait3A_1289 : memref<1x128xf32, #tpu.memory_space<vmem>> -> memref<128xf32, #tpu.memory_space<vmem>>
    %dma_wait3A_1291 = arith.constant 0 : i32
    %dma_wait3A_1292 = tpu.memref_slice %arg12[%dma_wait3A_1287, %dma_wait3A_1291] : memref<50x128xi32, #tpu.memory_space<vmem>> -> memref<1x128xi32, #tpu.memory_space<vmem>>
    %dma_wait3A_1293 = tpu.memref_squeeze %dma_wait3A_1292 : memref<1x128xi32, #tpu.memory_space<vmem>> -> memref<128xi32, #tpu.memory_space<vmem>>
    %dma_wait3A_1294 = arith.constant 0 : i32
    %dma_wait3A_1295 = tpu.memref_slice %arg18[%dma_wait3A_1294] : memref<1024000xf32, #tpu.memory_space<vmem_shared>> -> memref<1024000xf32, #tpu.memory_space<vmem_shared>>
    tpu.wait_indirect_dma semaphore(%arg16 : memref<!tpu.dma_semaphore, #tpu.memory_space<semaphore_mem>>) src(%dma_wait3A_1290 : memref<128xf32, #tpu.memory_space<vmem>>) dst(%dma_wait3A_1295 : memref<1024000xf32, #tpu.memory_space<vmem_shared>>)
    %dma_wait3A_1296 = arith.constant 24 : i32
    %dma_wait3A_1297 = arith.constant 24 : i32
    %dma_wait3A_1298 = arith.constant 0 : i32
    %dma_wait3A_1299 = tpu.memref_slice %arg13[%dma_wait3A_1296, %dma_wait3A_1298] : memref<50x128xf32, #tpu.memory_space<vmem>> -> memref<1x128xf32, #tpu.memory_space<vmem>>
    %dma_wait3A_1300 = tpu.memref_squeeze %dma_wait3A_1299 : memref<1x128xf32, #tpu.memory_space<vmem>> -> memref<128xf32, #tpu.memory_space<vmem>>
    %dma_wait3A_1301 = arith.constant 0 : i32
    %dma_wait3A_1302 = tpu.memref_slice %arg12[%dma_wait3A_1297, %dma_wait3A_1301] : memref<50x128xi32, #tpu.memory_space<vmem>> -> memref<1x128xi32, #tpu.memory_space<vmem>>
    %dma_wait3A_1303 = tpu.memref_squeeze %dma_wait3A_1302 : memref<1x128xi32, #tpu.memory_space<vmem>> -> memref<128xi32, #tpu.memory_space<vmem>>
    %dma_wait3A_1304 = arith.constant 0 : i32
    %dma_wait3A_1305 = tpu.memref_slice %arg18[%dma_wait3A_1304] : memref<1024000xf32, #tpu.memory_space<vmem_shared>> -> memref<1024000xf32, #tpu.memory_space<vmem_shared>>
    tpu.wait_indirect_dma semaphore(%arg16 : memref<!tpu.dma_semaphore, #tpu.memory_space<semaphore_mem>>) src(%dma_wait3A_1300 : memref<128xf32, #tpu.memory_space<vmem>>) dst(%dma_wait3A_1305 : memref<1024000xf32, #tpu.memory_space<vmem_shared>>)
    %dma_wait3A_1306 = arith.constant 25 : i32
    %dma_wait3A_1307 = arith.constant 25 : i32
    %dma_wait3A_1308 = arith.constant 0 : i32
    %dma_wait3A_1309 = tpu.memref_slice %arg13[%dma_wait3A_1306, %dma_wait3A_1308] : memref<50x128xf32, #tpu.memory_space<vmem>> -> memref<1x128xf32, #tpu.memory_space<vmem>>
    %dma_wait3A_1310 = tpu.memref_squeeze %dma_wait3A_1309 : memref<1x128xf32, #tpu.memory_space<vmem>> -> memref<128xf32, #tpu.memory_space<vmem>>
    %dma_wait3A_1311 = arith.constant 0 : i32
    %dma_wait3A_1312 = tpu.memref_slice %arg12[%dma_wait3A_1307, %dma_wait3A_1311] : memref<50x128xi32, #tpu.memory_space<vmem>> -> memref<1x128xi32, #tpu.memory_space<vmem>>
    %dma_wait3A_1313 = tpu.memref_squeeze %dma_wait3A_1312 : memref<1x128xi32, #tpu.memory_space<vmem>> -> memref<128xi32, #tpu.memory_space<vmem>>
    %dma_wait3A_1314 = arith.constant 0 : i32
    %dma_wait3A_1315 = tpu.memref_slice %arg18[%dma_wait3A_1314] : memref<1024000xf32, #tpu.memory_space<vmem_shared>> -> memref<1024000xf32, #tpu.memory_space<vmem_shared>>
    tpu.wait_indirect_dma semaphore(%arg16 : memref<!tpu.dma_semaphore, #tpu.memory_space<semaphore_mem>>) src(%dma_wait3A_1310 : memref<128xf32, #tpu.memory_space<vmem>>) dst(%dma_wait3A_1315 : memref<1024000xf32, #tpu.memory_space<vmem_shared>>)
    %dma_wait3A_1316 = arith.constant 26 : i32
    %dma_wait3A_1317 = arith.constant 26 : i32
    %dma_wait3A_1318 = arith.constant 0 : i32
    %dma_wait3A_1319 = tpu.memref_slice %arg13[%dma_wait3A_1316, %dma_wait3A_1318] : memref<50x128xf32, #tpu.memory_space<vmem>> -> memref<1x128xf32, #tpu.memory_space<vmem>>
    %dma_wait3A_1320 = tpu.memref_squeeze %dma_wait3A_1319 : memref<1x128xf32, #tpu.memory_space<vmem>> -> memref<128xf32, #tpu.memory_space<vmem>>
    %dma_wait3A_1321 = arith.constant 0 : i32
    %dma_wait3A_1322 = tpu.memref_slice %arg12[%dma_wait3A_1317, %dma_wait3A_1321] : memref<50x128xi32, #tpu.memory_space<vmem>> -> memref<1x128xi32, #tpu.memory_space<vmem>>
    %dma_wait3A_1323 = tpu.memref_squeeze %dma_wait3A_1322 : memref<1x128xi32, #tpu.memory_space<vmem>> -> memref<128xi32, #tpu.memory_space<vmem>>
    %dma_wait3A_1324 = arith.constant 0 : i32
    %dma_wait3A_1325 = tpu.memref_slice %arg18[%dma_wait3A_1324] : memref<1024000xf32, #tpu.memory_space<vmem_shared>> -> memref<1024000xf32, #tpu.memory_space<vmem_shared>>
    tpu.wait_indirect_dma semaphore(%arg16 : memref<!tpu.dma_semaphore, #tpu.memory_space<semaphore_mem>>) src(%dma_wait3A_1320 : memref<128xf32, #tpu.memory_space<vmem>>) dst(%dma_wait3A_1325 : memref<1024000xf32, #tpu.memory_space<vmem_shared>>)
    %dma_wait3A_1326 = arith.constant 27 : i32
    %dma_wait3A_1327 = arith.constant 27 : i32
    %dma_wait3A_1328 = arith.constant 0 : i32
    %dma_wait3A_1329 = tpu.memref_slice %arg13[%dma_wait3A_1326, %dma_wait3A_1328] : memref<50x128xf32, #tpu.memory_space<vmem>> -> memref<1x128xf32, #tpu.memory_space<vmem>>
    %dma_wait3A_1330 = tpu.memref_squeeze %dma_wait3A_1329 : memref<1x128xf32, #tpu.memory_space<vmem>> -> memref<128xf32, #tpu.memory_space<vmem>>
    %dma_wait3A_1331 = arith.constant 0 : i32
    %dma_wait3A_1332 = tpu.memref_slice %arg12[%dma_wait3A_1327, %dma_wait3A_1331] : memref<50x128xi32, #tpu.memory_space<vmem>> -> memref<1x128xi32, #tpu.memory_space<vmem>>
    %dma_wait3A_1333 = tpu.memref_squeeze %dma_wait3A_1332 : memref<1x128xi32, #tpu.memory_space<vmem>> -> memref<128xi32, #tpu.memory_space<vmem>>
    %dma_wait3A_1334 = arith.constant 0 : i32
    %dma_wait3A_1335 = tpu.memref_slice %arg18[%dma_wait3A_1334] : memref<1024000xf32, #tpu.memory_space<vmem_shared>> -> memref<1024000xf32, #tpu.memory_space<vmem_shared>>
    tpu.wait_indirect_dma semaphore(%arg16 : memref<!tpu.dma_semaphore, #tpu.memory_space<semaphore_mem>>) src(%dma_wait3A_1330 : memref<128xf32, #tpu.memory_space<vmem>>) dst(%dma_wait3A_1335 : memref<1024000xf32, #tpu.memory_space<vmem_shared>>)
    %dma_wait3A_1336 = arith.constant 28 : i32
    %dma_wait3A_1337 = arith.constant 28 : i32
    %dma_wait3A_1338 = arith.constant 0 : i32
    %dma_wait3A_1339 = tpu.memref_slice %arg13[%dma_wait3A_1336, %dma_wait3A_1338] : memref<50x128xf32, #tpu.memory_space<vmem>> -> memref<1x128xf32, #tpu.memory_space<vmem>>
    %dma_wait3A_1340 = tpu.memref_squeeze %dma_wait3A_1339 : memref<1x128xf32, #tpu.memory_space<vmem>> -> memref<128xf32, #tpu.memory_space<vmem>>
    %dma_wait3A_1341 = arith.constant 0 : i32
    %dma_wait3A_1342 = tpu.memref_slice %arg12[%dma_wait3A_1337, %dma_wait3A_1341] : memref<50x128xi32, #tpu.memory_space<vmem>> -> memref<1x128xi32, #tpu.memory_space<vmem>>
    %dma_wait3A_1343 = tpu.memref_squeeze %dma_wait3A_1342 : memref<1x128xi32, #tpu.memory_space<vmem>> -> memref<128xi32, #tpu.memory_space<vmem>>
    %dma_wait3A_1344 = arith.constant 0 : i32
    %dma_wait3A_1345 = tpu.memref_slice %arg18[%dma_wait3A_1344] : memref<1024000xf32, #tpu.memory_space<vmem_shared>> -> memref<1024000xf32, #tpu.memory_space<vmem_shared>>
    tpu.wait_indirect_dma semaphore(%arg16 : memref<!tpu.dma_semaphore, #tpu.memory_space<semaphore_mem>>) src(%dma_wait3A_1340 : memref<128xf32, #tpu.memory_space<vmem>>) dst(%dma_wait3A_1345 : memref<1024000xf32, #tpu.memory_space<vmem_shared>>)
    %dma_wait3A_1346 = arith.constant 29 : i32
    %dma_wait3A_1347 = arith.constant 29 : i32
    %dma_wait3A_1348 = arith.constant 0 : i32
    %dma_wait3A_1349 = tpu.memref_slice %arg13[%dma_wait3A_1346, %dma_wait3A_1348] : memref<50x128xf32, #tpu.memory_space<vmem>> -> memref<1x128xf32, #tpu.memory_space<vmem>>
    %dma_wait3A_1350 = tpu.memref_squeeze %dma_wait3A_1349 : memref<1x128xf32, #tpu.memory_space<vmem>> -> memref<128xf32, #tpu.memory_space<vmem>>
    %dma_wait3A_1351 = arith.constant 0 : i32
    %dma_wait3A_1352 = tpu.memref_slice %arg12[%dma_wait3A_1347, %dma_wait3A_1351] : memref<50x128xi32, #tpu.memory_space<vmem>> -> memref<1x128xi32, #tpu.memory_space<vmem>>
    %dma_wait3A_1353 = tpu.memref_squeeze %dma_wait3A_1352 : memref<1x128xi32, #tpu.memory_space<vmem>> -> memref<128xi32, #tpu.memory_space<vmem>>
    %dma_wait3A_1354 = arith.constant 0 : i32
    %dma_wait3A_1355 = tpu.memref_slice %arg18[%dma_wait3A_1354] : memref<1024000xf32, #tpu.memory_space<vmem_shared>> -> memref<1024000xf32, #tpu.memory_space<vmem_shared>>
    tpu.wait_indirect_dma semaphore(%arg16 : memref<!tpu.dma_semaphore, #tpu.memory_space<semaphore_mem>>) src(%dma_wait3A_1350 : memref<128xf32, #tpu.memory_space<vmem>>) dst(%dma_wait3A_1355 : memref<1024000xf32, #tpu.memory_space<vmem_shared>>)
    %dma_wait3A_1356 = arith.constant 30 : i32
    %dma_wait3A_1357 = arith.constant 30 : i32
    %dma_wait3A_1358 = arith.constant 0 : i32
    %dma_wait3A_1359 = tpu.memref_slice %arg13[%dma_wait3A_1356, %dma_wait3A_1358] : memref<50x128xf32, #tpu.memory_space<vmem>> -> memref<1x128xf32, #tpu.memory_space<vmem>>
    %dma_wait3A_1360 = tpu.memref_squeeze %dma_wait3A_1359 : memref<1x128xf32, #tpu.memory_space<vmem>> -> memref<128xf32, #tpu.memory_space<vmem>>
    %dma_wait3A_1361 = arith.constant 0 : i32
    %dma_wait3A_1362 = tpu.memref_slice %arg12[%dma_wait3A_1357, %dma_wait3A_1361] : memref<50x128xi32, #tpu.memory_space<vmem>> -> memref<1x128xi32, #tpu.memory_space<vmem>>
    %dma_wait3A_1363 = tpu.memref_squeeze %dma_wait3A_1362 : memref<1x128xi32, #tpu.memory_space<vmem>> -> memref<128xi32, #tpu.memory_space<vmem>>
    %dma_wait3A_1364 = arith.constant 0 : i32
    %dma_wait3A_1365 = tpu.memref_slice %arg18[%dma_wait3A_1364] : memref<1024000xf32, #tpu.memory_space<vmem_shared>> -> memref<1024000xf32, #tpu.memory_space<vmem_shared>>
    tpu.wait_indirect_dma semaphore(%arg16 : memref<!tpu.dma_semaphore, #tpu.memory_space<semaphore_mem>>) src(%dma_wait3A_1360 : memref<128xf32, #tpu.memory_space<vmem>>) dst(%dma_wait3A_1365 : memref<1024000xf32, #tpu.memory_space<vmem_shared>>)
    %dma_wait3A_1366 = arith.constant 31 : i32
    %dma_wait3A_1367 = arith.constant 31 : i32
    %dma_wait3A_1368 = arith.constant 0 : i32
    %dma_wait3A_1369 = tpu.memref_slice %arg13[%dma_wait3A_1366, %dma_wait3A_1368] : memref<50x128xf32, #tpu.memory_space<vmem>> -> memref<1x128xf32, #tpu.memory_space<vmem>>
    %dma_wait3A_1370 = tpu.memref_squeeze %dma_wait3A_1369 : memref<1x128xf32, #tpu.memory_space<vmem>> -> memref<128xf32, #tpu.memory_space<vmem>>
    %dma_wait3A_1371 = arith.constant 0 : i32
    %dma_wait3A_1372 = tpu.memref_slice %arg12[%dma_wait3A_1367, %dma_wait3A_1371] : memref<50x128xi32, #tpu.memory_space<vmem>> -> memref<1x128xi32, #tpu.memory_space<vmem>>
    %dma_wait3A_1373 = tpu.memref_squeeze %dma_wait3A_1372 : memref<1x128xi32, #tpu.memory_space<vmem>> -> memref<128xi32, #tpu.memory_space<vmem>>
    %dma_wait3A_1374 = arith.constant 0 : i32
    %dma_wait3A_1375 = tpu.memref_slice %arg18[%dma_wait3A_1374] : memref<1024000xf32, #tpu.memory_space<vmem_shared>> -> memref<1024000xf32, #tpu.memory_space<vmem_shared>>
    tpu.wait_indirect_dma semaphore(%arg16 : memref<!tpu.dma_semaphore, #tpu.memory_space<semaphore_mem>>) src(%dma_wait3A_1370 : memref<128xf32, #tpu.memory_space<vmem>>) dst(%dma_wait3A_1375 : memref<1024000xf32, #tpu.memory_space<vmem_shared>>)
    %dma_wait3A_1376 = arith.constant 32 : i32
    %dma_wait3A_1377 = arith.constant 32 : i32
    %dma_wait3A_1378 = arith.constant 0 : i32
    %dma_wait3A_1379 = tpu.memref_slice %arg13[%dma_wait3A_1376, %dma_wait3A_1378] : memref<50x128xf32, #tpu.memory_space<vmem>> -> memref<1x128xf32, #tpu.memory_space<vmem>>
    %dma_wait3A_1380 = tpu.memref_squeeze %dma_wait3A_1379 : memref<1x128xf32, #tpu.memory_space<vmem>> -> memref<128xf32, #tpu.memory_space<vmem>>
    %dma_wait3A_1381 = arith.constant 0 : i32
    %dma_wait3A_1382 = tpu.memref_slice %arg12[%dma_wait3A_1377, %dma_wait3A_1381] : memref<50x128xi32, #tpu.memory_space<vmem>> -> memref<1x128xi32, #tpu.memory_space<vmem>>
    %dma_wait3A_1383 = tpu.memref_squeeze %dma_wait3A_1382 : memref<1x128xi32, #tpu.memory_space<vmem>> -> memref<128xi32, #tpu.memory_space<vmem>>
    %dma_wait3A_1384 = arith.constant 0 : i32
    %dma_wait3A_1385 = tpu.memref_slice %arg18[%dma_wait3A_1384] : memref<1024000xf32, #tpu.memory_space<vmem_shared>> -> memref<1024000xf32, #tpu.memory_space<vmem_shared>>
    tpu.wait_indirect_dma semaphore(%arg16 : memref<!tpu.dma_semaphore, #tpu.memory_space<semaphore_mem>>) src(%dma_wait3A_1380 : memref<128xf32, #tpu.memory_space<vmem>>) dst(%dma_wait3A_1385 : memref<1024000xf32, #tpu.memory_space<vmem_shared>>)
    %dma_wait3A_1386 = arith.constant 33 : i32
    %dma_wait3A_1387 = arith.constant 33 : i32
    %dma_wait3A_1388 = arith.constant 0 : i32
    %dma_wait3A_1389 = tpu.memref_slice %arg13[%dma_wait3A_1386, %dma_wait3A_1388] : memref<50x128xf32, #tpu.memory_space<vmem>> -> memref<1x128xf32, #tpu.memory_space<vmem>>
    %dma_wait3A_1390 = tpu.memref_squeeze %dma_wait3A_1389 : memref<1x128xf32, #tpu.memory_space<vmem>> -> memref<128xf32, #tpu.memory_space<vmem>>
    %dma_wait3A_1391 = arith.constant 0 : i32
    %dma_wait3A_1392 = tpu.memref_slice %arg12[%dma_wait3A_1387, %dma_wait3A_1391] : memref<50x128xi32, #tpu.memory_space<vmem>> -> memref<1x128xi32, #tpu.memory_space<vmem>>
    %dma_wait3A_1393 = tpu.memref_squeeze %dma_wait3A_1392 : memref<1x128xi32, #tpu.memory_space<vmem>> -> memref<128xi32, #tpu.memory_space<vmem>>
    %dma_wait3A_1394 = arith.constant 0 : i32
    %dma_wait3A_1395 = tpu.memref_slice %arg18[%dma_wait3A_1394] : memref<1024000xf32, #tpu.memory_space<vmem_shared>> -> memref<1024000xf32, #tpu.memory_space<vmem_shared>>
    tpu.wait_indirect_dma semaphore(%arg16 : memref<!tpu.dma_semaphore, #tpu.memory_space<semaphore_mem>>) src(%dma_wait3A_1390 : memref<128xf32, #tpu.memory_space<vmem>>) dst(%dma_wait3A_1395 : memref<1024000xf32, #tpu.memory_space<vmem_shared>>)
    %dma_wait3A_1396 = arith.constant 34 : i32
    %dma_wait3A_1397 = arith.constant 34 : i32
    %dma_wait3A_1398 = arith.constant 0 : i32
    %dma_wait3A_1399 = tpu.memref_slice %arg13[%dma_wait3A_1396, %dma_wait3A_1398] : memref<50x128xf32, #tpu.memory_space<vmem>> -> memref<1x128xf32, #tpu.memory_space<vmem>>
    %dma_wait3A_1400 = tpu.memref_squeeze %dma_wait3A_1399 : memref<1x128xf32, #tpu.memory_space<vmem>> -> memref<128xf32, #tpu.memory_space<vmem>>
    %dma_wait3A_1401 = arith.constant 0 : i32
    %dma_wait3A_1402 = tpu.memref_slice %arg12[%dma_wait3A_1397, %dma_wait3A_1401] : memref<50x128xi32, #tpu.memory_space<vmem>> -> memref<1x128xi32, #tpu.memory_space<vmem>>
    %dma_wait3A_1403 = tpu.memref_squeeze %dma_wait3A_1402 : memref<1x128xi32, #tpu.memory_space<vmem>> -> memref<128xi32, #tpu.memory_space<vmem>>
    %dma_wait3A_1404 = arith.constant 0 : i32
    %dma_wait3A_1405 = tpu.memref_slice %arg18[%dma_wait3A_1404] : memref<1024000xf32, #tpu.memory_space<vmem_shared>> -> memref<1024000xf32, #tpu.memory_space<vmem_shared>>
    tpu.wait_indirect_dma semaphore(%arg16 : memref<!tpu.dma_semaphore, #tpu.memory_space<semaphore_mem>>) src(%dma_wait3A_1400 : memref<128xf32, #tpu.memory_space<vmem>>) dst(%dma_wait3A_1405 : memref<1024000xf32, #tpu.memory_space<vmem_shared>>)
    %dma_wait3A_1406 = arith.constant 35 : i32
    %dma_wait3A_1407 = arith.constant 35 : i32
    %dma_wait3A_1408 = arith.constant 0 : i32
    %dma_wait3A_1409 = tpu.memref_slice %arg13[%dma_wait3A_1406, %dma_wait3A_1408] : memref<50x128xf32, #tpu.memory_space<vmem>> -> memref<1x128xf32, #tpu.memory_space<vmem>>
    %dma_wait3A_1410 = tpu.memref_squeeze %dma_wait3A_1409 : memref<1x128xf32, #tpu.memory_space<vmem>> -> memref<128xf32, #tpu.memory_space<vmem>>
    %dma_wait3A_1411 = arith.constant 0 : i32
    %dma_wait3A_1412 = tpu.memref_slice %arg12[%dma_wait3A_1407, %dma_wait3A_1411] : memref<50x128xi32, #tpu.memory_space<vmem>> -> memref<1x128xi32, #tpu.memory_space<vmem>>
    %dma_wait3A_1413 = tpu.memref_squeeze %dma_wait3A_1412 : memref<1x128xi32, #tpu.memory_space<vmem>> -> memref<128xi32, #tpu.memory_space<vmem>>
    %dma_wait3A_1414 = arith.constant 0 : i32
    %dma_wait3A_1415 = tpu.memref_slice %arg18[%dma_wait3A_1414] : memref<1024000xf32, #tpu.memory_space<vmem_shared>> -> memref<1024000xf32, #tpu.memory_space<vmem_shared>>
    tpu.wait_indirect_dma semaphore(%arg16 : memref<!tpu.dma_semaphore, #tpu.memory_space<semaphore_mem>>) src(%dma_wait3A_1410 : memref<128xf32, #tpu.memory_space<vmem>>) dst(%dma_wait3A_1415 : memref<1024000xf32, #tpu.memory_space<vmem_shared>>)
    %dma_wait3A_1416 = arith.constant 36 : i32
    %dma_wait3A_1417 = arith.constant 36 : i32
    %dma_wait3A_1418 = arith.constant 0 : i32
    %dma_wait3A_1419 = tpu.memref_slice %arg13[%dma_wait3A_1416, %dma_wait3A_1418] : memref<50x128xf32, #tpu.memory_space<vmem>> -> memref<1x128xf32, #tpu.memory_space<vmem>>
    %dma_wait3A_1420 = tpu.memref_squeeze %dma_wait3A_1419 : memref<1x128xf32, #tpu.memory_space<vmem>> -> memref<128xf32, #tpu.memory_space<vmem>>
    %dma_wait3A_1421 = arith.constant 0 : i32
    %dma_wait3A_1422 = tpu.memref_slice %arg12[%dma_wait3A_1417, %dma_wait3A_1421] : memref<50x128xi32, #tpu.memory_space<vmem>> -> memref<1x128xi32, #tpu.memory_space<vmem>>
    %dma_wait3A_1423 = tpu.memref_squeeze %dma_wait3A_1422 : memref<1x128xi32, #tpu.memory_space<vmem>> -> memref<128xi32, #tpu.memory_space<vmem>>
    %dma_wait3A_1424 = arith.constant 0 : i32
    %dma_wait3A_1425 = tpu.memref_slice %arg18[%dma_wait3A_1424] : memref<1024000xf32, #tpu.memory_space<vmem_shared>> -> memref<1024000xf32, #tpu.memory_space<vmem_shared>>
    tpu.wait_indirect_dma semaphore(%arg16 : memref<!tpu.dma_semaphore, #tpu.memory_space<semaphore_mem>>) src(%dma_wait3A_1420 : memref<128xf32, #tpu.memory_space<vmem>>) dst(%dma_wait3A_1425 : memref<1024000xf32, #tpu.memory_space<vmem_shared>>)
    %dma_wait3A_1426 = arith.constant 37 : i32
    %dma_wait3A_1427 = arith.constant 37 : i32
    %dma_wait3A_1428 = arith.constant 0 : i32
    %dma_wait3A_1429 = tpu.memref_slice %arg13[%dma_wait3A_1426, %dma_wait3A_1428] : memref<50x128xf32, #tpu.memory_space<vmem>> -> memref<1x128xf32, #tpu.memory_space<vmem>>
    %dma_wait3A_1430 = tpu.memref_squeeze %dma_wait3A_1429 : memref<1x128xf32, #tpu.memory_space<vmem>> -> memref<128xf32, #tpu.memory_space<vmem>>
    %dma_wait3A_1431 = arith.constant 0 : i32
    %dma_wait3A_1432 = tpu.memref_slice %arg12[%dma_wait3A_1427, %dma_wait3A_1431] : memref<50x128xi32, #tpu.memory_space<vmem>> -> memref<1x128xi32, #tpu.memory_space<vmem>>
    %dma_wait3A_1433 = tpu.memref_squeeze %dma_wait3A_1432 : memref<1x128xi32, #tpu.memory_space<vmem>> -> memref<128xi32, #tpu.memory_space<vmem>>
    %dma_wait3A_1434 = arith.constant 0 : i32
    %dma_wait3A_1435 = tpu.memref_slice %arg18[%dma_wait3A_1434] : memref<1024000xf32, #tpu.memory_space<vmem_shared>> -> memref<1024000xf32, #tpu.memory_space<vmem_shared>>
    tpu.wait_indirect_dma semaphore(%arg16 : memref<!tpu.dma_semaphore, #tpu.memory_space<semaphore_mem>>) src(%dma_wait3A_1430 : memref<128xf32, #tpu.memory_space<vmem>>) dst(%dma_wait3A_1435 : memref<1024000xf32, #tpu.memory_space<vmem_shared>>)
    %dma_wait3A_1436 = arith.constant 38 : i32
    %dma_wait3A_1437 = arith.constant 38 : i32
    %dma_wait3A_1438 = arith.constant 0 : i32
    %dma_wait3A_1439 = tpu.memref_slice %arg13[%dma_wait3A_1436, %dma_wait3A_1438] : memref<50x128xf32, #tpu.memory_space<vmem>> -> memref<1x128xf32, #tpu.memory_space<vmem>>
    %dma_wait3A_1440 = tpu.memref_squeeze %dma_wait3A_1439 : memref<1x128xf32, #tpu.memory_space<vmem>> -> memref<128xf32, #tpu.memory_space<vmem>>
    %dma_wait3A_1441 = arith.constant 0 : i32
    %dma_wait3A_1442 = tpu.memref_slice %arg12[%dma_wait3A_1437, %dma_wait3A_1441] : memref<50x128xi32, #tpu.memory_space<vmem>> -> memref<1x128xi32, #tpu.memory_space<vmem>>
    %dma_wait3A_1443 = tpu.memref_squeeze %dma_wait3A_1442 : memref<1x128xi32, #tpu.memory_space<vmem>> -> memref<128xi32, #tpu.memory_space<vmem>>
    %dma_wait3A_1444 = arith.constant 0 : i32
    %dma_wait3A_1445 = tpu.memref_slice %arg18[%dma_wait3A_1444] : memref<1024000xf32, #tpu.memory_space<vmem_shared>> -> memref<1024000xf32, #tpu.memory_space<vmem_shared>>
    tpu.wait_indirect_dma semaphore(%arg16 : memref<!tpu.dma_semaphore, #tpu.memory_space<semaphore_mem>>) src(%dma_wait3A_1440 : memref<128xf32, #tpu.memory_space<vmem>>) dst(%dma_wait3A_1445 : memref<1024000xf32, #tpu.memory_space<vmem_shared>>)
    %dma_wait3A_1446 = arith.constant 39 : i32
    %dma_wait3A_1447 = arith.constant 39 : i32
    %dma_wait3A_1448 = arith.constant 0 : i32
    %dma_wait3A_1449 = tpu.memref_slice %arg13[%dma_wait3A_1446, %dma_wait3A_1448] : memref<50x128xf32, #tpu.memory_space<vmem>> -> memref<1x128xf32, #tpu.memory_space<vmem>>
    %dma_wait3A_1450 = tpu.memref_squeeze %dma_wait3A_1449 : memref<1x128xf32, #tpu.memory_space<vmem>> -> memref<128xf32, #tpu.memory_space<vmem>>
    %dma_wait3A_1451 = arith.constant 0 : i32
    %dma_wait3A_1452 = tpu.memref_slice %arg12[%dma_wait3A_1447, %dma_wait3A_1451] : memref<50x128xi32, #tpu.memory_space<vmem>> -> memref<1x128xi32, #tpu.memory_space<vmem>>
    %dma_wait3A_1453 = tpu.memref_squeeze %dma_wait3A_1452 : memref<1x128xi32, #tpu.memory_space<vmem>> -> memref<128xi32, #tpu.memory_space<vmem>>
    %dma_wait3A_1454 = arith.constant 0 : i32
    %dma_wait3A_1455 = tpu.memref_slice %arg18[%dma_wait3A_1454] : memref<1024000xf32, #tpu.memory_space<vmem_shared>> -> memref<1024000xf32, #tpu.memory_space<vmem_shared>>
    tpu.wait_indirect_dma semaphore(%arg16 : memref<!tpu.dma_semaphore, #tpu.memory_space<semaphore_mem>>) src(%dma_wait3A_1450 : memref<128xf32, #tpu.memory_space<vmem>>) dst(%dma_wait3A_1455 : memref<1024000xf32, #tpu.memory_space<vmem_shared>>)
    %dma_wait3A_1456 = arith.constant 40 : i32
    %dma_wait3A_1457 = arith.constant 40 : i32
    %dma_wait3A_1458 = arith.constant 0 : i32
    %dma_wait3A_1459 = tpu.memref_slice %arg13[%dma_wait3A_1456, %dma_wait3A_1458] : memref<50x128xf32, #tpu.memory_space<vmem>> -> memref<1x128xf32, #tpu.memory_space<vmem>>
    %dma_wait3A_1460 = tpu.memref_squeeze %dma_wait3A_1459 : memref<1x128xf32, #tpu.memory_space<vmem>> -> memref<128xf32, #tpu.memory_space<vmem>>
    %dma_wait3A_1461 = arith.constant 0 : i32
    %dma_wait3A_1462 = tpu.memref_slice %arg12[%dma_wait3A_1457, %dma_wait3A_1461] : memref<50x128xi32, #tpu.memory_space<vmem>> -> memref<1x128xi32, #tpu.memory_space<vmem>>
    %dma_wait3A_1463 = tpu.memref_squeeze %dma_wait3A_1462 : memref<1x128xi32, #tpu.memory_space<vmem>> -> memref<128xi32, #tpu.memory_space<vmem>>
    %dma_wait3A_1464 = arith.constant 0 : i32
    %dma_wait3A_1465 = tpu.memref_slice %arg18[%dma_wait3A_1464] : memref<1024000xf32, #tpu.memory_space<vmem_shared>> -> memref<1024000xf32, #tpu.memory_space<vmem_shared>>
    tpu.wait_indirect_dma semaphore(%arg16 : memref<!tpu.dma_semaphore, #tpu.memory_space<semaphore_mem>>) src(%dma_wait3A_1460 : memref<128xf32, #tpu.memory_space<vmem>>) dst(%dma_wait3A_1465 : memref<1024000xf32, #tpu.memory_space<vmem_shared>>)
    %dma_wait3A_1466 = arith.constant 41 : i32
    %dma_wait3A_1467 = arith.constant 41 : i32
    %dma_wait3A_1468 = arith.constant 0 : i32
    %dma_wait3A_1469 = tpu.memref_slice %arg13[%dma_wait3A_1466, %dma_wait3A_1468] : memref<50x128xf32, #tpu.memory_space<vmem>> -> memref<1x128xf32, #tpu.memory_space<vmem>>
    %dma_wait3A_1470 = tpu.memref_squeeze %dma_wait3A_1469 : memref<1x128xf32, #tpu.memory_space<vmem>> -> memref<128xf32, #tpu.memory_space<vmem>>
    %dma_wait3A_1471 = arith.constant 0 : i32
    %dma_wait3A_1472 = tpu.memref_slice %arg12[%dma_wait3A_1467, %dma_wait3A_1471] : memref<50x128xi32, #tpu.memory_space<vmem>> -> memref<1x128xi32, #tpu.memory_space<vmem>>
    %dma_wait3A_1473 = tpu.memref_squeeze %dma_wait3A_1472 : memref<1x128xi32, #tpu.memory_space<vmem>> -> memref<128xi32, #tpu.memory_space<vmem>>
    %dma_wait3A_1474 = arith.constant 0 : i32
    %dma_wait3A_1475 = tpu.memref_slice %arg18[%dma_wait3A_1474] : memref<1024000xf32, #tpu.memory_space<vmem_shared>> -> memref<1024000xf32, #tpu.memory_space<vmem_shared>>
    tpu.wait_indirect_dma semaphore(%arg16 : memref<!tpu.dma_semaphore, #tpu.memory_space<semaphore_mem>>) src(%dma_wait3A_1470 : memref<128xf32, #tpu.memory_space<vmem>>) dst(%dma_wait3A_1475 : memref<1024000xf32, #tpu.memory_space<vmem_shared>>)
    %dma_wait3A_1476 = arith.constant 42 : i32
    %dma_wait3A_1477 = arith.constant 42 : i32
    %dma_wait3A_1478 = arith.constant 0 : i32
    %dma_wait3A_1479 = tpu.memref_slice %arg13[%dma_wait3A_1476, %dma_wait3A_1478] : memref<50x128xf32, #tpu.memory_space<vmem>> -> memref<1x128xf32, #tpu.memory_space<vmem>>
    %dma_wait3A_1480 = tpu.memref_squeeze %dma_wait3A_1479 : memref<1x128xf32, #tpu.memory_space<vmem>> -> memref<128xf32, #tpu.memory_space<vmem>>
    %dma_wait3A_1481 = arith.constant 0 : i32
    %dma_wait3A_1482 = tpu.memref_slice %arg12[%dma_wait3A_1477, %dma_wait3A_1481] : memref<50x128xi32, #tpu.memory_space<vmem>> -> memref<1x128xi32, #tpu.memory_space<vmem>>
    %dma_wait3A_1483 = tpu.memref_squeeze %dma_wait3A_1482 : memref<1x128xi32, #tpu.memory_space<vmem>> -> memref<128xi32, #tpu.memory_space<vmem>>
    %dma_wait3A_1484 = arith.constant 0 : i32
    %dma_wait3A_1485 = tpu.memref_slice %arg18[%dma_wait3A_1484] : memref<1024000xf32, #tpu.memory_space<vmem_shared>> -> memref<1024000xf32, #tpu.memory_space<vmem_shared>>
    tpu.wait_indirect_dma semaphore(%arg16 : memref<!tpu.dma_semaphore, #tpu.memory_space<semaphore_mem>>) src(%dma_wait3A_1480 : memref<128xf32, #tpu.memory_space<vmem>>) dst(%dma_wait3A_1485 : memref<1024000xf32, #tpu.memory_space<vmem_shared>>)
    %dma_wait3A_1486 = arith.constant 43 : i32
    %dma_wait3A_1487 = arith.constant 43 : i32
    %dma_wait3A_1488 = arith.constant 0 : i32
    %dma_wait3A_1489 = tpu.memref_slice %arg13[%dma_wait3A_1486, %dma_wait3A_1488] : memref<50x128xf32, #tpu.memory_space<vmem>> -> memref<1x128xf32, #tpu.memory_space<vmem>>
    %dma_wait3A_1490 = tpu.memref_squeeze %dma_wait3A_1489 : memref<1x128xf32, #tpu.memory_space<vmem>> -> memref<128xf32, #tpu.memory_space<vmem>>
    %dma_wait3A_1491 = arith.constant 0 : i32
    %dma_wait3A_1492 = tpu.memref_slice %arg12[%dma_wait3A_1487, %dma_wait3A_1491] : memref<50x128xi32, #tpu.memory_space<vmem>> -> memref<1x128xi32, #tpu.memory_space<vmem>>
    %dma_wait3A_1493 = tpu.memref_squeeze %dma_wait3A_1492 : memref<1x128xi32, #tpu.memory_space<vmem>> -> memref<128xi32, #tpu.memory_space<vmem>>
    %dma_wait3A_1494 = arith.constant 0 : i32
    %dma_wait3A_1495 = tpu.memref_slice %arg18[%dma_wait3A_1494] : memref<1024000xf32, #tpu.memory_space<vmem_shared>> -> memref<1024000xf32, #tpu.memory_space<vmem_shared>>
    tpu.wait_indirect_dma semaphore(%arg16 : memref<!tpu.dma_semaphore, #tpu.memory_space<semaphore_mem>>) src(%dma_wait3A_1490 : memref<128xf32, #tpu.memory_space<vmem>>) dst(%dma_wait3A_1495 : memref<1024000xf32, #tpu.memory_space<vmem_shared>>)
    %dma_wait3A_1496 = arith.constant 44 : i32
    %dma_wait3A_1497 = arith.constant 44 : i32
    %dma_wait3A_1498 = arith.constant 0 : i32
    %dma_wait3A_1499 = tpu.memref_slice %arg13[%dma_wait3A_1496, %dma_wait3A_1498] : memref<50x128xf32, #tpu.memory_space<vmem>> -> memref<1x128xf32, #tpu.memory_space<vmem>>
    %dma_wait3A_1500 = tpu.memref_squeeze %dma_wait3A_1499 : memref<1x128xf32, #tpu.memory_space<vmem>> -> memref<128xf32, #tpu.memory_space<vmem>>
    %dma_wait3A_1501 = arith.constant 0 : i32
    %dma_wait3A_1502 = tpu.memref_slice %arg12[%dma_wait3A_1497, %dma_wait3A_1501] : memref<50x128xi32, #tpu.memory_space<vmem>> -> memref<1x128xi32, #tpu.memory_space<vmem>>
    %dma_wait3A_1503 = tpu.memref_squeeze %dma_wait3A_1502 : memref<1x128xi32, #tpu.memory_space<vmem>> -> memref<128xi32, #tpu.memory_space<vmem>>
    %dma_wait3A_1504 = arith.constant 0 : i32
    %dma_wait3A_1505 = tpu.memref_slice %arg18[%dma_wait3A_1504] : memref<1024000xf32, #tpu.memory_space<vmem_shared>> -> memref<1024000xf32, #tpu.memory_space<vmem_shared>>
    tpu.wait_indirect_dma semaphore(%arg16 : memref<!tpu.dma_semaphore, #tpu.memory_space<semaphore_mem>>) src(%dma_wait3A_1500 : memref<128xf32, #tpu.memory_space<vmem>>) dst(%dma_wait3A_1505 : memref<1024000xf32, #tpu.memory_space<vmem_shared>>)
    %dma_wait3A_1506 = arith.constant 45 : i32
    %dma_wait3A_1507 = arith.constant 45 : i32
    %dma_wait3A_1508 = arith.constant 0 : i32
    %dma_wait3A_1509 = tpu.memref_slice %arg13[%dma_wait3A_1506, %dma_wait3A_1508] : memref<50x128xf32, #tpu.memory_space<vmem>> -> memref<1x128xf32, #tpu.memory_space<vmem>>
    %dma_wait3A_1510 = tpu.memref_squeeze %dma_wait3A_1509 : memref<1x128xf32, #tpu.memory_space<vmem>> -> memref<128xf32, #tpu.memory_space<vmem>>
    %dma_wait3A_1511 = arith.constant 0 : i32
    %dma_wait3A_1512 = tpu.memref_slice %arg12[%dma_wait3A_1507, %dma_wait3A_1511] : memref<50x128xi32, #tpu.memory_space<vmem>> -> memref<1x128xi32, #tpu.memory_space<vmem>>
    %dma_wait3A_1513 = tpu.memref_squeeze %dma_wait3A_1512 : memref<1x128xi32, #tpu.memory_space<vmem>> -> memref<128xi32, #tpu.memory_space<vmem>>
    %dma_wait3A_1514 = arith.constant 0 : i32
    %dma_wait3A_1515 = tpu.memref_slice %arg18[%dma_wait3A_1514] : memref<1024000xf32, #tpu.memory_space<vmem_shared>> -> memref<1024000xf32, #tpu.memory_space<vmem_shared>>
    tpu.wait_indirect_dma semaphore(%arg16 : memref<!tpu.dma_semaphore, #tpu.memory_space<semaphore_mem>>) src(%dma_wait3A_1510 : memref<128xf32, #tpu.memory_space<vmem>>) dst(%dma_wait3A_1515 : memref<1024000xf32, #tpu.memory_space<vmem_shared>>)
    %dma_wait3A_1516 = arith.constant 46 : i32
    %dma_wait3A_1517 = arith.constant 46 : i32
    %dma_wait3A_1518 = arith.constant 0 : i32
    %dma_wait3A_1519 = tpu.memref_slice %arg13[%dma_wait3A_1516, %dma_wait3A_1518] : memref<50x128xf32, #tpu.memory_space<vmem>> -> memref<1x128xf32, #tpu.memory_space<vmem>>
    %dma_wait3A_1520 = tpu.memref_squeeze %dma_wait3A_1519 : memref<1x128xf32, #tpu.memory_space<vmem>> -> memref<128xf32, #tpu.memory_space<vmem>>
    %dma_wait3A_1521 = arith.constant 0 : i32
    %dma_wait3A_1522 = tpu.memref_slice %arg12[%dma_wait3A_1517, %dma_wait3A_1521] : memref<50x128xi32, #tpu.memory_space<vmem>> -> memref<1x128xi32, #tpu.memory_space<vmem>>
    %dma_wait3A_1523 = tpu.memref_squeeze %dma_wait3A_1522 : memref<1x128xi32, #tpu.memory_space<vmem>> -> memref<128xi32, #tpu.memory_space<vmem>>
    %dma_wait3A_1524 = arith.constant 0 : i32
    %dma_wait3A_1525 = tpu.memref_slice %arg18[%dma_wait3A_1524] : memref<1024000xf32, #tpu.memory_space<vmem_shared>> -> memref<1024000xf32, #tpu.memory_space<vmem_shared>>
    tpu.wait_indirect_dma semaphore(%arg16 : memref<!tpu.dma_semaphore, #tpu.memory_space<semaphore_mem>>) src(%dma_wait3A_1520 : memref<128xf32, #tpu.memory_space<vmem>>) dst(%dma_wait3A_1525 : memref<1024000xf32, #tpu.memory_space<vmem_shared>>)
    %dma_wait3A_1526 = arith.constant 47 : i32
    %dma_wait3A_1527 = arith.constant 47 : i32
    %dma_wait3A_1528 = arith.constant 0 : i32
    %dma_wait3A_1529 = tpu.memref_slice %arg13[%dma_wait3A_1526, %dma_wait3A_1528] : memref<50x128xf32, #tpu.memory_space<vmem>> -> memref<1x128xf32, #tpu.memory_space<vmem>>
    %dma_wait3A_1530 = tpu.memref_squeeze %dma_wait3A_1529 : memref<1x128xf32, #tpu.memory_space<vmem>> -> memref<128xf32, #tpu.memory_space<vmem>>
    %dma_wait3A_1531 = arith.constant 0 : i32
    %dma_wait3A_1532 = tpu.memref_slice %arg12[%dma_wait3A_1527, %dma_wait3A_1531] : memref<50x128xi32, #tpu.memory_space<vmem>> -> memref<1x128xi32, #tpu.memory_space<vmem>>
    %dma_wait3A_1533 = tpu.memref_squeeze %dma_wait3A_1532 : memref<1x128xi32, #tpu.memory_space<vmem>> -> memref<128xi32, #tpu.memory_space<vmem>>
    %dma_wait3A_1534 = arith.constant 0 : i32
    %dma_wait3A_1535 = tpu.memref_slice %arg18[%dma_wait3A_1534] : memref<1024000xf32, #tpu.memory_space<vmem_shared>> -> memref<1024000xf32, #tpu.memory_space<vmem_shared>>
    tpu.wait_indirect_dma semaphore(%arg16 : memref<!tpu.dma_semaphore, #tpu.memory_space<semaphore_mem>>) src(%dma_wait3A_1530 : memref<128xf32, #tpu.memory_space<vmem>>) dst(%dma_wait3A_1535 : memref<1024000xf32, #tpu.memory_space<vmem_shared>>)
    %dma_wait3A_1536 = arith.constant 48 : i32
    %dma_wait3A_1537 = arith.constant 48 : i32
    %dma_wait3A_1538 = arith.constant 0 : i32
    %dma_wait3A_1539 = tpu.memref_slice %arg13[%dma_wait3A_1536, %dma_wait3A_1538] : memref<50x128xf32, #tpu.memory_space<vmem>> -> memref<1x128xf32, #tpu.memory_space<vmem>>
    %dma_wait3A_1540 = tpu.memref_squeeze %dma_wait3A_1539 : memref<1x128xf32, #tpu.memory_space<vmem>> -> memref<128xf32, #tpu.memory_space<vmem>>
    %dma_wait3A_1541 = arith.constant 0 : i32
    %dma_wait3A_1542 = tpu.memref_slice %arg12[%dma_wait3A_1537, %dma_wait3A_1541] : memref<50x128xi32, #tpu.memory_space<vmem>> -> memref<1x128xi32, #tpu.memory_space<vmem>>
    %dma_wait3A_1543 = tpu.memref_squeeze %dma_wait3A_1542 : memref<1x128xi32, #tpu.memory_space<vmem>> -> memref<128xi32, #tpu.memory_space<vmem>>
    %dma_wait3A_1544 = arith.constant 0 : i32
    %dma_wait3A_1545 = tpu.memref_slice %arg18[%dma_wait3A_1544] : memref<1024000xf32, #tpu.memory_space<vmem_shared>> -> memref<1024000xf32, #tpu.memory_space<vmem_shared>>
    tpu.wait_indirect_dma semaphore(%arg16 : memref<!tpu.dma_semaphore, #tpu.memory_space<semaphore_mem>>) src(%dma_wait3A_1540 : memref<128xf32, #tpu.memory_space<vmem>>) dst(%dma_wait3A_1545 : memref<1024000xf32, #tpu.memory_space<vmem_shared>>)
    %dma_wait3A_1546 = arith.constant 49 : i32
    %dma_wait3A_1547 = arith.constant 49 : i32
    %dma_wait3A_1548 = arith.constant 0 : i32
    %dma_wait3A_1549 = tpu.memref_slice %arg13[%dma_wait3A_1546, %dma_wait3A_1548] : memref<50x128xf32, #tpu.memory_space<vmem>> -> memref<1x128xf32, #tpu.memory_space<vmem>>
    %dma_wait3A_1550 = tpu.memref_squeeze %dma_wait3A_1549 : memref<1x128xf32, #tpu.memory_space<vmem>> -> memref<128xf32, #tpu.memory_space<vmem>>
    %dma_wait3A_1551 = arith.constant 0 : i32
    %dma_wait3A_1552 = tpu.memref_slice %arg12[%dma_wait3A_1547, %dma_wait3A_1551] : memref<50x128xi32, #tpu.memory_space<vmem>> -> memref<1x128xi32, #tpu.memory_space<vmem>>
    %dma_wait3A_1553 = tpu.memref_squeeze %dma_wait3A_1552 : memref<1x128xi32, #tpu.memory_space<vmem>> -> memref<128xi32, #tpu.memory_space<vmem>>
    %dma_wait3A_1554 = arith.constant 0 : i32
    %dma_wait3A_1555 = tpu.memref_slice %arg18[%dma_wait3A_1554] : memref<1024000xf32, #tpu.memory_space<vmem_shared>> -> memref<1024000xf32, #tpu.memory_space<vmem_shared>>
    tpu.wait_indirect_dma semaphore(%arg16 : memref<!tpu.dma_semaphore, #tpu.memory_space<semaphore_mem>>) src(%dma_wait3A_1550 : memref<128xf32, #tpu.memory_space<vmem>>) dst(%dma_wait3A_1555 : memref<1024000xf32, #tpu.memory_space<vmem_shared>>)
    %dma_wait3A_1556 = arith.constant 0 : i32
    %dma_wait3A_1557 = arith.constant 0 : i32
    %dma_wait3A_1558 = arith.constant 0 : i32
    %dma_wait3A_1559 = tpu.memref_slice %arg14[%dma_wait3A_1556, %dma_wait3A_1558] : memref<50x128xf32, #tpu.memory_space<vmem>> -> memref<1x128xf32, #tpu.memory_space<vmem>>
    %dma_wait3A_1560 = tpu.memref_squeeze %dma_wait3A_1559 : memref<1x128xf32, #tpu.memory_space<vmem>> -> memref<128xf32, #tpu.memory_space<vmem>>
    %dma_wait3A_1561 = arith.constant 0 : i32
    %dma_wait3A_1562 = tpu.memref_slice %arg9[%dma_wait3A_1557, %dma_wait3A_1561] : memref<50x128xi32, #tpu.memory_space<vmem>> -> memref<1x128xi32, #tpu.memory_space<vmem>>
    %dma_wait3A_1563 = tpu.memref_squeeze %dma_wait3A_1562 : memref<1x128xi32, #tpu.memory_space<vmem>> -> memref<128xi32, #tpu.memory_space<vmem>>
    %dma_wait3A_1564 = arith.constant 0 : i32
    %dma_wait3A_1565 = tpu.memref_slice %arg19[%dma_wait3A_1564] : memref<1024xf32, #tpu.memory_space<vmem_shared>> -> memref<1024xf32, #tpu.memory_space<vmem_shared>>
    tpu.wait_indirect_dma semaphore(%arg17 : memref<!tpu.dma_semaphore, #tpu.memory_space<semaphore_mem>>) src(%dma_wait3A_1560 : memref<128xf32, #tpu.memory_space<vmem>>) dst(%dma_wait3A_1565 : memref<1024xf32, #tpu.memory_space<vmem_shared>>)
    %dma_wait3A_1566 = arith.constant 1 : i32
    %dma_wait3A_1567 = arith.constant 1 : i32
    %dma_wait3A_1568 = arith.constant 0 : i32
    %dma_wait3A_1569 = tpu.memref_slice %arg14[%dma_wait3A_1566, %dma_wait3A_1568] : memref<50x128xf32, #tpu.memory_space<vmem>> -> memref<1x128xf32, #tpu.memory_space<vmem>>
    %dma_wait3A_1570 = tpu.memref_squeeze %dma_wait3A_1569 : memref<1x128xf32, #tpu.memory_space<vmem>> -> memref<128xf32, #tpu.memory_space<vmem>>
    %dma_wait3A_1571 = arith.constant 0 : i32
    %dma_wait3A_1572 = tpu.memref_slice %arg9[%dma_wait3A_1567, %dma_wait3A_1571] : memref<50x128xi32, #tpu.memory_space<vmem>> -> memref<1x128xi32, #tpu.memory_space<vmem>>
    %dma_wait3A_1573 = tpu.memref_squeeze %dma_wait3A_1572 : memref<1x128xi32, #tpu.memory_space<vmem>> -> memref<128xi32, #tpu.memory_space<vmem>>
    %dma_wait3A_1574 = arith.constant 0 : i32
    %dma_wait3A_1575 = tpu.memref_slice %arg19[%dma_wait3A_1574] : memref<1024xf32, #tpu.memory_space<vmem_shared>> -> memref<1024xf32, #tpu.memory_space<vmem_shared>>
    tpu.wait_indirect_dma semaphore(%arg17 : memref<!tpu.dma_semaphore, #tpu.memory_space<semaphore_mem>>) src(%dma_wait3A_1570 : memref<128xf32, #tpu.memory_space<vmem>>) dst(%dma_wait3A_1575 : memref<1024xf32, #tpu.memory_space<vmem_shared>>)
    %dma_wait3A_1576 = arith.constant 2 : i32
    %dma_wait3A_1577 = arith.constant 2 : i32
    %dma_wait3A_1578 = arith.constant 0 : i32
    %dma_wait3A_1579 = tpu.memref_slice %arg14[%dma_wait3A_1576, %dma_wait3A_1578] : memref<50x128xf32, #tpu.memory_space<vmem>> -> memref<1x128xf32, #tpu.memory_space<vmem>>
    %dma_wait3A_1580 = tpu.memref_squeeze %dma_wait3A_1579 : memref<1x128xf32, #tpu.memory_space<vmem>> -> memref<128xf32, #tpu.memory_space<vmem>>
    %dma_wait3A_1581 = arith.constant 0 : i32
    %dma_wait3A_1582 = tpu.memref_slice %arg9[%dma_wait3A_1577, %dma_wait3A_1581] : memref<50x128xi32, #tpu.memory_space<vmem>> -> memref<1x128xi32, #tpu.memory_space<vmem>>
    %dma_wait3A_1583 = tpu.memref_squeeze %dma_wait3A_1582 : memref<1x128xi32, #tpu.memory_space<vmem>> -> memref<128xi32, #tpu.memory_space<vmem>>
    %dma_wait3A_1584 = arith.constant 0 : i32
    %dma_wait3A_1585 = tpu.memref_slice %arg19[%dma_wait3A_1584] : memref<1024xf32, #tpu.memory_space<vmem_shared>> -> memref<1024xf32, #tpu.memory_space<vmem_shared>>
    tpu.wait_indirect_dma semaphore(%arg17 : memref<!tpu.dma_semaphore, #tpu.memory_space<semaphore_mem>>) src(%dma_wait3A_1580 : memref<128xf32, #tpu.memory_space<vmem>>) dst(%dma_wait3A_1585 : memref<1024xf32, #tpu.memory_space<vmem_shared>>)
    %dma_wait3A_1586 = arith.constant 3 : i32
    %dma_wait3A_1587 = arith.constant 3 : i32
    %dma_wait3A_1588 = arith.constant 0 : i32
    %dma_wait3A_1589 = tpu.memref_slice %arg14[%dma_wait3A_1586, %dma_wait3A_1588] : memref<50x128xf32, #tpu.memory_space<vmem>> -> memref<1x128xf32, #tpu.memory_space<vmem>>
    %dma_wait3A_1590 = tpu.memref_squeeze %dma_wait3A_1589 : memref<1x128xf32, #tpu.memory_space<vmem>> -> memref<128xf32, #tpu.memory_space<vmem>>
    %dma_wait3A_1591 = arith.constant 0 : i32
    %dma_wait3A_1592 = tpu.memref_slice %arg9[%dma_wait3A_1587, %dma_wait3A_1591] : memref<50x128xi32, #tpu.memory_space<vmem>> -> memref<1x128xi32, #tpu.memory_space<vmem>>
    %dma_wait3A_1593 = tpu.memref_squeeze %dma_wait3A_1592 : memref<1x128xi32, #tpu.memory_space<vmem>> -> memref<128xi32, #tpu.memory_space<vmem>>
    %dma_wait3A_1594 = arith.constant 0 : i32
    %dma_wait3A_1595 = tpu.memref_slice %arg19[%dma_wait3A_1594] : memref<1024xf32, #tpu.memory_space<vmem_shared>> -> memref<1024xf32, #tpu.memory_space<vmem_shared>>
    tpu.wait_indirect_dma semaphore(%arg17 : memref<!tpu.dma_semaphore, #tpu.memory_space<semaphore_mem>>) src(%dma_wait3A_1590 : memref<128xf32, #tpu.memory_space<vmem>>) dst(%dma_wait3A_1595 : memref<1024xf32, #tpu.memory_space<vmem_shared>>)
    %dma_wait3A_1596 = arith.constant 4 : i32
    %dma_wait3A_1597 = arith.constant 4 : i32
    %dma_wait3A_1598 = arith.constant 0 : i32
    %dma_wait3A_1599 = tpu.memref_slice %arg14[%dma_wait3A_1596, %dma_wait3A_1598] : memref<50x128xf32, #tpu.memory_space<vmem>> -> memref<1x128xf32, #tpu.memory_space<vmem>>
    %dma_wait3A_1600 = tpu.memref_squeeze %dma_wait3A_1599 : memref<1x128xf32, #tpu.memory_space<vmem>> -> memref<128xf32, #tpu.memory_space<vmem>>
    %dma_wait3A_1601 = arith.constant 0 : i32
    %dma_wait3A_1602 = tpu.memref_slice %arg9[%dma_wait3A_1597, %dma_wait3A_1601] : memref<50x128xi32, #tpu.memory_space<vmem>> -> memref<1x128xi32, #tpu.memory_space<vmem>>
    %dma_wait3A_1603 = tpu.memref_squeeze %dma_wait3A_1602 : memref<1x128xi32, #tpu.memory_space<vmem>> -> memref<128xi32, #tpu.memory_space<vmem>>
    %dma_wait3A_1604 = arith.constant 0 : i32
    %dma_wait3A_1605 = tpu.memref_slice %arg19[%dma_wait3A_1604] : memref<1024xf32, #tpu.memory_space<vmem_shared>> -> memref<1024xf32, #tpu.memory_space<vmem_shared>>
    tpu.wait_indirect_dma semaphore(%arg17 : memref<!tpu.dma_semaphore, #tpu.memory_space<semaphore_mem>>) src(%dma_wait3A_1600 : memref<128xf32, #tpu.memory_space<vmem>>) dst(%dma_wait3A_1605 : memref<1024xf32, #tpu.memory_space<vmem_shared>>)
    %dma_wait3A_1606 = arith.constant 5 : i32
    %dma_wait3A_1607 = arith.constant 5 : i32
    %dma_wait3A_1608 = arith.constant 0 : i32
    %dma_wait3A_1609 = tpu.memref_slice %arg14[%dma_wait3A_1606, %dma_wait3A_1608] : memref<50x128xf32, #tpu.memory_space<vmem>> -> memref<1x128xf32, #tpu.memory_space<vmem>>
    %dma_wait3A_1610 = tpu.memref_squeeze %dma_wait3A_1609 : memref<1x128xf32, #tpu.memory_space<vmem>> -> memref<128xf32, #tpu.memory_space<vmem>>
    %dma_wait3A_1611 = arith.constant 0 : i32
    %dma_wait3A_1612 = tpu.memref_slice %arg9[%dma_wait3A_1607, %dma_wait3A_1611] : memref<50x128xi32, #tpu.memory_space<vmem>> -> memref<1x128xi32, #tpu.memory_space<vmem>>
    %dma_wait3A_1613 = tpu.memref_squeeze %dma_wait3A_1612 : memref<1x128xi32, #tpu.memory_space<vmem>> -> memref<128xi32, #tpu.memory_space<vmem>>
    %dma_wait3A_1614 = arith.constant 0 : i32
    %dma_wait3A_1615 = tpu.memref_slice %arg19[%dma_wait3A_1614] : memref<1024xf32, #tpu.memory_space<vmem_shared>> -> memref<1024xf32, #tpu.memory_space<vmem_shared>>
    tpu.wait_indirect_dma semaphore(%arg17 : memref<!tpu.dma_semaphore, #tpu.memory_space<semaphore_mem>>) src(%dma_wait3A_1610 : memref<128xf32, #tpu.memory_space<vmem>>) dst(%dma_wait3A_1615 : memref<1024xf32, #tpu.memory_space<vmem_shared>>)
    %dma_wait3A_1616 = arith.constant 6 : i32
    %dma_wait3A_1617 = arith.constant 6 : i32
    %dma_wait3A_1618 = arith.constant 0 : i32
    %dma_wait3A_1619 = tpu.memref_slice %arg14[%dma_wait3A_1616, %dma_wait3A_1618] : memref<50x128xf32, #tpu.memory_space<vmem>> -> memref<1x128xf32, #tpu.memory_space<vmem>>
    %dma_wait3A_1620 = tpu.memref_squeeze %dma_wait3A_1619 : memref<1x128xf32, #tpu.memory_space<vmem>> -> memref<128xf32, #tpu.memory_space<vmem>>
    %dma_wait3A_1621 = arith.constant 0 : i32
    %dma_wait3A_1622 = tpu.memref_slice %arg9[%dma_wait3A_1617, %dma_wait3A_1621] : memref<50x128xi32, #tpu.memory_space<vmem>> -> memref<1x128xi32, #tpu.memory_space<vmem>>
    %dma_wait3A_1623 = tpu.memref_squeeze %dma_wait3A_1622 : memref<1x128xi32, #tpu.memory_space<vmem>> -> memref<128xi32, #tpu.memory_space<vmem>>
    %dma_wait3A_1624 = arith.constant 0 : i32
    %dma_wait3A_1625 = tpu.memref_slice %arg19[%dma_wait3A_1624] : memref<1024xf32, #tpu.memory_space<vmem_shared>> -> memref<1024xf32, #tpu.memory_space<vmem_shared>>
    tpu.wait_indirect_dma semaphore(%arg17 : memref<!tpu.dma_semaphore, #tpu.memory_space<semaphore_mem>>) src(%dma_wait3A_1620 : memref<128xf32, #tpu.memory_space<vmem>>) dst(%dma_wait3A_1625 : memref<1024xf32, #tpu.memory_space<vmem_shared>>)
    %dma_wait3A_1626 = arith.constant 7 : i32
    %dma_wait3A_1627 = arith.constant 7 : i32
    %dma_wait3A_1628 = arith.constant 0 : i32
    %dma_wait3A_1629 = tpu.memref_slice %arg14[%dma_wait3A_1626, %dma_wait3A_1628] : memref<50x128xf32, #tpu.memory_space<vmem>> -> memref<1x128xf32, #tpu.memory_space<vmem>>
    %dma_wait3A_1630 = tpu.memref_squeeze %dma_wait3A_1629 : memref<1x128xf32, #tpu.memory_space<vmem>> -> memref<128xf32, #tpu.memory_space<vmem>>
    %dma_wait3A_1631 = arith.constant 0 : i32
    %dma_wait3A_1632 = tpu.memref_slice %arg9[%dma_wait3A_1627, %dma_wait3A_1631] : memref<50x128xi32, #tpu.memory_space<vmem>> -> memref<1x128xi32, #tpu.memory_space<vmem>>
    %dma_wait3A_1633 = tpu.memref_squeeze %dma_wait3A_1632 : memref<1x128xi32, #tpu.memory_space<vmem>> -> memref<128xi32, #tpu.memory_space<vmem>>
    %dma_wait3A_1634 = arith.constant 0 : i32
    %dma_wait3A_1635 = tpu.memref_slice %arg19[%dma_wait3A_1634] : memref<1024xf32, #tpu.memory_space<vmem_shared>> -> memref<1024xf32, #tpu.memory_space<vmem_shared>>
    tpu.wait_indirect_dma semaphore(%arg17 : memref<!tpu.dma_semaphore, #tpu.memory_space<semaphore_mem>>) src(%dma_wait3A_1630 : memref<128xf32, #tpu.memory_space<vmem>>) dst(%dma_wait3A_1635 : memref<1024xf32, #tpu.memory_space<vmem_shared>>)
    %dma_wait3A_1636 = arith.constant 8 : i32
    %dma_wait3A_1637 = arith.constant 8 : i32
    %dma_wait3A_1638 = arith.constant 0 : i32
    %dma_wait3A_1639 = tpu.memref_slice %arg14[%dma_wait3A_1636, %dma_wait3A_1638] : memref<50x128xf32, #tpu.memory_space<vmem>> -> memref<1x128xf32, #tpu.memory_space<vmem>>
    %dma_wait3A_1640 = tpu.memref_squeeze %dma_wait3A_1639 : memref<1x128xf32, #tpu.memory_space<vmem>> -> memref<128xf32, #tpu.memory_space<vmem>>
    %dma_wait3A_1641 = arith.constant 0 : i32
    %dma_wait3A_1642 = tpu.memref_slice %arg9[%dma_wait3A_1637, %dma_wait3A_1641] : memref<50x128xi32, #tpu.memory_space<vmem>> -> memref<1x128xi32, #tpu.memory_space<vmem>>
    %dma_wait3A_1643 = tpu.memref_squeeze %dma_wait3A_1642 : memref<1x128xi32, #tpu.memory_space<vmem>> -> memref<128xi32, #tpu.memory_space<vmem>>
    %dma_wait3A_1644 = arith.constant 0 : i32
    %dma_wait3A_1645 = tpu.memref_slice %arg19[%dma_wait3A_1644] : memref<1024xf32, #tpu.memory_space<vmem_shared>> -> memref<1024xf32, #tpu.memory_space<vmem_shared>>
    tpu.wait_indirect_dma semaphore(%arg17 : memref<!tpu.dma_semaphore, #tpu.memory_space<semaphore_mem>>) src(%dma_wait3A_1640 : memref<128xf32, #tpu.memory_space<vmem>>) dst(%dma_wait3A_1645 : memref<1024xf32, #tpu.memory_space<vmem_shared>>)
    %dma_wait3A_1646 = arith.constant 9 : i32
    %dma_wait3A_1647 = arith.constant 9 : i32
    %dma_wait3A_1648 = arith.constant 0 : i32
    %dma_wait3A_1649 = tpu.memref_slice %arg14[%dma_wait3A_1646, %dma_wait3A_1648] : memref<50x128xf32, #tpu.memory_space<vmem>> -> memref<1x128xf32, #tpu.memory_space<vmem>>
    %dma_wait3A_1650 = tpu.memref_squeeze %dma_wait3A_1649 : memref<1x128xf32, #tpu.memory_space<vmem>> -> memref<128xf32, #tpu.memory_space<vmem>>
    %dma_wait3A_1651 = arith.constant 0 : i32
    %dma_wait3A_1652 = tpu.memref_slice %arg9[%dma_wait3A_1647, %dma_wait3A_1651] : memref<50x128xi32, #tpu.memory_space<vmem>> -> memref<1x128xi32, #tpu.memory_space<vmem>>
    %dma_wait3A_1653 = tpu.memref_squeeze %dma_wait3A_1652 : memref<1x128xi32, #tpu.memory_space<vmem>> -> memref<128xi32, #tpu.memory_space<vmem>>
    %dma_wait3A_1654 = arith.constant 0 : i32
    %dma_wait3A_1655 = tpu.memref_slice %arg19[%dma_wait3A_1654] : memref<1024xf32, #tpu.memory_space<vmem_shared>> -> memref<1024xf32, #tpu.memory_space<vmem_shared>>
    tpu.wait_indirect_dma semaphore(%arg17 : memref<!tpu.dma_semaphore, #tpu.memory_space<semaphore_mem>>) src(%dma_wait3A_1650 : memref<128xf32, #tpu.memory_space<vmem>>) dst(%dma_wait3A_1655 : memref<1024xf32, #tpu.memory_space<vmem_shared>>)
    %dma_wait3A_1656 = arith.constant 10 : i32
    %dma_wait3A_1657 = arith.constant 10 : i32
    %dma_wait3A_1658 = arith.constant 0 : i32
    %dma_wait3A_1659 = tpu.memref_slice %arg14[%dma_wait3A_1656, %dma_wait3A_1658] : memref<50x128xf32, #tpu.memory_space<vmem>> -> memref<1x128xf32, #tpu.memory_space<vmem>>
    %dma_wait3A_1660 = tpu.memref_squeeze %dma_wait3A_1659 : memref<1x128xf32, #tpu.memory_space<vmem>> -> memref<128xf32, #tpu.memory_space<vmem>>
    %dma_wait3A_1661 = arith.constant 0 : i32
    %dma_wait3A_1662 = tpu.memref_slice %arg9[%dma_wait3A_1657, %dma_wait3A_1661] : memref<50x128xi32, #tpu.memory_space<vmem>> -> memref<1x128xi32, #tpu.memory_space<vmem>>
    %dma_wait3A_1663 = tpu.memref_squeeze %dma_wait3A_1662 : memref<1x128xi32, #tpu.memory_space<vmem>> -> memref<128xi32, #tpu.memory_space<vmem>>
    %dma_wait3A_1664 = arith.constant 0 : i32
    %dma_wait3A_1665 = tpu.memref_slice %arg19[%dma_wait3A_1664] : memref<1024xf32, #tpu.memory_space<vmem_shared>> -> memref<1024xf32, #tpu.memory_space<vmem_shared>>
    tpu.wait_indirect_dma semaphore(%arg17 : memref<!tpu.dma_semaphore, #tpu.memory_space<semaphore_mem>>) src(%dma_wait3A_1660 : memref<128xf32, #tpu.memory_space<vmem>>) dst(%dma_wait3A_1665 : memref<1024xf32, #tpu.memory_space<vmem_shared>>)
    %dma_wait3A_1666 = arith.constant 11 : i32
    %dma_wait3A_1667 = arith.constant 11 : i32
    %dma_wait3A_1668 = arith.constant 0 : i32
    %dma_wait3A_1669 = tpu.memref_slice %arg14[%dma_wait3A_1666, %dma_wait3A_1668] : memref<50x128xf32, #tpu.memory_space<vmem>> -> memref<1x128xf32, #tpu.memory_space<vmem>>
    %dma_wait3A_1670 = tpu.memref_squeeze %dma_wait3A_1669 : memref<1x128xf32, #tpu.memory_space<vmem>> -> memref<128xf32, #tpu.memory_space<vmem>>
    %dma_wait3A_1671 = arith.constant 0 : i32
    %dma_wait3A_1672 = tpu.memref_slice %arg9[%dma_wait3A_1667, %dma_wait3A_1671] : memref<50x128xi32, #tpu.memory_space<vmem>> -> memref<1x128xi32, #tpu.memory_space<vmem>>
    %dma_wait3A_1673 = tpu.memref_squeeze %dma_wait3A_1672 : memref<1x128xi32, #tpu.memory_space<vmem>> -> memref<128xi32, #tpu.memory_space<vmem>>
    %dma_wait3A_1674 = arith.constant 0 : i32
    %dma_wait3A_1675 = tpu.memref_slice %arg19[%dma_wait3A_1674] : memref<1024xf32, #tpu.memory_space<vmem_shared>> -> memref<1024xf32, #tpu.memory_space<vmem_shared>>
    tpu.wait_indirect_dma semaphore(%arg17 : memref<!tpu.dma_semaphore, #tpu.memory_space<semaphore_mem>>) src(%dma_wait3A_1670 : memref<128xf32, #tpu.memory_space<vmem>>) dst(%dma_wait3A_1675 : memref<1024xf32, #tpu.memory_space<vmem_shared>>)
    %dma_wait3A_1676 = arith.constant 12 : i32
    %dma_wait3A_1677 = arith.constant 12 : i32
    %dma_wait3A_1678 = arith.constant 0 : i32
    %dma_wait3A_1679 = tpu.memref_slice %arg14[%dma_wait3A_1676, %dma_wait3A_1678] : memref<50x128xf32, #tpu.memory_space<vmem>> -> memref<1x128xf32, #tpu.memory_space<vmem>>
    %dma_wait3A_1680 = tpu.memref_squeeze %dma_wait3A_1679 : memref<1x128xf32, #tpu.memory_space<vmem>> -> memref<128xf32, #tpu.memory_space<vmem>>
    %dma_wait3A_1681 = arith.constant 0 : i32
    %dma_wait3A_1682 = tpu.memref_slice %arg9[%dma_wait3A_1677, %dma_wait3A_1681] : memref<50x128xi32, #tpu.memory_space<vmem>> -> memref<1x128xi32, #tpu.memory_space<vmem>>
    %dma_wait3A_1683 = tpu.memref_squeeze %dma_wait3A_1682 : memref<1x128xi32, #tpu.memory_space<vmem>> -> memref<128xi32, #tpu.memory_space<vmem>>
    %dma_wait3A_1684 = arith.constant 0 : i32
    %dma_wait3A_1685 = tpu.memref_slice %arg19[%dma_wait3A_1684] : memref<1024xf32, #tpu.memory_space<vmem_shared>> -> memref<1024xf32, #tpu.memory_space<vmem_shared>>
    tpu.wait_indirect_dma semaphore(%arg17 : memref<!tpu.dma_semaphore, #tpu.memory_space<semaphore_mem>>) src(%dma_wait3A_1680 : memref<128xf32, #tpu.memory_space<vmem>>) dst(%dma_wait3A_1685 : memref<1024xf32, #tpu.memory_space<vmem_shared>>)
    %dma_wait3A_1686 = arith.constant 13 : i32
    %dma_wait3A_1687 = arith.constant 13 : i32
    %dma_wait3A_1688 = arith.constant 0 : i32
    %dma_wait3A_1689 = tpu.memref_slice %arg14[%dma_wait3A_1686, %dma_wait3A_1688] : memref<50x128xf32, #tpu.memory_space<vmem>> -> memref<1x128xf32, #tpu.memory_space<vmem>>
    %dma_wait3A_1690 = tpu.memref_squeeze %dma_wait3A_1689 : memref<1x128xf32, #tpu.memory_space<vmem>> -> memref<128xf32, #tpu.memory_space<vmem>>
    %dma_wait3A_1691 = arith.constant 0 : i32
    %dma_wait3A_1692 = tpu.memref_slice %arg9[%dma_wait3A_1687, %dma_wait3A_1691] : memref<50x128xi32, #tpu.memory_space<vmem>> -> memref<1x128xi32, #tpu.memory_space<vmem>>
    %dma_wait3A_1693 = tpu.memref_squeeze %dma_wait3A_1692 : memref<1x128xi32, #tpu.memory_space<vmem>> -> memref<128xi32, #tpu.memory_space<vmem>>
    %dma_wait3A_1694 = arith.constant 0 : i32
    %dma_wait3A_1695 = tpu.memref_slice %arg19[%dma_wait3A_1694] : memref<1024xf32, #tpu.memory_space<vmem_shared>> -> memref<1024xf32, #tpu.memory_space<vmem_shared>>
    tpu.wait_indirect_dma semaphore(%arg17 : memref<!tpu.dma_semaphore, #tpu.memory_space<semaphore_mem>>) src(%dma_wait3A_1690 : memref<128xf32, #tpu.memory_space<vmem>>) dst(%dma_wait3A_1695 : memref<1024xf32, #tpu.memory_space<vmem_shared>>)
    %dma_wait3A_1696 = arith.constant 14 : i32
    %dma_wait3A_1697 = arith.constant 14 : i32
    %dma_wait3A_1698 = arith.constant 0 : i32
    %dma_wait3A_1699 = tpu.memref_slice %arg14[%dma_wait3A_1696, %dma_wait3A_1698] : memref<50x128xf32, #tpu.memory_space<vmem>> -> memref<1x128xf32, #tpu.memory_space<vmem>>
    %dma_wait3A_1700 = tpu.memref_squeeze %dma_wait3A_1699 : memref<1x128xf32, #tpu.memory_space<vmem>> -> memref<128xf32, #tpu.memory_space<vmem>>
    %dma_wait3A_1701 = arith.constant 0 : i32
    %dma_wait3A_1702 = tpu.memref_slice %arg9[%dma_wait3A_1697, %dma_wait3A_1701] : memref<50x128xi32, #tpu.memory_space<vmem>> -> memref<1x128xi32, #tpu.memory_space<vmem>>
    %dma_wait3A_1703 = tpu.memref_squeeze %dma_wait3A_1702 : memref<1x128xi32, #tpu.memory_space<vmem>> -> memref<128xi32, #tpu.memory_space<vmem>>
    %dma_wait3A_1704 = arith.constant 0 : i32
    %dma_wait3A_1705 = tpu.memref_slice %arg19[%dma_wait3A_1704] : memref<1024xf32, #tpu.memory_space<vmem_shared>> -> memref<1024xf32, #tpu.memory_space<vmem_shared>>
    tpu.wait_indirect_dma semaphore(%arg17 : memref<!tpu.dma_semaphore, #tpu.memory_space<semaphore_mem>>) src(%dma_wait3A_1700 : memref<128xf32, #tpu.memory_space<vmem>>) dst(%dma_wait3A_1705 : memref<1024xf32, #tpu.memory_space<vmem_shared>>)
    %dma_wait3A_1706 = arith.constant 15 : i32
    %dma_wait3A_1707 = arith.constant 15 : i32
    %dma_wait3A_1708 = arith.constant 0 : i32
    %dma_wait3A_1709 = tpu.memref_slice %arg14[%dma_wait3A_1706, %dma_wait3A_1708] : memref<50x128xf32, #tpu.memory_space<vmem>> -> memref<1x128xf32, #tpu.memory_space<vmem>>
    %dma_wait3A_1710 = tpu.memref_squeeze %dma_wait3A_1709 : memref<1x128xf32, #tpu.memory_space<vmem>> -> memref<128xf32, #tpu.memory_space<vmem>>
    %dma_wait3A_1711 = arith.constant 0 : i32
    %dma_wait3A_1712 = tpu.memref_slice %arg9[%dma_wait3A_1707, %dma_wait3A_1711] : memref<50x128xi32, #tpu.memory_space<vmem>> -> memref<1x128xi32, #tpu.memory_space<vmem>>
    %dma_wait3A_1713 = tpu.memref_squeeze %dma_wait3A_1712 : memref<1x128xi32, #tpu.memory_space<vmem>> -> memref<128xi32, #tpu.memory_space<vmem>>
    %dma_wait3A_1714 = arith.constant 0 : i32
    %dma_wait3A_1715 = tpu.memref_slice %arg19[%dma_wait3A_1714] : memref<1024xf32, #tpu.memory_space<vmem_shared>> -> memref<1024xf32, #tpu.memory_space<vmem_shared>>
    tpu.wait_indirect_dma semaphore(%arg17 : memref<!tpu.dma_semaphore, #tpu.memory_space<semaphore_mem>>) src(%dma_wait3A_1710 : memref<128xf32, #tpu.memory_space<vmem>>) dst(%dma_wait3A_1715 : memref<1024xf32, #tpu.memory_space<vmem_shared>>)
    %dma_wait3A_1716 = arith.constant 16 : i32
    %dma_wait3A_1717 = arith.constant 16 : i32
    %dma_wait3A_1718 = arith.constant 0 : i32
    %dma_wait3A_1719 = tpu.memref_slice %arg14[%dma_wait3A_1716, %dma_wait3A_1718] : memref<50x128xf32, #tpu.memory_space<vmem>> -> memref<1x128xf32, #tpu.memory_space<vmem>>
    %dma_wait3A_1720 = tpu.memref_squeeze %dma_wait3A_1719 : memref<1x128xf32, #tpu.memory_space<vmem>> -> memref<128xf32, #tpu.memory_space<vmem>>
    %dma_wait3A_1721 = arith.constant 0 : i32
    %dma_wait3A_1722 = tpu.memref_slice %arg9[%dma_wait3A_1717, %dma_wait3A_1721] : memref<50x128xi32, #tpu.memory_space<vmem>> -> memref<1x128xi32, #tpu.memory_space<vmem>>
    %dma_wait3A_1723 = tpu.memref_squeeze %dma_wait3A_1722 : memref<1x128xi32, #tpu.memory_space<vmem>> -> memref<128xi32, #tpu.memory_space<vmem>>
    %dma_wait3A_1724 = arith.constant 0 : i32
    %dma_wait3A_1725 = tpu.memref_slice %arg19[%dma_wait3A_1724] : memref<1024xf32, #tpu.memory_space<vmem_shared>> -> memref<1024xf32, #tpu.memory_space<vmem_shared>>
    tpu.wait_indirect_dma semaphore(%arg17 : memref<!tpu.dma_semaphore, #tpu.memory_space<semaphore_mem>>) src(%dma_wait3A_1720 : memref<128xf32, #tpu.memory_space<vmem>>) dst(%dma_wait3A_1725 : memref<1024xf32, #tpu.memory_space<vmem_shared>>)
    %dma_wait3A_1726 = arith.constant 17 : i32
    %dma_wait3A_1727 = arith.constant 17 : i32
    %dma_wait3A_1728 = arith.constant 0 : i32
    %dma_wait3A_1729 = tpu.memref_slice %arg14[%dma_wait3A_1726, %dma_wait3A_1728] : memref<50x128xf32, #tpu.memory_space<vmem>> -> memref<1x128xf32, #tpu.memory_space<vmem>>
    %dma_wait3A_1730 = tpu.memref_squeeze %dma_wait3A_1729 : memref<1x128xf32, #tpu.memory_space<vmem>> -> memref<128xf32, #tpu.memory_space<vmem>>
    %dma_wait3A_1731 = arith.constant 0 : i32
    %dma_wait3A_1732 = tpu.memref_slice %arg9[%dma_wait3A_1727, %dma_wait3A_1731] : memref<50x128xi32, #tpu.memory_space<vmem>> -> memref<1x128xi32, #tpu.memory_space<vmem>>
    %dma_wait3A_1733 = tpu.memref_squeeze %dma_wait3A_1732 : memref<1x128xi32, #tpu.memory_space<vmem>> -> memref<128xi32, #tpu.memory_space<vmem>>
    %dma_wait3A_1734 = arith.constant 0 : i32
    %dma_wait3A_1735 = tpu.memref_slice %arg19[%dma_wait3A_1734] : memref<1024xf32, #tpu.memory_space<vmem_shared>> -> memref<1024xf32, #tpu.memory_space<vmem_shared>>
    tpu.wait_indirect_dma semaphore(%arg17 : memref<!tpu.dma_semaphore, #tpu.memory_space<semaphore_mem>>) src(%dma_wait3A_1730 : memref<128xf32, #tpu.memory_space<vmem>>) dst(%dma_wait3A_1735 : memref<1024xf32, #tpu.memory_space<vmem_shared>>)
    %dma_wait3A_1736 = arith.constant 18 : i32
    %dma_wait3A_1737 = arith.constant 18 : i32
    %dma_wait3A_1738 = arith.constant 0 : i32
    %dma_wait3A_1739 = tpu.memref_slice %arg14[%dma_wait3A_1736, %dma_wait3A_1738] : memref<50x128xf32, #tpu.memory_space<vmem>> -> memref<1x128xf32, #tpu.memory_space<vmem>>
    %dma_wait3A_1740 = tpu.memref_squeeze %dma_wait3A_1739 : memref<1x128xf32, #tpu.memory_space<vmem>> -> memref<128xf32, #tpu.memory_space<vmem>>
    %dma_wait3A_1741 = arith.constant 0 : i32
    %dma_wait3A_1742 = tpu.memref_slice %arg9[%dma_wait3A_1737, %dma_wait3A_1741] : memref<50x128xi32, #tpu.memory_space<vmem>> -> memref<1x128xi32, #tpu.memory_space<vmem>>
    %dma_wait3A_1743 = tpu.memref_squeeze %dma_wait3A_1742 : memref<1x128xi32, #tpu.memory_space<vmem>> -> memref<128xi32, #tpu.memory_space<vmem>>
    %dma_wait3A_1744 = arith.constant 0 : i32
    %dma_wait3A_1745 = tpu.memref_slice %arg19[%dma_wait3A_1744] : memref<1024xf32, #tpu.memory_space<vmem_shared>> -> memref<1024xf32, #tpu.memory_space<vmem_shared>>
    tpu.wait_indirect_dma semaphore(%arg17 : memref<!tpu.dma_semaphore, #tpu.memory_space<semaphore_mem>>) src(%dma_wait3A_1740 : memref<128xf32, #tpu.memory_space<vmem>>) dst(%dma_wait3A_1745 : memref<1024xf32, #tpu.memory_space<vmem_shared>>)
    %dma_wait3A_1746 = arith.constant 19 : i32
    %dma_wait3A_1747 = arith.constant 19 : i32
    %dma_wait3A_1748 = arith.constant 0 : i32
    %dma_wait3A_1749 = tpu.memref_slice %arg14[%dma_wait3A_1746, %dma_wait3A_1748] : memref<50x128xf32, #tpu.memory_space<vmem>> -> memref<1x128xf32, #tpu.memory_space<vmem>>
    %dma_wait3A_1750 = tpu.memref_squeeze %dma_wait3A_1749 : memref<1x128xf32, #tpu.memory_space<vmem>> -> memref<128xf32, #tpu.memory_space<vmem>>
    %dma_wait3A_1751 = arith.constant 0 : i32
    %dma_wait3A_1752 = tpu.memref_slice %arg9[%dma_wait3A_1747, %dma_wait3A_1751] : memref<50x128xi32, #tpu.memory_space<vmem>> -> memref<1x128xi32, #tpu.memory_space<vmem>>
    %dma_wait3A_1753 = tpu.memref_squeeze %dma_wait3A_1752 : memref<1x128xi32, #tpu.memory_space<vmem>> -> memref<128xi32, #tpu.memory_space<vmem>>
    %dma_wait3A_1754 = arith.constant 0 : i32
    %dma_wait3A_1755 = tpu.memref_slice %arg19[%dma_wait3A_1754] : memref<1024xf32, #tpu.memory_space<vmem_shared>> -> memref<1024xf32, #tpu.memory_space<vmem_shared>>
    tpu.wait_indirect_dma semaphore(%arg17 : memref<!tpu.dma_semaphore, #tpu.memory_space<semaphore_mem>>) src(%dma_wait3A_1750 : memref<128xf32, #tpu.memory_space<vmem>>) dst(%dma_wait3A_1755 : memref<1024xf32, #tpu.memory_space<vmem_shared>>)
    %dma_wait3A_1756 = arith.constant 20 : i32
    %dma_wait3A_1757 = arith.constant 20 : i32
    %dma_wait3A_1758 = arith.constant 0 : i32
    %dma_wait3A_1759 = tpu.memref_slice %arg14[%dma_wait3A_1756, %dma_wait3A_1758] : memref<50x128xf32, #tpu.memory_space<vmem>> -> memref<1x128xf32, #tpu.memory_space<vmem>>
    %dma_wait3A_1760 = tpu.memref_squeeze %dma_wait3A_1759 : memref<1x128xf32, #tpu.memory_space<vmem>> -> memref<128xf32, #tpu.memory_space<vmem>>
    %dma_wait3A_1761 = arith.constant 0 : i32
    %dma_wait3A_1762 = tpu.memref_slice %arg9[%dma_wait3A_1757, %dma_wait3A_1761] : memref<50x128xi32, #tpu.memory_space<vmem>> -> memref<1x128xi32, #tpu.memory_space<vmem>>
    %dma_wait3A_1763 = tpu.memref_squeeze %dma_wait3A_1762 : memref<1x128xi32, #tpu.memory_space<vmem>> -> memref<128xi32, #tpu.memory_space<vmem>>
    %dma_wait3A_1764 = arith.constant 0 : i32
    %dma_wait3A_1765 = tpu.memref_slice %arg19[%dma_wait3A_1764] : memref<1024xf32, #tpu.memory_space<vmem_shared>> -> memref<1024xf32, #tpu.memory_space<vmem_shared>>
    tpu.wait_indirect_dma semaphore(%arg17 : memref<!tpu.dma_semaphore, #tpu.memory_space<semaphore_mem>>) src(%dma_wait3A_1760 : memref<128xf32, #tpu.memory_space<vmem>>) dst(%dma_wait3A_1765 : memref<1024xf32, #tpu.memory_space<vmem_shared>>)
    %dma_wait3A_1766 = arith.constant 21 : i32
    %dma_wait3A_1767 = arith.constant 21 : i32
    %dma_wait3A_1768 = arith.constant 0 : i32
    %dma_wait3A_1769 = tpu.memref_slice %arg14[%dma_wait3A_1766, %dma_wait3A_1768] : memref<50x128xf32, #tpu.memory_space<vmem>> -> memref<1x128xf32, #tpu.memory_space<vmem>>
    %dma_wait3A_1770 = tpu.memref_squeeze %dma_wait3A_1769 : memref<1x128xf32, #tpu.memory_space<vmem>> -> memref<128xf32, #tpu.memory_space<vmem>>
    %dma_wait3A_1771 = arith.constant 0 : i32
    %dma_wait3A_1772 = tpu.memref_slice %arg9[%dma_wait3A_1767, %dma_wait3A_1771] : memref<50x128xi32, #tpu.memory_space<vmem>> -> memref<1x128xi32, #tpu.memory_space<vmem>>
    %dma_wait3A_1773 = tpu.memref_squeeze %dma_wait3A_1772 : memref<1x128xi32, #tpu.memory_space<vmem>> -> memref<128xi32, #tpu.memory_space<vmem>>
    %dma_wait3A_1774 = arith.constant 0 : i32
    %dma_wait3A_1775 = tpu.memref_slice %arg19[%dma_wait3A_1774] : memref<1024xf32, #tpu.memory_space<vmem_shared>> -> memref<1024xf32, #tpu.memory_space<vmem_shared>>
    tpu.wait_indirect_dma semaphore(%arg17 : memref<!tpu.dma_semaphore, #tpu.memory_space<semaphore_mem>>) src(%dma_wait3A_1770 : memref<128xf32, #tpu.memory_space<vmem>>) dst(%dma_wait3A_1775 : memref<1024xf32, #tpu.memory_space<vmem_shared>>)
    %dma_wait3A_1776 = arith.constant 22 : i32
    %dma_wait3A_1777 = arith.constant 22 : i32
    %dma_wait3A_1778 = arith.constant 0 : i32
    %dma_wait3A_1779 = tpu.memref_slice %arg14[%dma_wait3A_1776, %dma_wait3A_1778] : memref<50x128xf32, #tpu.memory_space<vmem>> -> memref<1x128xf32, #tpu.memory_space<vmem>>
    %dma_wait3A_1780 = tpu.memref_squeeze %dma_wait3A_1779 : memref<1x128xf32, #tpu.memory_space<vmem>> -> memref<128xf32, #tpu.memory_space<vmem>>
    %dma_wait3A_1781 = arith.constant 0 : i32
    %dma_wait3A_1782 = tpu.memref_slice %arg9[%dma_wait3A_1777, %dma_wait3A_1781] : memref<50x128xi32, #tpu.memory_space<vmem>> -> memref<1x128xi32, #tpu.memory_space<vmem>>
    %dma_wait3A_1783 = tpu.memref_squeeze %dma_wait3A_1782 : memref<1x128xi32, #tpu.memory_space<vmem>> -> memref<128xi32, #tpu.memory_space<vmem>>
    %dma_wait3A_1784 = arith.constant 0 : i32
    %dma_wait3A_1785 = tpu.memref_slice %arg19[%dma_wait3A_1784] : memref<1024xf32, #tpu.memory_space<vmem_shared>> -> memref<1024xf32, #tpu.memory_space<vmem_shared>>
    tpu.wait_indirect_dma semaphore(%arg17 : memref<!tpu.dma_semaphore, #tpu.memory_space<semaphore_mem>>) src(%dma_wait3A_1780 : memref<128xf32, #tpu.memory_space<vmem>>) dst(%dma_wait3A_1785 : memref<1024xf32, #tpu.memory_space<vmem_shared>>)
    %dma_wait3A_1786 = arith.constant 23 : i32
    %dma_wait3A_1787 = arith.constant 23 : i32
    %dma_wait3A_1788 = arith.constant 0 : i32
    %dma_wait3A_1789 = tpu.memref_slice %arg14[%dma_wait3A_1786, %dma_wait3A_1788] : memref<50x128xf32, #tpu.memory_space<vmem>> -> memref<1x128xf32, #tpu.memory_space<vmem>>
    %dma_wait3A_1790 = tpu.memref_squeeze %dma_wait3A_1789 : memref<1x128xf32, #tpu.memory_space<vmem>> -> memref<128xf32, #tpu.memory_space<vmem>>
    %dma_wait3A_1791 = arith.constant 0 : i32
    %dma_wait3A_1792 = tpu.memref_slice %arg9[%dma_wait3A_1787, %dma_wait3A_1791] : memref<50x128xi32, #tpu.memory_space<vmem>> -> memref<1x128xi32, #tpu.memory_space<vmem>>
    %dma_wait3A_1793 = tpu.memref_squeeze %dma_wait3A_1792 : memref<1x128xi32, #tpu.memory_space<vmem>> -> memref<128xi32, #tpu.memory_space<vmem>>
    %dma_wait3A_1794 = arith.constant 0 : i32
    %dma_wait3A_1795 = tpu.memref_slice %arg19[%dma_wait3A_1794] : memref<1024xf32, #tpu.memory_space<vmem_shared>> -> memref<1024xf32, #tpu.memory_space<vmem_shared>>
    tpu.wait_indirect_dma semaphore(%arg17 : memref<!tpu.dma_semaphore, #tpu.memory_space<semaphore_mem>>) src(%dma_wait3A_1790 : memref<128xf32, #tpu.memory_space<vmem>>) dst(%dma_wait3A_1795 : memref<1024xf32, #tpu.memory_space<vmem_shared>>)
    %dma_wait3A_1796 = arith.constant 24 : i32
    %dma_wait3A_1797 = arith.constant 24 : i32
    %dma_wait3A_1798 = arith.constant 0 : i32
    %dma_wait3A_1799 = tpu.memref_slice %arg14[%dma_wait3A_1796, %dma_wait3A_1798] : memref<50x128xf32, #tpu.memory_space<vmem>> -> memref<1x128xf32, #tpu.memory_space<vmem>>
    %dma_wait3A_1800 = tpu.memref_squeeze %dma_wait3A_1799 : memref<1x128xf32, #tpu.memory_space<vmem>> -> memref<128xf32, #tpu.memory_space<vmem>>
    %dma_wait3A_1801 = arith.constant 0 : i32
    %dma_wait3A_1802 = tpu.memref_slice %arg9[%dma_wait3A_1797, %dma_wait3A_1801] : memref<50x128xi32, #tpu.memory_space<vmem>> -> memref<1x128xi32, #tpu.memory_space<vmem>>
    %dma_wait3A_1803 = tpu.memref_squeeze %dma_wait3A_1802 : memref<1x128xi32, #tpu.memory_space<vmem>> -> memref<128xi32, #tpu.memory_space<vmem>>
    %dma_wait3A_1804 = arith.constant 0 : i32
    %dma_wait3A_1805 = tpu.memref_slice %arg19[%dma_wait3A_1804] : memref<1024xf32, #tpu.memory_space<vmem_shared>> -> memref<1024xf32, #tpu.memory_space<vmem_shared>>
    tpu.wait_indirect_dma semaphore(%arg17 : memref<!tpu.dma_semaphore, #tpu.memory_space<semaphore_mem>>) src(%dma_wait3A_1800 : memref<128xf32, #tpu.memory_space<vmem>>) dst(%dma_wait3A_1805 : memref<1024xf32, #tpu.memory_space<vmem_shared>>)
    %dma_wait3A_1806 = arith.constant 25 : i32
    %dma_wait3A_1807 = arith.constant 25 : i32
    %dma_wait3A_1808 = arith.constant 0 : i32
    %dma_wait3A_1809 = tpu.memref_slice %arg14[%dma_wait3A_1806, %dma_wait3A_1808] : memref<50x128xf32, #tpu.memory_space<vmem>> -> memref<1x128xf32, #tpu.memory_space<vmem>>
    %dma_wait3A_1810 = tpu.memref_squeeze %dma_wait3A_1809 : memref<1x128xf32, #tpu.memory_space<vmem>> -> memref<128xf32, #tpu.memory_space<vmem>>
    %dma_wait3A_1811 = arith.constant 0 : i32
    %dma_wait3A_1812 = tpu.memref_slice %arg9[%dma_wait3A_1807, %dma_wait3A_1811] : memref<50x128xi32, #tpu.memory_space<vmem>> -> memref<1x128xi32, #tpu.memory_space<vmem>>
    %dma_wait3A_1813 = tpu.memref_squeeze %dma_wait3A_1812 : memref<1x128xi32, #tpu.memory_space<vmem>> -> memref<128xi32, #tpu.memory_space<vmem>>
    %dma_wait3A_1814 = arith.constant 0 : i32
    %dma_wait3A_1815 = tpu.memref_slice %arg19[%dma_wait3A_1814] : memref<1024xf32, #tpu.memory_space<vmem_shared>> -> memref<1024xf32, #tpu.memory_space<vmem_shared>>
    tpu.wait_indirect_dma semaphore(%arg17 : memref<!tpu.dma_semaphore, #tpu.memory_space<semaphore_mem>>) src(%dma_wait3A_1810 : memref<128xf32, #tpu.memory_space<vmem>>) dst(%dma_wait3A_1815 : memref<1024xf32, #tpu.memory_space<vmem_shared>>)
    %dma_wait3A_1816 = arith.constant 26 : i32
    %dma_wait3A_1817 = arith.constant 26 : i32
    %dma_wait3A_1818 = arith.constant 0 : i32
    %dma_wait3A_1819 = tpu.memref_slice %arg14[%dma_wait3A_1816, %dma_wait3A_1818] : memref<50x128xf32, #tpu.memory_space<vmem>> -> memref<1x128xf32, #tpu.memory_space<vmem>>
    %dma_wait3A_1820 = tpu.memref_squeeze %dma_wait3A_1819 : memref<1x128xf32, #tpu.memory_space<vmem>> -> memref<128xf32, #tpu.memory_space<vmem>>
    %dma_wait3A_1821 = arith.constant 0 : i32
    %dma_wait3A_1822 = tpu.memref_slice %arg9[%dma_wait3A_1817, %dma_wait3A_1821] : memref<50x128xi32, #tpu.memory_space<vmem>> -> memref<1x128xi32, #tpu.memory_space<vmem>>
    %dma_wait3A_1823 = tpu.memref_squeeze %dma_wait3A_1822 : memref<1x128xi32, #tpu.memory_space<vmem>> -> memref<128xi32, #tpu.memory_space<vmem>>
    %dma_wait3A_1824 = arith.constant 0 : i32
    %dma_wait3A_1825 = tpu.memref_slice %arg19[%dma_wait3A_1824] : memref<1024xf32, #tpu.memory_space<vmem_shared>> -> memref<1024xf32, #tpu.memory_space<vmem_shared>>
    tpu.wait_indirect_dma semaphore(%arg17 : memref<!tpu.dma_semaphore, #tpu.memory_space<semaphore_mem>>) src(%dma_wait3A_1820 : memref<128xf32, #tpu.memory_space<vmem>>) dst(%dma_wait3A_1825 : memref<1024xf32, #tpu.memory_space<vmem_shared>>)
    %dma_wait3A_1826 = arith.constant 27 : i32
    %dma_wait3A_1827 = arith.constant 27 : i32
    %dma_wait3A_1828 = arith.constant 0 : i32
    %dma_wait3A_1829 = tpu.memref_slice %arg14[%dma_wait3A_1826, %dma_wait3A_1828] : memref<50x128xf32, #tpu.memory_space<vmem>> -> memref<1x128xf32, #tpu.memory_space<vmem>>
    %dma_wait3A_1830 = tpu.memref_squeeze %dma_wait3A_1829 : memref<1x128xf32, #tpu.memory_space<vmem>> -> memref<128xf32, #tpu.memory_space<vmem>>
    %dma_wait3A_1831 = arith.constant 0 : i32
    %dma_wait3A_1832 = tpu.memref_slice %arg9[%dma_wait3A_1827, %dma_wait3A_1831] : memref<50x128xi32, #tpu.memory_space<vmem>> -> memref<1x128xi32, #tpu.memory_space<vmem>>
    %dma_wait3A_1833 = tpu.memref_squeeze %dma_wait3A_1832 : memref<1x128xi32, #tpu.memory_space<vmem>> -> memref<128xi32, #tpu.memory_space<vmem>>
    %dma_wait3A_1834 = arith.constant 0 : i32
    %dma_wait3A_1835 = tpu.memref_slice %arg19[%dma_wait3A_1834] : memref<1024xf32, #tpu.memory_space<vmem_shared>> -> memref<1024xf32, #tpu.memory_space<vmem_shared>>
    tpu.wait_indirect_dma semaphore(%arg17 : memref<!tpu.dma_semaphore, #tpu.memory_space<semaphore_mem>>) src(%dma_wait3A_1830 : memref<128xf32, #tpu.memory_space<vmem>>) dst(%dma_wait3A_1835 : memref<1024xf32, #tpu.memory_space<vmem_shared>>)
    %dma_wait3A_1836 = arith.constant 28 : i32
    %dma_wait3A_1837 = arith.constant 28 : i32
    %dma_wait3A_1838 = arith.constant 0 : i32
    %dma_wait3A_1839 = tpu.memref_slice %arg14[%dma_wait3A_1836, %dma_wait3A_1838] : memref<50x128xf32, #tpu.memory_space<vmem>> -> memref<1x128xf32, #tpu.memory_space<vmem>>
    %dma_wait3A_1840 = tpu.memref_squeeze %dma_wait3A_1839 : memref<1x128xf32, #tpu.memory_space<vmem>> -> memref<128xf32, #tpu.memory_space<vmem>>
    %dma_wait3A_1841 = arith.constant 0 : i32
    %dma_wait3A_1842 = tpu.memref_slice %arg9[%dma_wait3A_1837, %dma_wait3A_1841] : memref<50x128xi32, #tpu.memory_space<vmem>> -> memref<1x128xi32, #tpu.memory_space<vmem>>
    %dma_wait3A_1843 = tpu.memref_squeeze %dma_wait3A_1842 : memref<1x128xi32, #tpu.memory_space<vmem>> -> memref<128xi32, #tpu.memory_space<vmem>>
    %dma_wait3A_1844 = arith.constant 0 : i32
    %dma_wait3A_1845 = tpu.memref_slice %arg19[%dma_wait3A_1844] : memref<1024xf32, #tpu.memory_space<vmem_shared>> -> memref<1024xf32, #tpu.memory_space<vmem_shared>>
    tpu.wait_indirect_dma semaphore(%arg17 : memref<!tpu.dma_semaphore, #tpu.memory_space<semaphore_mem>>) src(%dma_wait3A_1840 : memref<128xf32, #tpu.memory_space<vmem>>) dst(%dma_wait3A_1845 : memref<1024xf32, #tpu.memory_space<vmem_shared>>)
    %dma_wait3A_1846 = arith.constant 29 : i32
    %dma_wait3A_1847 = arith.constant 29 : i32
    %dma_wait3A_1848 = arith.constant 0 : i32
    %dma_wait3A_1849 = tpu.memref_slice %arg14[%dma_wait3A_1846, %dma_wait3A_1848] : memref<50x128xf32, #tpu.memory_space<vmem>> -> memref<1x128xf32, #tpu.memory_space<vmem>>
    %dma_wait3A_1850 = tpu.memref_squeeze %dma_wait3A_1849 : memref<1x128xf32, #tpu.memory_space<vmem>> -> memref<128xf32, #tpu.memory_space<vmem>>
    %dma_wait3A_1851 = arith.constant 0 : i32
    %dma_wait3A_1852 = tpu.memref_slice %arg9[%dma_wait3A_1847, %dma_wait3A_1851] : memref<50x128xi32, #tpu.memory_space<vmem>> -> memref<1x128xi32, #tpu.memory_space<vmem>>
    %dma_wait3A_1853 = tpu.memref_squeeze %dma_wait3A_1852 : memref<1x128xi32, #tpu.memory_space<vmem>> -> memref<128xi32, #tpu.memory_space<vmem>>
    %dma_wait3A_1854 = arith.constant 0 : i32
    %dma_wait3A_1855 = tpu.memref_slice %arg19[%dma_wait3A_1854] : memref<1024xf32, #tpu.memory_space<vmem_shared>> -> memref<1024xf32, #tpu.memory_space<vmem_shared>>
    tpu.wait_indirect_dma semaphore(%arg17 : memref<!tpu.dma_semaphore, #tpu.memory_space<semaphore_mem>>) src(%dma_wait3A_1850 : memref<128xf32, #tpu.memory_space<vmem>>) dst(%dma_wait3A_1855 : memref<1024xf32, #tpu.memory_space<vmem_shared>>)
    %dma_wait3A_1856 = arith.constant 30 : i32
    %dma_wait3A_1857 = arith.constant 30 : i32
    %dma_wait3A_1858 = arith.constant 0 : i32
    %dma_wait3A_1859 = tpu.memref_slice %arg14[%dma_wait3A_1856, %dma_wait3A_1858] : memref<50x128xf32, #tpu.memory_space<vmem>> -> memref<1x128xf32, #tpu.memory_space<vmem>>
    %dma_wait3A_1860 = tpu.memref_squeeze %dma_wait3A_1859 : memref<1x128xf32, #tpu.memory_space<vmem>> -> memref<128xf32, #tpu.memory_space<vmem>>
    %dma_wait3A_1861 = arith.constant 0 : i32
    %dma_wait3A_1862 = tpu.memref_slice %arg9[%dma_wait3A_1857, %dma_wait3A_1861] : memref<50x128xi32, #tpu.memory_space<vmem>> -> memref<1x128xi32, #tpu.memory_space<vmem>>
    %dma_wait3A_1863 = tpu.memref_squeeze %dma_wait3A_1862 : memref<1x128xi32, #tpu.memory_space<vmem>> -> memref<128xi32, #tpu.memory_space<vmem>>
    %dma_wait3A_1864 = arith.constant 0 : i32
    %dma_wait3A_1865 = tpu.memref_slice %arg19[%dma_wait3A_1864] : memref<1024xf32, #tpu.memory_space<vmem_shared>> -> memref<1024xf32, #tpu.memory_space<vmem_shared>>
    tpu.wait_indirect_dma semaphore(%arg17 : memref<!tpu.dma_semaphore, #tpu.memory_space<semaphore_mem>>) src(%dma_wait3A_1860 : memref<128xf32, #tpu.memory_space<vmem>>) dst(%dma_wait3A_1865 : memref<1024xf32, #tpu.memory_space<vmem_shared>>)
    %dma_wait3A_1866 = arith.constant 31 : i32
    %dma_wait3A_1867 = arith.constant 31 : i32
    %dma_wait3A_1868 = arith.constant 0 : i32
    %dma_wait3A_1869 = tpu.memref_slice %arg14[%dma_wait3A_1866, %dma_wait3A_1868] : memref<50x128xf32, #tpu.memory_space<vmem>> -> memref<1x128xf32, #tpu.memory_space<vmem>>
    %dma_wait3A_1870 = tpu.memref_squeeze %dma_wait3A_1869 : memref<1x128xf32, #tpu.memory_space<vmem>> -> memref<128xf32, #tpu.memory_space<vmem>>
    %dma_wait3A_1871 = arith.constant 0 : i32
    %dma_wait3A_1872 = tpu.memref_slice %arg9[%dma_wait3A_1867, %dma_wait3A_1871] : memref<50x128xi32, #tpu.memory_space<vmem>> -> memref<1x128xi32, #tpu.memory_space<vmem>>
    %dma_wait3A_1873 = tpu.memref_squeeze %dma_wait3A_1872 : memref<1x128xi32, #tpu.memory_space<vmem>> -> memref<128xi32, #tpu.memory_space<vmem>>
    %dma_wait3A_1874 = arith.constant 0 : i32
    %dma_wait3A_1875 = tpu.memref_slice %arg19[%dma_wait3A_1874] : memref<1024xf32, #tpu.memory_space<vmem_shared>> -> memref<1024xf32, #tpu.memory_space<vmem_shared>>
    tpu.wait_indirect_dma semaphore(%arg17 : memref<!tpu.dma_semaphore, #tpu.memory_space<semaphore_mem>>) src(%dma_wait3A_1870 : memref<128xf32, #tpu.memory_space<vmem>>) dst(%dma_wait3A_1875 : memref<1024xf32, #tpu.memory_space<vmem_shared>>)
    %dma_wait3A_1876 = arith.constant 32 : i32
    %dma_wait3A_1877 = arith.constant 32 : i32
    %dma_wait3A_1878 = arith.constant 0 : i32
    %dma_wait3A_1879 = tpu.memref_slice %arg14[%dma_wait3A_1876, %dma_wait3A_1878] : memref<50x128xf32, #tpu.memory_space<vmem>> -> memref<1x128xf32, #tpu.memory_space<vmem>>
    %dma_wait3A_1880 = tpu.memref_squeeze %dma_wait3A_1879 : memref<1x128xf32, #tpu.memory_space<vmem>> -> memref<128xf32, #tpu.memory_space<vmem>>
    %dma_wait3A_1881 = arith.constant 0 : i32
    %dma_wait3A_1882 = tpu.memref_slice %arg9[%dma_wait3A_1877, %dma_wait3A_1881] : memref<50x128xi32, #tpu.memory_space<vmem>> -> memref<1x128xi32, #tpu.memory_space<vmem>>
    %dma_wait3A_1883 = tpu.memref_squeeze %dma_wait3A_1882 : memref<1x128xi32, #tpu.memory_space<vmem>> -> memref<128xi32, #tpu.memory_space<vmem>>
    %dma_wait3A_1884 = arith.constant 0 : i32
    %dma_wait3A_1885 = tpu.memref_slice %arg19[%dma_wait3A_1884] : memref<1024xf32, #tpu.memory_space<vmem_shared>> -> memref<1024xf32, #tpu.memory_space<vmem_shared>>
    tpu.wait_indirect_dma semaphore(%arg17 : memref<!tpu.dma_semaphore, #tpu.memory_space<semaphore_mem>>) src(%dma_wait3A_1880 : memref<128xf32, #tpu.memory_space<vmem>>) dst(%dma_wait3A_1885 : memref<1024xf32, #tpu.memory_space<vmem_shared>>)
    %dma_wait3A_1886 = arith.constant 33 : i32
    %dma_wait3A_1887 = arith.constant 33 : i32
    %dma_wait3A_1888 = arith.constant 0 : i32
    %dma_wait3A_1889 = tpu.memref_slice %arg14[%dma_wait3A_1886, %dma_wait3A_1888] : memref<50x128xf32, #tpu.memory_space<vmem>> -> memref<1x128xf32, #tpu.memory_space<vmem>>
    %dma_wait3A_1890 = tpu.memref_squeeze %dma_wait3A_1889 : memref<1x128xf32, #tpu.memory_space<vmem>> -> memref<128xf32, #tpu.memory_space<vmem>>
    %dma_wait3A_1891 = arith.constant 0 : i32
    %dma_wait3A_1892 = tpu.memref_slice %arg9[%dma_wait3A_1887, %dma_wait3A_1891] : memref<50x128xi32, #tpu.memory_space<vmem>> -> memref<1x128xi32, #tpu.memory_space<vmem>>
    %dma_wait3A_1893 = tpu.memref_squeeze %dma_wait3A_1892 : memref<1x128xi32, #tpu.memory_space<vmem>> -> memref<128xi32, #tpu.memory_space<vmem>>
    %dma_wait3A_1894 = arith.constant 0 : i32
    %dma_wait3A_1895 = tpu.memref_slice %arg19[%dma_wait3A_1894] : memref<1024xf32, #tpu.memory_space<vmem_shared>> -> memref<1024xf32, #tpu.memory_space<vmem_shared>>
    tpu.wait_indirect_dma semaphore(%arg17 : memref<!tpu.dma_semaphore, #tpu.memory_space<semaphore_mem>>) src(%dma_wait3A_1890 : memref<128xf32, #tpu.memory_space<vmem>>) dst(%dma_wait3A_1895 : memref<1024xf32, #tpu.memory_space<vmem_shared>>)
    %dma_wait3A_1896 = arith.constant 34 : i32
    %dma_wait3A_1897 = arith.constant 34 : i32
    %dma_wait3A_1898 = arith.constant 0 : i32
    %dma_wait3A_1899 = tpu.memref_slice %arg14[%dma_wait3A_1896, %dma_wait3A_1898] : memref<50x128xf32, #tpu.memory_space<vmem>> -> memref<1x128xf32, #tpu.memory_space<vmem>>
    %dma_wait3A_1900 = tpu.memref_squeeze %dma_wait3A_1899 : memref<1x128xf32, #tpu.memory_space<vmem>> -> memref<128xf32, #tpu.memory_space<vmem>>
    %dma_wait3A_1901 = arith.constant 0 : i32
    %dma_wait3A_1902 = tpu.memref_slice %arg9[%dma_wait3A_1897, %dma_wait3A_1901] : memref<50x128xi32, #tpu.memory_space<vmem>> -> memref<1x128xi32, #tpu.memory_space<vmem>>
    %dma_wait3A_1903 = tpu.memref_squeeze %dma_wait3A_1902 : memref<1x128xi32, #tpu.memory_space<vmem>> -> memref<128xi32, #tpu.memory_space<vmem>>
    %dma_wait3A_1904 = arith.constant 0 : i32
    %dma_wait3A_1905 = tpu.memref_slice %arg19[%dma_wait3A_1904] : memref<1024xf32, #tpu.memory_space<vmem_shared>> -> memref<1024xf32, #tpu.memory_space<vmem_shared>>
    tpu.wait_indirect_dma semaphore(%arg17 : memref<!tpu.dma_semaphore, #tpu.memory_space<semaphore_mem>>) src(%dma_wait3A_1900 : memref<128xf32, #tpu.memory_space<vmem>>) dst(%dma_wait3A_1905 : memref<1024xf32, #tpu.memory_space<vmem_shared>>)
    %dma_wait3A_1906 = arith.constant 35 : i32
    %dma_wait3A_1907 = arith.constant 35 : i32
    %dma_wait3A_1908 = arith.constant 0 : i32
    %dma_wait3A_1909 = tpu.memref_slice %arg14[%dma_wait3A_1906, %dma_wait3A_1908] : memref<50x128xf32, #tpu.memory_space<vmem>> -> memref<1x128xf32, #tpu.memory_space<vmem>>
    %dma_wait3A_1910 = tpu.memref_squeeze %dma_wait3A_1909 : memref<1x128xf32, #tpu.memory_space<vmem>> -> memref<128xf32, #tpu.memory_space<vmem>>
    %dma_wait3A_1911 = arith.constant 0 : i32
    %dma_wait3A_1912 = tpu.memref_slice %arg9[%dma_wait3A_1907, %dma_wait3A_1911] : memref<50x128xi32, #tpu.memory_space<vmem>> -> memref<1x128xi32, #tpu.memory_space<vmem>>
    %dma_wait3A_1913 = tpu.memref_squeeze %dma_wait3A_1912 : memref<1x128xi32, #tpu.memory_space<vmem>> -> memref<128xi32, #tpu.memory_space<vmem>>
    %dma_wait3A_1914 = arith.constant 0 : i32
    %dma_wait3A_1915 = tpu.memref_slice %arg19[%dma_wait3A_1914] : memref<1024xf32, #tpu.memory_space<vmem_shared>> -> memref<1024xf32, #tpu.memory_space<vmem_shared>>
    tpu.wait_indirect_dma semaphore(%arg17 : memref<!tpu.dma_semaphore, #tpu.memory_space<semaphore_mem>>) src(%dma_wait3A_1910 : memref<128xf32, #tpu.memory_space<vmem>>) dst(%dma_wait3A_1915 : memref<1024xf32, #tpu.memory_space<vmem_shared>>)
    %dma_wait3A_1916 = arith.constant 36 : i32
    %dma_wait3A_1917 = arith.constant 36 : i32
    %dma_wait3A_1918 = arith.constant 0 : i32
    %dma_wait3A_1919 = tpu.memref_slice %arg14[%dma_wait3A_1916, %dma_wait3A_1918] : memref<50x128xf32, #tpu.memory_space<vmem>> -> memref<1x128xf32, #tpu.memory_space<vmem>>
    %dma_wait3A_1920 = tpu.memref_squeeze %dma_wait3A_1919 : memref<1x128xf32, #tpu.memory_space<vmem>> -> memref<128xf32, #tpu.memory_space<vmem>>
    %dma_wait3A_1921 = arith.constant 0 : i32
    %dma_wait3A_1922 = tpu.memref_slice %arg9[%dma_wait3A_1917, %dma_wait3A_1921] : memref<50x128xi32, #tpu.memory_space<vmem>> -> memref<1x128xi32, #tpu.memory_space<vmem>>
    %dma_wait3A_1923 = tpu.memref_squeeze %dma_wait3A_1922 : memref<1x128xi32, #tpu.memory_space<vmem>> -> memref<128xi32, #tpu.memory_space<vmem>>
    %dma_wait3A_1924 = arith.constant 0 : i32
    %dma_wait3A_1925 = tpu.memref_slice %arg19[%dma_wait3A_1924] : memref<1024xf32, #tpu.memory_space<vmem_shared>> -> memref<1024xf32, #tpu.memory_space<vmem_shared>>
    tpu.wait_indirect_dma semaphore(%arg17 : memref<!tpu.dma_semaphore, #tpu.memory_space<semaphore_mem>>) src(%dma_wait3A_1920 : memref<128xf32, #tpu.memory_space<vmem>>) dst(%dma_wait3A_1925 : memref<1024xf32, #tpu.memory_space<vmem_shared>>)
    %dma_wait3A_1926 = arith.constant 37 : i32
    %dma_wait3A_1927 = arith.constant 37 : i32
    %dma_wait3A_1928 = arith.constant 0 : i32
    %dma_wait3A_1929 = tpu.memref_slice %arg14[%dma_wait3A_1926, %dma_wait3A_1928] : memref<50x128xf32, #tpu.memory_space<vmem>> -> memref<1x128xf32, #tpu.memory_space<vmem>>
    %dma_wait3A_1930 = tpu.memref_squeeze %dma_wait3A_1929 : memref<1x128xf32, #tpu.memory_space<vmem>> -> memref<128xf32, #tpu.memory_space<vmem>>
    %dma_wait3A_1931 = arith.constant 0 : i32
    %dma_wait3A_1932 = tpu.memref_slice %arg9[%dma_wait3A_1927, %dma_wait3A_1931] : memref<50x128xi32, #tpu.memory_space<vmem>> -> memref<1x128xi32, #tpu.memory_space<vmem>>
    %dma_wait3A_1933 = tpu.memref_squeeze %dma_wait3A_1932 : memref<1x128xi32, #tpu.memory_space<vmem>> -> memref<128xi32, #tpu.memory_space<vmem>>
    %dma_wait3A_1934 = arith.constant 0 : i32
    %dma_wait3A_1935 = tpu.memref_slice %arg19[%dma_wait3A_1934] : memref<1024xf32, #tpu.memory_space<vmem_shared>> -> memref<1024xf32, #tpu.memory_space<vmem_shared>>
    tpu.wait_indirect_dma semaphore(%arg17 : memref<!tpu.dma_semaphore, #tpu.memory_space<semaphore_mem>>) src(%dma_wait3A_1930 : memref<128xf32, #tpu.memory_space<vmem>>) dst(%dma_wait3A_1935 : memref<1024xf32, #tpu.memory_space<vmem_shared>>)
    %dma_wait3A_1936 = arith.constant 38 : i32
    %dma_wait3A_1937 = arith.constant 38 : i32
    %dma_wait3A_1938 = arith.constant 0 : i32
    %dma_wait3A_1939 = tpu.memref_slice %arg14[%dma_wait3A_1936, %dma_wait3A_1938] : memref<50x128xf32, #tpu.memory_space<vmem>> -> memref<1x128xf32, #tpu.memory_space<vmem>>
    %dma_wait3A_1940 = tpu.memref_squeeze %dma_wait3A_1939 : memref<1x128xf32, #tpu.memory_space<vmem>> -> memref<128xf32, #tpu.memory_space<vmem>>
    %dma_wait3A_1941 = arith.constant 0 : i32
    %dma_wait3A_1942 = tpu.memref_slice %arg9[%dma_wait3A_1937, %dma_wait3A_1941] : memref<50x128xi32, #tpu.memory_space<vmem>> -> memref<1x128xi32, #tpu.memory_space<vmem>>
    %dma_wait3A_1943 = tpu.memref_squeeze %dma_wait3A_1942 : memref<1x128xi32, #tpu.memory_space<vmem>> -> memref<128xi32, #tpu.memory_space<vmem>>
    %dma_wait3A_1944 = arith.constant 0 : i32
    %dma_wait3A_1945 = tpu.memref_slice %arg19[%dma_wait3A_1944] : memref<1024xf32, #tpu.memory_space<vmem_shared>> -> memref<1024xf32, #tpu.memory_space<vmem_shared>>
    tpu.wait_indirect_dma semaphore(%arg17 : memref<!tpu.dma_semaphore, #tpu.memory_space<semaphore_mem>>) src(%dma_wait3A_1940 : memref<128xf32, #tpu.memory_space<vmem>>) dst(%dma_wait3A_1945 : memref<1024xf32, #tpu.memory_space<vmem_shared>>)
    %dma_wait3A_1946 = arith.constant 39 : i32
    %dma_wait3A_1947 = arith.constant 39 : i32
    %dma_wait3A_1948 = arith.constant 0 : i32
    %dma_wait3A_1949 = tpu.memref_slice %arg14[%dma_wait3A_1946, %dma_wait3A_1948] : memref<50x128xf32, #tpu.memory_space<vmem>> -> memref<1x128xf32, #tpu.memory_space<vmem>>
    %dma_wait3A_1950 = tpu.memref_squeeze %dma_wait3A_1949 : memref<1x128xf32, #tpu.memory_space<vmem>> -> memref<128xf32, #tpu.memory_space<vmem>>
    %dma_wait3A_1951 = arith.constant 0 : i32
    %dma_wait3A_1952 = tpu.memref_slice %arg9[%dma_wait3A_1947, %dma_wait3A_1951] : memref<50x128xi32, #tpu.memory_space<vmem>> -> memref<1x128xi32, #tpu.memory_space<vmem>>
    %dma_wait3A_1953 = tpu.memref_squeeze %dma_wait3A_1952 : memref<1x128xi32, #tpu.memory_space<vmem>> -> memref<128xi32, #tpu.memory_space<vmem>>
    %dma_wait3A_1954 = arith.constant 0 : i32
    %dma_wait3A_1955 = tpu.memref_slice %arg19[%dma_wait3A_1954] : memref<1024xf32, #tpu.memory_space<vmem_shared>> -> memref<1024xf32, #tpu.memory_space<vmem_shared>>
    tpu.wait_indirect_dma semaphore(%arg17 : memref<!tpu.dma_semaphore, #tpu.memory_space<semaphore_mem>>) src(%dma_wait3A_1950 : memref<128xf32, #tpu.memory_space<vmem>>) dst(%dma_wait3A_1955 : memref<1024xf32, #tpu.memory_space<vmem_shared>>)
    %dma_wait3A_1956 = arith.constant 40 : i32
    %dma_wait3A_1957 = arith.constant 40 : i32
    %dma_wait3A_1958 = arith.constant 0 : i32
    %dma_wait3A_1959 = tpu.memref_slice %arg14[%dma_wait3A_1956, %dma_wait3A_1958] : memref<50x128xf32, #tpu.memory_space<vmem>> -> memref<1x128xf32, #tpu.memory_space<vmem>>
    %dma_wait3A_1960 = tpu.memref_squeeze %dma_wait3A_1959 : memref<1x128xf32, #tpu.memory_space<vmem>> -> memref<128xf32, #tpu.memory_space<vmem>>
    %dma_wait3A_1961 = arith.constant 0 : i32
    %dma_wait3A_1962 = tpu.memref_slice %arg9[%dma_wait3A_1957, %dma_wait3A_1961] : memref<50x128xi32, #tpu.memory_space<vmem>> -> memref<1x128xi32, #tpu.memory_space<vmem>>
    %dma_wait3A_1963 = tpu.memref_squeeze %dma_wait3A_1962 : memref<1x128xi32, #tpu.memory_space<vmem>> -> memref<128xi32, #tpu.memory_space<vmem>>
    %dma_wait3A_1964 = arith.constant 0 : i32
    %dma_wait3A_1965 = tpu.memref_slice %arg19[%dma_wait3A_1964] : memref<1024xf32, #tpu.memory_space<vmem_shared>> -> memref<1024xf32, #tpu.memory_space<vmem_shared>>
    tpu.wait_indirect_dma semaphore(%arg17 : memref<!tpu.dma_semaphore, #tpu.memory_space<semaphore_mem>>) src(%dma_wait3A_1960 : memref<128xf32, #tpu.memory_space<vmem>>) dst(%dma_wait3A_1965 : memref<1024xf32, #tpu.memory_space<vmem_shared>>)
    %dma_wait3A_1966 = arith.constant 41 : i32
    %dma_wait3A_1967 = arith.constant 41 : i32
    %dma_wait3A_1968 = arith.constant 0 : i32
    %dma_wait3A_1969 = tpu.memref_slice %arg14[%dma_wait3A_1966, %dma_wait3A_1968] : memref<50x128xf32, #tpu.memory_space<vmem>> -> memref<1x128xf32, #tpu.memory_space<vmem>>
    %dma_wait3A_1970 = tpu.memref_squeeze %dma_wait3A_1969 : memref<1x128xf32, #tpu.memory_space<vmem>> -> memref<128xf32, #tpu.memory_space<vmem>>
    %dma_wait3A_1971 = arith.constant 0 : i32
    %dma_wait3A_1972 = tpu.memref_slice %arg9[%dma_wait3A_1967, %dma_wait3A_1971] : memref<50x128xi32, #tpu.memory_space<vmem>> -> memref<1x128xi32, #tpu.memory_space<vmem>>
    %dma_wait3A_1973 = tpu.memref_squeeze %dma_wait3A_1972 : memref<1x128xi32, #tpu.memory_space<vmem>> -> memref<128xi32, #tpu.memory_space<vmem>>
    %dma_wait3A_1974 = arith.constant 0 : i32
    %dma_wait3A_1975 = tpu.memref_slice %arg19[%dma_wait3A_1974] : memref<1024xf32, #tpu.memory_space<vmem_shared>> -> memref<1024xf32, #tpu.memory_space<vmem_shared>>
    tpu.wait_indirect_dma semaphore(%arg17 : memref<!tpu.dma_semaphore, #tpu.memory_space<semaphore_mem>>) src(%dma_wait3A_1970 : memref<128xf32, #tpu.memory_space<vmem>>) dst(%dma_wait3A_1975 : memref<1024xf32, #tpu.memory_space<vmem_shared>>)
    %dma_wait3A_1976 = arith.constant 42 : i32
    %dma_wait3A_1977 = arith.constant 42 : i32
    %dma_wait3A_1978 = arith.constant 0 : i32
    %dma_wait3A_1979 = tpu.memref_slice %arg14[%dma_wait3A_1976, %dma_wait3A_1978] : memref<50x128xf32, #tpu.memory_space<vmem>> -> memref<1x128xf32, #tpu.memory_space<vmem>>
    %dma_wait3A_1980 = tpu.memref_squeeze %dma_wait3A_1979 : memref<1x128xf32, #tpu.memory_space<vmem>> -> memref<128xf32, #tpu.memory_space<vmem>>
    %dma_wait3A_1981 = arith.constant 0 : i32
    %dma_wait3A_1982 = tpu.memref_slice %arg9[%dma_wait3A_1977, %dma_wait3A_1981] : memref<50x128xi32, #tpu.memory_space<vmem>> -> memref<1x128xi32, #tpu.memory_space<vmem>>
    %dma_wait3A_1983 = tpu.memref_squeeze %dma_wait3A_1982 : memref<1x128xi32, #tpu.memory_space<vmem>> -> memref<128xi32, #tpu.memory_space<vmem>>
    %dma_wait3A_1984 = arith.constant 0 : i32
    %dma_wait3A_1985 = tpu.memref_slice %arg19[%dma_wait3A_1984] : memref<1024xf32, #tpu.memory_space<vmem_shared>> -> memref<1024xf32, #tpu.memory_space<vmem_shared>>
    tpu.wait_indirect_dma semaphore(%arg17 : memref<!tpu.dma_semaphore, #tpu.memory_space<semaphore_mem>>) src(%dma_wait3A_1980 : memref<128xf32, #tpu.memory_space<vmem>>) dst(%dma_wait3A_1985 : memref<1024xf32, #tpu.memory_space<vmem_shared>>)
    %dma_wait3A_1986 = arith.constant 43 : i32
    %dma_wait3A_1987 = arith.constant 43 : i32
    %dma_wait3A_1988 = arith.constant 0 : i32
    %dma_wait3A_1989 = tpu.memref_slice %arg14[%dma_wait3A_1986, %dma_wait3A_1988] : memref<50x128xf32, #tpu.memory_space<vmem>> -> memref<1x128xf32, #tpu.memory_space<vmem>>
    %dma_wait3A_1990 = tpu.memref_squeeze %dma_wait3A_1989 : memref<1x128xf32, #tpu.memory_space<vmem>> -> memref<128xf32, #tpu.memory_space<vmem>>
    %dma_wait3A_1991 = arith.constant 0 : i32
    %dma_wait3A_1992 = tpu.memref_slice %arg9[%dma_wait3A_1987, %dma_wait3A_1991] : memref<50x128xi32, #tpu.memory_space<vmem>> -> memref<1x128xi32, #tpu.memory_space<vmem>>
    %dma_wait3A_1993 = tpu.memref_squeeze %dma_wait3A_1992 : memref<1x128xi32, #tpu.memory_space<vmem>> -> memref<128xi32, #tpu.memory_space<vmem>>
    %dma_wait3A_1994 = arith.constant 0 : i32
    %dma_wait3A_1995 = tpu.memref_slice %arg19[%dma_wait3A_1994] : memref<1024xf32, #tpu.memory_space<vmem_shared>> -> memref<1024xf32, #tpu.memory_space<vmem_shared>>
    tpu.wait_indirect_dma semaphore(%arg17 : memref<!tpu.dma_semaphore, #tpu.memory_space<semaphore_mem>>) src(%dma_wait3A_1990 : memref<128xf32, #tpu.memory_space<vmem>>) dst(%dma_wait3A_1995 : memref<1024xf32, #tpu.memory_space<vmem_shared>>)
    %dma_wait3A_1996 = arith.constant 44 : i32
    %dma_wait3A_1997 = arith.constant 44 : i32
    %dma_wait3A_1998 = arith.constant 0 : i32
    %dma_wait3A_1999 = tpu.memref_slice %arg14[%dma_wait3A_1996, %dma_wait3A_1998] : memref<50x128xf32, #tpu.memory_space<vmem>> -> memref<1x128xf32, #tpu.memory_space<vmem>>
    %dma_wait3A_2000 = tpu.memref_squeeze %dma_wait3A_1999 : memref<1x128xf32, #tpu.memory_space<vmem>> -> memref<128xf32, #tpu.memory_space<vmem>>
    %dma_wait3A_2001 = arith.constant 0 : i32
    %dma_wait3A_2002 = tpu.memref_slice %arg9[%dma_wait3A_1997, %dma_wait3A_2001] : memref<50x128xi32, #tpu.memory_space<vmem>> -> memref<1x128xi32, #tpu.memory_space<vmem>>
    %dma_wait3A_2003 = tpu.memref_squeeze %dma_wait3A_2002 : memref<1x128xi32, #tpu.memory_space<vmem>> -> memref<128xi32, #tpu.memory_space<vmem>>
    %dma_wait3A_2004 = arith.constant 0 : i32
    %dma_wait3A_2005 = tpu.memref_slice %arg19[%dma_wait3A_2004] : memref<1024xf32, #tpu.memory_space<vmem_shared>> -> memref<1024xf32, #tpu.memory_space<vmem_shared>>
    tpu.wait_indirect_dma semaphore(%arg17 : memref<!tpu.dma_semaphore, #tpu.memory_space<semaphore_mem>>) src(%dma_wait3A_2000 : memref<128xf32, #tpu.memory_space<vmem>>) dst(%dma_wait3A_2005 : memref<1024xf32, #tpu.memory_space<vmem_shared>>)
    %dma_wait3A_2006 = arith.constant 45 : i32
    %dma_wait3A_2007 = arith.constant 45 : i32
    %dma_wait3A_2008 = arith.constant 0 : i32
    %dma_wait3A_2009 = tpu.memref_slice %arg14[%dma_wait3A_2006, %dma_wait3A_2008] : memref<50x128xf32, #tpu.memory_space<vmem>> -> memref<1x128xf32, #tpu.memory_space<vmem>>
    %dma_wait3A_2010 = tpu.memref_squeeze %dma_wait3A_2009 : memref<1x128xf32, #tpu.memory_space<vmem>> -> memref<128xf32, #tpu.memory_space<vmem>>
    %dma_wait3A_2011 = arith.constant 0 : i32
    %dma_wait3A_2012 = tpu.memref_slice %arg9[%dma_wait3A_2007, %dma_wait3A_2011] : memref<50x128xi32, #tpu.memory_space<vmem>> -> memref<1x128xi32, #tpu.memory_space<vmem>>
    %dma_wait3A_2013 = tpu.memref_squeeze %dma_wait3A_2012 : memref<1x128xi32, #tpu.memory_space<vmem>> -> memref<128xi32, #tpu.memory_space<vmem>>
    %dma_wait3A_2014 = arith.constant 0 : i32
    %dma_wait3A_2015 = tpu.memref_slice %arg19[%dma_wait3A_2014] : memref<1024xf32, #tpu.memory_space<vmem_shared>> -> memref<1024xf32, #tpu.memory_space<vmem_shared>>
    tpu.wait_indirect_dma semaphore(%arg17 : memref<!tpu.dma_semaphore, #tpu.memory_space<semaphore_mem>>) src(%dma_wait3A_2010 : memref<128xf32, #tpu.memory_space<vmem>>) dst(%dma_wait3A_2015 : memref<1024xf32, #tpu.memory_space<vmem_shared>>)
    %dma_wait3A_2016 = arith.constant 46 : i32
    %dma_wait3A_2017 = arith.constant 46 : i32
    %dma_wait3A_2018 = arith.constant 0 : i32
    %dma_wait3A_2019 = tpu.memref_slice %arg14[%dma_wait3A_2016, %dma_wait3A_2018] : memref<50x128xf32, #tpu.memory_space<vmem>> -> memref<1x128xf32, #tpu.memory_space<vmem>>
    %dma_wait3A_2020 = tpu.memref_squeeze %dma_wait3A_2019 : memref<1x128xf32, #tpu.memory_space<vmem>> -> memref<128xf32, #tpu.memory_space<vmem>>
    %dma_wait3A_2021 = arith.constant 0 : i32
    %dma_wait3A_2022 = tpu.memref_slice %arg9[%dma_wait3A_2017, %dma_wait3A_2021] : memref<50x128xi32, #tpu.memory_space<vmem>> -> memref<1x128xi32, #tpu.memory_space<vmem>>
    %dma_wait3A_2023 = tpu.memref_squeeze %dma_wait3A_2022 : memref<1x128xi32, #tpu.memory_space<vmem>> -> memref<128xi32, #tpu.memory_space<vmem>>
    %dma_wait3A_2024 = arith.constant 0 : i32
    %dma_wait3A_2025 = tpu.memref_slice %arg19[%dma_wait3A_2024] : memref<1024xf32, #tpu.memory_space<vmem_shared>> -> memref<1024xf32, #tpu.memory_space<vmem_shared>>
    tpu.wait_indirect_dma semaphore(%arg17 : memref<!tpu.dma_semaphore, #tpu.memory_space<semaphore_mem>>) src(%dma_wait3A_2020 : memref<128xf32, #tpu.memory_space<vmem>>) dst(%dma_wait3A_2025 : memref<1024xf32, #tpu.memory_space<vmem_shared>>)
    %dma_wait3A_2026 = arith.constant 47 : i32
    %dma_wait3A_2027 = arith.constant 47 : i32
    %dma_wait3A_2028 = arith.constant 0 : i32
    %dma_wait3A_2029 = tpu.memref_slice %arg14[%dma_wait3A_2026, %dma_wait3A_2028] : memref<50x128xf32, #tpu.memory_space<vmem>> -> memref<1x128xf32, #tpu.memory_space<vmem>>
    %dma_wait3A_2030 = tpu.memref_squeeze %dma_wait3A_2029 : memref<1x128xf32, #tpu.memory_space<vmem>> -> memref<128xf32, #tpu.memory_space<vmem>>
    %dma_wait3A_2031 = arith.constant 0 : i32
    %dma_wait3A_2032 = tpu.memref_slice %arg9[%dma_wait3A_2027, %dma_wait3A_2031] : memref<50x128xi32, #tpu.memory_space<vmem>> -> memref<1x128xi32, #tpu.memory_space<vmem>>
    %dma_wait3A_2033 = tpu.memref_squeeze %dma_wait3A_2032 : memref<1x128xi32, #tpu.memory_space<vmem>> -> memref<128xi32, #tpu.memory_space<vmem>>
    %dma_wait3A_2034 = arith.constant 0 : i32
    %dma_wait3A_2035 = tpu.memref_slice %arg19[%dma_wait3A_2034] : memref<1024xf32, #tpu.memory_space<vmem_shared>> -> memref<1024xf32, #tpu.memory_space<vmem_shared>>
    tpu.wait_indirect_dma semaphore(%arg17 : memref<!tpu.dma_semaphore, #tpu.memory_space<semaphore_mem>>) src(%dma_wait3A_2030 : memref<128xf32, #tpu.memory_space<vmem>>) dst(%dma_wait3A_2035 : memref<1024xf32, #tpu.memory_space<vmem_shared>>)
    %dma_wait3A_2036 = arith.constant 48 : i32
    %dma_wait3A_2037 = arith.constant 48 : i32
    %dma_wait3A_2038 = arith.constant 0 : i32
    %dma_wait3A_2039 = tpu.memref_slice %arg14[%dma_wait3A_2036, %dma_wait3A_2038] : memref<50x128xf32, #tpu.memory_space<vmem>> -> memref<1x128xf32, #tpu.memory_space<vmem>>
    %dma_wait3A_2040 = tpu.memref_squeeze %dma_wait3A_2039 : memref<1x128xf32, #tpu.memory_space<vmem>> -> memref<128xf32, #tpu.memory_space<vmem>>
    %dma_wait3A_2041 = arith.constant 0 : i32
    %dma_wait3A_2042 = tpu.memref_slice %arg9[%dma_wait3A_2037, %dma_wait3A_2041] : memref<50x128xi32, #tpu.memory_space<vmem>> -> memref<1x128xi32, #tpu.memory_space<vmem>>
    %dma_wait3A_2043 = tpu.memref_squeeze %dma_wait3A_2042 : memref<1x128xi32, #tpu.memory_space<vmem>> -> memref<128xi32, #tpu.memory_space<vmem>>
    %dma_wait3A_2044 = arith.constant 0 : i32
    %dma_wait3A_2045 = tpu.memref_slice %arg19[%dma_wait3A_2044] : memref<1024xf32, #tpu.memory_space<vmem_shared>> -> memref<1024xf32, #tpu.memory_space<vmem_shared>>
    tpu.wait_indirect_dma semaphore(%arg17 : memref<!tpu.dma_semaphore, #tpu.memory_space<semaphore_mem>>) src(%dma_wait3A_2040 : memref<128xf32, #tpu.memory_space<vmem>>) dst(%dma_wait3A_2045 : memref<1024xf32, #tpu.memory_space<vmem_shared>>)
    %dma_wait3A_2046 = arith.constant 49 : i32
    %dma_wait3A_2047 = arith.constant 49 : i32
    %dma_wait3A_2048 = arith.constant 0 : i32
    %dma_wait3A_2049 = tpu.memref_slice %arg14[%dma_wait3A_2046, %dma_wait3A_2048] : memref<50x128xf32, #tpu.memory_space<vmem>> -> memref<1x128xf32, #tpu.memory_space<vmem>>
    %dma_wait3A_2050 = tpu.memref_squeeze %dma_wait3A_2049 : memref<1x128xf32, #tpu.memory_space<vmem>> -> memref<128xf32, #tpu.memory_space<vmem>>
    %dma_wait3A_2051 = arith.constant 0 : i32
    %dma_wait3A_2052 = tpu.memref_slice %arg9[%dma_wait3A_2047, %dma_wait3A_2051] : memref<50x128xi32, #tpu.memory_space<vmem>> -> memref<1x128xi32, #tpu.memory_space<vmem>>
    %dma_wait3A_2053 = tpu.memref_squeeze %dma_wait3A_2052 : memref<1x128xi32, #tpu.memory_space<vmem>> -> memref<128xi32, #tpu.memory_space<vmem>>
    %dma_wait3A_2054 = arith.constant 0 : i32
    %dma_wait3A_2055 = tpu.memref_slice %arg19[%dma_wait3A_2054] : memref<1024xf32, #tpu.memory_space<vmem_shared>> -> memref<1024xf32, #tpu.memory_space<vmem_shared>>
    tpu.wait_indirect_dma semaphore(%arg17 : memref<!tpu.dma_semaphore, #tpu.memory_space<semaphore_mem>>) src(%dma_wait3A_2050 : memref<128xf32, #tpu.memory_space<vmem>>) dst(%dma_wait3A_2055 : memref<1024xf32, #tpu.memory_space<vmem_shared>>)
    %barrier3A_2056 = arith.constant 0 : index
    tpu.barrier barrier_id(%barrier3A_2056)
    %mul3A_2057 = arith.constant 64000 : i32
    %mul3A_2058 = arith.muli %arg1, %mul3A_2057 : i32
    %mul3A_2059 = arith.constant 64000 : i32
    %mul3A_2060 = arith.muli %arg1, %mul3A_2059 : i32
    "tpu.region"() ({
      %run_scoped3A = tpu.sem_alloc : memref<!tpu.dma_semaphore, #tpu.memory_space<semaphore_mem>>
      %dma_start3A_2066 = tpu.memref_slice %arg6[%arg0, %mul3A_2060] : memref<2x1024000xf32, #tpu.memory_space<hbm>> -> memref<1x64000xf32, #tpu.memory_space<hbm>>
      %dma_start3A_2067 = tpu.memref_squeeze %dma_start3A_2066 : memref<1x64000xf32, #tpu.memory_space<hbm>> -> memref<64000xf32, #tpu.memory_space<hbm>>
      %dma_start3A_2068 = tpu.memref_slice %arg18[%mul3A_2058] : memref<1024000xf32, #tpu.memory_space<vmem_shared>> -> memref<64000xf32, #tpu.memory_space<vmem_shared>>
      tpu.enqueue_dma source(%dma_start3A_2068 : memref<64000xf32, #tpu.memory_space<vmem_shared>>) target(%dma_start3A_2067 : memref<64000xf32, #tpu.memory_space<hbm>>) target_semaphore(%run_scoped3A : memref<!tpu.dma_semaphore, #tpu.memory_space<semaphore_mem>>)
      %dma_wait3A_2069 = tpu.memref_slice %arg6[%arg0, %mul3A_2060] : memref<2x1024000xf32, #tpu.memory_space<hbm>> -> memref<1x64000xf32, #tpu.memory_space<hbm>>
      %dma_wait3A_2070 = tpu.memref_squeeze %dma_wait3A_2069 : memref<1x64000xf32, #tpu.memory_space<hbm>> -> memref<64000xf32, #tpu.memory_space<hbm>>
      %dma_wait3A_2071 = tpu.memref_slice %arg18[%mul3A_2058] : memref<1024000xf32, #tpu.memory_space<vmem_shared>> -> memref<64000xf32, #tpu.memory_space<vmem_shared>>
      tpu.wait_dma2 semaphore(%run_scoped3A : memref<!tpu.dma_semaphore, #tpu.memory_space<semaphore_mem>>) src(%dma_wait3A_2071 : memref<64000xf32, #tpu.memory_space<vmem_shared>>) dst(%dma_wait3A_2070 : memref<64000xf32, #tpu.memory_space<hbm>>)
      tpu.yield
    }) : () -> ()
    %eq3A_2061 = arith.constant 0 : i32
    %eq3A_2062 = arith.cmpi eq, %arg1, %eq3A_2061 : i32
    %convert_element_type3A_2063 = arith.extui %eq3A_2062 : i1 to i32
    %cond3A_2064 = arith.constant 0 : i32
    %cond3A_2065 = arith.cmpi ne, %convert_element_type3A_2063, %cond3A_2064 : i32
    scf.if %cond3A_2065 {
      "tpu.region"() ({
        %run_scoped3A = tpu.sem_alloc : memref<!tpu.dma_semaphore, #tpu.memory_space<semaphore_mem>>
        %dma_start3A_2066 = arith.constant 0 : i32
        %dma_start3A_2067 = tpu.memref_slice %arg7[%arg0, %dma_start3A_2066] : memref<2x1024xf32, #tpu.memory_space<hbm>> -> memref<1x1024xf32, #tpu.memory_space<hbm>>
        %dma_start3A_2068 = tpu.memref_squeeze %dma_start3A_2067 : memref<1x1024xf32, #tpu.memory_space<hbm>> -> memref<1024xf32, #tpu.memory_space<hbm>>
        %dma_start3A_2069 = arith.constant 0 : i32
        %dma_start3A_2070 = tpu.memref_slice %arg19[%dma_start3A_2069] : memref<1024xf32, #tpu.memory_space<vmem_shared>> -> memref<1024xf32, #tpu.memory_space<vmem_shared>>
        tpu.enqueue_dma source(%dma_start3A_2070 : memref<1024xf32, #tpu.memory_space<vmem_shared>>) target(%dma_start3A_2068 : memref<1024xf32, #tpu.memory_space<hbm>>) target_semaphore(%run_scoped3A : memref<!tpu.dma_semaphore, #tpu.memory_space<semaphore_mem>>)
        %dma_wait3A_2071 = arith.constant 0 : i32
        %dma_wait3A_2072 = tpu.memref_slice %arg7[%arg0, %dma_wait3A_2071] : memref<2x1024xf32, #tpu.memory_space<hbm>> -> memref<1x1024xf32, #tpu.memory_space<hbm>>
        %dma_wait3A_2073 = tpu.memref_squeeze %dma_wait3A_2072 : memref<1x1024xf32, #tpu.memory_space<hbm>> -> memref<1024xf32, #tpu.memory_space<hbm>>
        %dma_wait3A_2074 = arith.constant 0 : i32
        %dma_wait3A_2075 = tpu.memref_slice %arg19[%dma_wait3A_2074] : memref<1024xf32, #tpu.memory_space<vmem_shared>> -> memref<1024xf32, #tpu.memory_space<vmem_shared>>
        tpu.wait_dma2 semaphore(%run_scoped3A : memref<!tpu.dma_semaphore, #tpu.memory_space<semaphore_mem>>) src(%dma_wait3A_2075 : memref<1024xf32, #tpu.memory_space<vmem_shared>>) dst(%dma_wait3A_2073 : memref<1024xf32, #tpu.memory_space<hbm>>)
        tpu.yield
      }) : () -> ()
    } else {
    }
    return
  }
}

module attributes {stable_mosaic.version = 14 : i64} {
  func.func @_dense_body(%arg0: memref<1000x1000xf32, #tpu.memory_space<vmem>>, %arg1: memref<1000x1000xf32, #tpu.memory_space<vmem>>, %arg2: memref<1000x1xf32, #tpu.memory_space<vmem>>, %arg3: memref<1000x64xf32, #tpu.memory_space<vmem>>, %arg4: memref<64x192xf32, #tpu.memory_space<vmem>>, %arg5: memref<64x128xf32, #tpu.memory_space<vmem>>, %arg6: memref<2x64x64xf32, #tpu.memory_space<vmem>>, %arg7: memref<2x64x64xf32, #tpu.memory_space<vmem>>, %arg8: memref<2x64x64xf32, #tpu.memory_space<vmem>>, %arg9: memref<2x64x64xf32, #tpu.memory_space<vmem>>, %arg10: memref<2x64xf32, #tpu.memory_space<vmem>>, %arg11: memref<128x64xf32, #tpu.memory_space<vmem>>, %arg12: memref<1x64xf32, #tpu.memory_space<vmem>>, %arg13: memref<64x64xf32, #tpu.memory_space<vmem>>, %arg14: memref<1x64xf32, #tpu.memory_space<vmem>>, %arg15: memref<64x64xf32, #tpu.memory_space<vmem>>, %arg16: memref<1x64xf32, #tpu.memory_space<vmem>>, %arg17: memref<1000x192xbf16, #tpu.memory_space<vmem>>) attributes {dimension_semantics = [], scalar_prefetch = 0 : i64, scratch_operands = 0 : i64, tpu.core_type = #tpu.core_type<tc>} {
    %get3A = arith.constant 0 : index
    %get3A_0 = arith.constant 0 : index
    %get3A_1 = vector.load %arg0[%get3A, %get3A_0] : memref<1000x1000xf32, #tpu.memory_space<vmem>>, vector<1000x1000xf32>
    %get3A_2 = arith.constant 0 : index
    %get3A_3 = arith.constant 0 : index
    %get3A_4 = vector.load %arg1[%get3A_2, %get3A_3] : memref<1000x1000xf32, #tpu.memory_space<vmem>>, vector<1000x1000xf32>
    %add3A = arith.addf %get3A_1, %get3A_4 : vector<1000x1000xf32>
    %get3A_5 = arith.constant 0 : index
    %get3A_6 = arith.constant 0 : index
    %get3A_7 = vector.load %arg2[%get3A_5, %get3A_6] : memref<1000x1xf32, #tpu.memory_space<vmem>>, vector<1000x1xf32>
    %get3A_8 = arith.constant 0 : index
    %get3A_9 = arith.constant 0 : index
    %get3A_10 = vector.load %arg3[%get3A_8, %get3A_9] : memref<1000x64xf32, #tpu.memory_space<vmem>>, vector<1000x64xf32>
    %broadcast_in_dim3A = arith.constant 1.000000e+00 : f32
    %broadcast_in_dim3A_11 = vector.broadcast %broadcast_in_dim3A : f32 to vector<1000x1xf32>
    %dot_general3A = arith.constant dense<0.000000e+00> : vector<1000x1xf32>
    %dot_general3A_12 = tpu.matmul %add3A, %broadcast_in_dim3A_11, %dot_general3A {dimension_numbers = #tpu.dot_dimension_numbers<[1], [0], [0], [1], [0, 0, 1, 1], [], []>, transpose_lhs_hint = false} : vector<1000x1000xf32>, vector<1000x1xf32>, vector<1000x1xf32> -> vector<1000x1xf32>
    %dot_general3A_13 = arith.constant dense<0.000000e+00> : vector<1000x1xf32>
    %dot_general3A_14 = tpu.matmul %add3A, %broadcast_in_dim3A_11, %dot_general3A_13 {dimension_numbers = #tpu.dot_dimension_numbers<[0], [0], [1], [1], [0, 1, 1, 1], [], []>, transpose_lhs_hint = false} : vector<1000x1000xf32>, vector<1000x1xf32>, vector<1000x1xf32> -> vector<1000x1xf32>
    %max3A = arith.constant 1.000000e+00 : f32
    %max3A_15 = vector.broadcast %max3A : f32 to vector<1000x1xf32>
    %max3A_16 = arith.maximumf %dot_general3A_14, %max3A_15 : vector<1000x1xf32>
    %rsqrt3A = math.rsqrt %max3A_16 : vector<1000x1xf32>
    %max3A_17 = arith.constant 1.000000e+00 : f32
    %max3A_18 = vector.broadcast %max3A_17 : f32 to vector<1000x1xf32>
    %max3A_19 = arith.maximumf %dot_general3A_12, %max3A_18 : vector<1000x1xf32>
    %rsqrt3A_20 = math.rsqrt %max3A_19 : vector<1000x1xf32>
    %get3A_21 = arith.constant 0 : index
    %get3A_22 = arith.constant 0 : index
    %get3A_23 = vector.load %arg4[%get3A_21, %get3A_22] : memref<64x192xf32, #tpu.memory_space<vmem>>, vector<64x192xf32>
    %get3A_24 = arith.constant 0 : index
    %get3A_25 = arith.constant 0 : index
    %get3A_26 = vector.load %arg5[%get3A_24, %get3A_25] : memref<64x128xf32, #tpu.memory_space<vmem>>, vector<64x128xf32>
    %dot_general3A_27 = arith.constant dense<0.000000e+00> : vector<1000x192xf32>
    %dot_general3A_28 = tpu.matmul %get3A_10, %get3A_23, %dot_general3A_27 {dimension_numbers = #tpu.dot_dimension_numbers<[1], [0], [0], [1], [0, 0, 1, 1], [], []>, transpose_lhs_hint = false} : vector<1000x64xf32>, vector<64x192xf32>, vector<1000x192xf32> -> vector<1000x192xf32>
    %slice3A = vector.extract_strided_slice %dot_general3A_28 {offsets = [0, 0], sizes = [1000, 64], strides = [1, 1]} : vector<1000x192xf32> to vector<1000x64xf32>
    %slice3A_29 = vector.extract_strided_slice %dot_general3A_28 {offsets = [0, 64], sizes = [1000, 64], strides = [1, 1]} : vector<1000x192xf32> to vector<1000x64xf32>
    %slice3A_30 = vector.extract_strided_slice %dot_general3A_28 {offsets = [0, 128], sizes = [1000, 64], strides = [1, 1]} : vector<1000x192xf32> to vector<1000x64xf32>
    %mul3A = vector.broadcast %rsqrt3A : vector<1000x1xf32> to vector<1000x64xf32>
    %mul3A_31 = arith.mulf %slice3A, %mul3A : vector<1000x64xf32>
    %dot_general3A_32 = arith.constant dense<0.000000e+00> : vector<1000x64xf32>
    %dot_general3A_33 = tpu.matmul %add3A, %mul3A_31, %dot_general3A_32 {dimension_numbers = #tpu.dot_dimension_numbers<[1], [0], [0], [1], [0, 0, 1, 1], [], []>, transpose_lhs_hint = false} : vector<1000x1000xf32>, vector<1000x64xf32>, vector<1000x64xf32> -> vector<1000x64xf32>
    %mul3A_34 = vector.broadcast %rsqrt3A_20 : vector<1000x1xf32> to vector<1000x64xf32>
    %mul3A_35 = arith.mulf %mul3A_34, %dot_general3A_33 : vector<1000x64xf32>
    %dot_general3A_36 = arith.constant dense<0.000000e+00> : vector<1000x128xf32>
    %dot_general3A_37 = tpu.matmul %mul3A_35, %get3A_26, %dot_general3A_36 {dimension_numbers = #tpu.dot_dimension_numbers<[1], [0], [0], [1], [0, 0, 1, 1], [], []>, transpose_lhs_hint = false} : vector<1000x64xf32>, vector<64x128xf32>, vector<1000x128xf32> -> vector<1000x128xf32>
    %slice3A_38 = vector.extract_strided_slice %dot_general3A_37 {offsets = [0, 0], sizes = [1000, 64], strides = [1, 1]} : vector<1000x128xf32> to vector<1000x64xf32>
    %slice3A_39 = vector.extract_strided_slice %dot_general3A_37 {offsets = [0, 64], sizes = [1000, 64], strides = [1, 1]} : vector<1000x128xf32> to vector<1000x64xf32>
    %add3A_40 = arith.addf %slice3A_38, %slice3A_29 : vector<1000x64xf32>
    %max3A_41 = arith.constant 0.000000e+00 : f32
    %max3A_42 = vector.broadcast %max3A_41 : f32 to vector<1000x64xf32>
    %max3A_43 = arith.maximumf %add3A_40, %max3A_42 : vector<1000x64xf32>
    %mul3A_44 = arith.mulf %max3A_43, %slice3A_39 : vector<1000x64xf32>
    %add3A_45 = arith.addf %slice3A_30, %mul3A_44 : vector<1000x64xf32>
    %dot_general3A_46 = arith.constant dense<0.000000e+00> : vector<1000x192xf32>
    %dot_general3A_47 = tpu.matmul %add3A_45, %get3A_23, %dot_general3A_46 {dimension_numbers = #tpu.dot_dimension_numbers<[1], [0], [0], [1], [0, 0, 1, 1], [], []>, transpose_lhs_hint = false} : vector<1000x64xf32>, vector<64x192xf32>, vector<1000x192xf32> -> vector<1000x192xf32>
    %slice3A_48 = vector.extract_strided_slice %dot_general3A_47 {offsets = [0, 0], sizes = [1000, 64], strides = [1, 1]} : vector<1000x192xf32> to vector<1000x64xf32>
    %slice3A_49 = vector.extract_strided_slice %dot_general3A_47 {offsets = [0, 64], sizes = [1000, 64], strides = [1, 1]} : vector<1000x192xf32> to vector<1000x64xf32>
    %slice3A_50 = vector.extract_strided_slice %dot_general3A_47 {offsets = [0, 128], sizes = [1000, 64], strides = [1, 1]} : vector<1000x192xf32> to vector<1000x64xf32>
    %mul3A_51 = vector.broadcast %rsqrt3A : vector<1000x1xf32> to vector<1000x64xf32>
    %mul3A_52 = arith.mulf %slice3A_48, %mul3A_51 : vector<1000x64xf32>
    %dot_general3A_53 = arith.constant dense<0.000000e+00> : vector<1000x64xf32>
    %dot_general3A_54 = tpu.matmul %add3A, %mul3A_52, %dot_general3A_53 {dimension_numbers = #tpu.dot_dimension_numbers<[1], [0], [0], [1], [0, 0, 1, 1], [], []>, transpose_lhs_hint = false} : vector<1000x1000xf32>, vector<1000x64xf32>, vector<1000x64xf32> -> vector<1000x64xf32>
    %mul3A_55 = vector.broadcast %rsqrt3A_20 : vector<1000x1xf32> to vector<1000x64xf32>
    %mul3A_56 = arith.mulf %mul3A_55, %dot_general3A_54 : vector<1000x64xf32>
    %dot_general3A_57 = arith.constant dense<0.000000e+00> : vector<1000x128xf32>
    %dot_general3A_58 = tpu.matmul %mul3A_56, %get3A_26, %dot_general3A_57 {dimension_numbers = #tpu.dot_dimension_numbers<[1], [0], [0], [1], [0, 0, 1, 1], [], []>, transpose_lhs_hint = false} : vector<1000x64xf32>, vector<64x128xf32>, vector<1000x128xf32> -> vector<1000x128xf32>
    %slice3A_59 = vector.extract_strided_slice %dot_general3A_58 {offsets = [0, 0], sizes = [1000, 64], strides = [1, 1]} : vector<1000x128xf32> to vector<1000x64xf32>
    %slice3A_60 = vector.extract_strided_slice %dot_general3A_58 {offsets = [0, 64], sizes = [1000, 64], strides = [1, 1]} : vector<1000x128xf32> to vector<1000x64xf32>
    %add3A_61 = arith.addf %slice3A_59, %slice3A_49 : vector<1000x64xf32>
    %max3A_62 = arith.constant 0.000000e+00 : f32
    %max3A_63 = vector.broadcast %max3A_62 : f32 to vector<1000x64xf32>
    %max3A_64 = arith.maximumf %add3A_61, %max3A_63 : vector<1000x64xf32>
    %mul3A_65 = arith.mulf %max3A_64, %slice3A_60 : vector<1000x64xf32>
    %add3A_66 = arith.addf %slice3A_50, %mul3A_65 : vector<1000x64xf32>
    %get3A_67 = arith.constant 0 : index
    %get3A_68 = arith.constant 0 : index
    %get3A_69 = arith.constant 0 : index
    %get3A_70 = vector.load %arg6[%get3A_67, %get3A_68, %get3A_69] : memref<2x64x64xf32, #tpu.memory_space<vmem>>, vector<1x64x64xf32>
    %get3A_71 = vector.shape_cast %get3A_70 : vector<1x64x64xf32> to vector<64x64xf32>
    %dot_general3A_72 = arith.constant dense<0.000000e+00> : vector<1000x64xf32>
    %dot_general3A_73 = tpu.matmul %get3A_10, %get3A_71, %dot_general3A_72 {dimension_numbers = #tpu.dot_dimension_numbers<[1], [0], [0], [1], [0, 0, 1, 1], [], []>, transpose_lhs_hint = false} : vector<1000x64xf32>, vector<64x64xf32>, vector<1000x64xf32> -> vector<1000x64xf32>
    %get3A_74 = arith.constant 0 : index
    %get3A_75 = arith.constant 0 : index
    %get3A_76 = arith.constant 0 : index
    %get3A_77 = vector.load %arg7[%get3A_74, %get3A_75, %get3A_76] : memref<2x64x64xf32, #tpu.memory_space<vmem>>, vector<1x64x64xf32>
    %get3A_78 = vector.shape_cast %get3A_77 : vector<1x64x64xf32> to vector<64x64xf32>
    %dot_general3A_79 = arith.constant dense<0.000000e+00> : vector<1000x64xf32>
    %dot_general3A_80 = tpu.matmul %get3A_10, %get3A_78, %dot_general3A_79 {dimension_numbers = #tpu.dot_dimension_numbers<[1], [0], [0], [1], [0, 0, 1, 1], [], []>, transpose_lhs_hint = false} : vector<1000x64xf32>, vector<64x64xf32>, vector<1000x64xf32> -> vector<1000x64xf32>
    %get3A_81 = arith.constant 0 : index
    %get3A_82 = arith.constant 0 : index
    %get3A_83 = arith.constant 0 : index
    %get3A_84 = vector.load %arg8[%get3A_81, %get3A_82, %get3A_83] : memref<2x64x64xf32, #tpu.memory_space<vmem>>, vector<1x64x64xf32>
    %get3A_85 = vector.shape_cast %get3A_84 : vector<1x64x64xf32> to vector<64x64xf32>
    %dot_general3A_86 = arith.constant dense<0.000000e+00> : vector<1000x64xf32>
    %dot_general3A_87 = tpu.matmul %get3A_10, %get3A_85, %dot_general3A_86 {dimension_numbers = #tpu.dot_dimension_numbers<[1], [0], [0], [1], [0, 0, 1, 1], [], []>, transpose_lhs_hint = false} : vector<1000x64xf32>, vector<64x64xf32>, vector<1000x64xf32> -> vector<1000x64xf32>
    %mul3A_88 = vector.broadcast %get3A_7 : vector<1000x1xf32> to vector<1000x64xf32>
    %mul3A_89 = arith.mulf %dot_general3A_87, %mul3A_88 : vector<1000x64xf32>
    %slice3A_90 = vector.extract_strided_slice %dot_general3A_73 {offsets = [0, 0], sizes = [1000, 16], strides = [1, 1]} : vector<1000x64xf32> to vector<1000x16xf32>
    %slice3A_91 = vector.extract_strided_slice %dot_general3A_80 {offsets = [0, 0], sizes = [1000, 16], strides = [1, 1]} : vector<1000x64xf32> to vector<1000x16xf32>
    %slice3A_92 = vector.extract_strided_slice %mul3A_89 {offsets = [0, 0], sizes = [1000, 16], strides = [1, 1]} : vector<1000x64xf32> to vector<1000x16xf32>
    %dot_general3A_93 = arith.constant dense<0.000000e+00> : vector<1000x1000xf32>
    %dot_general3A_94 = tpu.matmul %slice3A_90, %slice3A_91, %dot_general3A_93 {dimension_numbers = #tpu.dot_dimension_numbers<[1], [1], [0], [0], [0, 0, 1, 0], [], []>, transpose_lhs_hint = false} : vector<1000x16xf32>, vector<1000x16xf32>, vector<1000x1000xf32> -> vector<1000x1000xf32>
    %tanh3A = math.tanh %dot_general3A_94 : vector<1000x1000xf32>
    %dot_general3A_95 = arith.constant dense<0.000000e+00> : vector<1000x16xf32>
    %dot_general3A_96 = tpu.matmul %tanh3A, %slice3A_92, %dot_general3A_95 {dimension_numbers = #tpu.dot_dimension_numbers<[1], [0], [0], [1], [0, 0, 1, 1], [], []>, transpose_lhs_hint = false} : vector<1000x1000xf32>, vector<1000x16xf32>, vector<1000x16xf32> -> vector<1000x16xf32>
    %slice3A_97 = vector.extract_strided_slice %dot_general3A_73 {offsets = [0, 16], sizes = [1000, 16], strides = [1, 1]} : vector<1000x64xf32> to vector<1000x16xf32>
    %slice3A_98 = vector.extract_strided_slice %dot_general3A_80 {offsets = [0, 16], sizes = [1000, 16], strides = [1, 1]} : vector<1000x64xf32> to vector<1000x16xf32>
    %slice3A_99 = vector.extract_strided_slice %mul3A_89 {offsets = [0, 16], sizes = [1000, 16], strides = [1, 1]} : vector<1000x64xf32> to vector<1000x16xf32>
    %dot_general3A_100 = arith.constant dense<0.000000e+00> : vector<1000x1000xf32>
    %dot_general3A_101 = tpu.matmul %slice3A_97, %slice3A_98, %dot_general3A_100 {dimension_numbers = #tpu.dot_dimension_numbers<[1], [1], [0], [0], [0, 0, 1, 0], [], []>, transpose_lhs_hint = false} : vector<1000x16xf32>, vector<1000x16xf32>, vector<1000x1000xf32> -> vector<1000x1000xf32>
    %tanh3A_102 = math.tanh %dot_general3A_101 : vector<1000x1000xf32>
    %dot_general3A_103 = arith.constant dense<0.000000e+00> : vector<1000x16xf32>
    %dot_general3A_104 = tpu.matmul %tanh3A_102, %slice3A_99, %dot_general3A_103 {dimension_numbers = #tpu.dot_dimension_numbers<[1], [0], [0], [1], [0, 0, 1, 1], [], []>, transpose_lhs_hint = false} : vector<1000x1000xf32>, vector<1000x16xf32>, vector<1000x16xf32> -> vector<1000x16xf32>
    %slice3A_105 = vector.extract_strided_slice %dot_general3A_73 {offsets = [0, 32], sizes = [1000, 16], strides = [1, 1]} : vector<1000x64xf32> to vector<1000x16xf32>
    %slice3A_106 = vector.extract_strided_slice %dot_general3A_80 {offsets = [0, 32], sizes = [1000, 16], strides = [1, 1]} : vector<1000x64xf32> to vector<1000x16xf32>
    %slice3A_107 = vector.extract_strided_slice %mul3A_89 {offsets = [0, 32], sizes = [1000, 16], strides = [1, 1]} : vector<1000x64xf32> to vector<1000x16xf32>
    %dot_general3A_108 = arith.constant dense<0.000000e+00> : vector<1000x1000xf32>
    %dot_general3A_109 = tpu.matmul %slice3A_105, %slice3A_106, %dot_general3A_108 {dimension_numbers = #tpu.dot_dimension_numbers<[1], [1], [0], [0], [0, 0, 1, 0], [], []>, transpose_lhs_hint = false} : vector<1000x16xf32>, vector<1000x16xf32>, vector<1000x1000xf32> -> vector<1000x1000xf32>
    %tanh3A_110 = math.tanh %dot_general3A_109 : vector<1000x1000xf32>
    %dot_general3A_111 = arith.constant dense<0.000000e+00> : vector<1000x16xf32>
    %dot_general3A_112 = tpu.matmul %tanh3A_110, %slice3A_107, %dot_general3A_111 {dimension_numbers = #tpu.dot_dimension_numbers<[1], [0], [0], [1], [0, 0, 1, 1], [], []>, transpose_lhs_hint = false} : vector<1000x1000xf32>, vector<1000x16xf32>, vector<1000x16xf32> -> vector<1000x16xf32>
    %slice3A_113 = vector.extract_strided_slice %dot_general3A_73 {offsets = [0, 48], sizes = [1000, 16], strides = [1, 1]} : vector<1000x64xf32> to vector<1000x16xf32>
    %slice3A_114 = vector.extract_strided_slice %dot_general3A_80 {offsets = [0, 48], sizes = [1000, 16], strides = [1, 1]} : vector<1000x64xf32> to vector<1000x16xf32>
    %slice3A_115 = vector.extract_strided_slice %mul3A_89 {offsets = [0, 48], sizes = [1000, 16], strides = [1, 1]} : vector<1000x64xf32> to vector<1000x16xf32>
    %dot_general3A_116 = arith.constant dense<0.000000e+00> : vector<1000x1000xf32>
    %dot_general3A_117 = tpu.matmul %slice3A_113, %slice3A_114, %dot_general3A_116 {dimension_numbers = #tpu.dot_dimension_numbers<[1], [1], [0], [0], [0, 0, 1, 0], [], []>, transpose_lhs_hint = false} : vector<1000x16xf32>, vector<1000x16xf32>, vector<1000x1000xf32> -> vector<1000x1000xf32>
    %tanh3A_118 = math.tanh %dot_general3A_117 : vector<1000x1000xf32>
    %dot_general3A_119 = arith.constant dense<0.000000e+00> : vector<1000x16xf32>
    %dot_general3A_120 = tpu.matmul %tanh3A_118, %slice3A_115, %dot_general3A_119 {dimension_numbers = #tpu.dot_dimension_numbers<[1], [0], [0], [1], [0, 0, 1, 1], [], []>, transpose_lhs_hint = false} : vector<1000x1000xf32>, vector<1000x16xf32>, vector<1000x16xf32> -> vector<1000x16xf32>
    %concatenate3A = tpu.concatenate %dot_general3A_96, %dot_general3A_104, %dot_general3A_112, %dot_general3A_120 in 1 : vector<1000x16xf32>, vector<1000x16xf32>, vector<1000x16xf32>, vector<1000x16xf32> -> vector<1000x64xf32>
    %get3A_121 = arith.constant 0 : index
    %get3A_122 = arith.constant 0 : index
    %get3A_123 = arith.constant 0 : index
    %get3A_124 = vector.load %arg9[%get3A_121, %get3A_122, %get3A_123] : memref<2x64x64xf32, #tpu.memory_space<vmem>>, vector<1x64x64xf32>
    %get3A_125 = vector.shape_cast %get3A_124 : vector<1x64x64xf32> to vector<64x64xf32>
    %dot_general3A_126 = arith.constant dense<0.000000e+00> : vector<1000x64xf32>
    %dot_general3A_127 = tpu.matmul %concatenate3A, %get3A_125, %dot_general3A_126 {dimension_numbers = #tpu.dot_dimension_numbers<[1], [0], [0], [1], [0, 0, 1, 1], [], []>, transpose_lhs_hint = false} : vector<1000x64xf32>, vector<64x64xf32>, vector<1000x64xf32> -> vector<1000x64xf32>
    %get3A_128 = arith.constant 0 : index
    %get3A_129 = arith.constant 0 : index
    %get3A_130 = vector.load %arg10[%get3A_128, %get3A_129] : memref<2x64xf32, #tpu.memory_space<vmem>>, vector<1x64xf32>
    %add3A_131 = vector.broadcast %get3A_130 : vector<1x64xf32> to vector<1000x64xf32>
    %add3A_132 = arith.addf %dot_general3A_127, %add3A_131 : vector<1000x64xf32>
    %max3A_133 = arith.constant 0.000000e+00 : f32
    %max3A_134 = vector.broadcast %max3A_133 : f32 to vector<1000x64xf32>
    %max3A_135 = arith.maximumf %add3A_132, %max3A_134 : vector<1000x64xf32>
    %add3A_136 = arith.addf %get3A_10, %max3A_135 : vector<1000x64xf32>
    %get3A_137 = arith.constant 1 : index
    %get3A_138 = arith.constant 0 : index
    %get3A_139 = arith.constant 0 : index
    %get3A_140 = vector.load %arg6[%get3A_137, %get3A_138, %get3A_139] : memref<2x64x64xf32, #tpu.memory_space<vmem>>, vector<1x64x64xf32>
    %get3A_141 = vector.shape_cast %get3A_140 : vector<1x64x64xf32> to vector<64x64xf32>
    %dot_general3A_142 = arith.constant dense<0.000000e+00> : vector<1000x64xf32>
    %dot_general3A_143 = tpu.matmul %add3A_136, %get3A_141, %dot_general3A_142 {dimension_numbers = #tpu.dot_dimension_numbers<[1], [0], [0], [1], [0, 0, 1, 1], [], []>, transpose_lhs_hint = false} : vector<1000x64xf32>, vector<64x64xf32>, vector<1000x64xf32> -> vector<1000x64xf32>
    %get3A_144 = arith.constant 1 : index
    %get3A_145 = arith.constant 0 : index
    %get3A_146 = arith.constant 0 : index
    %get3A_147 = vector.load %arg7[%get3A_144, %get3A_145, %get3A_146] : memref<2x64x64xf32, #tpu.memory_space<vmem>>, vector<1x64x64xf32>
    %get3A_148 = vector.shape_cast %get3A_147 : vector<1x64x64xf32> to vector<64x64xf32>
    %dot_general3A_149 = arith.constant dense<0.000000e+00> : vector<1000x64xf32>
    %dot_general3A_150 = tpu.matmul %add3A_136, %get3A_148, %dot_general3A_149 {dimension_numbers = #tpu.dot_dimension_numbers<[1], [0], [0], [1], [0, 0, 1, 1], [], []>, transpose_lhs_hint = false} : vector<1000x64xf32>, vector<64x64xf32>, vector<1000x64xf32> -> vector<1000x64xf32>
    %get3A_151 = arith.constant 1 : index
    %get3A_152 = arith.constant 0 : index
    %get3A_153 = arith.constant 0 : index
    %get3A_154 = vector.load %arg8[%get3A_151, %get3A_152, %get3A_153] : memref<2x64x64xf32, #tpu.memory_space<vmem>>, vector<1x64x64xf32>
    %get3A_155 = vector.shape_cast %get3A_154 : vector<1x64x64xf32> to vector<64x64xf32>
    %dot_general3A_156 = arith.constant dense<0.000000e+00> : vector<1000x64xf32>
    %dot_general3A_157 = tpu.matmul %add3A_136, %get3A_155, %dot_general3A_156 {dimension_numbers = #tpu.dot_dimension_numbers<[1], [0], [0], [1], [0, 0, 1, 1], [], []>, transpose_lhs_hint = false} : vector<1000x64xf32>, vector<64x64xf32>, vector<1000x64xf32> -> vector<1000x64xf32>
    %mul3A_158 = vector.broadcast %get3A_7 : vector<1000x1xf32> to vector<1000x64xf32>
    %mul3A_159 = arith.mulf %dot_general3A_157, %mul3A_158 : vector<1000x64xf32>
    %slice3A_160 = vector.extract_strided_slice %dot_general3A_143 {offsets = [0, 0], sizes = [1000, 16], strides = [1, 1]} : vector<1000x64xf32> to vector<1000x16xf32>
    %slice3A_161 = vector.extract_strided_slice %dot_general3A_150 {offsets = [0, 0], sizes = [1000, 16], strides = [1, 1]} : vector<1000x64xf32> to vector<1000x16xf32>
    %slice3A_162 = vector.extract_strided_slice %mul3A_159 {offsets = [0, 0], sizes = [1000, 16], strides = [1, 1]} : vector<1000x64xf32> to vector<1000x16xf32>
    %dot_general3A_163 = arith.constant dense<0.000000e+00> : vector<1000x1000xf32>
    %dot_general3A_164 = tpu.matmul %slice3A_160, %slice3A_161, %dot_general3A_163 {dimension_numbers = #tpu.dot_dimension_numbers<[1], [1], [0], [0], [0, 0, 1, 0], [], []>, transpose_lhs_hint = false} : vector<1000x16xf32>, vector<1000x16xf32>, vector<1000x1000xf32> -> vector<1000x1000xf32>
    %tanh3A_165 = math.tanh %dot_general3A_164 : vector<1000x1000xf32>
    %dot_general3A_166 = arith.constant dense<0.000000e+00> : vector<1000x16xf32>
    %dot_general3A_167 = tpu.matmul %tanh3A_165, %slice3A_162, %dot_general3A_166 {dimension_numbers = #tpu.dot_dimension_numbers<[1], [0], [0], [1], [0, 0, 1, 1], [], []>, transpose_lhs_hint = false} : vector<1000x1000xf32>, vector<1000x16xf32>, vector<1000x16xf32> -> vector<1000x16xf32>
    %slice3A_168 = vector.extract_strided_slice %dot_general3A_143 {offsets = [0, 16], sizes = [1000, 16], strides = [1, 1]} : vector<1000x64xf32> to vector<1000x16xf32>
    %slice3A_169 = vector.extract_strided_slice %dot_general3A_150 {offsets = [0, 16], sizes = [1000, 16], strides = [1, 1]} : vector<1000x64xf32> to vector<1000x16xf32>
    %slice3A_170 = vector.extract_strided_slice %mul3A_159 {offsets = [0, 16], sizes = [1000, 16], strides = [1, 1]} : vector<1000x64xf32> to vector<1000x16xf32>
    %dot_general3A_171 = arith.constant dense<0.000000e+00> : vector<1000x1000xf32>
    %dot_general3A_172 = tpu.matmul %slice3A_168, %slice3A_169, %dot_general3A_171 {dimension_numbers = #tpu.dot_dimension_numbers<[1], [1], [0], [0], [0, 0, 1, 0], [], []>, transpose_lhs_hint = false} : vector<1000x16xf32>, vector<1000x16xf32>, vector<1000x1000xf32> -> vector<1000x1000xf32>
    %tanh3A_173 = math.tanh %dot_general3A_172 : vector<1000x1000xf32>
    %dot_general3A_174 = arith.constant dense<0.000000e+00> : vector<1000x16xf32>
    %dot_general3A_175 = tpu.matmul %tanh3A_173, %slice3A_170, %dot_general3A_174 {dimension_numbers = #tpu.dot_dimension_numbers<[1], [0], [0], [1], [0, 0, 1, 1], [], []>, transpose_lhs_hint = false} : vector<1000x1000xf32>, vector<1000x16xf32>, vector<1000x16xf32> -> vector<1000x16xf32>
    %slice3A_176 = vector.extract_strided_slice %dot_general3A_143 {offsets = [0, 32], sizes = [1000, 16], strides = [1, 1]} : vector<1000x64xf32> to vector<1000x16xf32>
    %slice3A_177 = vector.extract_strided_slice %dot_general3A_150 {offsets = [0, 32], sizes = [1000, 16], strides = [1, 1]} : vector<1000x64xf32> to vector<1000x16xf32>
    %slice3A_178 = vector.extract_strided_slice %mul3A_159 {offsets = [0, 32], sizes = [1000, 16], strides = [1, 1]} : vector<1000x64xf32> to vector<1000x16xf32>
    %dot_general3A_179 = arith.constant dense<0.000000e+00> : vector<1000x1000xf32>
    %dot_general3A_180 = tpu.matmul %slice3A_176, %slice3A_177, %dot_general3A_179 {dimension_numbers = #tpu.dot_dimension_numbers<[1], [1], [0], [0], [0, 0, 1, 0], [], []>, transpose_lhs_hint = false} : vector<1000x16xf32>, vector<1000x16xf32>, vector<1000x1000xf32> -> vector<1000x1000xf32>
    %tanh3A_181 = math.tanh %dot_general3A_180 : vector<1000x1000xf32>
    %dot_general3A_182 = arith.constant dense<0.000000e+00> : vector<1000x16xf32>
    %dot_general3A_183 = tpu.matmul %tanh3A_181, %slice3A_178, %dot_general3A_182 {dimension_numbers = #tpu.dot_dimension_numbers<[1], [0], [0], [1], [0, 0, 1, 1], [], []>, transpose_lhs_hint = false} : vector<1000x1000xf32>, vector<1000x16xf32>, vector<1000x16xf32> -> vector<1000x16xf32>
    %slice3A_184 = vector.extract_strided_slice %dot_general3A_143 {offsets = [0, 48], sizes = [1000, 16], strides = [1, 1]} : vector<1000x64xf32> to vector<1000x16xf32>
    %slice3A_185 = vector.extract_strided_slice %dot_general3A_150 {offsets = [0, 48], sizes = [1000, 16], strides = [1, 1]} : vector<1000x64xf32> to vector<1000x16xf32>
    %slice3A_186 = vector.extract_strided_slice %mul3A_159 {offsets = [0, 48], sizes = [1000, 16], strides = [1, 1]} : vector<1000x64xf32> to vector<1000x16xf32>
    %dot_general3A_187 = arith.constant dense<0.000000e+00> : vector<1000x1000xf32>
    %dot_general3A_188 = tpu.matmul %slice3A_184, %slice3A_185, %dot_general3A_187 {dimension_numbers = #tpu.dot_dimension_numbers<[1], [1], [0], [0], [0, 0, 1, 0], [], []>, transpose_lhs_hint = false} : vector<1000x16xf32>, vector<1000x16xf32>, vector<1000x1000xf32> -> vector<1000x1000xf32>
    %tanh3A_189 = math.tanh %dot_general3A_188 : vector<1000x1000xf32>
    %dot_general3A_190 = arith.constant dense<0.000000e+00> : vector<1000x16xf32>
    %dot_general3A_191 = tpu.matmul %tanh3A_189, %slice3A_186, %dot_general3A_190 {dimension_numbers = #tpu.dot_dimension_numbers<[1], [0], [0], [1], [0, 0, 1, 1], [], []>, transpose_lhs_hint = false} : vector<1000x1000xf32>, vector<1000x16xf32>, vector<1000x16xf32> -> vector<1000x16xf32>
    %concatenate3A_192 = tpu.concatenate %dot_general3A_167, %dot_general3A_175, %dot_general3A_183, %dot_general3A_191 in 1 : vector<1000x16xf32>, vector<1000x16xf32>, vector<1000x16xf32>, vector<1000x16xf32> -> vector<1000x64xf32>
    %get3A_193 = arith.constant 1 : index
    %get3A_194 = arith.constant 0 : index
    %get3A_195 = arith.constant 0 : index
    %get3A_196 = vector.load %arg9[%get3A_193, %get3A_194, %get3A_195] : memref<2x64x64xf32, #tpu.memory_space<vmem>>, vector<1x64x64xf32>
    %get3A_197 = vector.shape_cast %get3A_196 : vector<1x64x64xf32> to vector<64x64xf32>
    %dot_general3A_198 = arith.constant dense<0.000000e+00> : vector<1000x64xf32>
    %dot_general3A_199 = tpu.matmul %concatenate3A_192, %get3A_197, %dot_general3A_198 {dimension_numbers = #tpu.dot_dimension_numbers<[1], [0], [0], [1], [0, 0, 1, 1], [], []>, transpose_lhs_hint = false} : vector<1000x64xf32>, vector<64x64xf32>, vector<1000x64xf32> -> vector<1000x64xf32>
    %get3A_200 = arith.constant 1 : index
    %get3A_201 = arith.constant 0 : index
    %get3A_202 = vector.load %arg10[%get3A_200, %get3A_201] : memref<2x64xf32, #tpu.memory_space<vmem>>, vector<1x64xf32>
    %add3A_203 = vector.broadcast %get3A_202 : vector<1x64xf32> to vector<1000x64xf32>
    %add3A_204 = arith.addf %dot_general3A_199, %add3A_203 : vector<1000x64xf32>
    %max3A_205 = arith.constant 0.000000e+00 : f32
    %max3A_206 = vector.broadcast %max3A_205 : f32 to vector<1000x64xf32>
    %max3A_207 = arith.maximumf %add3A_204, %max3A_206 : vector<1000x64xf32>
    %add3A_208 = arith.addf %add3A_136, %max3A_207 : vector<1000x64xf32>
    %get3A_209 = arith.constant 0 : index
    %get3A_210 = arith.constant 0 : index
    %get3A_211 = vector.load %arg11[%get3A_209, %get3A_210] : memref<128x64xf32, #tpu.memory_space<vmem>>, vector<128x64xf32>
    %slice3A_212 = vector.extract_strided_slice %get3A_211 {offsets = [0, 0], sizes = [64, 64], strides = [1, 1]} : vector<128x64xf32> to vector<64x64xf32>
    %dot_general3A_213 = arith.constant dense<0.000000e+00> : vector<1000x64xf32>
    %dot_general3A_214 = tpu.matmul %add3A_66, %slice3A_212, %dot_general3A_213 {dimension_numbers = #tpu.dot_dimension_numbers<[1], [0], [0], [1], [0, 0, 1, 1], [], []>, transpose_lhs_hint = false} : vector<1000x64xf32>, vector<64x64xf32>, vector<1000x64xf32> -> vector<1000x64xf32>
    %slice3A_215 = vector.extract_strided_slice %get3A_211 {offsets = [64, 0], sizes = [64, 64], strides = [1, 1]} : vector<128x64xf32> to vector<64x64xf32>
    %dot_general3A_216 = arith.constant dense<0.000000e+00> : vector<1000x64xf32>
    %dot_general3A_217 = tpu.matmul %add3A_208, %slice3A_215, %dot_general3A_216 {dimension_numbers = #tpu.dot_dimension_numbers<[1], [0], [0], [1], [0, 0, 1, 1], [], []>, transpose_lhs_hint = false} : vector<1000x64xf32>, vector<64x64xf32>, vector<1000x64xf32> -> vector<1000x64xf32>
    %add3A_218 = arith.addf %dot_general3A_214, %dot_general3A_217 : vector<1000x64xf32>
    %get3A_219 = arith.constant 0 : index
    %get3A_220 = arith.constant 0 : index
    %get3A_221 = vector.load %arg12[%get3A_219, %get3A_220] : memref<1x64xf32, #tpu.memory_space<vmem>>, vector<1x64xf32>
    %add3A_222 = vector.broadcast %get3A_221 : vector<1x64xf32> to vector<1000x64xf32>
    %add3A_223 = arith.addf %add3A_218, %add3A_222 : vector<1000x64xf32>
    %get3A_224 = arith.constant 0 : index
    %get3A_225 = arith.constant 0 : index
    %get3A_226 = vector.load %arg15[%get3A_224, %get3A_225] : memref<64x64xf32, #tpu.memory_space<vmem>>, vector<64x64xf32>
    %dot_general3A_227 = arith.constant dense<0.000000e+00> : vector<1000x64xf32>
    %dot_general3A_228 = tpu.matmul %add3A_223, %get3A_226, %dot_general3A_227 {dimension_numbers = #tpu.dot_dimension_numbers<[1], [0], [0], [1], [0, 0, 1, 1], [], []>, transpose_lhs_hint = false} : vector<1000x64xf32>, vector<64x64xf32>, vector<1000x64xf32> -> vector<1000x64xf32>
    %get3A_229 = arith.constant 0 : index
    %get3A_230 = arith.constant 0 : index
    %get3A_231 = vector.load %arg16[%get3A_229, %get3A_230] : memref<1x64xf32, #tpu.memory_space<vmem>>, vector<1x64xf32>
    %add3A_232 = vector.broadcast %get3A_231 : vector<1x64xf32> to vector<1000x64xf32>
    %add3A_233 = arith.addf %dot_general3A_228, %add3A_232 : vector<1000x64xf32>
    %convert_element_type3A = arith.truncf %add3A_223 : vector<1000x64xf32> to vector<1000x64xbf16>
    %convert_element_type3A_234 = arith.extf %convert_element_type3A : vector<1000x64xbf16> to vector<1000x64xf32>
    %sub3A = arith.subf %add3A_223, %convert_element_type3A_234 : vector<1000x64xf32>
    %convert_element_type3A_235 = arith.truncf %sub3A : vector<1000x64xf32> to vector<1000x64xbf16>
    %convert_element_type3A_236 = arith.truncf %add3A_233 : vector<1000x64xf32> to vector<1000x64xbf16>
    %concatenate3A_237 = tpu.concatenate %convert_element_type3A_236, %convert_element_type3A, %convert_element_type3A_235 in 1 : vector<1000x64xbf16>, vector<1000x64xbf16>, vector<1000x64xbf16> -> vector<1000x192xbf16>
    %swap3A = arith.constant 0 : index
    %swap3A_238 = arith.constant 0 : index
    %swap3A_239 = vector.load %arg17[%swap3A, %swap3A_238] : memref<1000x192xbf16, #tpu.memory_space<vmem>>, vector<1000x192xbf16>
    tpu.vector_store %arg17[%swap3A, %swap3A_238], %concatenate3A_237 {strides = array<i32>} : memref<1000x192xbf16, #tpu.memory_space<vmem>>, vector<1000x192xbf16>,
    return
  }
}

module attributes {stable_mosaic.version = 14 : i64} {
  func.func @_token_body(%arg0: i32, %arg1: memref<3584x1xi32, #tpu.memory_space<vmem>>, %arg2: memref<8x1000xi32, #tpu.memory_space<vmem>>, %arg3: memref<3584x1xi32, #tpu.memory_space<vmem>>, %arg4: memref<3584x1xi32, #tpu.memory_space<vmem>>, %arg5: memref<1000x192xbf16, #tpu.memory_space<vmem>>, %arg6: memref<64x64xf32, #tpu.memory_space<vmem>>, %arg7: memref<1x64xf32, #tpu.memory_space<vmem>>, %arg8: memref<1x64xf32, #tpu.memory_space<vmem>>, %arg9: memref<128x64xf32, #tpu.memory_space<vmem>>, %arg10: memref<1x64xf32, #tpu.memory_space<vmem>>, %arg11: memref<64x64xf32, #tpu.memory_space<vmem>>) attributes {dimension_semantics = [#tpu.dimension_semantics<arbitrary>], iteration_bounds = array<i64: 64>, scalar_prefetch = 0 : i64, scratch_operands = 0 : i64, tpu.core_type = #tpu.core_type<tc>, window_params = [{transform_indices = @transform_0, window_bounds = array<i64: 3584, 1>}, {pipeline_mode = #tpu.pipeline_mode<synchronous>, transform_indices = @transform_1, window_bounds = array<i64: 8, 1000>}, {transform_indices = @transform_2, window_bounds = array<i64: 3584, 1>}, {transform_indices = @transform_3, window_bounds = array<i64: 3584, 1>}, {pipeline_mode = #tpu.pipeline_mode<synchronous>, transform_indices = @transform_4, window_bounds = array<i64: 1000, 192>}, {pipeline_mode = #tpu.pipeline_mode<synchronous>, transform_indices = @transform_5, window_bounds = array<i64: 64, 64>}, {pipeline_mode = #tpu.pipeline_mode<synchronous>, transform_indices = @transform_6, window_bounds = array<i64: 1, 64>}, {pipeline_mode = #tpu.pipeline_mode<synchronous>, transform_indices = @transform_7, window_bounds = array<i64: 1, 64>}, {pipeline_mode = #tpu.pipeline_mode<synchronous>, transform_indices = @transform_8, window_bounds = array<i64: 128, 64>}, {pipeline_mode = #tpu.pipeline_mode<synchronous>, transform_indices = @transform_9, window_bounds = array<i64: 1, 64>}, {transform_indices = @transform_10, window_bounds = array<i64: 64, 64>}]} {
    %get3A = arith.constant 0 : index
    %get3A_0 = arith.constant 0 : index
    %get3A_1 = vector.load %arg1[%get3A, %get3A_0] : memref<3584x1xi32, #tpu.memory_space<vmem>>, vector<3584x1xi32>
    %get3A_2 = arith.constant 0 : index
    %get3A_3 = arith.constant 0 : index
    %get3A_4 = vector.load %arg2[%get3A_2, %get3A_3] : memref<8x1000xi32, #tpu.memory_space<vmem>>, vector<1x1000xi32>
    %eq3A = vector.broadcast %get3A_1 : vector<3584x1xi32> to vector<3584x1000xi32>
    %eq3A_5 = vector.broadcast %get3A_4 : vector<1x1000xi32> to vector<3584x1000xi32>
    %eq3A_6 = arith.cmpi eq, %eq3A, %eq3A_5 : vector<3584x1000xi32>
    %convert_element_type3A = arith.extui %eq3A_6 : vector<3584x1000xi1> to vector<3584x1000xi32>
    %convert_element_type3A_7 = arith.sitofp %convert_element_type3A : vector<3584x1000xi32> to vector<3584x1000xf32>
    %convert_element_type3A_8 = arith.truncf %convert_element_type3A_7 : vector<3584x1000xf32> to vector<3584x1000xbf16>
    %get3A_9 = arith.constant 0 : index
    %get3A_10 = arith.constant 0 : index
    %get3A_11 = vector.load %arg5[%get3A_9, %get3A_10] : memref<1000x192xbf16, #tpu.memory_space<vmem>>, vector<1000x192xbf16>
    %dot_general3A = arith.constant dense<0.000000e+00> : vector<3584x192xf32>
    %dot_general3A_12 = tpu.matmul %convert_element_type3A_8, %get3A_11, %dot_general3A {dimension_numbers = #tpu.dot_dimension_numbers<[1], [0], [0], [1], [0, 0, 1, 1], [], []>, transpose_lhs_hint = false} : vector<3584x1000xbf16>, vector<1000x192xbf16>, vector<3584x192xf32> -> vector<3584x192xf32>
    %slice3A = vector.extract_strided_slice %dot_general3A_12 {offsets = [0, 0], sizes = [3584, 64], strides = [1, 1]} : vector<3584x192xf32> to vector<3584x64xf32>
    %reshape3A = vector.shape_cast %slice3A : vector<3584x64xf32> to vector<64x56x64xf32>
    %slice3A_13 = vector.extract_strided_slice %dot_general3A_12 {offsets = [0, 64], sizes = [3584, 64], strides = [1, 1]} : vector<3584x192xf32> to vector<3584x64xf32>
    %slice3A_14 = vector.extract_strided_slice %dot_general3A_12 {offsets = [0, 128], sizes = [3584, 64], strides = [1, 1]} : vector<3584x192xf32> to vector<3584x64xf32>
    %add3A = arith.addf %slice3A_13, %slice3A_14 : vector<3584x64xf32>
    %reshape3A_15 = vector.shape_cast %add3A : vector<3584x64xf32> to vector<64x56x64xf32>
    %get3A_16 = arith.constant 0 : index
    %get3A_17 = arith.constant 0 : index
    %get3A_18 = vector.load %arg1[%get3A_16, %get3A_17] : memref<3584x1xi32, #tpu.memory_space<vmem>>, vector<3584x1xi32>
    %ne3A = arith.constant 0 : i32
    %ne3A_19 = vector.broadcast %ne3A : i32 to vector<3584x1xi32>
    %ne3A_20 = arith.cmpi ne, %get3A_18, %ne3A_19 : vector<3584x1xi32>
    %convert_element_type3A_21 = arith.extui %ne3A_20 : vector<3584x1xi1> to vector<3584x1xi32>
    %convert_element_type3A_22 = arith.sitofp %convert_element_type3A_21 : vector<3584x1xi32> to vector<3584x1xf32>
    %reshape3A_23 = vector.shape_cast %convert_element_type3A_22 : vector<3584x1xf32> to vector<64x56x1xf32>
    %get3A_24 = arith.constant 0 : index
    %get3A_25 = arith.constant 0 : index
    %get3A_26 = vector.load %arg3[%get3A_24, %get3A_25] : memref<3584x1xi32, #tpu.memory_space<vmem>>, vector<3584x1xi32>
    %get3A_27 = arith.constant 0 : index
    %get3A_28 = arith.constant 0 : index
    %get3A_29 = vector.load %arg4[%get3A_27, %get3A_28] : memref<3584x1xi32, #tpu.memory_space<vmem>>, vector<3584x1xi32>
    %sub3A = arith.constant 1 : i32
    %sub3A_30 = vector.broadcast %sub3A : i32 to vector<3584x1xi32>
    %sub3A_31 = arith.subi %get3A_29, %sub3A_30 : vector<3584x1xi32>
    %eq3A_32 = arith.cmpi eq, %get3A_26, %sub3A_31 : vector<3584x1xi32>
    %convert_element_type3A_33 = arith.extui %eq3A_32 : vector<3584x1xi1> to vector<3584x1xi32>
    %convert_element_type3A_34 = arith.sitofp %convert_element_type3A_33 : vector<3584x1xi32> to vector<3584x1xf32>
    %reshape3A_35 = vector.shape_cast %convert_element_type3A_34 : vector<3584x1xf32> to vector<64x56x1xf32>
    %mul3A = vector.broadcast %reshape3A_35 : vector<64x56x1xf32> to vector<64x56x64xf32>
    %mul3A_36 = arith.mulf %mul3A, %reshape3A_15 : vector<64x56x64xf32>
    %reduce_sum3A = arith.constant dense<0.000000e+00> : vector<64x64xf32>
    %reduce_sum3A_37 = vector.multi_reduction <add>, %mul3A_36, %reduce_sum3A [1] : vector<64x56x64xf32> to vector<64x64xf32>
    %get3A_38 = arith.constant 0 : index
    %get3A_39 = arith.constant 0 : index
    %get3A_40 = vector.load %arg6[%get3A_38, %get3A_39] : memref<64x64xf32, #tpu.memory_space<vmem>>, vector<64x64xf32>
    %dot_general3A_41 = arith.constant dense<0.000000e+00> : vector<64x64xf32>
    %dot_general3A_42 = tpu.matmul %reduce_sum3A_37, %get3A_40, %dot_general3A_41 {dimension_numbers = #tpu.dot_dimension_numbers<[1], [0], [0], [1], [0, 0, 1, 1], [], []>, transpose_lhs_hint = false} : vector<64x64xf32>, vector<64x64xf32>, vector<64x64xf32> -> vector<64x64xf32>
    %get3A_43 = arith.constant 0 : index
    %get3A_44 = arith.constant 0 : index
    %get3A_45 = vector.load %arg7[%get3A_43, %get3A_44] : memref<1x64xf32, #tpu.memory_space<vmem>>, vector<1x64xf32>
    %add3A_46 = vector.broadcast %get3A_45 : vector<1x64xf32> to vector<64x64xf32>
    %add3A_47 = arith.addf %dot_general3A_42, %add3A_46 : vector<64x64xf32>
    %broadcast_in_dim3A = vector.shape_cast %add3A_47 : vector<64x64xf32> to vector<64x1x64xf32>
    %add3A_48 = vector.broadcast %broadcast_in_dim3A : vector<64x1x64xf32> to vector<64x56x64xf32>
    %add3A_49 = arith.addf %add3A_48, %reshape3A : vector<64x56x64xf32>
    %logistic3A = arith.negf %add3A_49 : vector<64x56x64xf32>
    %logistic3A_50 = math.exp %logistic3A : vector<64x56x64xf32>
    %logistic3A_51 = arith.constant 1.000000e+00 : f32
    %logistic3A_52 = vector.broadcast %logistic3A_51 : f32 to vector<64x56x64xf32>
    %logistic3A_53 = arith.addf %logistic3A_52, %logistic3A_50 : vector<64x56x64xf32>
    %logistic3A_54 = arith.divf %logistic3A_52, %logistic3A_53 : vector<64x56x64xf32>
    %get3A_55 = arith.constant 0 : index
    %get3A_56 = arith.constant 0 : index
    %get3A_57 = vector.load %arg8[%get3A_55, %get3A_56] : memref<1x64xf32, #tpu.memory_space<vmem>>, vector<1x64xf32>
    %broadcast_in_dim3A_58 = vector.shape_cast %get3A_57 : vector<1x64xf32> to vector<1x1x64xf32>
    %mul3A_59 = vector.broadcast %broadcast_in_dim3A_58 : vector<1x1x64xf32> to vector<64x56x64xf32>
    %mul3A_60 = arith.mulf %logistic3A_54, %mul3A_59 : vector<64x56x64xf32>
    %reduce_sum3A_61 = arith.constant dense<0.000000e+00> : vector<64x56xf32>
    %reduce_sum3A_62 = vector.multi_reduction <add>, %mul3A_60, %reduce_sum3A_61 [2] : vector<64x56x64xf32> to vector<64x56xf32>
    %broadcast_in_dim3A_63 = vector.shape_cast %reduce_sum3A_62 : vector<64x56xf32> to vector<64x56x1xf32>
    %mul3A_64 = arith.mulf %broadcast_in_dim3A_63, %reshape3A_23 : vector<64x56x1xf32>
    %mul3A_65 = vector.broadcast %mul3A_64 : vector<64x56x1xf32> to vector<64x56x64xf32>
    %mul3A_66 = arith.mulf %mul3A_65, %reshape3A_15 : vector<64x56x64xf32>
    %reduce_sum3A_67 = arith.constant dense<0.000000e+00> : vector<64x64xf32>
    %reduce_sum3A_68 = vector.multi_reduction <add>, %mul3A_66, %reduce_sum3A_67 [1] : vector<64x56x64xf32> to vector<64x64xf32>
    %get3A_69 = arith.constant 0 : index
    %get3A_70 = arith.constant 0 : index
    %get3A_71 = vector.load %arg9[%get3A_69, %get3A_70] : memref<128x64xf32, #tpu.memory_space<vmem>>, vector<128x64xf32>
    %slice3A_72 = vector.extract_strided_slice %get3A_71 {offsets = [0, 0], sizes = [64, 64], strides = [1, 1]} : vector<128x64xf32> to vector<64x64xf32>
    %dot_general3A_73 = arith.constant dense<0.000000e+00> : vector<64x64xf32>
    %dot_general3A_74 = tpu.matmul %reduce_sum3A_68, %slice3A_72, %dot_general3A_73 {dimension_numbers = #tpu.dot_dimension_numbers<[1], [0], [0], [1], [0, 0, 1, 1], [], []>, transpose_lhs_hint = false} : vector<64x64xf32>, vector<64x64xf32>, vector<64x64xf32> -> vector<64x64xf32>
    %slice3A_75 = vector.extract_strided_slice %get3A_71 {offsets = [64, 0], sizes = [64, 64], strides = [1, 1]} : vector<128x64xf32> to vector<64x64xf32>
    %dot_general3A_76 = arith.constant dense<0.000000e+00> : vector<64x64xf32>
    %dot_general3A_77 = tpu.matmul %reduce_sum3A_37, %slice3A_75, %dot_general3A_76 {dimension_numbers = #tpu.dot_dimension_numbers<[1], [0], [0], [1], [0, 0, 1, 1], [], []>, transpose_lhs_hint = false} : vector<64x64xf32>, vector<64x64xf32>, vector<64x64xf32> -> vector<64x64xf32>
    %add3A_78 = arith.addf %dot_general3A_74, %dot_general3A_77 : vector<64x64xf32>
    %get3A_79 = arith.constant 0 : index
    %get3A_80 = arith.constant 0 : index
    %get3A_81 = vector.load %arg10[%get3A_79, %get3A_80] : memref<1x64xf32, #tpu.memory_space<vmem>>, vector<1x64xf32>
    %add3A_82 = vector.broadcast %get3A_81 : vector<1x64xf32> to vector<64x64xf32>
    %add3A_83 = arith.addf %add3A_78, %add3A_82 : vector<64x64xf32>
    %swap3A = arith.constant 0 : index
    %swap3A_84 = arith.constant 0 : index
    %swap3A_85 = vector.load %arg11[%swap3A, %swap3A_84] : memref<64x64xf32, #tpu.memory_space<vmem>>, vector<64x64xf32>
    tpu.vector_store %arg11[%swap3A, %swap3A_84], %add3A_83 {strides = array<i32>} : memref<64x64xf32, #tpu.memory_space<vmem>>, vector<64x64xf32>,
    return
  }
  func.func @transform_0(%arg0: i32) -> (i32, i32) {
    %c0_i32 = arith.constant 0 : i32
    %c0_i32_0 = arith.constant 0 : i32
    return %arg0, %c0_i32 : i32, i32
  }
  func.func @transform_1(%arg0: i32) -> (i32, i32) {
    %c0_i32 = arith.constant 0 : i32
    %c0_i32_0 = arith.constant 0 : i32
    %c0_i32_1 = arith.constant 0 : i32
    return %c0_i32, %c0_i32_0 : i32, i32
  }
  func.func @transform_2(%arg0: i32) -> (i32, i32) {
    %c0_i32 = arith.constant 0 : i32
    %c0_i32_0 = arith.constant 0 : i32
    return %arg0, %c0_i32 : i32, i32
  }
  func.func @transform_3(%arg0: i32) -> (i32, i32) {
    %c0_i32 = arith.constant 0 : i32
    %c0_i32_0 = arith.constant 0 : i32
    return %arg0, %c0_i32 : i32, i32
  }
  func.func @transform_4(%arg0: i32) -> (i32, i32) {
    %c0_i32 = arith.constant 0 : i32
    %c0_i32_0 = arith.constant 0 : i32
    %c0_i32_1 = arith.constant 0 : i32
    return %c0_i32, %c0_i32_0 : i32, i32
  }
  func.func @transform_5(%arg0: i32) -> (i32, i32) {
    %c0_i32 = arith.constant 0 : i32
    %c0_i32_0 = arith.constant 0 : i32
    %c0_i32_1 = arith.constant 0 : i32
    return %c0_i32, %c0_i32_0 : i32, i32
  }
  func.func @transform_6(%arg0: i32) -> (i32, i32) {
    %c0_i32 = arith.constant 0 : i32
    %c0_i32_0 = arith.constant 0 : i32
    %c0_i32_1 = arith.constant 0 : i32
    return %c0_i32, %c0_i32_0 : i32, i32
  }
  func.func @transform_7(%arg0: i32) -> (i32, i32) {
    %c0_i32 = arith.constant 0 : i32
    %c0_i32_0 = arith.constant 0 : i32
    %c0_i32_1 = arith.constant 0 : i32
    return %c0_i32, %c0_i32_0 : i32, i32
  }
  func.func @transform_8(%arg0: i32) -> (i32, i32) {
    %c0_i32 = arith.constant 0 : i32
    %c0_i32_0 = arith.constant 0 : i32
    %c0_i32_1 = arith.constant 0 : i32
    return %c0_i32, %c0_i32_0 : i32, i32
  }
  func.func @transform_9(%arg0: i32) -> (i32, i32) {
    %c0_i32 = arith.constant 0 : i32
    %c0_i32_0 = arith.constant 0 : i32
    %c0_i32_1 = arith.constant 0 : i32
    return %c0_i32, %c0_i32_0 : i32, i32
  }
  func.func @transform_10(%arg0: i32) -> (i32, i32) {
    %c0_i32 = arith.constant 0 : i32
    %c0_i32_0 = arith.constant 0 : i32
    return %arg0, %c0_i32 : i32, i32
  }
}

</mosaic_0001>

<sc_bundles>
// kernel: kernel.5.cloned.1.call-start
scs
__scs_entry_jumppad:
0x0: {  	(pc) =	sbr.rel $0x88, $3  }
0x1: {  	(tag) =	ssettag $0x0;
	lr =	simm.s32 $0x1  }
0x2: {  	[smem:$0x3F8E] =	sst lr;
	_ =	strace $0xD0000000  }
0x3: {  	_ = 	snop  }
0x4: {  	_ = 	snop  }
0x5: {  	_ = 	snop  }
0x6: {  	_ = 	snop  }
0x7: {  	_ = 	snop  }
__scs_overlays_trampoline_lowered:
0x8: {  	[smem:$0x3F9D] =	sst s0  }
0x9: {  	[smem:$0x3F9E] =	sst s1  }
0xa: {  	[smem:$0x3F9F] =	sst s2  }
0xb: {  	[smem:$0x3FA0] =	sst s3  }
0xc: {  	[smem:$0x3FA1] =	sst s4  }
0xd: {  	[smem:$0x3FA2] =	sst s5  }
0xe: {  	[smem:$0x3FA3] =	sst s6  }
0xf: {  	[smem:$0x3FA4] =	sst s7  }
0x10: {  	[smem:$0x3FA5] =	sst s8  }
0x11: {  	[smem:$0x3FA6] =	sst s9;
	s0 =	simm.s32 @!p0 $0x0  }
0x12: {  	s1 =	sld [smem:$0x3F8C];
	s0 =	simm.s32 @p0 $0x1  }
0x13: {  	[smem:$0x3FA7] =	sst s0;
	s0 =	simm.s32 @!p1 $0x0  }
0x14: {  	s2 =	sld [smem:$0x3F8B];
	s0 =	simm.s32 @p1 $0x1  }
0x15: {  	[smem:$0x3FA8] =	sst s0;
	s0 =	simm.s32 @!p2 $0x0  }
0x16: {  	s3 =	sld [smem:$0x3FDB];
	s0 =	simm.s32 @p2 $0x1  }
0x17: {  	s4 =	simm.s32 $0x1BF5;
	[smem:$0x3FAA] =	sst s0  }
0x18: {  	s0 =	sld [smem:$0x3F8D];
	_ =	swait.ge [sflag:s4], $0x0  }
0x19: {  	s7 =	sld [smem:$0x3F8E]  }
0x1a: {  	s8 =	sadd.s32 $0xFFFFE003, lr  }
0x1b: {  	s9 =	sadd.s32 $0xFFFFFEF7, lr;
	s5 =	simm.s32 $0xFFFFFFFF;
	p2 =	slt.u32 s8, $0xFFFFF086  }
0x1c: {  	p1 =	slt.u32 s9, $0xF7A;
	s5 =	simm.s32 @!p2 $0x0  }
0x1d: {  	s5 =	simm.s32 @p1 $0x1;
	p0 =	seq.s32 s7, s2  }
0x1e: {  	s7 =	smul.u32 @!p0 $0xF7A, s2;
	p2 =	seq.s32 @!p0 s5, $0x0  }
0x1f: {  	s9 =	smul.u32 $0xF7A, s1;
	s8 =	simm.s32 @!p0 $0x1BF5;
	p2 =	por !p2, p0  }
0x20: {  	[sflag:s8] =	ssyncset.s32 @!p0 $0xFFFFF086;
	s6 =	sadd.s32 @!p0 s3, s7;
	s7 =	simm.s32 @!p0 $0x108  }
0x21: {  	s3 =	sadd.s32 s3, s9;
	s6 =	sadd.s32 @!p0 $0x88, s6;
	s7 =	simm.s32 @p2 $0x1082  }
0x22: {  	[simem:s7], [sflag:s8] =	dma.local @!p0 [hbm:s6], $0xF7A  }
0x23: {  	s9 =	sor.u32 $0xD0000000, s2;
	s6 =	simm.s32 $0x108;
	_ =	swait.ge @!p0 [sflag:s8], $0x0  }
0x24: {  	s3 =	sadd.s32 $0x88, s3;
	s6 =	simm.s32 @!p1 $0x1082;
	[sflag:s4] =	ssyncset.s32 $0xFFFFF086  }
0x25: {  	[simem:s6], [sflag:s4] =	dma.local [hbm:s3], $0xF7A  }
0x26: {  	[smem:$0x3F8E] =	sst s1;
	(tag) =	ssettag s2;
	_ =	strace s9  }
0x27: {  	s1 =	sld [smem:$0x3F9E]  }
0x28: {  	s2 =	sld [smem:$0x3F9F]  }
0x29: {  	s4 =	sld [smem:$0x3FA1]  }
0x2a: {  	p0 =	seq.s32 s5, $0x0;
	s5 =	sld [smem:$0x3FA2]  }
0x2b: {  	s6 =	sld [smem:$0x3FA3]  }
0x2c: {  	s7 =	sld [smem:$0x3FA4]  }
0x2d: {  	s3 =	simm.s32 $0x108;
	s8 =	sld [smem:$0x3FA5]  }
0x2e: {  	s3 =	simm.s32 @!p0 $0x1082;
	s9 =	sld [smem:$0x3FA6]  }
0x2f: {  	lr =	sadd.s32 s0, s3;
	s0 =	sld [smem:$0x3F9D]  }
0x30: {  	s3 =	sld [smem:$0x3FA0]  }
0x31: {  	[smem:$0x3FA9] =	sst s10  }
0x32: {  	s10 =	sld [smem:$0x3FA7];
	_ =	sdelay $0x3  }
0x33: {  	p0 =	seq.s32 s10, $0x1;
	s10 =	sld [smem:$0x3FA9];
	_ =	sdelay $0x3  }
0x34: {  	[smem:$0x3FA9] =	sst s10  }
0x35: {  	s10 =	sld [smem:$0x3FA8];
	_ =	sdelay $0x3  }
0x36: {  	p1 =	seq.s32 s10, $0x1;
	s10 =	sld [smem:$0x3FA9];
	_ =	sdelay $0x3  }
0x37: {  	[smem:$0x3FA9] =	sst s10  }
0x38: {  	s10 =	sld [smem:$0x3FAA]  }
0x39: {  	_ = 	snop;
	(pc) =	sbr.ind lr, $3  }
0x3a: {  	_ = 	snop  }
0x3b: {  	_ = 	snop  }
0x3c: {  	p2 =	seq.s32 s10, $0x1;
	s10 =	sld [smem:$0x3FA9]  }
0x3d: {  	_ =	shalt  }
0x3e: {  	_ =	shalt  }
0x3f: {  	_ =	shalt  }
0x40: {  	_ =	shalt  }
0x41: {  	_ =	shalt  }
0x42: {  	_ =	shalt  }
0x43: {  	_ =	shalt  }
0x44: {  	_ =	shalt  }
0x45: {  	_ =	shalt  }
0x46: {  	_ =	shalt  }
0x47: {  	_ =	shalt  }
0x48: {  	_ =	shalt  }
0x49: {  	_ =	shalt  }
0x4a: {  	_ =	shalt  }
0x4b: {  	_ =	shalt  }
0x4c: {  	_ =	shalt  }
0x4d: {  	_ =	shalt  }
0x4e: {  	_ =	shalt  }
0x4f: {  	_ =	shalt  }
0x50: {  	_ =	shalt  }
0x51: {  	_ =	shalt  }
0x52: {  	_ =	shalt  }
0x53: {  	_ =	shalt  }
0x54: {  	_ =	shalt  }
0x55: {  	_ =	shalt  }
0x56: {  	_ =	shalt  }
0x57: {  	_ =	shalt  }
0x58: {  	_ =	shalt  }
0x59: {  	_ =	shalt  }
0x5a: {  	_ =	shalt  }
0x5b: {  	_ =	shalt  }
0x5c: {  	_ =	shalt  }
0x5d: {  	_ =	shalt  }
0x5e: {  	_ =	shalt  }
0x5f: {  	_ =	shalt  }
0x60: {  	_ =	shalt  }
0x61: {  	_ =	shalt  }
0x62: {  	_ =	shalt  }
0x63: {  	_ =	shalt  }
0x64: {  	_ =	shalt  }
0x65: {  	_ =	shalt  }
0x66: {  	_ =	shalt  }
0x67: {  	_ =	shalt  }
0x68: {  	_ =	shalt  }
0x69: {  	_ =	shalt  }
0x6a: {  	_ =	shalt  }
0x6b: {  	_ =	shalt  }
0x6c: {  	_ =	shalt  }
0x6d: {  	_ =	shalt  }
0x6e: {  	_ =	shalt  }
0x6f: {  	_ =	shalt  }
0x70: {  	_ =	shalt  }
0x71: {  	_ =	shalt  }
0x72: {  	_ =	shalt  }
0x73: {  	_ =	shalt  }
0x74: {  	_ =	shalt  }
0x75: {  	_ =	shalt  }
0x76: {  	_ =	shalt  }
0x77: {  	_ =	shalt  }
0x78: {  	_ =	shalt  }
0x79: {  	_ =	shalt  }
0x7a: {  	_ =	shalt  }
0x7b: {  	_ =	shalt  }
0x7c: {  	_ =	shalt  }
0x7d: {  	_ =	shalt  }
0x7e: {  	_ =	shalt  }
0x7f: {  	_ =	shalt  }
0x80: {  	_ =	shalt  }
0x81: {  	_ =	shalt  }
0x82: {  	_ =	shalt  }
0x83: {  	_ =	shalt  }
0x84: {  	_ =	shalt  }
0x85: {  	_ =	shalt  }
0x86: {  	_ =	shalt  }
0x87: {  	_ =	shalt  }
.Lfunc_end0:
.L_simem_size_0:
called_computation_lowered:
.L_overlay_start_0:
0x88: {  	s2 =	sld [smem:$0x3FD9]  }
0x89: {  	s3 =	sld [smem:$0x3FFE];
	_ =	sdelay $0x1  }
0x8a: {  	s1 =	srdreg.scid  }
0x8b: {  	s0 =	sand.u32 $0x1, s1  }
0x8c: {  	s17 =	sshll.u32 s0, $0xA;
	s2 =	sadd.s32 s3, s2  }
0x8d: {  	s2 =	sadd.s32 s2, s17  }
0x8e: {  	[smem:$0x3FB5] =	sst s2  }
0x8f: {  	_ = 	snop  }
0x90: {  	s2 =	sld [smem:$0x3FD0];
	(tm) =	ssettm $0x1  }
0x91: {  	s18 =	sld [smem:$0x3FFB];
	_ =	sdelay $0x3  }
0x92: {  	_ =	strace s18  }
0x93: {  	s3 =	sld [smem:$0x3FFC];
	_ =	sdelay $0x3  }
0x94: {  	_ =	strace s3  }
0x95: {  	s3 =	sld [smem:$0x3FFD];
	_ =	sdelay $0x3  }
0x96: {  	_ =	strace s3  }
0x97: {  	_ =	strace $0x8FFFFFFF  }
0x98: {  	s19 =	sld [smem:$0x3FDB];
	_ =	sdelay $0x1  }
0x99: {  	s4 =	simm.s32 $_scs_section_size  }
0x9a: {  	s5 =	simm.s32 $_size__tile_overlayer_lowered;
	s6 =	simm.s32 $_tile_overlayer_lowered  }
0x9b: {  	s22 =	simm.s32 $0x1BFF;
	s21 =	sshll.u32 s6, $0x1;
	s3 =	sadd.s32 s4, s19  }
0x9c: {  	s7 =	simm.s32 $0x0;
	s20 =	sshll.u32 s5, $0x1;
	s5 =	sadd.s32 s21, s3  }
0x9d: {  	[timem:s7], [sflag:s22] =	dma.local [hbm:s5], s20  }
0x9e: {  	_ =	swait.ge [sflag:s22], s20  }
0x9f: {  	s4 =	ssub.s32 $0x0, s20;
	[sflag:s22] =	ssyncset.done $0x0  }
0xa0: {  	[sflag:s22] =	ssyncadd.s32 s4;
	_ =	sdelay $0x1  }
0xa1: {  	s23 =	simm.s32 $0x1B8B  }
0xa2: {  	_ =	swait.ge [sflag:s23], $0x1  }
0xa3: {  	[sflag:s23] =	ssyncset.done $0x0  }
0xa4: {  	s25 =	simm.s32 $0x1B8E;
	s24 =	sld [smem:$0x3FFE];
	[sflag:s23] =	ssyncadd.s32 $0xFFFFFFFF  }
0xa5: {  	s26 =	simm.s32 $execute0_lowered;
	[smem:$0x3FD2] =	sst s25  }
0xa6: {  	s5 =	sshll.u32 s26, $0x1;
	_ =	strace $0x80000046;
	[dreg:$0x1] =	wrdreg $0xFFFFFFFF  }
0xa7: {  	s28 =	simm.s32 $_size_execute0_lowered;
	s3 =	sadd.s32 s3, s5;
	[dreg:$0x0] =	wrdreg $0x0  }
0xa8: {  	s5 =	sshll.u32 s28, $0x1;
	[dreg:$0x2] =	wrdreg s3  }
0xa9: {  	[dreg:$0x3] =	wrdreg s5  }
0xaa: {  	[dreg:$0x4] =	wrdreg $0xC0  }
0xab: {  	_ =	task [dreg:s7], $0x5FFFF  }
0xac: {  	[dreg:$0x1] =	wrdreg $0xFFFFFFFF  }
0xad: {  	[dreg:$0x0] =	wrdreg $0x60  }
0xae: {  	[dreg:$0x2] =	wrdreg s2  }
0xaf: {  	[dreg:$0x3] =	wrdreg s24  }
0xb0: {  	[dreg:$0x4] =	wrdreg $0xDB000  }
0xb1: {  	[dreg:$0x5] =	wrdreg $0x1D5000  }
0xb2: {  	[dreg:$0x6] =	wrdreg $0x9  }
0xb3: {  	_ =	task.clear_ibuf [dreg:s7], $0x7FFFF;
	_ =	strace $0x90000046  }
0xb4: {  	s29 =	simm.s32 $0x9;
	_ =	strace $0x80000048  }
0xb5: {  	_ =	swait.ge [sflag:s29], $0x1  }
0xb6: {  	[sflag:s29] =	ssyncadd.s32 $0xFFFFFFFF  }
0xb7: {  	_ =	strace $0x90000048  }
0xb8: {  	_ =	sfence  }
0xb9: {  	s30 =	sld [smem:$0x0];
	_ =	sdelay $0x2  }
0xba: {  	s31 =	sshll.u32 s1, $0xD;
	s1 =	sshrl.u32 s1, $0x2  }
0xbb: {  	s3 =	sand.u32 $0x4000, s31;
	s1 =	sadd.s32 s1, s30  }
0xbc: {  	s0 =	sor.u32 s3, s0;
	s1 =	sshll.u32 s1, $0x11  }
0xbd: {  	s0 =	sor.u32 s1, s0  }
0xbe: {  	s0 =	sadd.s32 $0x8F2B, s0  }
0xbf: {  	[sflag:s0] =	ssyncadd.remote.s32 $0x1  }
0xc0: {  	_ =	sfence.sel $0xFFFF  }
0xc1: {  	[dreg:$0x0] =	wrdreg $0xFFFFFFFF;
	(pc) =	sbr.abs _section_cstart, $3  }
0xc2: {  	[dreg:$0x1] =	wrdreg $0xFFFFFFFF  }
0xc3: {  	_ =	task.clear_ibuf [dreg:s7], $0x2FFFF;
	_ =	strace $0x9FFFFFFF  }
0xc4: {  	(tm) =	ssettm $0x7FFFFFFF  }
0xc5: {  	_ =	shalt  }
tec
execute0_lowered:
.L_overlay_start_1:
0x0: {  	(tag) =	ssettag $0x1  }
0x1: {  	s0 =	rddreg [dreg:$0x0]  }
0x2: {  	s3 =	rddreg [dreg:$0x1]  }
0x3: {  	s1 =	rddreg [dreg:$0x2]  }
0x4: {  	s4 =	srdreg.scid;
	s2 =	rddreg [dreg:$0x3]  }
0x5: {  	s20 =	stileid.u32;
	s21 =	simm.s32 $0x3;
	s22 =	simm.s32 $0x1980  }
0x6: {  	s29 =	simm.s32 $0x1;
	s30 =	simm.s32 $0x2;
	s31 =	simm.s32 $0x20  }
0x7: {  	s5 =	sand.u32 $0x1, s4;
	s4 =	simm.s32 $0x0;
	s7 =	smul.u32 $0x1F400, s20  }
0x8: {  	s25 =	smul.u32 $0x3E800, s20;
	p0 =	sne.s32 s20, $0x0;
	s6 =	sshll.u32 s5, $0x4  }
0x9: {  	[smem:$0x7FF] =	sst s4;
	s10 =	sshll.u32 s5, $0x7;
	s5 =	ssub.s32 $0x2, s5  }
0xa: {  	s8 =	sor.u32 s20, s6;
	_ =	strace $0x80000047;
	s7 =	sor.u32 s10, s7  }
0xb: {  	s26 =	sshrl.u32 s5, $0x1;
	s28 =	sshrl.u32 s25, $0x2;
	s20 =	simm.s32 $0xBB80  }
0xc: {  	s25 =	simm.s32 $0x80;
	s9 =	smul.u32 $0x320, s8;
	s7 =	sshrl.u32 s7, $0x3  }
0xd: {  	s19 =	ssub.s32 s5, s26;
	s5 =	sadd.s32 s28, s1;
	s13 =	smul.u32 $0x380, s8  }
0xe: {  	s17 =	sadd.s32 s7, s3;
	s7 =	sadd.s32 $0x3E80, s5;
	s8 =	sadd.s32 $0x5DC0, s5  }
0xf: {  	s10 =	sadd.s32 $0x9C40, s5;
	s11 =	sadd.s32 $0xBB80, s5;
	s12 =	sadd.s32 $0xDAC0, s5  }
0x10: {  	s19 =	smax.u32 s19, $0x1;
	s16 =	sadd.s32 s9, s3;
	s3 =	sadd.s32 s6, s3  }
0x11: {  	s6 =	sadd.s32 $0x1F40, s5;
	s9 =	sadd.s32 $0x7D00, s5;
	s13 =	sadd.s32 s0, s13  }
0x12: {  	s17 =	sadd.s32 $0x15400, s17;
	s0 =	simm.s32 $0x10;
	s14 =	sadd.s32 $0x2800, s16  }
0x13: {  	v0 =	vimm.f32 $0.0e+00;
	v1 =	vimm.s32 $0x0;
	v2 =	vimm.f32 $1.000000000e+00;
	s15 =	sadd.s32 $0xF000, s16;
	s16 =	sadd.s32 $0x8C00, s16;
	s18 =	sadd.s32 $0x53C00, s3  }
.LBB2_1:
0x14: {  	s3 =	simm.s32 $0x40;
	s23 =	simm.s32 $0x0  }
.LBB2_2:
0x15: {  	p1 =	sne.s32 s3, $0x7CC0;
	[tilespmem:s23+$0xBB80] =	vst v0;
	s23 =	smov.u32 s3;
	s3 =	sadd.s32 $0x40, s3  }
.Ltmp0:
0x16: {  	(pc) =	sbr.rel @p1 .LBB2_2-.Ltmp0, $2  }
0x17: {  	_ =	sdelay $0x2  }
0x18: {  	s23 =	sshra.s32 s23, $0x2  }
0x19: {  	[tilespmem:s23+$0xBB80] =	vst v0  }
0x1a: {  	[spmem:s5] =	stream.linear.scatter [tilespmem:s20], [sflag:$0x3], $0x1F40, $0x38;
	[tilespmem:$0x1D540] =	vst v63  }
0x1b: {  	_ =	swait.ge [sflag:s21], $0x1F40  }
0x1c: {  	[sflag:s21] =	ssyncset.done $0x0  }
0x1d: {  	[sflag:s21] =	ssyncadd.s32 $0xFFFFE0C0  }
0x1e: {  	[spmem:s6] =	stream.linear.scatter [tilespmem:s20], [sflag:$0x3], $0x1F40, $0x38;
	[tilespmem:$0x1D540] =	vst v63  }
0x1f: {  	_ =	swait.ge [sflag:s21], $0x1F40  }
0x20: {  	[sflag:s21] =	ssyncset.done $0x0  }
0x21: {  	[sflag:s21] =	ssyncadd.s32 $0xFFFFE0C0  }
0x22: {  	[spmem:s7] =	stream.linear.scatter [tilespmem:s20], [sflag:$0x3], $0x1F40, $0x38;
	[tilespmem:$0x1D540] =	vst v63  }
0x23: {  	_ =	swait.ge [sflag:s21], $0x1F40  }
0x24: {  	[sflag:s21] =	ssyncset.done $0x0  }
0x25: {  	[sflag:s21] =	ssyncadd.s32 $0xFFFFE0C0  }
0x26: {  	[spmem:s8] =	stream.linear.scatter [tilespmem:s20], [sflag:$0x3], $0x1F40, $0x38;
	[tilespmem:$0x1D540] =	vst v63  }
0x27: {  	_ =	swait.ge [sflag:s21], $0x1F40  }
0x28: {  	[sflag:s21] =	ssyncset.done $0x0  }
0x29: {  	[sflag:s21] =	ssyncadd.s32 $0xFFFFE0C0  }
0x2a: {  	[spmem:s9] =	stream.linear.scatter [tilespmem:s20], [sflag:$0x3], $0x1F40, $0x38;
	[tilespmem:$0x1D540] =	vst v63  }
0x2b: {  	_ =	swait.ge [sflag:s21], $0x1F40  }
0x2c: {  	[sflag:s21] =	ssyncset.done $0x0  }
0x2d: {  	[sflag:s21] =	ssyncadd.s32 $0xFFFFE0C0  }
0x2e: {  	[spmem:s10] =	stream.linear.scatter [tilespmem:s20], [sflag:$0x3], $0x1F40, $0x38;
	[tilespmem:$0x1D540] =	vst v63  }
0x2f: {  	_ =	swait.ge [sflag:s21], $0x1F40  }
0x30: {  	[sflag:s21] =	ssyncset.done $0x0  }
0x31: {  	[sflag:s21] =	ssyncadd.s32 $0xFFFFE0C0  }
0x32: {  	[spmem:s11] =	stream.linear.scatter [tilespmem:s20], [sflag:$0x3], $0x1F40, $0x38;
	[tilespmem:$0x1D540] =	vst v63  }
0x33: {  	_ =	swait.ge [sflag:s21], $0x1F40  }
0x34: {  	[sflag:s21] =	ssyncset.done $0x0  }
0x35: {  	[sflag:s21] =	ssyncadd.s32 $0xFFFFE0C0  }
0x36: {  	[spmem:s12] =	stream.linear.scatter [tilespmem:s20], [sflag:$0x3], $0x1F40, $0x38;
	[tilespmem:$0x1D540] =	vst v63  }
0x37: {  	_ =	swait.ge [sflag:s21], $0x1F40  }
0x38: {  	[sflag:s21] =	ssyncset.done $0x0  }
0x39: {  	s3 =	simm.s32 @!p0 $0xBB80;
	[sflag:s21] =	ssyncadd.s32 $0xFFFFE0C0  }
0x3a: {  	[spmem:s2] =	stream.linear.scatter @!p0 [tilespmem:s3], [sflag:$0x3], $0x400, $0x38;
	[tilespmem:$0x1D540] =	vst v63  }
0x3b: {  	s3 =	simm.s32 @!p0 $0x3  }
0x3c: {  	_ =	swait.ge @!p0 [sflag:s3], $0x400  }
0x3d: {  	[sflag:s3] =	ssyncset.done @!p0 $0x0  }
0x3e: {  	s24 =	simm.s32 $0x0;
	[sflag:s3] =	ssyncadd.s32 @!p0 $0xFFFFFC00  }
0x3f: {  	[tilespmem:s22], [sflag:$0x3] =	stream.linear.gather [hbm4b:s13+s24], $0x1900, $0x38;
	[tilespmem:$0x1D540] =	vst v63  }
0x40: {  	_ =	swait.ge [sflag:s21], $0x1900  }
0x41: {  	[sflag:s21] =	ssyncset.done $0x0  }
0x42: {  	[sflag:s21] =	ssyncadd.s32 $0xFFFFE700  }
0x43: {  	[tilespmem:s24], [sflag:$0x3] =	stream.linear.gather [hbm4b:s14+s24], $0x1900, $0x38;
	[tilespmem:$0x1D540] =	vst v63  }
0x44: {  	_ =	swait.ge [sflag:s21], $0x1900  }
0x45: {  	[sflag:s21] =	ssyncset.done $0x0  }
0x46: {  	s26 =	simm.s32 $0x3580;
	[sflag:s21] =	ssyncadd.s32 $0xFFFFE700  }
0x47: {  	[tilespmem:s26], [sflag:$0x3] =	stream.linear.gather [hbm4b:s15+s24], $0x1900, $0x38;
	[tilespmem:$0x1D540] =	vst v63  }
0x48: {  	_ =	swait.ge [sflag:s21], $0x1900  }
0x49: {  	[sflag:s21] =	ssyncset.done $0x0  }
0x4a: {  	s28 =	simm.s32 $0x4E80;
	[sflag:s21] =	ssyncadd.s32 $0xFFFFE700  }
0x4b: {  	[tilespmem:s28], [sflag:$0x3] =	stream.linear.gather [hbm4b:s16+s24], $0x1900, $0x38;
	[tilespmem:$0x1D540] =	vst v63  }
0x4c: {  	_ =	swait.ge [sflag:s21], $0x1900  }
0x4d: {  	[sflag:s21] =	ssyncset.done $0x0  }
0x4e: {  	[sflag:s21] =	ssyncadd.s32 $0xFFFFE700  }
0x4f: {  	s3 =	simm.s32 $0x0;
	[tilespmem:$0x1900] =	vst v1  }
0x50: {  	v3 =	vld [tilespmem:s3+$0x4EF0]  }
0x51: {  	v4 =	vld [tilespmem:s3+$0x35F0]  }
0x52: {  	v5 =	vld [tilespmem:s3+$0x4E80]  }
0x53: {  	v6 =	vld [tilespmem:s3+$0x1]  }
0x54: {  	v7 =	vld [tilespmem:s3+$0x4E90]  }
0x55: {  	v10 =	vld [tilespmem:s3+$0x11]  }
0x56: {  	v8 =	vld [tilespmem:s3+$0x4EA0]  }
0x57: {  	v9 =	vld [tilespmem:s3+$0x4EB0]  }
0x58: {  	v11 =	vld [tilespmem:s3+$0x4EC0]  }
0x59: {  	v12 =	vld [tilespmem:s3+$0x41]  }
0x5a: {  	v13 =	vld [tilespmem:s3+$0x4ED0]  }
0x5b: {  	v14 =	vld [tilespmem:s3+$0x51]  }
0x5c: {  	v15 =	vld [tilespmem:s3+$0x4EE0]  }
0x5d: {  	v16 =	vld [tilespmem:s3+$0x61]  }
0x5e: {  	v17 =	vld [tilespmem:s3+$0x71]  }
0x5f: {  	[tilespmem:s3+$0x9F80] =	vst v2;
	v18 =	vld [tilespmem:s3+$0x3580]  }
0x60: {  	[tilespmem:s3+$0x9F90] =	vst v2;
	v19 =	vld [tilespmem:s3+$0x3590]  }
0x61: {  	[tilespmem:s3+$0x9FA0] =	vst v2;
	v20 =	vld [tilespmem:s3+$0x35A0]  }
0x62: {  	[tilespmem:s3+$0x9FB0] =	vst v2;
	v21 =	vld [tilespmem:s3+$0x35B0]  }
0x63: {  	[tilespmem:s3+$0x9FC0] =	vst v2;
	v24 =	vld [tilespmem:s3+$0x0]  }
0x64: {  	[tilespmem:s3+$0x9FD0] =	vst v2;
	v62 =	vld [tilespmem:s3+$0x10];
	v3 =	vadd.s32 $0xFFFFFFFF, v3;
	v5 =	vadd.s32 $0xFFFFFFFF, v5  }
0x65: {  	[tilespmem:s3+$0x9FE0] =	vst v2;
	v22 =	vld [tilespmem:s3+$0x35C0];
	v7 =	vadd.s32 $0xFFFFFFFF, v7;
	v6 =	vmul.u32 $0x3E8, v6;
	vm0 =	vlt.s32 v4, v3  }
0x66: {  	[tilespmem:s3+$0x9FF0] =	vst v2;
	v23 =	vld [tilespmem:s3+$0x35D0];
	v10 =	vmul.u32 $0x3E8, v10;
	vm9 =	vlt.s32 v18, v5;
	v4 =	vsel vm0, $0x3F800000, v0  }
0x67: {  	v3 =	vld [tilespmem:s3+$0x21];
	vm10 =	vlt.s32 v19, v7;
	v7 =	vadd.s32 $0xFFFFFFFF, v8;
	v18 =	vsel vm9, $0x3F800000, v0;
	[tilespmem:s3+$0x83F0] =	vst v4  }
0x68: {  	v15 =	vadd.s32 $0xFFFFFFFF, v15;
	v5 =	vld [tilespmem:s3+$0x35E0];
	v8 =	vsel vm10, $0x3F800000, v0;
	vm11 =	vlt.s32 v20, v7;
	[tilespmem:s3+$0x8380] =	vst v18  }
0x69: {  	v7 =	vadd.s32 $0xFFFFFFFF, v9;
	v6 =	vadd.s32 v24, v6;
	v10 =	vadd.s32 v62, v10;
	v4 =	vld [tilespmem:s3+$0x31];
	[tilespmem:s3+$0x8390] =	vst v8  }
0x6a: {  	v63 =	vld [tilespmem:s3+$0x20];
	v8 =	vsel vm11, $0x3F800000, v0;
	vm12 =	vlt.s32 v21, v7;
	v7 =	vadd.s32 $0xFFFFFFFF, v11;
	[tilespmem:s3+$0x6780] =	vst v6  }
0x6b: {  	[tilespmem:s3+$0x83A0] =	vst v8;
	v9 =	vsel vm12, $0x3F800000, v0;
	v8 =	vld [tilespmem:s3+$0x30];
	vm13 =	vlt.s32 v22, v7;
	v7 =	vadd.s32 $0xFFFFFFFF, v13  }
0x6c: {  	v6 =	vmul.u32 $0x3E8, v14;
	[tilespmem:s3+$0x83B0] =	vst v9;
	v11 =	vsel vm13, $0x3F800000, v0;
	v9 =	vld [tilespmem:s3+$0x40];
	vm14 =	vlt.s32 v23, v7  }
0x6d: {  	[tilespmem:s3+$0x83C0] =	vst v11;
	v7 =	vsel vm14, $0x3F800000, v0;
	v11 =	vld [tilespmem:s3+$0x50];
	v13 =	vmul.u32 $0x3E8, v3;
	vm15 =	vlt.s32 v5, v15  }
0x6e: {  	[tilespmem:s3+$0x6790] =	vst v10;
	v5 =	vmul.u32 $0x3E8, v17;
	v3 =	vmul.u32 $0x3E8, v4;
	v4 =	vmul.u32 $0x3E8, v12;
	v12 =	vld [tilespmem:s3+$0x60]  }
0x6f: {  	s23 =	simm.s32 $0x80;
	s24 =	simm.s32 $0x400;
	[tilespmem:s3+$0x83D0] =	vst v7;
	v7 =	vmul.u32 $0x3E8, v16;
	v10 =	vsel vm15, $0x3F800000, v0;
	v14 =	vadd.s32 v63, v13;
	v13 =	vld [tilespmem:s3+$0x70]  }
.LBB2_4:
0x70: {  	p1 =	sne.s32 s24, $0x6200;
	v15 =	vld [tilespmem:s23+$0x4EF0];
	[tilespmem:s3+$0x67A0] =	vst v14;
	v3 =	vadd.s32 v8, v3  }
0x71: {  	v8 =	vld [tilespmem:s23+$0x35F0];
	[tilespmem:s3+$0x67B0] =	vst v3;
	v3 =	vadd.s32 v9, v4  }
0x72: {  	v4 =	vld [tilespmem:s23+$0x4E80];
	[tilespmem:s3+$0x67C0] =	vst v3;
	v3 =	vadd.s32 v11, v6  }
0x73: {  	v6 =	vld [tilespmem:s23+$0x1];
	[tilespmem:s3+$0x67D0] =	vst v3;
	v3 =	vadd.s32 v12, v7  }
0x74: {  	v7 =	vld [tilespmem:s23+$0x4E90];
	[tilespmem:s3+$0x67E0] =	vst v3;
	v3 =	vadd.s32 v13, v5  }
0x75: {  	v5 =	vld [tilespmem:s23+$0x11];
	v9 =	vadd.s32 $0xFFFFFFFF, v15;
	[tilespmem:s3+$0x83E0] =	vst v10  }
0x76: {  	v10 =	vld [tilespmem:s23+$0x4EA0];
	vm0 =	vlt.s32 v8, v9;
	[tilespmem:s3+$0x67F0] =	vst v3;
	s3 =	smov.u32 s23  }
0x77: {  	v8 =	vadd.s32 $0xFFFFFFFF, v4;
	[tilespmem:s3+$0x9F80] =	vst v2;
	v3 =	vld [tilespmem:s3+$0x21];
	v4 =	vsel vm0, $0x3F800000, v0  }
0x78: {  	v11 =	vmul.u32 $0x3E8, v6;
	v6 =	vld [tilespmem:s3+$0x4EB0];
	[tilespmem:s3+$0x83F0] =	vst v4  }
0x79: {  	v9 =	vadd.s32 $0xFFFFFFFF, v7;
	[tilespmem:s3+$0x9F90] =	vst v2;
	v4 =	vld [tilespmem:s3+$0x31]  }
0x7a: {  	v12 =	vmul.u32 $0x3E8, v5;
	[tilespmem:s3+$0x9FA0] =	vst v2;
	v5 =	vld [tilespmem:s3+$0x4EC0]  }
0x7b: {  	v10 =	vadd.s32 $0xFFFFFFFF, v10;
	[tilespmem:s3+$0x9FB0] =	vst v2;
	v7 =	vld [tilespmem:s3+$0x41]  }
0x7c: {  	v13 =	vmul.u32 $0x3E8, v3;
	[tilespmem:s3+$0x9FC0] =	vst v2;
	v14 =	vld [tilespmem:s3+$0x4ED0]  }
0x7d: {  	v15 =	vadd.s32 $0xFFFFFFFF, v6;
	v6 =	vld [tilespmem:s3+$0x51];
	[tilespmem:s3+$0x9FD0] =	vst v2  }
0x7e: {  	v3 =	vmul.u32 $0x3E8, v4;
	v16 =	vld [tilespmem:s3+$0x4EE0];
	[tilespmem:s3+$0x9FE0] =	vst v2  }
0x7f: {  	v17 =	vadd.s32 $0xFFFFFFFF, v5;
	v5 =	vld [tilespmem:s3+$0x61];
	[tilespmem:s3+$0x9FF0] =	vst v2  }
0x80: {  	v4 =	vmul.u32 $0x3E8, v7;
	v18 =	vld [tilespmem:s3+$0x71]  }
0x81: {  	v19 =	vld [tilespmem:s3+$0x3580];
	v14 =	vadd.s32 $0xFFFFFFFF, v14  }
0x82: {  	v20 =	vld [tilespmem:s3+$0x3590];
	v6 =	vmul.u32 $0x3E8, v6  }
0x83: {  	v21 =	vld [tilespmem:s3+$0x35A0];
	v16 =	vadd.s32 $0xFFFFFFFF, v16  }
0x84: {  	v22 =	vld [tilespmem:s3+$0x35B0];
	v7 =	vmul.u32 $0x3E8, v5  }
0x85: {  	v23 =	vld [tilespmem:s3+$0x35C0];
	v5 =	vmul.u32 $0x3E8, v18  }
0x86: {  	vm0 =	vlt.s32 v19, v8;
	v18 =	vld [tilespmem:s3+$0x35D0]  }
0x87: {  	v8 =	vsel vm0, $0x3F800000, v0;
	vm0 =	vlt.s32 v20, v9;
	v19 =	vld [tilespmem:s3+$0x35E0]  }
0x88: {  	v20 =	vld [tilespmem:s3+$0x0];
	[tilespmem:s3+$0x8380] =	vst v8;
	v8 =	vsel vm0, $0x3F800000, v0;
	vm0 =	vlt.s32 v21, v10  }
0x89: {  	v21 =	vld [tilespmem:s3+$0x10];
	[tilespmem:s3+$0x8390] =	vst v8;
	v8 =	vsel vm0, $0x3F800000, v0;
	vm0 =	vlt.s32 v22, v15  }
0x8a: {  	v15 =	vld [tilespmem:s3+$0x20];
	[tilespmem:s3+$0x83A0] =	vst v8;
	v9 =	vsel vm0, $0x3F800000, v0;
	vm0 =	vlt.s32 v23, v17  }
.Ltmp1:
0x8b: {  	v8 =	vld [tilespmem:s3+$0x30];
	[tilespmem:s3+$0x83B0] =	vst v9;
	v10 =	vsel vm0, $0x3F800000, v0;
	vm0 =	vlt.s32 v18, v14;
	(pc) =	sbr.rel @p1 .LBB2_4-.Ltmp1, $4  }
0x8c: {  	v9 =	vld [tilespmem:s3+$0x40];
	[tilespmem:s3+$0x83C0] =	vst v10;
	v10 =	vsel vm0, $0x3F800000, v0;
	vm0 =	vlt.s32 v19, v16  }
0x8d: {  	v14 =	vadd.s32 v20, v11;
	v11 =	vld [tilespmem:s3+$0x50];
	[tilespmem:s3+$0x83D0] =	vst v10;
	v10 =	vsel vm0, $0x3F800000, v0  }
0x8e: {  	[tilespmem:s3+$0x6780] =	vst v14;
	v14 =	vadd.s32 v21, v12;
	v12 =	vld [tilespmem:s3+$0x60]  }
0x8f: {  	s23 =	sshra.s32 s24, $0x2;
	s24 =	sadd.s32 $0x200, s24;
	[tilespmem:s3+$0x6790] =	vst v14;
	v14 =	vadd.s32 v15, v13;
	v13 =	vld [tilespmem:s3+$0x70]  }
0x90: {  	v15 =	vld [tilespmem:s23+$0x4EF0];
	[tilespmem:s3+$0x67A0] =	vst v14;
	v3 =	vadd.s32 v8, v3  }
0x91: {  	v30 =	vld [tilespmem:s23+$0x35F0];
	[tilespmem:s3+$0x67B0] =	vst v3;
	v3 =	vadd.s32 v9, v4  }
0x92: {  	v31 =	vld [tilespmem:s23+$0x4E80];
	[tilespmem:s3+$0x67C0] =	vst v3;
	v3 =	vadd.s32 v11, v6  }
0x93: {  	v32 =	vld [tilespmem:s23+$0x1];
	[tilespmem:s3+$0x67D0] =	vst v3;
	v3 =	vadd.s32 v12, v7  }
0x94: {  	v33 =	vld [tilespmem:s23+$0x4E90];
	[tilespmem:s3+$0x67E0] =	vst v3  }
0x95: {  	v5 =	vadd.s32 v13, v5;
	v3 =	vld [tilespmem:s23+$0x11];
	[tilespmem:s3+$0x83E0] =	vst v10  }
0x96: {  	v34 =	vld [tilespmem:s23+$0x4EA0];
	[tilespmem:s3+$0x67F0] =	vst v5  }
0x97: {  	v36 =	vld [tilespmem:s23+$0x21]  }
0x98: {  	v10 =	vld [tilespmem:s23+$0x4EB0]  }
0x99: {  	v37 =	vld [tilespmem:s23+$0x31]  }
0x9a: {  	v38 =	vld [tilespmem:s23+$0x4EC0]  }
0x9b: {  	v39 =	vld [tilespmem:s23+$0x41]  }
0x9c: {  	v40 =	vld [tilespmem:s23+$0x4ED0]  }
0x9d: {  	v14 =	vld [tilespmem:s23+$0x51]  }
0x9e: {  	[tilespmem:s23+$0x9F80] =	vst v2;
	v41 =	vld [tilespmem:s23+$0x4EE0]  }
0x9f: {  	[tilespmem:s23+$0x9F90] =	vst v2;
	v16 =	vld [tilespmem:s23+$0x61]  }
0xa0: {  	[tilespmem:s23+$0x9FA0] =	vst v2;
	v18 =	vld [tilespmem:s23+$0x3580]  }
0xa1: {  	[tilespmem:s23+$0x9FB0] =	vst v2;
	v24 =	vld [tilespmem:s23+$0x0]  }
0xa2: {  	[tilespmem:s23+$0x9FC0] =	vst v2;
	v45 =	vld [tilespmem:s23+$0x10]  }
0xa3: {  	v35 =	vadd.s32 $0xFFFFFFFF, v15;
	[tilespmem:s23+$0x9FD0] =	vst v2;
	v19 =	vld [tilespmem:s23+$0x3590]  }
0xa4: {  	vm0 =	vlt.s32 v30, v35;
	[tilespmem:s23+$0x9FE0] =	vst v2;
	v20 =	vld [tilespmem:s23+$0x35A0];
	v6 =	vmul.u32 $0x3E8, v32  }
0xa5: {  	v8 =	vsel vm0, $0x3F800000, v0;
	[tilespmem:s23+$0x9FF0] =	vst v2;
	v21 =	vld [tilespmem:s23+$0x35B0];
	v3 =	vmul.u32 $0x3E8, v3  }
0xa6: {  	v22 =	vld [tilespmem:s23+$0x35C0];
	v4 =	vadd.s32 $0xFFFFFFFF, v31;
	[tilespmem:s23+$0x83F0] =	vst v8;
	v6 =	vadd.s32 v24, v6  }
0xa7: {  	v23 =	vld [tilespmem:s23+$0x35D0];
	v7 =	vadd.s32 $0xFFFFFFFF, v33;
	vm9 =	vlt.s32 v18, v4;
	v3 =	vadd.s32 v45, v3;
	[tilespmem:s23+$0x6780] =	vst v6  }
0xa8: {  	v42 =	vld [tilespmem:s23+$0x35E0];
	v43 =	vadd.s32 $0xFFFFFFFF, v34;
	vm10 =	vlt.s32 v19, v7;
	v18 =	vsel vm9, $0x3F800000, v0;
	[tilespmem:s23+$0x6790] =	vst v3  }
0xa9: {  	v48 =	vld [tilespmem:s23+$0x20];
	vm11 =	vlt.s32 v20, v43;
	v46 =	vadd.s32 $0xFFFFFFFF, v10;
	v44 =	vsel vm10, $0x3F800000, v0;
	[tilespmem:s23+$0x8380] =	vst v18  }
0xaa: {  	v51 =	vld [tilespmem:s23+$0x30];
	v49 =	vadd.s32 $0xFFFFFFFF, v38;
	v47 =	vsel vm11, $0x3F800000, v0;
	vm12 =	vlt.s32 v21, v46;
	[tilespmem:s23+$0x8390] =	vst v44  }
0xab: {  	v17 =	vld [tilespmem:s23+$0x71];
	v52 =	vadd.s32 $0xFFFFFFFF, v40;
	vm13 =	vlt.s32 v22, v49;
	[tilespmem:s23+$0x83A0] =	vst v47;
	v50 =	vsel vm12, $0x3F800000, v0  }
0xac: {  	v54 =	vld [tilespmem:s23+$0x40];
	v5 =	vmul.u32 $0x3E8, v36;
	vm14 =	vlt.s32 v23, v52;
	v53 =	vsel vm13, $0x3F800000, v0;
	[tilespmem:s23+$0x83B0] =	vst v50  }
0xad: {  	v55 =	vld [tilespmem:s23+$0x50];
	v57 =	vmul.u32 $0x3E8, v37;
	v7 =	vsel vm14, $0x3F800000, v0;
	[tilespmem:s23+$0x83C0] =	vst v53  }
0xae: {  	v56 =	vld [tilespmem:s23+$0x60];
	v62 =	vadd.s32 $0xFFFFFFFF, v41;
	v5 =	vadd.s32 v48, v5;
	[tilespmem:s23+$0x83D0] =	vst v7  }
0xaf: {  	v58 =	vld [tilespmem:s23+$0x70];
	v3 =	vmul.u32 $0x3E8, v39;
	vm15 =	vlt.s32 v42, v62;
	v60 =	vadd.s32 v51, v57;
	[tilespmem:s23+$0x67A0] =	vst v5  }
0xb0: {  	v59 =	vmul.u32 $0x3E8, v14;
	v4 =	vsel vm15, $0x3F800000, v0;
	[tilespmem:s23+$0x67B0] =	vst v60  }
0xb1: {  	v61 =	vmul.u32 $0x3E8, v16;
	v3 =	vadd.s32 v54, v3;
	[tilespmem:s23+$0x83E0] =	vst v4  }
0xb2: {  	v63 =	vmul.u32 $0x3E8, v17;
	[tilespmem:s23+$0x67C0] =	vst v3;
	v3 =	vadd.s32 v55, v59  }
0xb3: {  	[tilespmem:s23+$0x67D0] =	vst v3;
	v3 =	vadd.s32 v56, v61  }
0xb4: {  	[tilespmem:s23+$0x67E0] =	vst v3;
	v3 =	vadd.s32 v58, v63  }
0xb5: {  	[tilespmem:s23+$0x67F0] =	vst v3  }
0xb6: {  	s26 =	simm.s32 $0x6780;
	s28 =	simm.s32 $0x8380;
	[bflag:$0x0] =	sbarrier.arrive $0xFFFF  }
0xb7: {  	[spmem:s1] =	stream.indirect.scatter.add.f32 [tilespmem:s28], [sflag:$0x1], $0x1, s26, s25, $0xb8;
	[tilespmem:$0x1D540] =	vst v63  }
0xb8: {  	s24 =	simm.s32 $0x8400;
	s23 =	simm.s32 $0x6800  }
0xb9: {  	[spmem:s1] =	stream.indirect.scatter.add.f32 [tilespmem:s24], [sflag:$0x1], $0x1, s23, s25, $0xb8;
	[tilespmem:$0x1D540] =	vst v63  }
0xba: {  	s26 =	simm.s32 $0x6880;
	s28 =	simm.s32 $0x8480  }
0xbb: {  	[spmem:s1] =	stream.indirect.scatter.add.f32 [tilespmem:s28], [sflag:$0x1], $0x1, s26, s25, $0xb8;
	[tilespmem:$0x1D540] =	vst v63  }
0xbc: {  	s23 =	simm.s32 $0x6900;
	s24 =	simm.s32 $0x8500  }
0xbd: {  	[spmem:s1] =	stream.indirect.scatter.add.f32 [tilespmem:s24], [sflag:$0x1], $0x1, s23, s25, $0xb8;
	[tilespmem:$0x1D540] =	vst v63  }
0xbe: {  	s26 =	simm.s32 $0x6980;
	s28 =	simm.s32 $0x8580  }
0xbf: {  	[spmem:s1] =	stream.indirect.scatter.add.f32 [tilespmem:s28], [sflag:$0x1], $0x1, s26, s25, $0xb8;
	[tilespmem:$0x1D540] =	vst v63  }
0xc0: {  	s23 =	simm.s32 $0x6A00;
	s24 =	simm.s32 $0x8600  }
0xc1: {  	[spmem:s1] =	stream.indirect.scatter.add.f32 [tilespmem:s24], [sflag:$0x1], $0x1, s23, s25, $0xb8;
	[tilespmem:$0x1D540] =	vst v63  }
0xc2: {  	s26 =	simm.s32 $0x6A80;
	s28 =	simm.s32 $0x8680  }
0xc3: {  	[spmem:s1] =	stream.indirect.scatter.add.f32 [tilespmem:s28], [sflag:$0x1], $0x1, s26, s25, $0xb8;
	[tilespmem:$0x1D540] =	vst v63  }
0xc4: {  	s23 =	simm.s32 $0x6B00;
	s24 =	simm.s32 $0x8700  }
0xc5: {  	[spmem:s1] =	stream.indirect.scatter.add.f32 [tilespmem:s24], [sflag:$0x1], $0x1, s23, s25, $0xb8;
	[tilespmem:$0x1D540] =	vst v63  }
0xc6: {  	s26 =	simm.s32 $0x6B80;
	s28 =	simm.s32 $0x8780  }
0xc7: {  	[spmem:s1] =	stream.indirect.scatter.add.f32 [tilespmem:s28], [sflag:$0x1], $0x1, s26, s25, $0xb8;
	[tilespmem:$0x1D540] =	vst v63  }
0xc8: {  	s23 =	simm.s32 $0x6C00;
	s24 =	simm.s32 $0x8800  }
0xc9: {  	[spmem:s1] =	stream.indirect.scatter.add.f32 [tilespmem:s24], [sflag:$0x1], $0x1, s23, s25, $0xb8;
	[tilespmem:$0x1D540] =	vst v63  }
0xca: {  	s26 =	simm.s32 $0x6C80;
	s28 =	simm.s32 $0x8880  }
0xcb: {  	[spmem:s1] =	stream.indirect.scatter.add.f32 [tilespmem:s28], [sflag:$0x1], $0x1, s26, s25, $0xb8;
	[tilespmem:$0x1D540] =	vst v63  }
0xcc: {  	s23 =	simm.s32 $0x6D00;
	s24 =	simm.s32 $0x8900  }
0xcd: {  	[spmem:s1] =	stream.indirect.scatter.add.f32 [tilespmem:s24], [sflag:$0x1], $0x1, s23, s25, $0xb8;
	[tilespmem:$0x1D540] =	vst v63  }
0xce: {  	s26 =	simm.s32 $0x6D80;
	s28 =	simm.s32 $0x8980  }
0xcf: {  	[spmem:s1] =	stream.indirect.scatter.add.f32 [tilespmem:s28], [sflag:$0x1], $0x1, s26, s25, $0xb8;
	[tilespmem:$0x1D540] =	vst v63  }
0xd0: {  	s23 =	simm.s32 $0x6E00;
	s24 =	simm.s32 $0x8A00  }
0xd1: {  	[spmem:s1] =	stream.indirect.scatter.add.f32 [tilespmem:s24], [sflag:$0x1], $0x1, s23, s25, $0xb8;
	[tilespmem:$0x1D540] =	vst v63  }
0xd2: {  	s26 =	simm.s32 $0x6E80;
	s28 =	simm.s32 $0x8A80  }
0xd3: {  	[spmem:s1] =	stream.indirect.scatter.add.f32 [tilespmem:s28], [sflag:$0x1], $0x1, s26, s25, $0xb8;
	[tilespmem:$0x1D540] =	vst v63  }
0xd4: {  	s23 =	simm.s32 $0x6F00;
	s24 =	simm.s32 $0x8B00  }
0xd5: {  	[spmem:s1] =	stream.indirect.scatter.add.f32 [tilespmem:s24], [sflag:$0x1], $0x1, s23, s25, $0xb8;
	[tilespmem:$0x1D540] =	vst v63  }
0xd6: {  	s26 =	simm.s32 $0x6F80;
	s28 =	simm.s32 $0x8B80  }
0xd7: {  	[spmem:s1] =	stream.indirect.scatter.add.f32 [tilespmem:s28], [sflag:$0x1], $0x1, s26, s25, $0xb8;
	[tilespmem:$0x1D540] =	vst v63  }
0xd8: {  	s23 =	simm.s32 $0x7000;
	s24 =	simm.s32 $0x8C00  }
0xd9: {  	[spmem:s1] =	stream.indirect.scatter.add.f32 [tilespmem:s24], [sflag:$0x1], $0x1, s23, s25, $0xb8;
	[tilespmem:$0x1D540] =	vst v63  }
0xda: {  	s26 =	simm.s32 $0x7080;
	s28 =	simm.s32 $0x8C80  }
0xdb: {  	[spmem:s1] =	stream.indirect.scatter.add.f32 [tilespmem:s28], [sflag:$0x1], $0x1, s26, s25, $0xb8;
	[tilespmem:$0x1D540] =	vst v63  }
0xdc: {  	s23 =	simm.s32 $0x7100;
	s24 =	simm.s32 $0x8D00  }
0xdd: {  	[spmem:s1] =	stream.indirect.scatter.add.f32 [tilespmem:s24], [sflag:$0x1], $0x1, s23, s25, $0xb8;
	[tilespmem:$0x1D540] =	vst v63  }
0xde: {  	s26 =	simm.s32 $0x7180;
	s28 =	simm.s32 $0x8D80  }
0xdf: {  	[spmem:s1] =	stream.indirect.scatter.add.f32 [tilespmem:s28], [sflag:$0x1], $0x1, s26, s25, $0xb8;
	[tilespmem:$0x1D540] =	vst v63  }
0xe0: {  	s23 =	simm.s32 $0x7200;
	s24 =	simm.s32 $0x8E00  }
0xe1: {  	[spmem:s1] =	stream.indirect.scatter.add.f32 [tilespmem:s24], [sflag:$0x1], $0x1, s23, s25, $0xb8;
	[tilespmem:$0x1D540] =	vst v63  }
0xe2: {  	s26 =	simm.s32 $0x7280;
	s28 =	simm.s32 $0x8E80  }
0xe3: {  	[spmem:s1] =	stream.indirect.scatter.add.f32 [tilespmem:s28], [sflag:$0x1], $0x1, s26, s25, $0xb8;
	[tilespmem:$0x1D540] =	vst v63  }
0xe4: {  	s23 =	simm.s32 $0x7300;
	s24 =	simm.s32 $0x8F00  }
0xe5: {  	[spmem:s1] =	stream.indirect.scatter.add.f32 [tilespmem:s24], [sflag:$0x1], $0x1, s23, s25, $0xb8;
	[tilespmem:$0x1D540] =	vst v63  }
0xe6: {  	s26 =	simm.s32 $0x7380;
	s28 =	simm.s32 $0x8F80  }
0xe7: {  	[spmem:s1] =	stream.indirect.scatter.add.f32 [tilespmem:s28], [sflag:$0x1], $0x1, s26, s25, $0xb8;
	[tilespmem:$0x1D540] =	vst v63  }
0xe8: {  	s23 =	simm.s32 $0x7400;
	s24 =	simm.s32 $0x9000  }
0xe9: {  	[spmem:s1] =	stream.indirect.scatter.add.f32 [tilespmem:s24], [sflag:$0x1], $0x1, s23, s25, $0xb8;
	[tilespmem:$0x1D540] =	vst v63  }
0xea: {  	s26 =	simm.s32 $0x7480;
	s28 =	simm.s32 $0x9080  }
0xeb: {  	[spmem:s1] =	stream.indirect.scatter.add.f32 [tilespmem:s28], [sflag:$0x1], $0x1, s26, s25, $0xb8;
	[tilespmem:$0x1D540] =	vst v63  }
0xec: {  	s23 =	simm.s32 $0x7500;
	s24 =	simm.s32 $0x9100  }
0xed: {  	[spmem:s1] =	stream.indirect.scatter.add.f32 [tilespmem:s24], [sflag:$0x1], $0x1, s23, s25, $0xb8;
	[tilespmem:$0x1D540] =	vst v63  }
0xee: {  	s26 =	simm.s32 $0x7580;
	s28 =	simm.s32 $0x9180  }
0xef: {  	[spmem:s1] =	stream.indirect.scatter.add.f32 [tilespmem:s28], [sflag:$0x1], $0x1, s26, s25, $0xb8;
	[tilespmem:$0x1D540] =	vst v63  }
0xf0: {  	s23 =	simm.s32 $0x7600;
	s24 =	simm.s32 $0x9200  }
0xf1: {  	[spmem:s1] =	stream.indirect.scatter.add.f32 [tilespmem:s24], [sflag:$0x1], $0x1, s23, s25, $0xb8;
	[tilespmem:$0x1D540] =	vst v63  }
0xf2: {  	s26 =	simm.s32 $0x7680;
	s28 =	simm.s32 $0x9280  }
0xf3: {  	[spmem:s1] =	stream.indirect.scatter.add.f32 [tilespmem:s28], [sflag:$0x1], $0x1, s26, s25, $0xb8;
	[tilespmem:$0x1D540] =	vst v63  }
0xf4: {  	s23 =	simm.s32 $0x7700;
	s24 =	simm.s32 $0x9300  }
0xf5: {  	[spmem:s1] =	stream.indirect.scatter.add.f32 [tilespmem:s24], [sflag:$0x1], $0x1, s23, s25, $0xb8;
	[tilespmem:$0x1D540] =	vst v63  }
0xf6: {  	s26 =	simm.s32 $0x7780;
	s28 =	simm.s32 $0x9380  }
0xf7: {  	[spmem:s1] =	stream.indirect.scatter.add.f32 [tilespmem:s28], [sflag:$0x1], $0x1, s26, s25, $0xb8;
	[tilespmem:$0x1D540] =	vst v63  }
0xf8: {  	s23 =	simm.s32 $0x7800;
	s24 =	simm.s32 $0x9400  }
0xf9: {  	[spmem:s1] =	stream.indirect.scatter.add.f32 [tilespmem:s24], [sflag:$0x1], $0x1, s23, s25, $0xb8;
	[tilespmem:$0x1D540] =	vst v63  }
0xfa: {  	s26 =	simm.s32 $0x7880;
	s28 =	simm.s32 $0x9480  }
0xfb: {  	[spmem:s1] =	stream.indirect.scatter.add.f32 [tilespmem:s28], [sflag:$0x1], $0x1, s26, s25, $0xb8;
	[tilespmem:$0x1D540] =	vst v63  }
0xfc: {  	s23 =	simm.s32 $0x7900;
	s24 =	simm.s32 $0x9500  }
0xfd: {  	[spmem:s1] =	stream.indirect.scatter.add.f32 [tilespmem:s24], [sflag:$0x1], $0x1, s23, s25, $0xb8;
	[tilespmem:$0x1D540] =	vst v63  }
0xfe: {  	s26 =	simm.s32 $0x7980;
	s28 =	simm.s32 $0x9580  }
0xff: {  	[spmem:s1] =	stream.indirect.scatter.add.f32 [tilespmem:s28], [sflag:$0x1], $0x1, s26, s25, $0xb8;
	[tilespmem:$0x1D540] =	vst v63  }
0x100: {  	s23 =	simm.s32 $0x7A00;
	s24 =	simm.s32 $0x9600  }
0x101: {  	[spmem:s1] =	stream.indirect.scatter.add.f32 [tilespmem:s24], [sflag:$0x1], $0x1, s23, s25, $0xb8;
	[tilespmem:$0x1D540] =	vst v63  }
0x102: {  	s26 =	simm.s32 $0x7A80;
	s28 =	simm.s32 $0x9680  }
0x103: {  	[spmem:s1] =	stream.indirect.scatter.add.f32 [tilespmem:s28], [sflag:$0x1], $0x1, s26, s25, $0xb8;
	[tilespmem:$0x1D540] =	vst v63  }
0x104: {  	s23 =	simm.s32 $0x7B00;
	s24 =	simm.s32 $0x9700  }
0x105: {  	[spmem:s1] =	stream.indirect.scatter.add.f32 [tilespmem:s24], [sflag:$0x1], $0x1, s23, s25, $0xb8;
	[tilespmem:$0x1D540] =	vst v63  }
0x106: {  	s26 =	simm.s32 $0x7B80;
	s28 =	simm.s32 $0x9780  }
0x107: {  	[spmem:s1] =	stream.indirect.scatter.add.f32 [tilespmem:s28], [sflag:$0x1], $0x1, s26, s25, $0xb8;
	[tilespmem:$0x1D540] =	vst v63  }
0x108: {  	s23 =	simm.s32 $0x7C00;
	s24 =	simm.s32 $0x9800  }
0x109: {  	[spmem:s1] =	stream.indirect.scatter.add.f32 [tilespmem:s24], [sflag:$0x1], $0x1, s23, s25, $0xb8;
	[tilespmem:$0x1D540] =	vst v63  }
0x10a: {  	s26 =	simm.s32 $0x7C80;
	s28 =	simm.s32 $0x9880  }
0x10b: {  	[spmem:s1] =	stream.indirect.scatter.add.f32 [tilespmem:s28], [sflag:$0x1], $0x1, s26, s25, $0xb8;
	[tilespmem:$0x1D540] =	vst v63  }
0x10c: {  	s23 =	simm.s32 $0x7D00;
	s24 =	simm.s32 $0x9900  }
0x10d: {  	[spmem:s1] =	stream.indirect.scatter.add.f32 [tilespmem:s24], [sflag:$0x1], $0x1, s23, s25, $0xb8;
	[tilespmem:$0x1D540] =	vst v63  }
0x10e: {  	s26 =	simm.s32 $0x7D80;
	s28 =	simm.s32 $0x9980  }
0x10f: {  	[spmem:s1] =	stream.indirect.scatter.add.f32 [tilespmem:s28], [sflag:$0x1], $0x1, s26, s25, $0xb8;
	[tilespmem:$0x1D540] =	vst v63  }
0x110: {  	s23 =	simm.s32 $0x7E00;
	s24 =	simm.s32 $0x9A00  }
0x111: {  	[spmem:s1] =	stream.indirect.scatter.add.f32 [tilespmem:s24], [sflag:$0x1], $0x1, s23, s25, $0xb8;
	[tilespmem:$0x1D540] =	vst v63  }
0x112: {  	s26 =	simm.s32 $0x7E80;
	s28 =	simm.s32 $0x9A80  }
0x113: {  	[spmem:s1] =	stream.indirect.scatter.add.f32 [tilespmem:s28], [sflag:$0x1], $0x1, s26, s25, $0xb8;
	[tilespmem:$0x1D540] =	vst v63  }
0x114: {  	s23 =	simm.s32 $0x7F00;
	s24 =	simm.s32 $0x9B00  }
0x115: {  	[spmem:s1] =	stream.indirect.scatter.add.f32 [tilespmem:s24], [sflag:$0x1], $0x1, s23, s25, $0xb8;
	[tilespmem:$0x1D540] =	vst v63  }
0x116: {  	s26 =	simm.s32 $0x7F80;
	s28 =	simm.s32 $0x9B80  }
0x117: {  	[spmem:s1] =	stream.indirect.scatter.add.f32 [tilespmem:s28], [sflag:$0x1], $0x1, s26, s25, $0xb8;
	[tilespmem:$0x1D540] =	vst v63  }
0x118: {  	s24 =	simm.s32 $0x8000;
	s26 =	simm.s32 $0x9C00  }
0x119: {  	[spmem:s1] =	stream.indirect.scatter.add.f32 [tilespmem:s26], [sflag:$0x1], $0x1, s24, s25, $0xb8;
	[tilespmem:$0x1D540] =	vst v63  }
0x11a: {  	s28 =	simm.s32 $0x9F80  }
0x11b: {  	[spmem:s2] =	stream.indirect.scatter.add.f32 [tilespmem:s28], [sflag:$0x2], $0x1, s22, s25, $0xb8;
	[tilespmem:$0x1D540] =	vst v63  }
0x11c: {  	s23 =	simm.s32 $0x1A00;
	s24 =	simm.s32 $0xA000  }
0x11d: {  	[spmem:s2] =	stream.indirect.scatter.add.f32 [tilespmem:s24], [sflag:$0x2], $0x1, s23, s25, $0xb8;
	[tilespmem:$0x1D540] =	vst v63  }
0x11e: {  	s26 =	simm.s32 $0x1A80;
	s28 =	simm.s32 $0xA080  }
0x11f: {  	[spmem:s2] =	stream.indirect.scatter.add.f32 [tilespmem:s28], [sflag:$0x2], $0x1, s26, s25, $0xb8;
	[tilespmem:$0x1D540] =	vst v63  }
0x120: {  	s23 =	simm.s32 $0x1B00;
	s24 =	simm.s32 $0xA100  }
0x121: {  	[spmem:s2] =	stream.indirect.scatter.add.f32 [tilespmem:s24], [sflag:$0x2], $0x1, s23, s25, $0xb8;
	[tilespmem:$0x1D540] =	vst v63  }
0x122: {  	s26 =	simm.s32 $0x1B80;
	s28 =	simm.s32 $0xA180  }
0x123: {  	[spmem:s2] =	stream.indirect.scatter.add.f32 [tilespmem:s28], [sflag:$0x2], $0x1, s26, s25, $0xb8;
	[tilespmem:$0x1D540] =	vst v63  }
0x124: {  	s23 =	simm.s32 $0x1C00;
	s24 =	simm.s32 $0xA200  }
0x125: {  	[spmem:s2] =	stream.indirect.scatter.add.f32 [tilespmem:s24], [sflag:$0x2], $0x1, s23, s25, $0xb8;
	[tilespmem:$0x1D540] =	vst v63  }
0x126: {  	s26 =	simm.s32 $0x1C80;
	s28 =	simm.s32 $0xA280  }
0x127: {  	[spmem:s2] =	stream.indirect.scatter.add.f32 [tilespmem:s28], [sflag:$0x2], $0x1, s26, s25, $0xb8;
	[tilespmem:$0x1D540] =	vst v63  }
0x128: {  	s23 =	simm.s32 $0x1D00;
	s24 =	simm.s32 $0xA300  }
0x129: {  	[spmem:s2] =	stream.indirect.scatter.add.f32 [tilespmem:s24], [sflag:$0x2], $0x1, s23, s25, $0xb8;
	[tilespmem:$0x1D540] =	vst v63  }
0x12a: {  	s26 =	simm.s32 $0x1D80;
	s28 =	simm.s32 $0xA380  }
0x12b: {  	[spmem:s2] =	stream.indirect.scatter.add.f32 [tilespmem:s28], [sflag:$0x2], $0x1, s26, s25, $0xb8;
	[tilespmem:$0x1D540] =	vst v63  }
0x12c: {  	s23 =	simm.s32 $0x1E00;
	s24 =	simm.s32 $0xA400  }
0x12d: {  	[spmem:s2] =	stream.indirect.scatter.add.f32 [tilespmem:s24], [sflag:$0x2], $0x1, s23, s25, $0xb8;
	[tilespmem:$0x1D540] =	vst v63  }
0x12e: {  	s26 =	simm.s32 $0x1E80;
	s28 =	simm.s32 $0xA480  }
0x12f: {  	[spmem:s2] =	stream.indirect.scatter.add.f32 [tilespmem:s28], [sflag:$0x2], $0x1, s26, s25, $0xb8;
	[tilespmem:$0x1D540] =	vst v63  }
0x130: {  	s23 =	simm.s32 $0x1F00;
	s24 =	simm.s32 $0xA500  }
0x131: {  	[spmem:s2] =	stream.indirect.scatter.add.f32 [tilespmem:s24], [sflag:$0x2], $0x1, s23, s25, $0xb8;
	[tilespmem:$0x1D540] =	vst v63  }
0x132: {  	s26 =	simm.s32 $0x1F80;
	s28 =	simm.s32 $0xA580  }
0x133: {  	[spmem:s2] =	stream.indirect.scatter.add.f32 [tilespmem:s28], [sflag:$0x2], $0x1, s26, s25, $0xb8;
	[tilespmem:$0x1D540] =	vst v63  }
0x134: {  	s23 =	simm.s32 $0x2000;
	s24 =	simm.s32 $0xA600  }
0x135: {  	[spmem:s2] =	stream.indirect.scatter.add.f32 [tilespmem:s24], [sflag:$0x2], $0x1, s23, s25, $0xb8;
	[tilespmem:$0x1D540] =	vst v63  }
0x136: {  	s26 =	simm.s32 $0x2080;
	s28 =	simm.s32 $0xA680  }
0x137: {  	[spmem:s2] =	stream.indirect.scatter.add.f32 [tilespmem:s28], [sflag:$0x2], $0x1, s26, s25, $0xb8;
	[tilespmem:$0x1D540] =	vst v63  }
0x138: {  	s23 =	simm.s32 $0x2100;
	s24 =	simm.s32 $0xA700  }
0x139: {  	[spmem:s2] =	stream.indirect.scatter.add.f32 [tilespmem:s24], [sflag:$0x2], $0x1, s23, s25, $0xb8;
	[tilespmem:$0x1D540] =	vst v63  }
0x13a: {  	s26 =	simm.s32 $0x2180;
	s28 =	simm.s32 $0xA780  }
0x13b: {  	[spmem:s2] =	stream.indirect.scatter.add.f32 [tilespmem:s28], [sflag:$0x2], $0x1, s26, s25, $0xb8;
	[tilespmem:$0x1D540] =	vst v63  }
0x13c: {  	s23 =	simm.s32 $0x2200;
	s24 =	simm.s32 $0xA800  }
0x13d: {  	[spmem:s2] =	stream.indirect.scatter.add.f32 [tilespmem:s24], [sflag:$0x2], $0x1, s23, s25, $0xb8;
	[tilespmem:$0x1D540] =	vst v63  }
0x13e: {  	s26 =	simm.s32 $0x2280;
	s28 =	simm.s32 $0xA880  }
0x13f: {  	[spmem:s2] =	stream.indirect.scatter.add.f32 [tilespmem:s28], [sflag:$0x2], $0x1, s26, s25, $0xb8;
	[tilespmem:$0x1D540] =	vst v63  }
0x140: {  	s23 =	simm.s32 $0x2300;
	s24 =	simm.s32 $0xA900  }
0x141: {  	[spmem:s2] =	stream.indirect.scatter.add.f32 [tilespmem:s24], [sflag:$0x2], $0x1, s23, s25, $0xb8;
	[tilespmem:$0x1D540] =	vst v63  }
0x142: {  	s26 =	simm.s32 $0x2380;
	s28 =	simm.s32 $0xA980  }
0x143: {  	[spmem:s2] =	stream.indirect.scatter.add.f32 [tilespmem:s28], [sflag:$0x2], $0x1, s26, s25, $0xb8;
	[tilespmem:$0x1D540] =	vst v63  }
0x144: {  	s23 =	simm.s32 $0x2400;
	s24 =	simm.s32 $0xAA00  }
0x145: {  	[spmem:s2] =	stream.indirect.scatter.add.f32 [tilespmem:s24], [sflag:$0x2], $0x1, s23, s25, $0xb8;
	[tilespmem:$0x1D540] =	vst v63  }
0x146: {  	s26 =	simm.s32 $0x2480;
	s28 =	simm.s32 $0xAA80  }
0x147: {  	[spmem:s2] =	stream.indirect.scatter.add.f32 [tilespmem:s28], [sflag:$0x2], $0x1, s26, s25, $0xb8;
	[tilespmem:$0x1D540] =	vst v63  }
0x148: {  	s23 =	simm.s32 $0x2500;
	s24 =	simm.s32 $0xAB00  }
0x149: {  	[spmem:s2] =	stream.indirect.scatter.add.f32 [tilespmem:s24], [sflag:$0x2], $0x1, s23, s25, $0xb8;
	[tilespmem:$0x1D540] =	vst v63  }
0x14a: {  	s26 =	simm.s32 $0x2580;
	s28 =	simm.s32 $0xAB80  }
0x14b: {  	[spmem:s2] =	stream.indirect.scatter.add.f32 [tilespmem:s28], [sflag:$0x2], $0x1, s26, s25, $0xb8;
	[tilespmem:$0x1D540] =	vst v63  }
0x14c: {  	s23 =	simm.s32 $0x2600;
	s24 =	simm.s32 $0xAC00  }
0x14d: {  	[spmem:s2] =	stream.indirect.scatter.add.f32 [tilespmem:s24], [sflag:$0x2], $0x1, s23, s25, $0xb8;
	[tilespmem:$0x1D540] =	vst v63  }
0x14e: {  	s26 =	simm.s32 $0x2680;
	s28 =	simm.s32 $0xAC80  }
0x14f: {  	[spmem:s2] =	stream.indirect.scatter.add.f32 [tilespmem:s28], [sflag:$0x2], $0x1, s26, s25, $0xb8;
	[tilespmem:$0x1D540] =	vst v63  }
0x150: {  	s23 =	simm.s32 $0x2700;
	s24 =	simm.s32 $0xAD00  }
0x151: {  	[spmem:s2] =	stream.indirect.scatter.add.f32 [tilespmem:s24], [sflag:$0x2], $0x1, s23, s25, $0xb8;
	[tilespmem:$0x1D540] =	vst v63  }
0x152: {  	s26 =	simm.s32 $0x2780;
	s28 =	simm.s32 $0xAD80  }
0x153: {  	[spmem:s2] =	stream.indirect.scatter.add.f32 [tilespmem:s28], [sflag:$0x2], $0x1, s26, s25, $0xb8;
	[tilespmem:$0x1D540] =	vst v63  }
0x154: {  	s23 =	simm.s32 $0x2800;
	s24 =	simm.s32 $0xAE00  }
0x155: {  	[spmem:s2] =	stream.indirect.scatter.add.f32 [tilespmem:s24], [sflag:$0x2], $0x1, s23, s25, $0xb8;
	[tilespmem:$0x1D540] =	vst v63  }
0x156: {  	s26 =	simm.s32 $0x2880;
	s28 =	simm.s32 $0xAE80  }
0x157: {  	[spmem:s2] =	stream.indirect.scatter.add.f32 [tilespmem:s28], [sflag:$0x2], $0x1, s26, s25, $0xb8;
	[tilespmem:$0x1D540] =	vst v63  }
0x158: {  	s23 =	simm.s32 $0x2900;
	s24 =	simm.s32 $0xAF00  }
0x159: {  	[spmem:s2] =	stream.indirect.scatter.add.f32 [tilespmem:s24], [sflag:$0x2], $0x1, s23, s25, $0xb8;
	[tilespmem:$0x1D540] =	vst v63  }
0x15a: {  	s26 =	simm.s32 $0x2980;
	s28 =	simm.s32 $0xAF80  }
0x15b: {  	[spmem:s2] =	stream.indirect.scatter.add.f32 [tilespmem:s28], [sflag:$0x2], $0x1, s26, s25, $0xb8;
	[tilespmem:$0x1D540] =	vst v63  }
0x15c: {  	s23 =	simm.s32 $0x2A00;
	s24 =	simm.s32 $0xB000  }
0x15d: {  	[spmem:s2] =	stream.indirect.scatter.add.f32 [tilespmem:s24], [sflag:$0x2], $0x1, s23, s25, $0xb8;
	[tilespmem:$0x1D540] =	vst v63  }
0x15e: {  	s26 =	simm.s32 $0x2A80;
	s28 =	simm.s32 $0xB080  }
0x15f: {  	[spmem:s2] =	stream.indirect.scatter.add.f32 [tilespmem:s28], [sflag:$0x2], $0x1, s26, s25, $0xb8;
	[tilespmem:$0x1D540] =	vst v63  }
0x160: {  	s23 =	simm.s32 $0x2B00;
	s24 =	simm.s32 $0xB100  }
0x161: {  	[spmem:s2] =	stream.indirect.scatter.add.f32 [tilespmem:s24], [sflag:$0x2], $0x1, s23, s25, $0xb8;
	[tilespmem:$0x1D540] =	vst v63  }
0x162: {  	s26 =	simm.s32 $0x2B80;
	s28 =	simm.s32 $0xB180  }
0x163: {  	[spmem:s2] =	stream.indirect.scatter.add.f32 [tilespmem:s28], [sflag:$0x2], $0x1, s26, s25, $0xb8;
	[tilespmem:$0x1D540] =	vst v63  }
0x164: {  	s23 =	simm.s32 $0x2C00;
	s24 =	simm.s32 $0xB200  }
0x165: {  	[spmem:s2] =	stream.indirect.scatter.add.f32 [tilespmem:s24], [sflag:$0x2], $0x1, s23, s25, $0xb8;
	[tilespmem:$0x1D540] =	vst v63  }
0x166: {  	s26 =	simm.s32 $0x2C80;
	s28 =	simm.s32 $0xB280  }
0x167: {  	[spmem:s2] =	stream.indirect.scatter.add.f32 [tilespmem:s28], [sflag:$0x2], $0x1, s26, s25, $0xb8;
	[tilespmem:$0x1D540] =	vst v63  }
0x168: {  	s23 =	simm.s32 $0x2D00;
	s24 =	simm.s32 $0xB300  }
0x169: {  	[spmem:s2] =	stream.indirect.scatter.add.f32 [tilespmem:s24], [sflag:$0x2], $0x1, s23, s25, $0xb8;
	[tilespmem:$0x1D540] =	vst v63  }
0x16a: {  	s26 =	simm.s32 $0x2D80;
	s28 =	simm.s32 $0xB380  }
0x16b: {  	[spmem:s2] =	stream.indirect.scatter.add.f32 [tilespmem:s28], [sflag:$0x2], $0x1, s26, s25, $0xb8;
	[tilespmem:$0x1D540] =	vst v63  }
0x16c: {  	s23 =	simm.s32 $0x2E00;
	s24 =	simm.s32 $0xB400  }
0x16d: {  	[spmem:s2] =	stream.indirect.scatter.add.f32 [tilespmem:s24], [sflag:$0x2], $0x1, s23, s25, $0xb8;
	[tilespmem:$0x1D540] =	vst v63  }
0x16e: {  	s26 =	simm.s32 $0x2E80;
	s28 =	simm.s32 $0xB480  }
0x16f: {  	[spmem:s2] =	stream.indirect.scatter.add.f32 [tilespmem:s28], [sflag:$0x2], $0x1, s26, s25, $0xb8;
	[tilespmem:$0x1D540] =	vst v63  }
0x170: {  	s23 =	simm.s32 $0x2F00;
	s24 =	simm.s32 $0xB500  }
0x171: {  	[spmem:s2] =	stream.indirect.scatter.add.f32 [tilespmem:s24], [sflag:$0x2], $0x1, s23, s25, $0xb8;
	[tilespmem:$0x1D540] =	vst v63  }
0x172: {  	s26 =	simm.s32 $0x2F80;
	s28 =	simm.s32 $0xB580  }
0x173: {  	[spmem:s2] =	stream.indirect.scatter.add.f32 [tilespmem:s28], [sflag:$0x2], $0x1, s26, s25, $0xb8;
	[tilespmem:$0x1D540] =	vst v63  }
0x174: {  	s23 =	simm.s32 $0x3000;
	s24 =	simm.s32 $0xB600  }
0x175: {  	[spmem:s2] =	stream.indirect.scatter.add.f32 [tilespmem:s24], [sflag:$0x2], $0x1, s23, s25, $0xb8;
	[tilespmem:$0x1D540] =	vst v63  }
0x176: {  	s26 =	simm.s32 $0x3080;
	s28 =	simm.s32 $0xB680  }
0x177: {  	[spmem:s2] =	stream.indirect.scatter.add.f32 [tilespmem:s28], [sflag:$0x2], $0x1, s26, s25, $0xb8;
	[tilespmem:$0x1D540] =	vst v63  }
0x178: {  	s23 =	simm.s32 $0x3100;
	s24 =	simm.s32 $0xB700  }
0x179: {  	[spmem:s2] =	stream.indirect.scatter.add.f32 [tilespmem:s24], [sflag:$0x2], $0x1, s23, s25, $0xb8;
	[tilespmem:$0x1D540] =	vst v63  }
0x17a: {  	s26 =	simm.s32 $0x3180;
	s28 =	simm.s32 $0xB780  }
0x17b: {  	[spmem:s2] =	stream.indirect.scatter.add.f32 [tilespmem:s28], [sflag:$0x2], $0x1, s26, s25, $0xb8;
	[tilespmem:$0x1D540] =	vst v63  }
0x17c: {  	s23 =	simm.s32 $0x3200;
	s24 =	simm.s32 $0xB800  }
0x17d: {  	[spmem:s2] =	stream.indirect.scatter.add.f32 [tilespmem:s24], [sflag:$0x2], $0x1, s23, s25, $0xb8;
	[tilespmem:$0x1D540] =	vst v63  }
0x17e: {  	_ =	swait.ge [sflag:s29], $0x80  }
0x17f: {  	[sflag:s29] =	ssyncset.done $0x0  }
0x180: {  	[sflag:s29] =	ssyncadd.s32 $0xFFFFFF80  }
0x181: {  	_ =	swait.ge [sflag:s29], $0x80  }
0x182: {  	[sflag:s29] =	ssyncset.done $0x0  }
0x183: {  	[sflag:s29] =	ssyncadd.s32 $0xFFFFFF80  }
0x184: {  	_ =	swait.ge [sflag:s29], $0x80  }
0x185: {  	[sflag:s29] =	ssyncset.done $0x0  }
0x186: {  	[sflag:s29] =	ssyncadd.s32 $0xFFFFFF80  }
0x187: {  	_ =	swait.ge [sflag:s29], $0x80  }
0x188: {  	[sflag:s29] =	ssyncset.done $0x0  }
0x189: {  	[sflag:s29] =	ssyncadd.s32 $0xFFFFFF80  }
0x18a: {  	_ =	swait.ge [sflag:s29], $0x80  }
0x18b: {  	[sflag:s29] =	ssyncset.done $0x0  }
0x18c: {  	[sflag:s29] =	ssyncadd.s32 $0xFFFFFF80  }
0x18d: {  	_ =	swait.ge [sflag:s29], $0x80  }
0x18e: {  	[sflag:s29] =	ssyncset.done $0x0  }
0x18f: {  	[sflag:s29] =	ssyncadd.s32 $0xFFFFFF80  }
0x190: {  	_ =	swait.ge [sflag:s29], $0x80  }
0x191: {  	[sflag:s29] =	ssyncset.done $0x0  }
0x192: {  	[sflag:s29] =	ssyncadd.s32 $0xFFFFFF80  }
0x193: {  	_ =	swait.ge [sflag:s29], $0x80  }
0x194: {  	[sflag:s29] =	ssyncset.done $0x0  }
0x195: {  	[sflag:s29] =	ssyncadd.s32 $0xFFFFFF80  }
0x196: {  	_ =	swait.ge [sflag:s29], $0x80  }
0x197: {  	[sflag:s29] =	ssyncset.done $0x0  }
0x198: {  	[sflag:s29] =	ssyncadd.s32 $0xFFFFFF80  }
0x199: {  	_ =	swait.ge [sflag:s29], $0x80  }
0x19a: {  	[sflag:s29] =	ssyncset.done $0x0  }
0x19b: {  	[sflag:s29] =	ssyncadd.s32 $0xFFFFFF80  }
0x19c: {  	_ =	swait.ge [sflag:s29], $0x80  }
0x19d: {  	[sflag:s29] =	ssyncset.done $0x0  }
0x19e: {  	[sflag:s29] =	ssyncadd.s32 $0xFFFFFF80  }
0x19f: {  	_ =	swait.ge [sflag:s29], $0x80  }
0x1a0: {  	[sflag:s29] =	ssyncset.done $0x0  }
0x1a1: {  	[sflag:s29] =	ssyncadd.s32 $0xFFFFFF80  }
0x1a2: {  	_ =	swait.ge [sflag:s29], $0x80  }
0x1a3: {  	[sflag:s29] =	ssyncset.done $0x0  }
0x1a4: {  	[sflag:s29] =	ssyncadd.s32 $0xFFFFFF80  }
0x1a5: {  	_ =	swait.ge [sflag:s29], $0x80  }
0x1a6: {  	[sflag:s29] =	ssyncset.done $0x0  }
0x1a7: {  	[sflag:s29] =	ssyncadd.s32 $0xFFFFFF80  }
0x1a8: {  	_ =	swait.ge [sflag:s29], $0x80  }
0x1a9: {  	[sflag:s29] =	ssyncset.done $0x0  }
0x1aa: {  	[sflag:s29] =	ssyncadd.s32 $0xFFFFFF80  }
0x1ab: {  	_ =	swait.ge [sflag:s29], $0x80  }
0x1ac: {  	[sflag:s29] =	ssyncset.done $0x0  }
0x1ad: {  	[sflag:s29] =	ssyncadd.s32 $0xFFFFFF80  }
0x1ae: {  	_ =	swait.ge [sflag:s29], $0x80  }
0x1af: {  	[sflag:s29] =	ssyncset.done $0x0  }
0x1b0: {  	[sflag:s29] =	ssyncadd.s32 $0xFFFFFF80  }
0x1b1: {  	_ =	swait.ge [sflag:s29], $0x80  }
0x1b2: {  	[sflag:s29] =	ssyncset.done $0x0  }
0x1b3: {  	[sflag:s29] =	ssyncadd.s32 $0xFFFFFF80  }
0x1b4: {  	_ =	swait.ge [sflag:s29], $0x80  }
0x1b5: {  	[sflag:s29] =	ssyncset.done $0x0  }
0x1b6: {  	[sflag:s29] =	ssyncadd.s32 $0xFFFFFF80  }
0x1b7: {  	_ =	swait.ge [sflag:s29], $0x80  }
0x1b8: {  	[sflag:s29] =	ssyncset.done $0x0  }
0x1b9: {  	[sflag:s29] =	ssyncadd.s32 $0xFFFFFF80  }
0x1ba: {  	_ =	swait.ge [sflag:s29], $0x80  }
0x1bb: {  	[sflag:s29] =	ssyncset.done $0x0  }
0x1bc: {  	[sflag:s29] =	ssyncadd.s32 $0xFFFFFF80  }
0x1bd: {  	_ =	swait.ge [sflag:s29], $0x80  }
0x1be: {  	[sflag:s29] =	ssyncset.done $0x0  }
0x1bf: {  	[sflag:s29] =	ssyncadd.s32 $0xFFFFFF80  }
0x1c0: {  	_ =	swait.ge [sflag:s29], $0x80  }
0x1c1: {  	[sflag:s29] =	ssyncset.done $0x0  }
0x1c2: {  	[sflag:s29] =	ssyncadd.s32 $0xFFFFFF80  }
0x1c3: {  	_ =	swait.ge [sflag:s29], $0x80  }
0x1c4: {  	[sflag:s29] =	ssyncset.done $0x0  }
0x1c5: {  	[sflag:s29] =	ssyncadd.s32 $0xFFFFFF80  }
0x1c6: {  	_ =	swait.ge [sflag:s29], $0x80  }
0x1c7: {  	[sflag:s29] =	ssyncset.done $0x0  }
0x1c8: {  	[sflag:s29] =	ssyncadd.s32 $0xFFFFFF80  }
0x1c9: {  	_ =	swait.ge [sflag:s29], $0x80  }
0x1ca: {  	[sflag:s29] =	ssyncset.done $0x0  }
0x1cb: {  	[sflag:s29] =	ssyncadd.s32 $0xFFFFFF80  }
0x1cc: {  	_ =	swait.ge [sflag:s29], $0x80  }
0x1cd: {  	[sflag:s29] =	ssyncset.done $0x0  }
0x1ce: {  	[sflag:s29] =	ssyncadd.s32 $0xFFFFFF80  }
0x1cf: {  	_ =	swait.ge [sflag:s29], $0x80  }
0x1d0: {  	[sflag:s29] =	ssyncset.done $0x0  }
0x1d1: {  	[sflag:s29] =	ssyncadd.s32 $0xFFFFFF80  }
0x1d2: {  	_ =	swait.ge [sflag:s29], $0x80  }
0x1d3: {  	[sflag:s29] =	ssyncset.done $0x0  }
0x1d4: {  	[sflag:s29] =	ssyncadd.s32 $0xFFFFFF80  }
0x1d5: {  	_ =	swait.ge [sflag:s29], $0x80  }
0x1d6: {  	[sflag:s29] =	ssyncset.done $0x0  }
0x1d7: {  	[sflag:s29] =	ssyncadd.s32 $0xFFFFFF80  }
0x1d8: {  	_ =	swait.ge [sflag:s29], $0x80  }
0x1d9: {  	[sflag:s29] =	ssyncset.done $0x0  }
0x1da: {  	[sflag:s29] =	ssyncadd.s32 $0xFFFFFF80  }
0x1db: {  	_ =	swait.ge [sflag:s29], $0x80  }
0x1dc: {  	[sflag:s29] =	ssyncset.done $0x0  }
0x1dd: {  	[sflag:s29] =	ssyncadd.s32 $0xFFFFFF80  }
0x1de: {  	_ =	swait.ge [sflag:s29], $0x80  }
0x1df: {  	[sflag:s29] =	ssyncset.done $0x0  }
0x1e0: {  	[sflag:s29] =	ssyncadd.s32 $0xFFFFFF80  }
0x1e1: {  	_ =	swait.ge [sflag:s29], $0x80  }
0x1e2: {  	[sflag:s29] =	ssyncset.done $0x0  }
0x1e3: {  	[sflag:s29] =	ssyncadd.s32 $0xFFFFFF80  }
0x1e4: {  	_ =	swait.ge [sflag:s29], $0x80  }
0x1e5: {  	[sflag:s29] =	ssyncset.done $0x0  }
0x1e6: {  	[sflag:s29] =	ssyncadd.s32 $0xFFFFFF80  }
0x1e7: {  	_ =	swait.ge [sflag:s29], $0x80  }
0x1e8: {  	[sflag:s29] =	ssyncset.done $0x0  }
0x1e9: {  	[sflag:s29] =	ssyncadd.s32 $0xFFFFFF80  }
0x1ea: {  	_ =	swait.ge [sflag:s29], $0x80  }
0x1eb: {  	[sflag:s29] =	ssyncset.done $0x0  }
0x1ec: {  	[sflag:s29] =	ssyncadd.s32 $0xFFFFFF80  }
0x1ed: {  	_ =	swait.ge [sflag:s29], $0x80  }
0x1ee: {  	[sflag:s29] =	ssyncset.done $0x0  }
0x1ef: {  	[sflag:s29] =	ssyncadd.s32 $0xFFFFFF80  }
0x1f0: {  	_ =	swait.ge [sflag:s29], $0x80  }
0x1f1: {  	[sflag:s29] =	ssyncset.done $0x0  }
0x1f2: {  	[sflag:s29] =	ssyncadd.s32 $0xFFFFFF80  }
0x1f3: {  	_ =	swait.ge [sflag:s29], $0x80  }
0x1f4: {  	[sflag:s29] =	ssyncset.done $0x0  }
0x1f5: {  	[sflag:s29] =	ssyncadd.s32 $0xFFFFFF80  }
0x1f6: {  	_ =	swait.ge [sflag:s29], $0x80  }
0x1f7: {  	[sflag:s29] =	ssyncset.done $0x0  }
0x1f8: {  	[sflag:s29] =	ssyncadd.s32 $0xFFFFFF80  }
0x1f9: {  	_ =	swait.ge [sflag:s29], $0x80  }
0x1fa: {  	[sflag:s29] =	ssyncset.done $0x0  }
0x1fb: {  	[sflag:s29] =	ssyncadd.s32 $0xFFFFFF80  }
0x1fc: {  	_ =	swait.ge [sflag:s29], $0x80  }
0x1fd: {  	[sflag:s29] =	ssyncset.done $0x0  }
0x1fe: {  	[sflag:s29] =	ssyncadd.s32 $0xFFFFFF80  }
0x1ff: {  	_ =	swait.ge [sflag:s29], $0x80  }
0x200: {  	[sflag:s29] =	ssyncset.done $0x0  }
0x201: {  	[sflag:s29] =	ssyncadd.s32 $0xFFFFFF80  }
0x202: {  	_ =	swait.ge [sflag:s29], $0x80  }
0x203: {  	[sflag:s29] =	ssyncset.done $0x0  }
0x204: {  	[sflag:s29] =	ssyncadd.s32 $0xFFFFFF80  }
0x205: {  	_ =	swait.ge [sflag:s29], $0x80  }
0x206: {  	[sflag:s29] =	ssyncset.done $0x0  }
0x207: {  	[sflag:s29] =	ssyncadd.s32 $0xFFFFFF80  }
0x208: {  	_ =	swait.ge [sflag:s29], $0x80  }
0x209: {  	[sflag:s29] =	ssyncset.done $0x0  }
0x20a: {  	[sflag:s29] =	ssyncadd.s32 $0xFFFFFF80  }
0x20b: {  	_ =	swait.ge [sflag:s29], $0x80  }
0x20c: {  	[sflag:s29] =	ssyncset.done $0x0  }
0x20d: {  	[sflag:s29] =	ssyncadd.s32 $0xFFFFFF80  }
0x20e: {  	_ =	swait.ge [sflag:s29], $0x80  }
0x20f: {  	[sflag:s29] =	ssyncset.done $0x0  }
0x210: {  	[sflag:s29] =	ssyncadd.s32 $0xFFFFFF80  }
0x211: {  	_ =	swait.ge [sflag:s29], $0x80  }
0x212: {  	[sflag:s29] =	ssyncset.done $0x0  }
0x213: {  	[sflag:s29] =	ssyncadd.s32 $0xFFFFFF80  }
0x214: {  	_ =	swait.ge [sflag:s30], $0x80  }
0x215: {  	[sflag:s30] =	ssyncset.done $0x0  }
0x216: {  	[sflag:s30] =	ssyncadd.s32 $0xFFFFFF80  }
0x217: {  	_ =	swait.ge [sflag:s30], $0x80  }
0x218: {  	[sflag:s30] =	ssyncset.done $0x0  }
0x219: {  	[sflag:s30] =	ssyncadd.s32 $0xFFFFFF80  }
0x21a: {  	_ =	swait.ge [sflag:s30], $0x80  }
0x21b: {  	[sflag:s30] =	ssyncset.done $0x0  }
0x21c: {  	[sflag:s30] =	ssyncadd.s32 $0xFFFFFF80  }
0x21d: {  	_ =	swait.ge [sflag:s30], $0x80  }
0x21e: {  	[sflag:s30] =	ssyncset.done $0x0  }
0x21f: {  	[sflag:s30] =	ssyncadd.s32 $0xFFFFFF80  }
0x220: {  	_ =	swait.ge [sflag:s30], $0x80  }
0x221: {  	[sflag:s30] =	ssyncset.done $0x0  }
0x222: {  	[sflag:s30] =	ssyncadd.s32 $0xFFFFFF80  }
0x223: {  	_ =	swait.ge [sflag:s30], $0x80  }
0x224: {  	[sflag:s30] =	ssyncset.done $0x0  }
0x225: {  	[sflag:s30] =	ssyncadd.s32 $0xFFFFFF80  }
0x226: {  	_ =	swait.ge [sflag:s30], $0x80  }
0x227: {  	[sflag:s30] =	ssyncset.done $0x0  }
0x228: {  	[sflag:s30] =	ssyncadd.s32 $0xFFFFFF80  }
0x229: {  	_ =	swait.ge [sflag:s30], $0x80  }
0x22a: {  	[sflag:s30] =	ssyncset.done $0x0  }
0x22b: {  	[sflag:s30] =	ssyncadd.s32 $0xFFFFFF80  }
0x22c: {  	_ =	swait.ge [sflag:s30], $0x80  }
0x22d: {  	[sflag:s30] =	ssyncset.done $0x0  }
0x22e: {  	[sflag:s30] =	ssyncadd.s32 $0xFFFFFF80  }
0x22f: {  	_ =	swait.ge [sflag:s30], $0x80  }
0x230: {  	[sflag:s30] =	ssyncset.done $0x0  }
0x231: {  	[sflag:s30] =	ssyncadd.s32 $0xFFFFFF80  }
0x232: {  	_ =	swait.ge [sflag:s30], $0x80  }
0x233: {  	[sflag:s30] =	ssyncset.done $0x0  }
0x234: {  	[sflag:s30] =	ssyncadd.s32 $0xFFFFFF80  }
0x235: {  	_ =	swait.ge [sflag:s30], $0x80  }
0x236: {  	[sflag:s30] =	ssyncset.done $0x0  }
0x237: {  	[sflag:s30] =	ssyncadd.s32 $0xFFFFFF80  }
0x238: {  	_ =	swait.ge [sflag:s30], $0x80  }
0x239: {  	[sflag:s30] =	ssyncset.done $0x0  }
0x23a: {  	[sflag:s30] =	ssyncadd.s32 $0xFFFFFF80  }
0x23b: {  	_ =	swait.ge [sflag:s30], $0x80  }
0x23c: {  	[sflag:s30] =	ssyncset.done $0x0  }
0x23d: {  	[sflag:s30] =	ssyncadd.s32 $0xFFFFFF80  }
0x23e: {  	_ =	swait.ge [sflag:s30], $0x80  }
0x23f: {  	[sflag:s30] =	ssyncset.done $0x0  }
0x240: {  	[sflag:s30] =	ssyncadd.s32 $0xFFFFFF80  }
0x241: {  	_ =	swait.ge [sflag:s30], $0x80  }
0x242: {  	[sflag:s30] =	ssyncset.done $0x0  }
0x243: {  	[sflag:s30] =	ssyncadd.s32 $0xFFFFFF80  }
0x244: {  	_ =	swait.ge [sflag:s30], $0x80  }
0x245: {  	[sflag:s30] =	ssyncset.done $0x0  }
0x246: {  	[sflag:s30] =	ssyncadd.s32 $0xFFFFFF80  }
0x247: {  	_ =	swait.ge [sflag:s30], $0x80  }
0x248: {  	[sflag:s30] =	ssyncset.done $0x0  }
0x249: {  	[sflag:s30] =	ssyncadd.s32 $0xFFFFFF80  }
0x24a: {  	_ =	swait.ge [sflag:s30], $0x80  }
0x24b: {  	[sflag:s30] =	ssyncset.done $0x0  }
0x24c: {  	[sflag:s30] =	ssyncadd.s32 $0xFFFFFF80  }
0x24d: {  	_ =	swait.ge [sflag:s30], $0x80  }
0x24e: {  	[sflag:s30] =	ssyncset.done $0x0  }
0x24f: {  	[sflag:s30] =	ssyncadd.s32 $0xFFFFFF80  }
0x250: {  	_ =	swait.ge [sflag:s30], $0x80  }
0x251: {  	[sflag:s30] =	ssyncset.done $0x0  }
0x252: {  	[sflag:s30] =	ssyncadd.s32 $0xFFFFFF80  }
0x253: {  	_ =	swait.ge [sflag:s30], $0x80  }
0x254: {  	[sflag:s30] =	ssyncset.done $0x0  }
0x255: {  	[sflag:s30] =	ssyncadd.s32 $0xFFFFFF80  }
0x256: {  	_ =	swait.ge [sflag:s30], $0x80  }
0x257: {  	[sflag:s30] =	ssyncset.done $0x0  }
0x258: {  	[sflag:s30] =	ssyncadd.s32 $0xFFFFFF80  }
0x259: {  	_ =	swait.ge [sflag:s30], $0x80  }
0x25a: {  	[sflag:s30] =	ssyncset.done $0x0  }
0x25b: {  	[sflag:s30] =	ssyncadd.s32 $0xFFFFFF80  }
0x25c: {  	_ =	swait.ge [sflag:s30], $0x80  }
0x25d: {  	[sflag:s30] =	ssyncset.done $0x0  }
0x25e: {  	[sflag:s30] =	ssyncadd.s32 $0xFFFFFF80  }
0x25f: {  	_ =	swait.ge [sflag:s30], $0x80  }
0x260: {  	[sflag:s30] =	ssyncset.done $0x0  }
0x261: {  	[sflag:s30] =	ssyncadd.s32 $0xFFFFFF80  }
0x262: {  	_ =	swait.ge [sflag:s30], $0x80  }
0x263: {  	[sflag:s30] =	ssyncset.done $0x0  }
0x264: {  	[sflag:s30] =	ssyncadd.s32 $0xFFFFFF80  }
0x265: {  	_ =	swait.ge [sflag:s30], $0x80  }
0x266: {  	[sflag:s30] =	ssyncset.done $0x0  }
0x267: {  	[sflag:s30] =	ssyncadd.s32 $0xFFFFFF80  }
0x268: {  	_ =	swait.ge [sflag:s30], $0x80  }
0x269: {  	[sflag:s30] =	ssyncset.done $0x0  }
0x26a: {  	[sflag:s30] =	ssyncadd.s32 $0xFFFFFF80  }
0x26b: {  	_ =	swait.ge [sflag:s30], $0x80  }
0x26c: {  	[sflag:s30] =	ssyncset.done $0x0  }
0x26d: {  	[sflag:s30] =	ssyncadd.s32 $0xFFFFFF80  }
0x26e: {  	_ =	swait.ge [sflag:s30], $0x80  }
0x26f: {  	[sflag:s30] =	ssyncset.done $0x0  }
0x270: {  	[sflag:s30] =	ssyncadd.s32 $0xFFFFFF80  }
0x271: {  	_ =	swait.ge [sflag:s30], $0x80  }
0x272: {  	[sflag:s30] =	ssyncset.done $0x0  }
0x273: {  	[sflag:s30] =	ssyncadd.s32 $0xFFFFFF80  }
0x274: {  	_ =	swait.ge [sflag:s30], $0x80  }
0x275: {  	[sflag:s30] =	ssyncset.done $0x0  }
0x276: {  	[sflag:s30] =	ssyncadd.s32 $0xFFFFFF80  }
0x277: {  	_ =	swait.ge [sflag:s30], $0x80  }
0x278: {  	[sflag:s30] =	ssyncset.done $0x0  }
0x279: {  	[sflag:s30] =	ssyncadd.s32 $0xFFFFFF80  }
0x27a: {  	_ =	swait.ge [sflag:s30], $0x80  }
0x27b: {  	[sflag:s30] =	ssyncset.done $0x0  }
0x27c: {  	[sflag:s30] =	ssyncadd.s32 $0xFFFFFF80  }
0x27d: {  	_ =	swait.ge [sflag:s30], $0x80  }
0x27e: {  	[sflag:s30] =	ssyncset.done $0x0  }
0x27f: {  	[sflag:s30] =	ssyncadd.s32 $0xFFFFFF80  }
0x280: {  	_ =	swait.ge [sflag:s30], $0x80  }
0x281: {  	[sflag:s30] =	ssyncset.done $0x0  }
0x282: {  	[sflag:s30] =	ssyncadd.s32 $0xFFFFFF80  }
0x283: {  	_ =	swait.ge [sflag:s30], $0x80  }
0x284: {  	[sflag:s30] =	ssyncset.done $0x0  }
0x285: {  	[sflag:s30] =	ssyncadd.s32 $0xFFFFFF80  }
0x286: {  	_ =	swait.ge [sflag:s30], $0x80  }
0x287: {  	[sflag:s30] =	ssyncset.done $0x0  }
0x288: {  	[sflag:s30] =	ssyncadd.s32 $0xFFFFFF80  }
0x289: {  	_ =	swait.ge [sflag:s30], $0x80  }
0x28a: {  	[sflag:s30] =	ssyncset.done $0x0  }
0x28b: {  	[sflag:s30] =	ssyncadd.s32 $0xFFFFFF80  }
0x28c: {  	_ =	swait.ge [sflag:s30], $0x80  }
0x28d: {  	[sflag:s30] =	ssyncset.done $0x0  }
0x28e: {  	[sflag:s30] =	ssyncadd.s32 $0xFFFFFF80  }
0x28f: {  	_ =	swait.ge [sflag:s30], $0x80  }
0x290: {  	[sflag:s30] =	ssyncset.done $0x0  }
0x291: {  	[sflag:s30] =	ssyncadd.s32 $0xFFFFFF80  }
0x292: {  	_ =	swait.ge [sflag:s30], $0x80  }
0x293: {  	[sflag:s30] =	ssyncset.done $0x0  }
0x294: {  	[sflag:s30] =	ssyncadd.s32 $0xFFFFFF80  }
0x295: {  	_ =	swait.ge [sflag:s30], $0x80  }
0x296: {  	[sflag:s30] =	ssyncset.done $0x0  }
0x297: {  	[sflag:s30] =	ssyncadd.s32 $0xFFFFFF80  }
0x298: {  	_ =	swait.ge [sflag:s30], $0x80  }
0x299: {  	[sflag:s30] =	ssyncset.done $0x0  }
0x29a: {  	[sflag:s30] =	ssyncadd.s32 $0xFFFFFF80  }
0x29b: {  	_ =	swait.ge [sflag:s30], $0x80  }
0x29c: {  	[sflag:s30] =	ssyncset.done $0x0  }
0x29d: {  	[sflag:s30] =	ssyncadd.s32 $0xFFFFFF80  }
0x29e: {  	_ =	swait.ge [sflag:s30], $0x80  }
0x29f: {  	[sflag:s30] =	ssyncset.done $0x0  }
0x2a0: {  	[sflag:s30] =	ssyncadd.s32 $0xFFFFFF80  }
0x2a1: {  	_ =	swait.ge [sflag:s30], $0x80  }
0x2a2: {  	[sflag:s30] =	ssyncset.done $0x0  }
0x2a3: {  	[sflag:s30] =	ssyncadd.s32 $0xFFFFFF80  }
0x2a4: {  	_ =	swait.ge [sflag:s30], $0x80  }
0x2a5: {  	[sflag:s30] =	ssyncset.done $0x0  }
0x2a6: {  	[sflag:s30] =	ssyncadd.s32 $0xFFFFFF80  }
0x2a7: {  	_ =	swait.ge [sflag:s30], $0x80  }
0x2a8: {  	s26 =	stileid.u32;
	[sflag:s30] =	ssyncset.done $0x0  }
0x2a9: {  	s4 =	sadd.s32 $0x1, s4;
	s3 =	sshll.u32 s26, $0x6;
	[sflag:s30] =	ssyncadd.s32 $0xFFFFFF80  }
0x2aa: {  	s28 =	sshrl.u32 s5, $0x3;
	s3 =	sor.u32 $0x1C03, s3;
	[bflag:$0x0] =	sbarrier.arrive $0xFFFF  }
0x2ab: {  	[hbm:s17@s31], [sflag:s3] =	dma.strided [spmem:s28@s0], $0x1F40, s29, $0x10   }
0x2ac: {  	p1 =	sne.s32 s4, s19;
	_ =	swait.ge [sflag:s21], $0x1F40  }
0x2ad: {  	s26 =	simm.s32 @!p0 $0x20;
	s23 =	sshrl.u32 @!p0 s2, $0x3;
	[sflag:s21] =	ssyncset.done $0x0  }
0x2ae: {  	s24 =	simm.s32 @!p0 $0x1;
	s28 =	simm.s32 @!p0 $0x10;
	[sflag:s21] =	ssyncadd.s32 $0xFFFFE0C0  }
0x2af: {  	[hbm:s18@s26], [sflag:s3] =	dma.strided @!p0 [spmem:s23@s28], $0x80, s24, $0x10   }
.Ltmp2:
0x2b0: {  	_ = 	snop;
	(pc) =	sbr.rel @p1 .LBB2_1-.Ltmp2, $4  }
0x2b1: {  	s3 =	simm.s32 @!p0 $0x3  }
0x2b2: {  	_ =	swait.ge @!p0 [sflag:s3], $0x80  }
0x2b3: {  	[sflag:s3] =	ssyncset.done @!p0 $0x0  }
0x2b4: {  	[sflag:s3] =	ssyncadd.s32 @!p0 $0xFFFFFF80  }
0x2b5: {  	_ =	sfence.sel $0x180000  }
0x2b6: {  	[bflag:$0x0] =	sbarrier.arrive $0xFFFF  }
0x2b7: {  	_ =	strace $0x90000047  }
0x2b8: {  	[bflag:$0x2] =	sbarrier.arrive $0xFFFF  }
0x2b9: {  	s0 =	rddreg [dreg:$0x4]  }
0x2ba: {  	s0 =	sadd.s32 @!p0 $0x100000, s0  }
0x2bb: {  	[sflag:s0] =	ssyncadd.tile.s32 @!p0 $0x1;
	_ =	shalt  }
.Lfunc_end2:
_tile_overlayer_lowered:
.L_overlay_start_2:
0x2bc: {  	(tag) =	ssettag $0x2  }
0x2bd: {  	s0 =	rddreg [dreg:$0x0];
	s2 =	stileid.u32  }
0x2be: {  	s1 =	rddreg [dreg:$0x1];
	p0 =	sne.s32 s2, $0x0  }
0x2bf: {  	s3 =	rddreg [dreg:$0x2];
	[bflag:$0x3] =	sbarrier.arrive $0xFFFF;
	s2 =	simm.s32 @!p0 $0x1C03  }
0x2c0: {  	[timem:s3], [sflag:s2] =	dma.local @!p0 [hbm:s0], s1  }
0x2c1: {  	s0 =	simm.s32 @!p0 $0x3  }
0x2c2: {  	_ =	swait.ge @!p0 [sflag:s0], s1  }
0x2c3: {  	s1 =	ssub.s32 @!p0 $0x0, s1;
	[sflag:s0] =	ssyncset.done @!p0 $0x0  }
0x2c4: {  	[sflag:s0] =	ssyncadd.s32 @!p0 s1  }
0x2c5: {  	[bflag:$0x3] =	sbarrier.arrive $0xFFFF  }
0x2c6: {  	_ =	shalt  }

</sc_bundles>
